<compile_context>
chip_gen: v7x
topology: tpu7x:2x2x1
jax: 0.10.2.dev20260603
libtpu: 0.0.44.dev20260713+nightly
codegen_flags: <defaults>
</compile_context>

<pallas_src>
import functools

import jax
import jax.numpy as jnp
from jax import lax
from jax.experimental import pallas as pl
from jax.experimental.pallas import tpu as pltpu
from jax.experimental.pallas import tpu_sc as plsc

N = 10000
E = 320000
D = 128
NLAB = 10

NC = 2
NS = 16
NW = NC * NS
EPW = E // NW
EPAD = 10112
CH = 64
NFULL = EPW // CH
NTAIL = EPW - NFULL * CH
SRCR = EPAD // 128
RPT = 624
TAIL = N - NS * RPT

BR = 2000
G = N // BR

_MESH = plsc.VectorSubcoreMesh(core_axis_name="c", subcore_axis_name="s")



def _init_acc(zeros_hbm, acc, s):
    pltpu.sync_copy(zeros_hbm.at[pl.ds(0, RPT)], acc.at[pl.ds(s * RPT, RPT)])

    @pl.when(s == NS - 1)
    def _():
        pltpu.sync_copy(zeros_hbm.at[pl.ds(0, TAIL)],
                        acc.at[pl.ds(NS * RPT, TAIL)])


def _dump_acc(acc, out_hbm, c, s):
    pltpu.sync_copy(acc.at[pl.ds(s * RPT, RPT)],
                    out_hbm.at[c, pl.ds(s * RPT, RPT)])

    @pl.when(s == NS - 1)
    def _():
        pltpu.sync_copy(acc.at[pl.ds(NS * RPT, TAIL)],
                        out_hbm.at[c, pl.ds(NS * RPT, TAIL)])


def _didx(dst_v, g):
    return dst_v.at[g // 2, pl.ds(CH * (g % 2), CH)]


@functools.partial(
    pl.kernel,
    out_type=jax.ShapeDtypeStruct((NC, N, D), jnp.float32),
    mesh=_MESH,
    scratch_types=[
        pltpu.VMEM((SRCR, 128), jnp.int32),
        pltpu.VMEM((8, 16), jnp.int32),
        pltpu.VMEM((CH, D), jnp.float32),
        pltpu.VMEM_SHARED((N, D), jnp.float32),
        pltpu.SemaphoreType.DMA,
        pltpu.SemaphoreType.DMA,
        pltpu.SemaphoreType.DMA,
        pltpu.SemaphoreType.DMA,
    ],
)
def _sc_degree(dst_hbm, dstt_hbm, ones_hbm, zeros_hbm, out_hbm,
               dst_v, dstt_v, ones_v, acc, s0, s1, s2, s3):
    c = lax.axis_index("c")
    s = lax.axis_index("s")
    wid = s * NC + c
    _init_acc(zeros_hbm, acc, s)
    pltpu.sync_copy(dst_hbm.at[wid], dst_v)
    pltpu.sync_copy(dstt_hbm.at[wid], dstt_v)
    pltpu.sync_copy(ones_hbm, ones_v)
    plsc.subcore_barrier()

    sems = (s0, s1, s2, s3)

    def body(j, carry):
        for b in range(4):
            pltpu.async_copy(ones_v, acc.at[_didx(dst_v, 4 * j + b)],
                             sems[b], add=True)
        for b in range(4):
            pltpu.make_async_copy(ones_v, acc.at[_didx(dst_v, 4 * j + b)],
                                  sems[b]).wait()
        return carry

    lax.fori_loop(0, NFULL // 4, body, 0)
    pltpu.sync_copy(ones_v.at[pl.ds(0, NTAIL)], acc.at[dstt_v.at[0]],
                    add=True)
    plsc.subcore_barrier()
    _dump_acc(acc, out_hbm, c, s)


@functools.partial(
    pl.kernel,
    out_type=jax.ShapeDtypeStruct((NC, N, D), jnp.float32),
    mesh=_MESH,
    scratch_types=[
        pltpu.VMEM((SRCR, 128), jnp.int32),
        pltpu.VMEM((SRCR, 128), jnp.int32),
        pltpu.VMEM((8, 16), jnp.int32),
        pltpu.VMEM((3 * CH, D), jnp.float32),
        pltpu.VMEM_SHARED((N, D), jnp.float32),
        pltpu.SemaphoreType.DMA,
        pltpu.SemaphoreType.DMA,
        pltpu.SemaphoreType.DMA,
        pltpu.SemaphoreType.DMA,
        pltpu.SemaphoreType.DMA,
        pltpu.SemaphoreType.DMA,
    ],
)
def _sc_scatter(xs_hbm, src_hbm, dst_hbm, dstt_hbm, zeros_hbm, out_hbm,
                src_v, dst_v, dstt_v, bufs, acc, g0, g1, g2, s0, s1, s2):
    c = lax.axis_index("c")
    s = lax.axis_index("s")
    wid = s * NC + c
    _init_acc(zeros_hbm, acc, s)
    pltpu.sync_copy(src_hbm.at[wid], src_v)
    pltpu.sync_copy(dst_hbm.at[wid], dst_v)
    pltpu.sync_copy(dstt_hbm.at[wid], dstt_v)
    plsc.subcore_barrier()

    gsem = (g0, g1, g2)
    ssem = (s0, s1, s2)

    def sidx(g):
        return src_v.at[g // 2, pl.ds(CH * (g % 2), CH)]

    def bufref(b):
        return bufs.at[pl.ds(CH * b, CH)]

    for b in range(3):
        pltpu.async_copy(xs_hbm.at[sidx(b)], bufref(b), gsem[b])

    def body(j, carry):
        for b in range(3):
            g = 3 * j + b
            pltpu.make_async_copy(xs_hbm.at[sidx(g)], bufref(b),
                                  gsem[b]).wait()
            pltpu.async_copy(bufref(b), acc.at[_didx(dst_v, g)], ssem[b],
                             add=True)
        for b in range(3):
            g = 3 * j + b
            pltpu.make_async_copy(bufref(b), acc.at[_didx(dst_v, g)],
                                  ssem[b]).wait()

            @pl.when(g + 3 < NFULL)
            def _():
                pltpu.async_copy(xs_hbm.at[sidx(g + 3)], bufref(b), gsem[b])

        return carry

    lax.fori_loop(0, NFULL // 3, body, 0)

    pltpu.sync_copy(xs_hbm.at[src_v.at[NFULL // 2, pl.ds(0, NTAIL)]],
                    bufs.at[pl.ds(0, NTAIL)])
    pltpu.sync_copy(bufs.at[pl.ds(0, NTAIL)], acc.at[dstt_v.at[0]], add=True)

    plsc.subcore_barrier()
    _dump_acc(acc, out_hbm, c, s)



def _prep_body(degp_ref, x_ref, dis_ref, xs_ref):
    deg3 = degp_ref[...]
    deg = (deg3[0] + deg3[1])[:, 0:1]
    dis = jnp.where(deg > 0, lax.rsqrt(jnp.maximum(deg, 1e-12)), 0.0)
    dis_ref[...] = dis
    xs_ref[...] = x_ref[...] * dis


_prep = pl.pallas_call(
    _prep_body,
    grid=(G,),
    in_specs=[
        pl.BlockSpec((NC, BR, D), lambda i: (0, i, 0)),
        pl.BlockSpec((BR, D), lambda i: (i, 0)),
    ],
    out_specs=[
        pl.BlockSpec((BR, 1), lambda i: (i, 0)),
        pl.BlockSpec((BR, D), lambda i: (i, 0)),
    ],
    out_shape=[
        jax.ShapeDtypeStruct((N, 1), jnp.float32),
        jax.ShapeDtypeStruct((N, D), jnp.float32),
    ],
)


def _lin_body(h_ref, w2_ref, b_ref, p_ref):
    p_ref[...] = (jnp.dot(h_ref[...], w2_ref[...],
                          preferred_element_type=jnp.float32) + b_ref[...])


_lin = pl.pallas_call(
    _lin_body,
    grid=(G,),
    in_specs=[
        pl.BlockSpec((BR, D), lambda i: (i, 0)),
        pl.BlockSpec((D, D), lambda i: (0, 0)),
        pl.BlockSpec((1, D), lambda i: (0, 0)),
    ],
    out_specs=pl.BlockSpec((BR, D), lambda i: (i, 0)),
    out_shape=jax.ShapeDtypeStruct((N, D), jnp.float32),
)


def _combine_body(aggp_ref, dis_ref, p_ref, w1_ref, out_ref, outs_ref):
    dis = dis_ref[...]
    agg3 = aggp_ref[...]
    agg = (agg3[0] + agg3[1]) * dis
    z = (jnp.dot(agg, w1_ref[...], preferred_element_type=jnp.float32)
         + p_ref[...])
    hh = jnp.where(z > 0, z, 0.2 * z)
    out_ref[...] = hh
    outs_ref[...] = hh * dis


_combine = pl.pallas_call(
    _combine_body,
    grid=(G,),
    in_specs=[
        pl.BlockSpec((NC, BR, D), lambda i: (0, i, 0)),
        pl.BlockSpec((BR, 1), lambda i: (i, 0)),
        pl.BlockSpec((BR, D), lambda i: (i, 0)),
        pl.BlockSpec((D, D), lambda i: (0, 0)),
    ],
    out_specs=[
        pl.BlockSpec((BR, D), lambda i: (i, 0)),
        pl.BlockSpec((BR, D), lambda i: (i, 0)),
    ],
    out_shape=[
        jax.ShapeDtypeStruct((N, D), jnp.float32),
        jax.ShapeDtypeStruct((N, D), jnp.float32),
    ],
)


def _final_body(aggp_ref, dis_ref, p_ref, w1_ref, wd_ref, bd_ref, out_ref):
    dis = dis_ref[...]
    agg3 = aggp_ref[...]
    agg = (agg3[0] + agg3[1]) * dis
    z = (jnp.dot(agg, w1_ref[...], preferred_element_type=jnp.float32)
         + p_ref[...])
    hh = jnp.where(z > 0, z, 0.2 * z)
    out_ref[...] = jnp.tanh(
        jnp.dot(hh, wd_ref[...], preferred_element_type=jnp.float32)
        + bd_ref[...])


_final = pl.pallas_call(
    _final_body,
    grid=(G,),
    in_specs=[
        pl.BlockSpec((NC, BR, D), lambda i: (0, i, 0)),
        pl.BlockSpec((BR, 1), lambda i: (i, 0)),
        pl.BlockSpec((BR, D), lambda i: (i, 0)),
        pl.BlockSpec((D, D), lambda i: (0, 0)),
        pl.BlockSpec((D, NLAB), lambda i: (0, 0)),
        pl.BlockSpec((1, NLAB), lambda i: (0, 0)),
    ],
    out_specs=pl.BlockSpec((BR, NLAB), lambda i: (i, 0)),
    out_shape=jax.ShapeDtypeStruct((N, NLAB), jnp.float32),
)



def kernel(x, edge_index, i, W1_1, W2_1, b_1, W1_2, W2_2, b_2,
           W1_3, W2_3, b_3, Wd, bd):
    src2 = edge_index[0].reshape(NW, EPW)
    dst2 = edge_index[1].reshape(NW, EPW)
    pad = EPAD - EPW
    src = jnp.pad(src2, ((0, 0), (0, pad))).reshape(NW, SRCR, 128)
    dst = jnp.pad(dst2, ((0, 0), (0, pad))).reshape(NW, SRCR, 128)
    dstt = jnp.pad(dst2[:, NFULL * CH:, None].reshape(NW, 1, NTAIL),
                   ((0, 0), (0, 7), (0, 0)))
    onesD = jnp.ones((CH, D), jnp.float32)
    zD = jnp.zeros((RPT, D), jnp.float32)

    degp = _sc_degree(dst, dstt, onesD, zD)
    p1 = _lin(x, W2_1, b_1.reshape(1, D))
    dis, xs = _prep(degp, x)

    aggp = _sc_scatter(xs, src, dst, dstt, zD)
    h1, h1s = _combine(aggp, dis, p1, W1_1)
    p2 = _lin(h1, W2_2, b_2.reshape(1, D))

    aggp = _sc_scatter(h1s, src, dst, dstt, zD)
    h2, h2s = _combine(aggp, dis, p2, W1_2)
    p3 = _lin(h2, W2_3, b_3.reshape(1, D))

    aggp = _sc_scatter(h2s, src, dst, dstt, zD)
    out = _final(aggp, dis, p3, W1_3, Wd, bd.reshape(1, NLAB))
    return out

# --- scband reference (transcript-rebuilt; emitter-appended) ---
"""Pipeline reference for scband-my-first-gnn-32332513804719 (READ-ONLY COPY).

The authoritative reference and input builder live on the scoring server;
editing this copy changes nothing except your own understanding.
"""

import jax, jax.numpy as jnp
import numpy as np

N_NODES = 10000
N_EDGES = 320000
D_FEAT = 128
N_HIDDEN = 128
N_LABELS = 10


def setup_inputs(seed: int = 0) -> dict:
    key = jax.random.key(seed)
    ks = jax.random.split(key, 16)
    x = jax.random.normal(ks[0], (N_NODES, D_FEAT), dtype=jnp.float32)
    edge_index = jax.random.randint(ks[1], (2, N_EDGES), 0, N_NODES, dtype=jnp.int64 if jax.config.read('jax_enable_x64') else jnp.int32).astype(jnp.int32)
    i = jnp.zeros((N_NODES,), dtype=jnp.int32)
    def glorot(k, shp):
        lim = np.sqrt(6.0 / (shp[0] + shp[1]))
        return jax.random.uniform(k, shp, dtype=jnp.float32, minval=-lim, maxval=lim)
    inp = {
        'x': x, 'edge_index': edge_index, 'i': i,
        'W1_1': glorot(ks[2], (D_FEAT, N_HIDDEN)), 'W2_1': glorot(ks[3], (D_FEAT, N_HIDDEN)), 'b_1': jnp.zeros((N_HIDDEN,), jnp.float32),
        'W1_2': glorot(ks[4], (N_HIDDEN, N_HIDDEN)), 'W2_2': glorot(ks[5], (N_HIDDEN, N_HIDDEN)), 'b_2': jnp.zeros((N_HIDDEN,), jnp.float32),
        'W1_3': glorot(ks[6], (N_HIDDEN, N_HIDDEN)), 'W2_3': glorot(ks[7], (N_HIDDEN, N_HIDDEN)), 'b_3': jnp.zeros((N_HIDDEN,), jnp.float32),
        'Wd': glorot(ks[8], (N_HIDDEN, N_LABELS)), 'bd': jnp.zeros((N_LABELS,), jnp.float32),
    }
    return inp


def _edge_norm(edge_index):
    src = edge_index[0]
    dst = edge_index[1]
    deg = jax.ops.segment_sum(jnp.ones((src.shape[0],), jnp.float32), dst, num_segments=N_NODES)
    d_inv_sqrt = jnp.where(deg > 0, jax.lax.rsqrt(jnp.maximum(deg, 1e-12)), 0.0)
    norm = d_inv_sqrt[src] * d_inv_sqrt[dst]
    return src, dst, norm


def _gcs_conv(x, src, dst, norm, W1, W2, b):
    # Spektral GCSConv: A_norm @ X @ W1 + X @ W2 + b (skip connection)
    msg = jnp.take(x, src, axis=0) * norm[:, None]
    agg = jax.ops.segment_sum(msg, dst, num_segments=N_NODES)
    return agg @ W1 + x @ W2 + b


def _leaky(h):
    return jnp.where(h > 0, h, 0.2 * h)


def reference(x, edge_index, i, W1_1, W2_1, b_1, W1_2, W2_2, b_2, W1_3, W2_3, b_3, Wd, bd):
    src, dst, norm = _edge_norm(edge_index)
    H = _leaky(_gcs_conv(x, src, dst, norm, W1_1, W2_1, b_1))
    H = _leaky(_gcs_conv(H, src, dst, norm, W1_2, W2_2, b_2))
    H = _leaky(_gcs_conv(H, src, dst, norm, W1_3, W2_3, b_3))
    out = jnp.tanh(H @ Wd + bd)
    return out

if __name__ == "__main__":
    import jax
    _d = setup_inputs()
    print(jax.jit(kernel)(*tuple(_d.values())))

</pallas_src>

<mosaic_0001>
#map = affine_map<(d0, d1) -> (0, 0)>
#map1 = affine_map<(d0, d1) -> (0, 0, 0)>
module attributes {stable_mosaic.version = 14 : i64} {
  func.func @_sc_scatter(%arg0: i32, %arg1: i32, %arg2: memref<10000x128xf32, #tpu.memory_space<hbm>>, %arg3: memref<32x79x128xi32, #tpu.memory_space<hbm>>, %arg4: memref<32x79x128xi32, #tpu.memory_space<hbm>>, %arg5: memref<32x8x16xi32, #tpu.memory_space<hbm>>, %arg6: memref<624x128xf32, #tpu.memory_space<hbm>>, %arg7: memref<2x10000x128xf32, #tpu.memory_space<hbm>>, %arg8: memref<79x128xi32, #tpu.memory_space<vmem>>, %arg9: memref<79x128xi32, #tpu.memory_space<vmem>>, %arg10: memref<8x16xi32, #tpu.memory_space<vmem>>, %arg11: memref<192x128xf32, #tpu.memory_space<vmem>>, %arg12: memref<10000x128xf32, #tpu.memory_space<vmem_shared>>, %arg13: memref<!tpu.dma_semaphore, #tpu.memory_space<semaphore_mem>>, %arg14: memref<!tpu.dma_semaphore, #tpu.memory_space<semaphore_mem>>, %arg15: memref<!tpu.dma_semaphore, #tpu.memory_space<semaphore_mem>>, %arg16: memref<!tpu.dma_semaphore, #tpu.memory_space<semaphore_mem>>, %arg17: memref<!tpu.dma_semaphore, #tpu.memory_space<semaphore_mem>>, %arg18: memref<!tpu.dma_semaphore, #tpu.memory_space<semaphore_mem>>) attributes {dimension_semantics = [#tpu.dimension_semantics<core_parallel>, #tpu.dimension_semantics<subcore_parallel>], iteration_bounds = array<i64: 2, 16>, scalar_prefetch = 0 : i64, scratch_operands = 11 : i64, tpu.core_type = #tpu.core_type<sc_vector_subcore>, window_params = [{transform_indices = #map}, {transform_indices = #map1}, {transform_indices = #map1}, {transform_indices = #map1}, {transform_indices = #map}, {transform_indices = #map1}]} {
    %mul3A = arith.constant 2 : i32
    %mul3A_0 = arith.muli %arg1, %mul3A : i32
    %add3A = arith.addi %mul3A_0, %arg0 : i32
    %mul3A_1 = arith.constant 624 : i32
    %mul3A_2 = arith.muli %arg1, %mul3A_1 : i32
    "tpu.region"() ({
      %run_scoped3A_50 = tpu.sem_alloc : memref<!tpu.dma_semaphore, #tpu.memory_space<semaphore_mem>>
      %dma_start3A_51 = arith.constant 0 : i32
      %dma_start3A_52 = tpu.memref_slice %arg12[%mul3A_2, %dma_start3A_51] : memref<10000x128xf32, #tpu.memory_space<vmem_shared>> -> memref<624x128xf32, #tpu.memory_space<vmem_shared>>
      %dma_start3A_53 = arith.constant 0 : i32
      %dma_start3A_54 = arith.constant 0 : i32
      %dma_start3A_55 = tpu.memref_slice %arg6[%dma_start3A_53, %dma_start3A_54] : memref<624x128xf32, #tpu.memory_space<hbm>> -> memref<624x128xf32, #tpu.memory_space<hbm>>
      tpu.enqueue_dma source(%dma_start3A_55 : memref<624x128xf32, #tpu.memory_space<hbm>>) target(%dma_start3A_52 : memref<624x128xf32, #tpu.memory_space<vmem_shared>>) target_semaphore(%run_scoped3A_50 : memref<!tpu.dma_semaphore, #tpu.memory_space<semaphore_mem>>)
      %dma_wait3A = arith.constant 0 : i32
      %dma_wait3A_56 = tpu.memref_slice %arg12[%mul3A_2, %dma_wait3A] : memref<10000x128xf32, #tpu.memory_space<vmem_shared>> -> memref<624x128xf32, #tpu.memory_space<vmem_shared>>
      %dma_wait3A_57 = arith.constant 0 : i32
      %dma_wait3A_58 = arith.constant 0 : i32
      %dma_wait3A_59 = tpu.memref_slice %arg6[%dma_wait3A_57, %dma_wait3A_58] : memref<624x128xf32, #tpu.memory_space<hbm>> -> memref<624x128xf32, #tpu.memory_space<hbm>>
      tpu.wait_dma2 semaphore(%run_scoped3A_50 : memref<!tpu.dma_semaphore, #tpu.memory_space<semaphore_mem>>) src(%dma_wait3A_59 : memref<624x128xf32, #tpu.memory_space<hbm>>) dst(%dma_wait3A_56 : memref<624x128xf32, #tpu.memory_space<vmem_shared>>)
      tpu.yield
    }) : () -> ()
    %eq3A = arith.constant 15 : i32
    %eq3A_3 = arith.cmpi eq, %arg1, %eq3A : i32
    %convert_element_type3A = arith.extui %eq3A_3 : i1 to i32
    %cond3A = arith.constant 0 : i32
    %cond3A_4 = arith.cmpi ne, %convert_element_type3A, %cond3A : i32
    scf.if %cond3A_4 {
      "tpu.region"() ({
        %run_scoped3A_50 = tpu.sem_alloc : memref<!tpu.dma_semaphore, #tpu.memory_space<semaphore_mem>>
        %dma_start3A_51 = arith.constant 9984 : i32
        %dma_start3A_52 = arith.constant 0 : i32
        %dma_start3A_53 = tpu.memref_slice %arg12[%dma_start3A_51, %dma_start3A_52] : memref<10000x128xf32, #tpu.memory_space<vmem_shared>> -> memref<16x128xf32, #tpu.memory_space<vmem_shared>>
        %dma_start3A_54 = arith.constant 0 : i32
        %dma_start3A_55 = arith.constant 0 : i32
        %dma_start3A_56 = tpu.memref_slice %arg6[%dma_start3A_54, %dma_start3A_55] : memref<624x128xf32, #tpu.memory_space<hbm>> -> memref<16x128xf32, #tpu.memory_space<hbm>>
        tpu.enqueue_dma source(%dma_start3A_56 : memref<16x128xf32, #tpu.memory_space<hbm>>) target(%dma_start3A_53 : memref<16x128xf32, #tpu.memory_space<vmem_shared>>) target_semaphore(%run_scoped3A_50 : memref<!tpu.dma_semaphore, #tpu.memory_space<semaphore_mem>>)
        %dma_wait3A = arith.constant 9984 : i32
        %dma_wait3A_57 = arith.constant 0 : i32
        %dma_wait3A_58 = tpu.memref_slice %arg12[%dma_wait3A, %dma_wait3A_57] : memref<10000x128xf32, #tpu.memory_space<vmem_shared>> -> memref<16x128xf32, #tpu.memory_space<vmem_shared>>
        %dma_wait3A_59 = arith.constant 0 : i32
        %dma_wait3A_60 = arith.constant 0 : i32
        %dma_wait3A_61 = tpu.memref_slice %arg6[%dma_wait3A_59, %dma_wait3A_60] : memref<624x128xf32, #tpu.memory_space<hbm>> -> memref<16x128xf32, #tpu.memory_space<hbm>>
        tpu.wait_dma2 semaphore(%run_scoped3A_50 : memref<!tpu.dma_semaphore, #tpu.memory_space<semaphore_mem>>) src(%dma_wait3A_61 : memref<16x128xf32, #tpu.memory_space<hbm>>) dst(%dma_wait3A_58 : memref<16x128xf32, #tpu.memory_space<vmem_shared>>)
        tpu.yield
      }) : () -> ()
    } else {
    }
    "tpu.region"() ({
      %run_scoped3A_50 = tpu.sem_alloc : memref<!tpu.dma_semaphore, #tpu.memory_space<semaphore_mem>>
      %dma_start3A_51 = arith.constant 0 : i32
      %dma_start3A_52 = arith.constant 0 : i32
      %dma_start3A_53 = tpu.memref_slice %arg3[%add3A, %dma_start3A_51, %dma_start3A_52] : memref<32x79x128xi32, #tpu.memory_space<hbm>> -> memref<1x79x128xi32, #tpu.memory_space<hbm>>
      %dma_start3A_54 = tpu.memref_squeeze %dma_start3A_53 : memref<1x79x128xi32, #tpu.memory_space<hbm>> -> memref<79x128xi32, #tpu.memory_space<hbm>>
      %dma_start3A_55 = arith.constant 0 : i32
      %dma_start3A_56 = arith.constant 0 : i32
      %dma_start3A_57 = tpu.memref_slice %arg3[%add3A, %dma_start3A_55, %dma_start3A_56] : memref<32x79x128xi32, #tpu.memory_space<hbm>> -> memref<1x79x128xi32, #tpu.memory_space<hbm>>
      %dma_start3A_58 = tpu.memref_squeeze %dma_start3A_57 : memref<1x79x128xi32, #tpu.memory_space<hbm>> -> memref<79x128xi32, #tpu.memory_space<hbm>>
      tpu.enqueue_dma source(%dma_start3A_58 : memref<79x128xi32, #tpu.memory_space<hbm>>) target(%arg8 : memref<79x128xi32, #tpu.memory_space<vmem>>) target_semaphore(%run_scoped3A_50 : memref<!tpu.dma_semaphore, #tpu.memory_space<semaphore_mem>>)
      %dma_wait3A = arith.constant 0 : i32
      %dma_wait3A_59 = arith.constant 0 : i32
      %dma_wait3A_60 = tpu.memref_slice %arg3[%add3A, %dma_wait3A, %dma_wait3A_59] : memref<32x79x128xi32, #tpu.memory_space<hbm>> -> memref<1x79x128xi32, #tpu.memory_space<hbm>>
      %dma_wait3A_61 = tpu.memref_squeeze %dma_wait3A_60 : memref<1x79x128xi32, #tpu.memory_space<hbm>> -> memref<79x128xi32, #tpu.memory_space<hbm>>
      %dma_wait3A_62 = arith.constant 0 : i32
      %dma_wait3A_63 = arith.constant 0 : i32
      %dma_wait3A_64 = tpu.memref_slice %arg3[%add3A, %dma_wait3A_62, %dma_wait3A_63] : memref<32x79x128xi32, #tpu.memory_space<hbm>> -> memref<1x79x128xi32, #tpu.memory_space<hbm>>
      %dma_wait3A_65 = tpu.memref_squeeze %dma_wait3A_64 : memref<1x79x128xi32, #tpu.memory_space<hbm>> -> memref<79x128xi32, #tpu.memory_space<hbm>>
      tpu.wait_dma2 semaphore(%run_scoped3A_50 : memref<!tpu.dma_semaphore, #tpu.memory_space<semaphore_mem>>) src(%dma_wait3A_65 : memref<79x128xi32, #tpu.memory_space<hbm>>) dst(%arg8 : memref<79x128xi32, #tpu.memory_space<vmem>>)
      tpu.yield
    }) : () -> ()
    "tpu.region"() ({
      %run_scoped3A_50 = tpu.sem_alloc : memref<!tpu.dma_semaphore, #tpu.memory_space<semaphore_mem>>
      %dma_start3A_51 = arith.constant 0 : i32
      %dma_start3A_52 = arith.constant 0 : i32
      %dma_start3A_53 = tpu.memref_slice %arg4[%add3A, %dma_start3A_51, %dma_start3A_52] : memref<32x79x128xi32, #tpu.memory_space<hbm>> -> memref<1x79x128xi32, #tpu.memory_space<hbm>>
      %dma_start3A_54 = tpu.memref_squeeze %dma_start3A_53 : memref<1x79x128xi32, #tpu.memory_space<hbm>> -> memref<79x128xi32, #tpu.memory_space<hbm>>
      %dma_start3A_55 = arith.constant 0 : i32
      %dma_start3A_56 = arith.constant 0 : i32
      %dma_start3A_57 = tpu.memref_slice %arg4[%add3A, %dma_start3A_55, %dma_start3A_56] : memref<32x79x128xi32, #tpu.memory_space<hbm>> -> memref<1x79x128xi32, #tpu.memory_space<hbm>>
      %dma_start3A_58 = tpu.memref_squeeze %dma_start3A_57 : memref<1x79x128xi32, #tpu.memory_space<hbm>> -> memref<79x128xi32, #tpu.memory_space<hbm>>
      tpu.enqueue_dma source(%dma_start3A_58 : memref<79x128xi32, #tpu.memory_space<hbm>>) target(%arg9 : memref<79x128xi32, #tpu.memory_space<vmem>>) target_semaphore(%run_scoped3A_50 : memref<!tpu.dma_semaphore, #tpu.memory_space<semaphore_mem>>)
      %dma_wait3A = arith.constant 0 : i32
      %dma_wait3A_59 = arith.constant 0 : i32
      %dma_wait3A_60 = tpu.memref_slice %arg4[%add3A, %dma_wait3A, %dma_wait3A_59] : memref<32x79x128xi32, #tpu.memory_space<hbm>> -> memref<1x79x128xi32, #tpu.memory_space<hbm>>
      %dma_wait3A_61 = tpu.memref_squeeze %dma_wait3A_60 : memref<1x79x128xi32, #tpu.memory_space<hbm>> -> memref<79x128xi32, #tpu.memory_space<hbm>>
      %dma_wait3A_62 = arith.constant 0 : i32
      %dma_wait3A_63 = arith.constant 0 : i32
      %dma_wait3A_64 = tpu.memref_slice %arg4[%add3A, %dma_wait3A_62, %dma_wait3A_63] : memref<32x79x128xi32, #tpu.memory_space<hbm>> -> memref<1x79x128xi32, #tpu.memory_space<hbm>>
      %dma_wait3A_65 = tpu.memref_squeeze %dma_wait3A_64 : memref<1x79x128xi32, #tpu.memory_space<hbm>> -> memref<79x128xi32, #tpu.memory_space<hbm>>
      tpu.wait_dma2 semaphore(%run_scoped3A_50 : memref<!tpu.dma_semaphore, #tpu.memory_space<semaphore_mem>>) src(%dma_wait3A_65 : memref<79x128xi32, #tpu.memory_space<hbm>>) dst(%arg9 : memref<79x128xi32, #tpu.memory_space<vmem>>)
      tpu.yield
    }) : () -> ()
    "tpu.region"() ({
      %run_scoped3A_50 = tpu.sem_alloc : memref<!tpu.dma_semaphore, #tpu.memory_space<semaphore_mem>>
      %dma_start3A_51 = arith.constant 0 : i32
      %dma_start3A_52 = arith.constant 0 : i32
      %dma_start3A_53 = tpu.memref_slice %arg5[%add3A, %dma_start3A_51, %dma_start3A_52] : memref<32x8x16xi32, #tpu.memory_space<hbm>> -> memref<1x8x16xi32, #tpu.memory_space<hbm>>
      %dma_start3A_54 = tpu.memref_squeeze %dma_start3A_53 : memref<1x8x16xi32, #tpu.memory_space<hbm>> -> memref<8x16xi32, #tpu.memory_space<hbm>>
      %dma_start3A_55 = arith.constant 0 : i32
      %dma_start3A_56 = arith.constant 0 : i32
      %dma_start3A_57 = tpu.memref_slice %arg5[%add3A, %dma_start3A_55, %dma_start3A_56] : memref<32x8x16xi32, #tpu.memory_space<hbm>> -> memref<1x8x16xi32, #tpu.memory_space<hbm>>
      %dma_start3A_58 = tpu.memref_squeeze %dma_start3A_57 : memref<1x8x16xi32, #tpu.memory_space<hbm>> -> memref<8x16xi32, #tpu.memory_space<hbm>>
      tpu.enqueue_dma source(%dma_start3A_58 : memref<8x16xi32, #tpu.memory_space<hbm>>) target(%arg10 : memref<8x16xi32, #tpu.memory_space<vmem>>) target_semaphore(%run_scoped3A_50 : memref<!tpu.dma_semaphore, #tpu.memory_space<semaphore_mem>>)
      %dma_wait3A = arith.constant 0 : i32
      %dma_wait3A_59 = arith.constant 0 : i32
      %dma_wait3A_60 = tpu.memref_slice %arg5[%add3A, %dma_wait3A, %dma_wait3A_59] : memref<32x8x16xi32, #tpu.memory_space<hbm>> -> memref<1x8x16xi32, #tpu.memory_space<hbm>>
      %dma_wait3A_61 = tpu.memref_squeeze %dma_wait3A_60 : memref<1x8x16xi32, #tpu.memory_space<hbm>> -> memref<8x16xi32, #tpu.memory_space<hbm>>
      %dma_wait3A_62 = arith.constant 0 : i32
      %dma_wait3A_63 = arith.constant 0 : i32
      %dma_wait3A_64 = tpu.memref_slice %arg5[%add3A, %dma_wait3A_62, %dma_wait3A_63] : memref<32x8x16xi32, #tpu.memory_space<hbm>> -> memref<1x8x16xi32, #tpu.memory_space<hbm>>
      %dma_wait3A_65 = tpu.memref_squeeze %dma_wait3A_64 : memref<1x8x16xi32, #tpu.memory_space<hbm>> -> memref<8x16xi32, #tpu.memory_space<hbm>>
      tpu.wait_dma2 semaphore(%run_scoped3A_50 : memref<!tpu.dma_semaphore, #tpu.memory_space<semaphore_mem>>) src(%dma_wait3A_65 : memref<8x16xi32, #tpu.memory_space<hbm>>) dst(%arg10 : memref<8x16xi32, #tpu.memory_space<vmem>>)
      tpu.yield
    }) : () -> ()
    %barrier3A = arith.constant 0 : index
    tpu.barrier barrier_id(%barrier3A)
    %dma_start3A = arith.constant 0 : i32
    %dma_start3A_5 = arith.constant 0 : i32
    %dma_start3A_6 = arith.constant 0 : i32
    %dma_start3A_7 = tpu.memref_slice %arg11[%dma_start3A_5, %dma_start3A_6] : memref<192x128xf32, #tpu.memory_space<vmem>> -> memref<64x128xf32, #tpu.memory_space<vmem>>
    %dma_start3A_8 = arith.constant 0 : i32
    %dma_start3A_9 = tpu.memref_slice %arg8[%dma_start3A, %dma_start3A_8] : memref<79x128xi32, #tpu.memory_space<vmem>> -> memref<1x64xi32, #tpu.memory_space<vmem>>
    %dma_start3A_10 = tpu.memref_squeeze %dma_start3A_9 : memref<1x64xi32, #tpu.memory_space<vmem>> -> memref<64xi32, #tpu.memory_space<vmem>>
    %dma_start3A_11 = arith.constant 0 : i32
    %dma_start3A_12 = arith.constant 0 : i32
    %dma_start3A_13 = tpu.memref_slice %arg2[%dma_start3A_11, %dma_start3A_12] : memref<10000x128xf32, #tpu.memory_space<hbm>> -> memref<10000x128xf32, #tpu.memory_space<hbm>>
    tpu.enqueue_indirect_dma source(%dma_start3A_13 : memref<10000x128xf32, #tpu.memory_space<hbm>>) target(%dma_start3A_7 : memref<64x128xf32, #tpu.memory_space<vmem>>) offsets(%dma_start3A_10 : memref<64xi32, #tpu.memory_space<vmem>>) semaphore(%arg13 : memref<!tpu.dma_semaphore, #tpu.memory_space<semaphore_mem>>)
    %dma_start3A_14 = arith.constant 0 : i32
    %dma_start3A_15 = arith.constant 64 : i32
    %dma_start3A_16 = arith.constant 0 : i32
    %dma_start3A_17 = tpu.memref_slice %arg11[%dma_start3A_15, %dma_start3A_16] : memref<192x128xf32, #tpu.memory_space<vmem>> -> memref<64x128xf32, #tpu.memory_space<vmem>>
    %dma_start3A_18 = arith.constant 64 : i32
    %dma_start3A_19 = tpu.memref_slice %arg8[%dma_start3A_14, %dma_start3A_18] : memref<79x128xi32, #tpu.memory_space<vmem>> -> memref<1x64xi32, #tpu.memory_space<vmem>>
    %dma_start3A_20 = tpu.memref_squeeze %dma_start3A_19 : memref<1x64xi32, #tpu.memory_space<vmem>> -> memref<64xi32, #tpu.memory_space<vmem>>
    %dma_start3A_21 = arith.constant 0 : i32
    %dma_start3A_22 = arith.constant 0 : i32
    %dma_start3A_23 = tpu.memref_slice %arg2[%dma_start3A_21, %dma_start3A_22] : memref<10000x128xf32, #tpu.memory_space<hbm>> -> memref<10000x128xf32, #tpu.memory_space<hbm>>
    tpu.enqueue_indirect_dma source(%dma_start3A_23 : memref<10000x128xf32, #tpu.memory_space<hbm>>) target(%dma_start3A_17 : memref<64x128xf32, #tpu.memory_space<vmem>>) offsets(%dma_start3A_20 : memref<64xi32, #tpu.memory_space<vmem>>) semaphore(%arg14 : memref<!tpu.dma_semaphore, #tpu.memory_space<semaphore_mem>>)
    %dma_start3A_24 = arith.constant 1 : i32
    %dma_start3A_25 = arith.constant 128 : i32
    %dma_start3A_26 = arith.constant 0 : i32
    %dma_start3A_27 = tpu.memref_slice %arg11[%dma_start3A_25, %dma_start3A_26] : memref<192x128xf32, #tpu.memory_space<vmem>> -> memref<64x128xf32, #tpu.memory_space<vmem>>
    %dma_start3A_28 = arith.constant 0 : i32
    %dma_start3A_29 = tpu.memref_slice %arg8[%dma_start3A_24, %dma_start3A_28] : memref<79x128xi32, #tpu.memory_space<vmem>> -> memref<1x64xi32, #tpu.memory_space<vmem>>
    %dma_start3A_30 = tpu.memref_squeeze %dma_start3A_29 : memref<1x64xi32, #tpu.memory_space<vmem>> -> memref<64xi32, #tpu.memory_space<vmem>>
    %dma_start3A_31 = arith.constant 0 : i32
    %dma_start3A_32 = arith.constant 0 : i32
    %dma_start3A_33 = tpu.memref_slice %arg2[%dma_start3A_31, %dma_start3A_32] : memref<10000x128xf32, #tpu.memory_space<hbm>> -> memref<10000x128xf32, #tpu.memory_space<hbm>>
    tpu.enqueue_indirect_dma source(%dma_start3A_33 : memref<10000x128xf32, #tpu.memory_space<hbm>>) target(%dma_start3A_27 : memref<64x128xf32, #tpu.memory_space<vmem>>) offsets(%dma_start3A_30 : memref<64xi32, #tpu.memory_space<vmem>>) semaphore(%arg15 : memref<!tpu.dma_semaphore, #tpu.memory_space<semaphore_mem>>)
    %scan3A = arith.constant 0 : i32
    %scan3A_34 = arith.constant 0 : i32
    %scan3A_35 = arith.constant 52 : i32
    %scan3A_36 = arith.addi %scan3A_34, %scan3A_35 : i32
    %scan3A_37 = arith.constant 1 : i32
    scf.for %scan3A_50 = %scan3A_34 to %scan3A_36 step %scan3A_37  : i32 {
      %mul3A_51 = arith.constant 3 : i32
      %mul3A_52 = arith.muli %mul3A_51, %scan3A_50 : i32
      %add3A_53 = arith.constant 0 : i32
      %add3A_54 = arith.addi %mul3A_52, %add3A_53 : i32
      %jit3A = arith.constant 2 : i32
      %div3A = arith.divsi %add3A_54, %jit3A : i32
      %sign3A = arith.constant 0 : i32
      %sign3A_55 = arith.cmpi sgt, %add3A_54, %sign3A : i32
      %sign3A_56 = arith.extui %sign3A_55 : i1 to i32
      %sign3A_57 = arith.constant 0 : i32
      %sign3A_58 = arith.cmpi slt, %add3A_54, %sign3A_57 : i32
      %sign3A_59 = arith.extui %sign3A_58 : i1 to i32
      %sign3A_60 = arith.subi %sign3A_56, %sign3A_59 : i32
      %sign3A_61 = arith.constant 0 : i32
      %sign3A_62 = arith.cmpi sgt, %jit3A, %sign3A_61 : i32
      %sign3A_63 = arith.extui %sign3A_62 : i1 to i32
      %sign3A_64 = arith.constant 0 : i32
      %sign3A_65 = arith.cmpi slt, %jit3A, %sign3A_64 : i32
      %sign3A_66 = arith.extui %sign3A_65 : i1 to i32
      %sign3A_67 = arith.subi %sign3A_63, %sign3A_66 : i32
      %ne3A = arith.cmpi ne, %sign3A_60, %sign3A_67 : i32
      %rem3A = arith.remsi %add3A_54, %jit3A : i32
      %ne3A_68 = arith.constant 0 : i32
      %ne3A_69 = arith.cmpi ne, %rem3A, %ne3A_68 : i32
      %and3A = arith.andi %ne3A, %ne3A_69 : i1
      %sub3A = arith.constant 1 : i32
      %sub3A_70 = arith.subi %div3A, %sub3A : i32
      %select_n3A = arith.select %and3A, %sub3A_70, %div3A : i32
      %jit3A_71 = arith.constant 2 : i32
      %eq3A_72 = arith.constant 0 : i32
      %eq3A_73 = arith.cmpi eq, %jit3A_71, %eq3A_72 : i32
      %jit3A_74 = arith.constant 1 : i32
      %select_n3A_75 = arith.select %eq3A_73, %jit3A_74, %jit3A_71 : i32
      %rem3A_76 = arith.remsi %add3A_54, %select_n3A_75 : i32
      %ne3A_77 = arith.constant 0 : i32
      %ne3A_78 = arith.cmpi ne, %rem3A_76, %ne3A_77 : i32
      %lt3A = arith.constant 0 : i32
      %lt3A_79 = arith.cmpi slt, %rem3A_76, %lt3A : i32
      %lt3A_80 = arith.constant 0 : i32
      %lt3A_81 = arith.cmpi slt, %select_n3A_75, %lt3A_80 : i32
      %ne3A_82 = arith.xori %lt3A_79, %lt3A_81 : i1
      %and3A_83 = arith.andi %ne3A_82, %ne3A_78 : i1
      %add3A_84 = arith.addi %rem3A_76, %select_n3A_75 : i32
      %select_n3A_85 = arith.select %and3A_83, %add3A_84, %rem3A_76 : i32
      %mul3A_86 = arith.constant 64 : i32
      %mul3A_87 = arith.muli %mul3A_86, %select_n3A_85 : i32
      %dma_wait3A = arith.constant 0 : i32
      %dma_wait3A_88 = arith.constant 0 : i32
      %dma_wait3A_89 = tpu.memref_slice %arg11[%dma_wait3A, %dma_wait3A_88] : memref<192x128xf32, #tpu.memory_space<vmem>> -> memref<64x128xf32, #tpu.memory_space<vmem>>
      %dma_wait3A_90 = tpu.memref_slice %arg8[%select_n3A, %mul3A_87] : memref<79x128xi32, #tpu.memory_space<vmem>> -> memref<1x64xi32, #tpu.memory_space<vmem>>
      %dma_wait3A_91 = tpu.memref_squeeze %dma_wait3A_90 : memref<1x64xi32, #tpu.memory_space<vmem>> -> memref<64xi32, #tpu.memory_space<vmem>>
      %dma_wait3A_92 = arith.constant 0 : i32
      %dma_wait3A_93 = arith.constant 0 : i32
      %dma_wait3A_94 = tpu.memref_slice %arg2[%dma_wait3A_92, %dma_wait3A_93] : memref<10000x128xf32, #tpu.memory_space<hbm>> -> memref<10000x128xf32, #tpu.memory_space<hbm>>
      tpu.wait_indirect_dma semaphore(%arg13 : memref<!tpu.dma_semaphore, #tpu.memory_space<semaphore_mem>>) src(%dma_wait3A_94 : memref<10000x128xf32, #tpu.memory_space<hbm>>) dst(%dma_wait3A_89 : memref<64x128xf32, #tpu.memory_space<vmem>>)
      %jit3A_95 = arith.constant 2 : i32
      %div3A_96 = arith.divsi %add3A_54, %jit3A_95 : i32
      %sign3A_97 = arith.constant 0 : i32
      %sign3A_98 = arith.cmpi sgt, %add3A_54, %sign3A_97 : i32
      %sign3A_99 = arith.extui %sign3A_98 : i1 to i32
      %sign3A_100 = arith.constant 0 : i32
      %sign3A_101 = arith.cmpi slt, %add3A_54, %sign3A_100 : i32
      %sign3A_102 = arith.extui %sign3A_101 : i1 to i32
      %sign3A_103 = arith.subi %sign3A_99, %sign3A_102 : i32
      %sign3A_104 = arith.constant 0 : i32
      %sign3A_105 = arith.cmpi sgt, %jit3A_95, %sign3A_104 : i32
      %sign3A_106 = arith.extui %sign3A_105 : i1 to i32
      %sign3A_107 = arith.constant 0 : i32
      %sign3A_108 = arith.cmpi slt, %jit3A_95, %sign3A_107 : i32
      %sign3A_109 = arith.extui %sign3A_108 : i1 to i32
      %sign3A_110 = arith.subi %sign3A_106, %sign3A_109 : i32
      %ne3A_111 = arith.cmpi ne, %sign3A_103, %sign3A_110 : i32
      %rem3A_112 = arith.remsi %add3A_54, %jit3A_95 : i32
      %ne3A_113 = arith.constant 0 : i32
      %ne3A_114 = arith.cmpi ne, %rem3A_112, %ne3A_113 : i32
      %and3A_115 = arith.andi %ne3A_111, %ne3A_114 : i1
      %sub3A_116 = arith.constant 1 : i32
      %sub3A_117 = arith.subi %div3A_96, %sub3A_116 : i32
      %select_n3A_118 = arith.select %and3A_115, %sub3A_117, %div3A_96 : i32
      %jit3A_119 = arith.constant 2 : i32
      %eq3A_120 = arith.constant 0 : i32
      %eq3A_121 = arith.cmpi eq, %jit3A_119, %eq3A_120 : i32
      %jit3A_122 = arith.constant 1 : i32
      %select_n3A_123 = arith.select %eq3A_121, %jit3A_122, %jit3A_119 : i32
      %rem3A_124 = arith.remsi %add3A_54, %select_n3A_123 : i32
      %ne3A_125 = arith.constant 0 : i32
      %ne3A_126 = arith.cmpi ne, %rem3A_124, %ne3A_125 : i32
      %lt3A_127 = arith.constant 0 : i32
      %lt3A_128 = arith.cmpi slt, %rem3A_124, %lt3A_127 : i32
      %lt3A_129 = arith.constant 0 : i32
      %lt3A_130 = arith.cmpi slt, %select_n3A_123, %lt3A_129 : i32
      %ne3A_131 = arith.xori %lt3A_128, %lt3A_130 : i1
      %and3A_132 = arith.andi %ne3A_131, %ne3A_126 : i1
      %add3A_133 = arith.addi %rem3A_124, %select_n3A_123 : i32
      %select_n3A_134 = arith.select %and3A_132, %add3A_133, %rem3A_124 : i32
      %mul3A_135 = arith.constant 64 : i32
      %mul3A_136 = arith.muli %mul3A_135, %select_n3A_134 : i32
      %dma_start3A_137 = arith.constant 0 : i32
      %dma_start3A_138 = arith.constant 0 : i32
      %dma_start3A_139 = tpu.memref_slice %arg11[%dma_start3A_137, %dma_start3A_138] : memref<192x128xf32, #tpu.memory_space<vmem>> -> memref<64x128xf32, #tpu.memory_space<vmem>>
      %dma_start3A_140 = tpu.memref_slice %arg9[%select_n3A_118, %mul3A_136] : memref<79x128xi32, #tpu.memory_space<vmem>> -> memref<1x64xi32, #tpu.memory_space<vmem>>
      %dma_start3A_141 = tpu.memref_squeeze %dma_start3A_140 : memref<1x64xi32, #tpu.memory_space<vmem>> -> memref<64xi32, #tpu.memory_space<vmem>>
      %dma_start3A_142 = arith.constant 0 : i32
      %dma_start3A_143 = arith.constant 0 : i32
      %dma_start3A_144 = tpu.memref_slice %arg12[%dma_start3A_142, %dma_start3A_143] : memref<10000x128xf32, #tpu.memory_space<vmem_shared>> -> memref<10000x128xf32, #tpu.memory_space<vmem_shared>>
      tpu.enqueue_indirect_dma source(%dma_start3A_139 : memref<64x128xf32, #tpu.memory_space<vmem>>) target(%dma_start3A_144 : memref<10000x128xf32, #tpu.memory_space<vmem_shared>>) offsets(%dma_start3A_141 : memref<64xi32, #tpu.memory_space<vmem>>) semaphore(%arg16 : memref<!tpu.dma_semaphore, #tpu.memory_space<semaphore_mem>>) {add = true}
      %mul3A_145 = arith.constant 3 : i32
      %mul3A_146 = arith.muli %mul3A_145, %scan3A_50 : i32
      %add3A_147 = arith.constant 1 : i32
      %add3A_148 = arith.addi %mul3A_146, %add3A_147 : i32
      %jit3A_149 = arith.constant 2 : i32
      %div3A_150 = arith.divsi %add3A_148, %jit3A_149 : i32
      %sign3A_151 = arith.constant 0 : i32
      %sign3A_152 = arith.cmpi sgt, %add3A_148, %sign3A_151 : i32
      %sign3A_153 = arith.extui %sign3A_152 : i1 to i32
      %sign3A_154 = arith.constant 0 : i32
      %sign3A_155 = arith.cmpi slt, %add3A_148, %sign3A_154 : i32
      %sign3A_156 = arith.extui %sign3A_155 : i1 to i32
      %sign3A_157 = arith.subi %sign3A_153, %sign3A_156 : i32
      %sign3A_158 = arith.constant 0 : i32
      %sign3A_159 = arith.cmpi sgt, %jit3A_149, %sign3A_158 : i32
      %sign3A_160 = arith.extui %sign3A_159 : i1 to i32
      %sign3A_161 = arith.constant 0 : i32
      %sign3A_162 = arith.cmpi slt, %jit3A_149, %sign3A_161 : i32
      %sign3A_163 = arith.extui %sign3A_162 : i1 to i32
      %sign3A_164 = arith.subi %sign3A_160, %sign3A_163 : i32
      %ne3A_165 = arith.cmpi ne, %sign3A_157, %sign3A_164 : i32
      %rem3A_166 = arith.remsi %add3A_148, %jit3A_149 : i32
      %ne3A_167 = arith.constant 0 : i32
      %ne3A_168 = arith.cmpi ne, %rem3A_166, %ne3A_167 : i32
      %and3A_169 = arith.andi %ne3A_165, %ne3A_168 : i1
      %sub3A_170 = arith.constant 1 : i32
      %sub3A_171 = arith.subi %div3A_150, %sub3A_170 : i32
      %select_n3A_172 = arith.select %and3A_169, %sub3A_171, %div3A_150 : i32
      %jit3A_173 = arith.constant 2 : i32
      %eq3A_174 = arith.constant 0 : i32
      %eq3A_175 = arith.cmpi eq, %jit3A_173, %eq3A_174 : i32
      %jit3A_176 = arith.constant 1 : i32
      %select_n3A_177 = arith.select %eq3A_175, %jit3A_176, %jit3A_173 : i32
      %rem3A_178 = arith.remsi %add3A_148, %select_n3A_177 : i32
      %ne3A_179 = arith.constant 0 : i32
      %ne3A_180 = arith.cmpi ne, %rem3A_178, %ne3A_179 : i32
      %lt3A_181 = arith.constant 0 : i32
      %lt3A_182 = arith.cmpi slt, %rem3A_178, %lt3A_181 : i32
      %lt3A_183 = arith.constant 0 : i32
      %lt3A_184 = arith.cmpi slt, %select_n3A_177, %lt3A_183 : i32
      %ne3A_185 = arith.xori %lt3A_182, %lt3A_184 : i1
      %and3A_186 = arith.andi %ne3A_185, %ne3A_180 : i1
      %add3A_187 = arith.addi %rem3A_178, %select_n3A_177 : i32
      %select_n3A_188 = arith.select %and3A_186, %add3A_187, %rem3A_178 : i32
      %mul3A_189 = arith.constant 64 : i32
      %mul3A_190 = arith.muli %mul3A_189, %select_n3A_188 : i32
      %dma_wait3A_191 = arith.constant 64 : i32
      %dma_wait3A_192 = arith.constant 0 : i32
      %dma_wait3A_193 = tpu.memref_slice %arg11[%dma_wait3A_191, %dma_wait3A_192] : memref<192x128xf32, #tpu.memory_space<vmem>> -> memref<64x128xf32, #tpu.memory_space<vmem>>
      %dma_wait3A_194 = tpu.memref_slice %arg8[%select_n3A_172, %mul3A_190] : memref<79x128xi32, #tpu.memory_space<vmem>> -> memref<1x64xi32, #tpu.memory_space<vmem>>
      %dma_wait3A_195 = tpu.memref_squeeze %dma_wait3A_194 : memref<1x64xi32, #tpu.memory_space<vmem>> -> memref<64xi32, #tpu.memory_space<vmem>>
      %dma_wait3A_196 = arith.constant 0 : i32
      %dma_wait3A_197 = arith.constant 0 : i32
      %dma_wait3A_198 = tpu.memref_slice %arg2[%dma_wait3A_196, %dma_wait3A_197] : memref<10000x128xf32, #tpu.memory_space<hbm>> -> memref<10000x128xf32, #tpu.memory_space<hbm>>
      tpu.wait_indirect_dma semaphore(%arg14 : memref<!tpu.dma_semaphore, #tpu.memory_space<semaphore_mem>>) src(%dma_wait3A_198 : memref<10000x128xf32, #tpu.memory_space<hbm>>) dst(%dma_wait3A_193 : memref<64x128xf32, #tpu.memory_space<vmem>>)
      %jit3A_199 = arith.constant 2 : i32
      %div3A_200 = arith.divsi %add3A_148, %jit3A_199 : i32
      %sign3A_201 = arith.constant 0 : i32
      %sign3A_202 = arith.cmpi sgt, %add3A_148, %sign3A_201 : i32
      %sign3A_203 = arith.extui %sign3A_202 : i1 to i32
      %sign3A_204 = arith.constant 0 : i32
      %sign3A_205 = arith.cmpi slt, %add3A_148, %sign3A_204 : i32
      %sign3A_206 = arith.extui %sign3A_205 : i1 to i32
      %sign3A_207 = arith.subi %sign3A_203, %sign3A_206 : i32
      %sign3A_208 = arith.constant 0 : i32
      %sign3A_209 = arith.cmpi sgt, %jit3A_199, %sign3A_208 : i32
      %sign3A_210 = arith.extui %sign3A_209 : i1 to i32
      %sign3A_211 = arith.constant 0 : i32
      %sign3A_212 = arith.cmpi slt, %jit3A_199, %sign3A_211 : i32
      %sign3A_213 = arith.extui %sign3A_212 : i1 to i32
      %sign3A_214 = arith.subi %sign3A_210, %sign3A_213 : i32
      %ne3A_215 = arith.cmpi ne, %sign3A_207, %sign3A_214 : i32
      %rem3A_216 = arith.remsi %add3A_148, %jit3A_199 : i32
      %ne3A_217 = arith.constant 0 : i32
      %ne3A_218 = arith.cmpi ne, %rem3A_216, %ne3A_217 : i32
      %and3A_219 = arith.andi %ne3A_215, %ne3A_218 : i1
      %sub3A_220 = arith.constant 1 : i32
      %sub3A_221 = arith.subi %div3A_200, %sub3A_220 : i32
      %select_n3A_222 = arith.select %and3A_219, %sub3A_221, %div3A_200 : i32
      %jit3A_223 = arith.constant 2 : i32
      %eq3A_224 = arith.constant 0 : i32
      %eq3A_225 = arith.cmpi eq, %jit3A_223, %eq3A_224 : i32
      %jit3A_226 = arith.constant 1 : i32
      %select_n3A_227 = arith.select %eq3A_225, %jit3A_226, %jit3A_223 : i32
      %rem3A_228 = arith.remsi %add3A_148, %select_n3A_227 : i32
      %ne3A_229 = arith.constant 0 : i32
      %ne3A_230 = arith.cmpi ne, %rem3A_228, %ne3A_229 : i32
      %lt3A_231 = arith.constant 0 : i32
      %lt3A_232 = arith.cmpi slt, %rem3A_228, %lt3A_231 : i32
      %lt3A_233 = arith.constant 0 : i32
      %lt3A_234 = arith.cmpi slt, %select_n3A_227, %lt3A_233 : i32
      %ne3A_235 = arith.xori %lt3A_232, %lt3A_234 : i1
      %and3A_236 = arith.andi %ne3A_235, %ne3A_230 : i1
      %add3A_237 = arith.addi %rem3A_228, %select_n3A_227 : i32
      %select_n3A_238 = arith.select %and3A_236, %add3A_237, %rem3A_228 : i32
      %mul3A_239 = arith.constant 64 : i32
      %mul3A_240 = arith.muli %mul3A_239, %select_n3A_238 : i32
      %dma_start3A_241 = arith.constant 64 : i32
      %dma_start3A_242 = arith.constant 0 : i32
      %dma_start3A_243 = tpu.memref_slice %arg11[%dma_start3A_241, %dma_start3A_242] : memref<192x128xf32, #tpu.memory_space<vmem>> -> memref<64x128xf32, #tpu.memory_space<vmem>>
      %dma_start3A_244 = tpu.memref_slice %arg9[%select_n3A_222, %mul3A_240] : memref<79x128xi32, #tpu.memory_space<vmem>> -> memref<1x64xi32, #tpu.memory_space<vmem>>
      %dma_start3A_245 = tpu.memref_squeeze %dma_start3A_244 : memref<1x64xi32, #tpu.memory_space<vmem>> -> memref<64xi32, #tpu.memory_space<vmem>>
      %dma_start3A_246 = arith.constant 0 : i32
      %dma_start3A_247 = arith.constant 0 : i32
      %dma_start3A_248 = tpu.memref_slice %arg12[%dma_start3A_246, %dma_start3A_247] : memref<10000x128xf32, #tpu.memory_space<vmem_shared>> -> memref<10000x128xf32, #tpu.memory_space<vmem_shared>>
      tpu.enqueue_indirect_dma source(%dma_start3A_243 : memref<64x128xf32, #tpu.memory_space<vmem>>) target(%dma_start3A_248 : memref<10000x128xf32, #tpu.memory_space<vmem_shared>>) offsets(%dma_start3A_245 : memref<64xi32, #tpu.memory_space<vmem>>) semaphore(%arg17 : memref<!tpu.dma_semaphore, #tpu.memory_space<semaphore_mem>>) {add = true}
      %mul3A_249 = arith.constant 3 : i32
      %mul3A_250 = arith.muli %mul3A_249, %scan3A_50 : i32
      %add3A_251 = arith.constant 2 : i32
      %add3A_252 = arith.addi %mul3A_250, %add3A_251 : i32
      %jit3A_253 = arith.constant 2 : i32
      %div3A_254 = arith.divsi %add3A_252, %jit3A_253 : i32
      %sign3A_255 = arith.constant 0 : i32
      %sign3A_256 = arith.cmpi sgt, %add3A_252, %sign3A_255 : i32
      %sign3A_257 = arith.extui %sign3A_256 : i1 to i32
      %sign3A_258 = arith.constant 0 : i32
      %sign3A_259 = arith.cmpi slt, %add3A_252, %sign3A_258 : i32
      %sign3A_260 = arith.extui %sign3A_259 : i1 to i32
      %sign3A_261 = arith.subi %sign3A_257, %sign3A_260 : i32
      %sign3A_262 = arith.constant 0 : i32
      %sign3A_263 = arith.cmpi sgt, %jit3A_253, %sign3A_262 : i32
      %sign3A_264 = arith.extui %sign3A_263 : i1 to i32
      %sign3A_265 = arith.constant 0 : i32
      %sign3A_266 = arith.cmpi slt, %jit3A_253, %sign3A_265 : i32
      %sign3A_267 = arith.extui %sign3A_266 : i1 to i32
      %sign3A_268 = arith.subi %sign3A_264, %sign3A_267 : i32
      %ne3A_269 = arith.cmpi ne, %sign3A_261, %sign3A_268 : i32
      %rem3A_270 = arith.remsi %add3A_252, %jit3A_253 : i32
      %ne3A_271 = arith.constant 0 : i32
      %ne3A_272 = arith.cmpi ne, %rem3A_270, %ne3A_271 : i32
      %and3A_273 = arith.andi %ne3A_269, %ne3A_272 : i1
      %sub3A_274 = arith.constant 1 : i32
      %sub3A_275 = arith.subi %div3A_254, %sub3A_274 : i32
      %select_n3A_276 = arith.select %and3A_273, %sub3A_275, %div3A_254 : i32
      %jit3A_277 = arith.constant 2 : i32
      %eq3A_278 = arith.constant 0 : i32
      %eq3A_279 = arith.cmpi eq, %jit3A_277, %eq3A_278 : i32
      %jit3A_280 = arith.constant 1 : i32
      %select_n3A_281 = arith.select %eq3A_279, %jit3A_280, %jit3A_277 : i32
      %rem3A_282 = arith.remsi %add3A_252, %select_n3A_281 : i32
      %ne3A_283 = arith.constant 0 : i32
      %ne3A_284 = arith.cmpi ne, %rem3A_282, %ne3A_283 : i32
      %lt3A_285 = arith.constant 0 : i32
      %lt3A_286 = arith.cmpi slt, %rem3A_282, %lt3A_285 : i32
      %lt3A_287 = arith.constant 0 : i32
      %lt3A_288 = arith.cmpi slt, %select_n3A_281, %lt3A_287 : i32
      %ne3A_289 = arith.xori %lt3A_286, %lt3A_288 : i1
      %and3A_290 = arith.andi %ne3A_289, %ne3A_284 : i1
      %add3A_291 = arith.addi %rem3A_282, %select_n3A_281 : i32
      %select_n3A_292 = arith.select %and3A_290, %add3A_291, %rem3A_282 : i32
      %mul3A_293 = arith.constant 64 : i32
      %mul3A_294 = arith.muli %mul3A_293, %select_n3A_292 : i32
      %dma_wait3A_295 = arith.constant 128 : i32
      %dma_wait3A_296 = arith.constant 0 : i32
      %dma_wait3A_297 = tpu.memref_slice %arg11[%dma_wait3A_295, %dma_wait3A_296] : memref<192x128xf32, #tpu.memory_space<vmem>> -> memref<64x128xf32, #tpu.memory_space<vmem>>
      %dma_wait3A_298 = tpu.memref_slice %arg8[%select_n3A_276, %mul3A_294] : memref<79x128xi32, #tpu.memory_space<vmem>> -> memref<1x64xi32, #tpu.memory_space<vmem>>
      %dma_wait3A_299 = tpu.memref_squeeze %dma_wait3A_298 : memref<1x64xi32, #tpu.memory_space<vmem>> -> memref<64xi32, #tpu.memory_space<vmem>>
      %dma_wait3A_300 = arith.constant 0 : i32
      %dma_wait3A_301 = arith.constant 0 : i32
      %dma_wait3A_302 = tpu.memref_slice %arg2[%dma_wait3A_300, %dma_wait3A_301] : memref<10000x128xf32, #tpu.memory_space<hbm>> -> memref<10000x128xf32, #tpu.memory_space<hbm>>
      tpu.wait_indirect_dma semaphore(%arg15 : memref<!tpu.dma_semaphore, #tpu.memory_space<semaphore_mem>>) src(%dma_wait3A_302 : memref<10000x128xf32, #tpu.memory_space<hbm>>) dst(%dma_wait3A_297 : memref<64x128xf32, #tpu.memory_space<vmem>>)
      %jit3A_303 = arith.constant 2 : i32
      %div3A_304 = arith.divsi %add3A_252, %jit3A_303 : i32
      %sign3A_305 = arith.constant 0 : i32
      %sign3A_306 = arith.cmpi sgt, %add3A_252, %sign3A_305 : i32
      %sign3A_307 = arith.extui %sign3A_306 : i1 to i32
      %sign3A_308 = arith.constant 0 : i32
      %sign3A_309 = arith.cmpi slt, %add3A_252, %sign3A_308 : i32
      %sign3A_310 = arith.extui %sign3A_309 : i1 to i32
      %sign3A_311 = arith.subi %sign3A_307, %sign3A_310 : i32
      %sign3A_312 = arith.constant 0 : i32
      %sign3A_313 = arith.cmpi sgt, %jit3A_303, %sign3A_312 : i32
      %sign3A_314 = arith.extui %sign3A_313 : i1 to i32
      %sign3A_315 = arith.constant 0 : i32
      %sign3A_316 = arith.cmpi slt, %jit3A_303, %sign3A_315 : i32
      %sign3A_317 = arith.extui %sign3A_316 : i1 to i32
      %sign3A_318 = arith.subi %sign3A_314, %sign3A_317 : i32
      %ne3A_319 = arith.cmpi ne, %sign3A_311, %sign3A_318 : i32
      %rem3A_320 = arith.remsi %add3A_252, %jit3A_303 : i32
      %ne3A_321 = arith.constant 0 : i32
      %ne3A_322 = arith.cmpi ne, %rem3A_320, %ne3A_321 : i32
      %and3A_323 = arith.andi %ne3A_319, %ne3A_322 : i1
      %sub3A_324 = arith.constant 1 : i32
      %sub3A_325 = arith.subi %div3A_304, %sub3A_324 : i32
      %select_n3A_326 = arith.select %and3A_323, %sub3A_325, %div3A_304 : i32
      %jit3A_327 = arith.constant 2 : i32
      %eq3A_328 = arith.constant 0 : i32
      %eq3A_329 = arith.cmpi eq, %jit3A_327, %eq3A_328 : i32
      %jit3A_330 = arith.constant 1 : i32
      %select_n3A_331 = arith.select %eq3A_329, %jit3A_330, %jit3A_327 : i32
      %rem3A_332 = arith.remsi %add3A_252, %select_n3A_331 : i32
      %ne3A_333 = arith.constant 0 : i32
      %ne3A_334 = arith.cmpi ne, %rem3A_332, %ne3A_333 : i32
      %lt3A_335 = arith.constant 0 : i32
      %lt3A_336 = arith.cmpi slt, %rem3A_332, %lt3A_335 : i32
      %lt3A_337 = arith.constant 0 : i32
      %lt3A_338 = arith.cmpi slt, %select_n3A_331, %lt3A_337 : i32
      %ne3A_339 = arith.xori %lt3A_336, %lt3A_338 : i1
      %and3A_340 = arith.andi %ne3A_339, %ne3A_334 : i1
      %add3A_341 = arith.addi %rem3A_332, %select_n3A_331 : i32
      %select_n3A_342 = arith.select %and3A_340, %add3A_341, %rem3A_332 : i32
      %mul3A_343 = arith.constant 64 : i32
      %mul3A_344 = arith.muli %mul3A_343, %select_n3A_342 : i32
      %dma_start3A_345 = arith.constant 128 : i32
      %dma_start3A_346 = arith.constant 0 : i32
      %dma_start3A_347 = tpu.memref_slice %arg11[%dma_start3A_345, %dma_start3A_346] : memref<192x128xf32, #tpu.memory_space<vmem>> -> memref<64x128xf32, #tpu.memory_space<vmem>>
      %dma_start3A_348 = tpu.memref_slice %arg9[%select_n3A_326, %mul3A_344] : memref<79x128xi32, #tpu.memory_space<vmem>> -> memref<1x64xi32, #tpu.memory_space<vmem>>
      %dma_start3A_349 = tpu.memref_squeeze %dma_start3A_348 : memref<1x64xi32, #tpu.memory_space<vmem>> -> memref<64xi32, #tpu.memory_space<vmem>>
      %dma_start3A_350 = arith.constant 0 : i32
      %dma_start3A_351 = arith.constant 0 : i32
      %dma_start3A_352 = tpu.memref_slice %arg12[%dma_start3A_350, %dma_start3A_351] : memref<10000x128xf32, #tpu.memory_space<vmem_shared>> -> memref<10000x128xf32, #tpu.memory_space<vmem_shared>>
      tpu.enqueue_indirect_dma source(%dma_start3A_347 : memref<64x128xf32, #tpu.memory_space<vmem>>) target(%dma_start3A_352 : memref<10000x128xf32, #tpu.memory_space<vmem_shared>>) offsets(%dma_start3A_349 : memref<64xi32, #tpu.memory_space<vmem>>) semaphore(%arg18 : memref<!tpu.dma_semaphore, #tpu.memory_space<semaphore_mem>>) {add = true}
      %mul3A_353 = arith.constant 3 : i32
      %mul3A_354 = arith.muli %mul3A_353, %scan3A_50 : i32
      %add3A_355 = arith.constant 0 : i32
      %add3A_356 = arith.addi %mul3A_354, %add3A_355 : i32
      %jit3A_357 = arith.constant 2 : i32
      %div3A_358 = arith.divsi %add3A_356, %jit3A_357 : i32
      %sign3A_359 = arith.constant 0 : i32
      %sign3A_360 = arith.cmpi sgt, %add3A_356, %sign3A_359 : i32
      %sign3A_361 = arith.extui %sign3A_360 : i1 to i32
      %sign3A_362 = arith.constant 0 : i32
      %sign3A_363 = arith.cmpi slt, %add3A_356, %sign3A_362 : i32
      %sign3A_364 = arith.extui %sign3A_363 : i1 to i32
      %sign3A_365 = arith.subi %sign3A_361, %sign3A_364 : i32
      %sign3A_366 = arith.constant 0 : i32
      %sign3A_367 = arith.cmpi sgt, %jit3A_357, %sign3A_366 : i32
      %sign3A_368 = arith.extui %sign3A_367 : i1 to i32
      %sign3A_369 = arith.constant 0 : i32
      %sign3A_370 = arith.cmpi slt, %jit3A_357, %sign3A_369 : i32
      %sign3A_371 = arith.extui %sign3A_370 : i1 to i32
      %sign3A_372 = arith.subi %sign3A_368, %sign3A_371 : i32
      %ne3A_373 = arith.cmpi ne, %sign3A_365, %sign3A_372 : i32
      %rem3A_374 = arith.remsi %add3A_356, %jit3A_357 : i32
      %ne3A_375 = arith.constant 0 : i32
      %ne3A_376 = arith.cmpi ne, %rem3A_374, %ne3A_375 : i32
      %and3A_377 = arith.andi %ne3A_373, %ne3A_376 : i1
      %sub3A_378 = arith.constant 1 : i32
      %sub3A_379 = arith.subi %div3A_358, %sub3A_378 : i32
      %select_n3A_380 = arith.select %and3A_377, %sub3A_379, %div3A_358 : i32
      %jit3A_381 = arith.constant 2 : i32
      %eq3A_382 = arith.constant 0 : i32
      %eq3A_383 = arith.cmpi eq, %jit3A_381, %eq3A_382 : i32
      %jit3A_384 = arith.constant 1 : i32
      %select_n3A_385 = arith.select %eq3A_383, %jit3A_384, %jit3A_381 : i32
      %rem3A_386 = arith.remsi %add3A_356, %select_n3A_385 : i32
      %ne3A_387 = arith.constant 0 : i32
      %ne3A_388 = arith.cmpi ne, %rem3A_386, %ne3A_387 : i32
      %lt3A_389 = arith.constant 0 : i32
      %lt3A_390 = arith.cmpi slt, %rem3A_386, %lt3A_389 : i32
      %lt3A_391 = arith.constant 0 : i32
      %lt3A_392 = arith.cmpi slt, %select_n3A_385, %lt3A_391 : i32
      %ne3A_393 = arith.xori %lt3A_390, %lt3A_392 : i1
      %and3A_394 = arith.andi %ne3A_393, %ne3A_388 : i1
      %add3A_395 = arith.addi %rem3A_386, %select_n3A_385 : i32
      %select_n3A_396 = arith.select %and3A_394, %add3A_395, %rem3A_386 : i32
      %mul3A_397 = arith.constant 64 : i32
      %mul3A_398 = arith.muli %mul3A_397, %select_n3A_396 : i32
      %dma_wait3A_399 = arith.constant 0 : i32
      %dma_wait3A_400 = arith.constant 0 : i32
      %dma_wait3A_401 = tpu.memref_slice %arg11[%dma_wait3A_399, %dma_wait3A_400] : memref<192x128xf32, #tpu.memory_space<vmem>> -> memref<64x128xf32, #tpu.memory_space<vmem>>
      %dma_wait3A_402 = tpu.memref_slice %arg9[%select_n3A_380, %mul3A_398] : memref<79x128xi32, #tpu.memory_space<vmem>> -> memref<1x64xi32, #tpu.memory_space<vmem>>
      %dma_wait3A_403 = tpu.memref_squeeze %dma_wait3A_402 : memref<1x64xi32, #tpu.memory_space<vmem>> -> memref<64xi32, #tpu.memory_space<vmem>>
      %dma_wait3A_404 = arith.constant 0 : i32
      %dma_wait3A_405 = arith.constant 0 : i32
      %dma_wait3A_406 = tpu.memref_slice %arg12[%dma_wait3A_404, %dma_wait3A_405] : memref<10000x128xf32, #tpu.memory_space<vmem_shared>> -> memref<10000x128xf32, #tpu.memory_space<vmem_shared>>
      tpu.wait_indirect_dma semaphore(%arg16 : memref<!tpu.dma_semaphore, #tpu.memory_space<semaphore_mem>>) src(%dma_wait3A_401 : memref<64x128xf32, #tpu.memory_space<vmem>>) dst(%dma_wait3A_406 : memref<10000x128xf32, #tpu.memory_space<vmem_shared>>)
      %add3A_407 = arith.constant 3 : i32
      %add3A_408 = arith.addi %add3A_356, %add3A_407 : i32
      %lt3A_409 = arith.constant 156 : i32
      %lt3A_410 = arith.cmpi slt, %add3A_408, %lt3A_409 : i32
      %convert_element_type3A_411 = arith.extui %lt3A_410 : i1 to i32
      %cond3A_412 = arith.constant 0 : i32
      %cond3A_413 = arith.cmpi ne, %convert_element_type3A_411, %cond3A_412 : i32
      scf.if %cond3A_413 {
        %add3A_536 = arith.constant 3 : i32
        %add3A_537 = arith.addi %add3A_356, %add3A_536 : i32
        %jit3A_538 = arith.constant 2 : i32
        %div3A_539 = arith.divsi %add3A_537, %jit3A_538 : i32
        %sign3A_540 = arith.constant 0 : i32
        %sign3A_541 = arith.cmpi sgt, %add3A_537, %sign3A_540 : i32
        %sign3A_542 = arith.extui %sign3A_541 : i1 to i32
        %sign3A_543 = arith.constant 0 : i32
        %sign3A_544 = arith.cmpi slt, %add3A_537, %sign3A_543 : i32
        %sign3A_545 = arith.extui %sign3A_544 : i1 to i32
        %sign3A_546 = arith.subi %sign3A_542, %sign3A_545 : i32
        %sign3A_547 = arith.constant 0 : i32
        %sign3A_548 = arith.cmpi sgt, %jit3A_538, %sign3A_547 : i32
        %sign3A_549 = arith.extui %sign3A_548 : i1 to i32
        %sign3A_550 = arith.constant 0 : i32
        %sign3A_551 = arith.cmpi slt, %jit3A_538, %sign3A_550 : i32
        %sign3A_552 = arith.extui %sign3A_551 : i1 to i32
        %sign3A_553 = arith.subi %sign3A_549, %sign3A_552 : i32
        %ne3A_554 = arith.cmpi ne, %sign3A_546, %sign3A_553 : i32
        %rem3A_555 = arith.remsi %add3A_537, %jit3A_538 : i32
        %ne3A_556 = arith.constant 0 : i32
        %ne3A_557 = arith.cmpi ne, %rem3A_555, %ne3A_556 : i32
        %and3A_558 = arith.andi %ne3A_554, %ne3A_557 : i1
        %sub3A_559 = arith.constant 1 : i32
        %sub3A_560 = arith.subi %div3A_539, %sub3A_559 : i32
        %select_n3A_561 = arith.select %and3A_558, %sub3A_560, %div3A_539 : i32
        %jit3A_562 = arith.constant 2 : i32
        %eq3A_563 = arith.constant 0 : i32
        %eq3A_564 = arith.cmpi eq, %jit3A_562, %eq3A_563 : i32
        %jit3A_565 = arith.constant 1 : i32
        %select_n3A_566 = arith.select %eq3A_564, %jit3A_565, %jit3A_562 : i32
        %rem3A_567 = arith.remsi %add3A_537, %select_n3A_566 : i32
        %ne3A_568 = arith.constant 0 : i32
        %ne3A_569 = arith.cmpi ne, %rem3A_567, %ne3A_568 : i32
        %lt3A_570 = arith.constant 0 : i32
        %lt3A_571 = arith.cmpi slt, %rem3A_567, %lt3A_570 : i32
        %lt3A_572 = arith.constant 0 : i32
        %lt3A_573 = arith.cmpi slt, %select_n3A_566, %lt3A_572 : i32
        %ne3A_574 = arith.xori %lt3A_571, %lt3A_573 : i1
        %and3A_575 = arith.andi %ne3A_574, %ne3A_569 : i1
        %add3A_576 = arith.addi %rem3A_567, %select_n3A_566 : i32
        %select_n3A_577 = arith.select %and3A_575, %add3A_576, %rem3A_567 : i32
        %mul3A_578 = arith.constant 64 : i32
        %mul3A_579 = arith.muli %mul3A_578, %select_n3A_577 : i32
        %dma_start3A_580 = arith.constant 0 : i32
        %dma_start3A_581 = arith.constant 0 : i32
        %dma_start3A_582 = tpu.memref_slice %arg11[%dma_start3A_580, %dma_start3A_581] : memref<192x128xf32, #tpu.memory_space<vmem>> -> memref<64x128xf32, #tpu.memory_space<vmem>>
        %dma_start3A_583 = tpu.memref_slice %arg8[%select_n3A_561, %mul3A_579] : memref<79x128xi32, #tpu.memory_space<vmem>> -> memref<1x64xi32, #tpu.memory_space<vmem>>
        %dma_start3A_584 = tpu.memref_squeeze %dma_start3A_583 : memref<1x64xi32, #tpu.memory_space<vmem>> -> memref<64xi32, #tpu.memory_space<vmem>>
        %dma_start3A_585 = arith.constant 0 : i32
        %dma_start3A_586 = arith.constant 0 : i32
        %dma_start3A_587 = tpu.memref_slice %arg2[%dma_start3A_585, %dma_start3A_586] : memref<10000x128xf32, #tpu.memory_space<hbm>> -> memref<10000x128xf32, #tpu.memory_space<hbm>>
        tpu.enqueue_indirect_dma source(%dma_start3A_587 : memref<10000x128xf32, #tpu.memory_space<hbm>>) target(%dma_start3A_582 : memref<64x128xf32, #tpu.memory_space<vmem>>) offsets(%dma_start3A_584 : memref<64xi32, #tpu.memory_space<vmem>>) semaphore(%arg13 : memref<!tpu.dma_semaphore, #tpu.memory_space<semaphore_mem>>)
      } else {
      }
      %mul3A_414 = arith.constant 3 : i32
      %mul3A_415 = arith.muli %mul3A_414, %scan3A_50 : i32
      %add3A_416 = arith.constant 1 : i32
      %add3A_417 = arith.addi %mul3A_415, %add3A_416 : i32
      %jit3A_418 = arith.constant 2 : i32
      %div3A_419 = arith.divsi %add3A_417, %jit3A_418 : i32
      %sign3A_420 = arith.constant 0 : i32
      %sign3A_421 = arith.cmpi sgt, %add3A_417, %sign3A_420 : i32
      %sign3A_422 = arith.extui %sign3A_421 : i1 to i32
      %sign3A_423 = arith.constant 0 : i32
      %sign3A_424 = arith.cmpi slt, %add3A_417, %sign3A_423 : i32
      %sign3A_425 = arith.extui %sign3A_424 : i1 to i32
      %sign3A_426 = arith.subi %sign3A_422, %sign3A_425 : i32
      %sign3A_427 = arith.constant 0 : i32
      %sign3A_428 = arith.cmpi sgt, %jit3A_418, %sign3A_427 : i32
      %sign3A_429 = arith.extui %sign3A_428 : i1 to i32
      %sign3A_430 = arith.constant 0 : i32
      %sign3A_431 = arith.cmpi slt, %jit3A_418, %sign3A_430 : i32
      %sign3A_432 = arith.extui %sign3A_431 : i1 to i32
      %sign3A_433 = arith.subi %sign3A_429, %sign3A_432 : i32
      %ne3A_434 = arith.cmpi ne, %sign3A_426, %sign3A_433 : i32
      %rem3A_435 = arith.remsi %add3A_417, %jit3A_418 : i32
      %ne3A_436 = arith.constant 0 : i32
      %ne3A_437 = arith.cmpi ne, %rem3A_435, %ne3A_436 : i32
      %and3A_438 = arith.andi %ne3A_434, %ne3A_437 : i1
      %sub3A_439 = arith.constant 1 : i32
      %sub3A_440 = arith.subi %div3A_419, %sub3A_439 : i32
      %select_n3A_441 = arith.select %and3A_438, %sub3A_440, %div3A_419 : i32
      %jit3A_442 = arith.constant 2 : i32
      %eq3A_443 = arith.constant 0 : i32
      %eq3A_444 = arith.cmpi eq, %jit3A_442, %eq3A_443 : i32
      %jit3A_445 = arith.constant 1 : i32
      %select_n3A_446 = arith.select %eq3A_444, %jit3A_445, %jit3A_442 : i32
      %rem3A_447 = arith.remsi %add3A_417, %select_n3A_446 : i32
      %ne3A_448 = arith.constant 0 : i32
      %ne3A_449 = arith.cmpi ne, %rem3A_447, %ne3A_448 : i32
      %lt3A_450 = arith.constant 0 : i32
      %lt3A_451 = arith.cmpi slt, %rem3A_447, %lt3A_450 : i32
      %lt3A_452 = arith.constant 0 : i32
      %lt3A_453 = arith.cmpi slt, %select_n3A_446, %lt3A_452 : i32
      %ne3A_454 = arith.xori %lt3A_451, %lt3A_453 : i1
      %and3A_455 = arith.andi %ne3A_454, %ne3A_449 : i1
      %add3A_456 = arith.addi %rem3A_447, %select_n3A_446 : i32
      %select_n3A_457 = arith.select %and3A_455, %add3A_456, %rem3A_447 : i32
      %mul3A_458 = arith.constant 64 : i32
      %mul3A_459 = arith.muli %mul3A_458, %select_n3A_457 : i32
      %dma_wait3A_460 = arith.constant 64 : i32
      %dma_wait3A_461 = arith.constant 0 : i32
      %dma_wait3A_462 = tpu.memref_slice %arg11[%dma_wait3A_460, %dma_wait3A_461] : memref<192x128xf32, #tpu.memory_space<vmem>> -> memref<64x128xf32, #tpu.memory_space<vmem>>
      %dma_wait3A_463 = tpu.memref_slice %arg9[%select_n3A_441, %mul3A_459] : memref<79x128xi32, #tpu.memory_space<vmem>> -> memref<1x64xi32, #tpu.memory_space<vmem>>
      %dma_wait3A_464 = tpu.memref_squeeze %dma_wait3A_463 : memref<1x64xi32, #tpu.memory_space<vmem>> -> memref<64xi32, #tpu.memory_space<vmem>>
      %dma_wait3A_465 = arith.constant 0 : i32
      %dma_wait3A_466 = arith.constant 0 : i32
      %dma_wait3A_467 = tpu.memref_slice %arg12[%dma_wait3A_465, %dma_wait3A_466] : memref<10000x128xf32, #tpu.memory_space<vmem_shared>> -> memref<10000x128xf32, #tpu.memory_space<vmem_shared>>
      tpu.wait_indirect_dma semaphore(%arg17 : memref<!tpu.dma_semaphore, #tpu.memory_space<semaphore_mem>>) src(%dma_wait3A_462 : memref<64x128xf32, #tpu.memory_space<vmem>>) dst(%dma_wait3A_467 : memref<10000x128xf32, #tpu.memory_space<vmem_shared>>)
      %add3A_468 = arith.constant 3 : i32
      %add3A_469 = arith.addi %add3A_417, %add3A_468 : i32
      %lt3A_470 = arith.constant 156 : i32
      %lt3A_471 = arith.cmpi slt, %add3A_469, %lt3A_470 : i32
      %convert_element_type3A_472 = arith.extui %lt3A_471 : i1 to i32
      %cond3A_473 = arith.constant 0 : i32
      %cond3A_474 = arith.cmpi ne, %convert_element_type3A_472, %cond3A_473 : i32
      scf.if %cond3A_474 {
        %add3A_536 = arith.constant 3 : i32
        %add3A_537 = arith.addi %add3A_417, %add3A_536 : i32
        %jit3A_538 = arith.constant 2 : i32
        %div3A_539 = arith.divsi %add3A_537, %jit3A_538 : i32
        %sign3A_540 = arith.constant 0 : i32
        %sign3A_541 = arith.cmpi sgt, %add3A_537, %sign3A_540 : i32
        %sign3A_542 = arith.extui %sign3A_541 : i1 to i32
        %sign3A_543 = arith.constant 0 : i32
        %sign3A_544 = arith.cmpi slt, %add3A_537, %sign3A_543 : i32
        %sign3A_545 = arith.extui %sign3A_544 : i1 to i32
        %sign3A_546 = arith.subi %sign3A_542, %sign3A_545 : i32
        %sign3A_547 = arith.constant 0 : i32
        %sign3A_548 = arith.cmpi sgt, %jit3A_538, %sign3A_547 : i32
        %sign3A_549 = arith.extui %sign3A_548 : i1 to i32
        %sign3A_550 = arith.constant 0 : i32
        %sign3A_551 = arith.cmpi slt, %jit3A_538, %sign3A_550 : i32
        %sign3A_552 = arith.extui %sign3A_551 : i1 to i32
        %sign3A_553 = arith.subi %sign3A_549, %sign3A_552 : i32
        %ne3A_554 = arith.cmpi ne, %sign3A_546, %sign3A_553 : i32
        %rem3A_555 = arith.remsi %add3A_537, %jit3A_538 : i32
        %ne3A_556 = arith.constant 0 : i32
        %ne3A_557 = arith.cmpi ne, %rem3A_555, %ne3A_556 : i32
        %and3A_558 = arith.andi %ne3A_554, %ne3A_557 : i1
        %sub3A_559 = arith.constant 1 : i32
        %sub3A_560 = arith.subi %div3A_539, %sub3A_559 : i32
        %select_n3A_561 = arith.select %and3A_558, %sub3A_560, %div3A_539 : i32
        %jit3A_562 = arith.constant 2 : i32
        %eq3A_563 = arith.constant 0 : i32
        %eq3A_564 = arith.cmpi eq, %jit3A_562, %eq3A_563 : i32
        %jit3A_565 = arith.constant 1 : i32
        %select_n3A_566 = arith.select %eq3A_564, %jit3A_565, %jit3A_562 : i32
        %rem3A_567 = arith.remsi %add3A_537, %select_n3A_566 : i32
        %ne3A_568 = arith.constant 0 : i32
        %ne3A_569 = arith.cmpi ne, %rem3A_567, %ne3A_568 : i32
        %lt3A_570 = arith.constant 0 : i32
        %lt3A_571 = arith.cmpi slt, %rem3A_567, %lt3A_570 : i32
        %lt3A_572 = arith.constant 0 : i32
        %lt3A_573 = arith.cmpi slt, %select_n3A_566, %lt3A_572 : i32
        %ne3A_574 = arith.xori %lt3A_571, %lt3A_573 : i1
        %and3A_575 = arith.andi %ne3A_574, %ne3A_569 : i1
        %add3A_576 = arith.addi %rem3A_567, %select_n3A_566 : i32
        %select_n3A_577 = arith.select %and3A_575, %add3A_576, %rem3A_567 : i32
        %mul3A_578 = arith.constant 64 : i32
        %mul3A_579 = arith.muli %mul3A_578, %select_n3A_577 : i32
        %dma_start3A_580 = arith.constant 64 : i32
        %dma_start3A_581 = arith.constant 0 : i32
        %dma_start3A_582 = tpu.memref_slice %arg11[%dma_start3A_580, %dma_start3A_581] : memref<192x128xf32, #tpu.memory_space<vmem>> -> memref<64x128xf32, #tpu.memory_space<vmem>>
        %dma_start3A_583 = tpu.memref_slice %arg8[%select_n3A_561, %mul3A_579] : memref<79x128xi32, #tpu.memory_space<vmem>> -> memref<1x64xi32, #tpu.memory_space<vmem>>
        %dma_start3A_584 = tpu.memref_squeeze %dma_start3A_583 : memref<1x64xi32, #tpu.memory_space<vmem>> -> memref<64xi32, #tpu.memory_space<vmem>>
        %dma_start3A_585 = arith.constant 0 : i32
        %dma_start3A_586 = arith.constant 0 : i32
        %dma_start3A_587 = tpu.memref_slice %arg2[%dma_start3A_585, %dma_start3A_586] : memref<10000x128xf32, #tpu.memory_space<hbm>> -> memref<10000x128xf32, #tpu.memory_space<hbm>>
        tpu.enqueue_indirect_dma source(%dma_start3A_587 : memref<10000x128xf32, #tpu.memory_space<hbm>>) target(%dma_start3A_582 : memref<64x128xf32, #tpu.memory_space<vmem>>) offsets(%dma_start3A_584 : memref<64xi32, #tpu.memory_space<vmem>>) semaphore(%arg14 : memref<!tpu.dma_semaphore, #tpu.memory_space<semaphore_mem>>)
      } else {
      }
      %mul3A_475 = arith.constant 3 : i32
      %mul3A_476 = arith.muli %mul3A_475, %scan3A_50 : i32
      %add3A_477 = arith.constant 2 : i32
      %add3A_478 = arith.addi %mul3A_476, %add3A_477 : i32
      %jit3A_479 = arith.constant 2 : i32
      %div3A_480 = arith.divsi %add3A_478, %jit3A_479 : i32
      %sign3A_481 = arith.constant 0 : i32
      %sign3A_482 = arith.cmpi sgt, %add3A_478, %sign3A_481 : i32
      %sign3A_483 = arith.extui %sign3A_482 : i1 to i32
      %sign3A_484 = arith.constant 0 : i32
      %sign3A_485 = arith.cmpi slt, %add3A_478, %sign3A_484 : i32
      %sign3A_486 = arith.extui %sign3A_485 : i1 to i32
      %sign3A_487 = arith.subi %sign3A_483, %sign3A_486 : i32
      %sign3A_488 = arith.constant 0 : i32
      %sign3A_489 = arith.cmpi sgt, %jit3A_479, %sign3A_488 : i32
      %sign3A_490 = arith.extui %sign3A_489 : i1 to i32
      %sign3A_491 = arith.constant 0 : i32
      %sign3A_492 = arith.cmpi slt, %jit3A_479, %sign3A_491 : i32
      %sign3A_493 = arith.extui %sign3A_492 : i1 to i32
      %sign3A_494 = arith.subi %sign3A_490, %sign3A_493 : i32
      %ne3A_495 = arith.cmpi ne, %sign3A_487, %sign3A_494 : i32
      %rem3A_496 = arith.remsi %add3A_478, %jit3A_479 : i32
      %ne3A_497 = arith.constant 0 : i32
      %ne3A_498 = arith.cmpi ne, %rem3A_496, %ne3A_497 : i32
      %and3A_499 = arith.andi %ne3A_495, %ne3A_498 : i1
      %sub3A_500 = arith.constant 1 : i32
      %sub3A_501 = arith.subi %div3A_480, %sub3A_500 : i32
      %select_n3A_502 = arith.select %and3A_499, %sub3A_501, %div3A_480 : i32
      %jit3A_503 = arith.constant 2 : i32
      %eq3A_504 = arith.constant 0 : i32
      %eq3A_505 = arith.cmpi eq, %jit3A_503, %eq3A_504 : i32
      %jit3A_506 = arith.constant 1 : i32
      %select_n3A_507 = arith.select %eq3A_505, %jit3A_506, %jit3A_503 : i32
      %rem3A_508 = arith.remsi %add3A_478, %select_n3A_507 : i32
      %ne3A_509 = arith.constant 0 : i32
      %ne3A_510 = arith.cmpi ne, %rem3A_508, %ne3A_509 : i32
      %lt3A_511 = arith.constant 0 : i32
      %lt3A_512 = arith.cmpi slt, %rem3A_508, %lt3A_511 : i32
      %lt3A_513 = arith.constant 0 : i32
      %lt3A_514 = arith.cmpi slt, %select_n3A_507, %lt3A_513 : i32
      %ne3A_515 = arith.xori %lt3A_512, %lt3A_514 : i1
      %and3A_516 = arith.andi %ne3A_515, %ne3A_510 : i1
      %add3A_517 = arith.addi %rem3A_508, %select_n3A_507 : i32
      %select_n3A_518 = arith.select %and3A_516, %add3A_517, %rem3A_508 : i32
      %mul3A_519 = arith.constant 64 : i32
      %mul3A_520 = arith.muli %mul3A_519, %select_n3A_518 : i32
      %dma_wait3A_521 = arith.constant 128 : i32
      %dma_wait3A_522 = arith.constant 0 : i32
      %dma_wait3A_523 = tpu.memref_slice %arg11[%dma_wait3A_521, %dma_wait3A_522] : memref<192x128xf32, #tpu.memory_space<vmem>> -> memref<64x128xf32, #tpu.memory_space<vmem>>
      %dma_wait3A_524 = tpu.memref_slice %arg9[%select_n3A_502, %mul3A_520] : memref<79x128xi32, #tpu.memory_space<vmem>> -> memref<1x64xi32, #tpu.memory_space<vmem>>
      %dma_wait3A_525 = tpu.memref_squeeze %dma_wait3A_524 : memref<1x64xi32, #tpu.memory_space<vmem>> -> memref<64xi32, #tpu.memory_space<vmem>>
      %dma_wait3A_526 = arith.constant 0 : i32
      %dma_wait3A_527 = arith.constant 0 : i32
      %dma_wait3A_528 = tpu.memref_slice %arg12[%dma_wait3A_526, %dma_wait3A_527] : memref<10000x128xf32, #tpu.memory_space<vmem_shared>> -> memref<10000x128xf32, #tpu.memory_space<vmem_shared>>
      tpu.wait_indirect_dma semaphore(%arg18 : memref<!tpu.dma_semaphore, #tpu.memory_space<semaphore_mem>>) src(%dma_wait3A_523 : memref<64x128xf32, #tpu.memory_space<vmem>>) dst(%dma_wait3A_528 : memref<10000x128xf32, #tpu.memory_space<vmem_shared>>)
      %add3A_529 = arith.constant 3 : i32
      %add3A_530 = arith.addi %add3A_478, %add3A_529 : i32
      %lt3A_531 = arith.constant 156 : i32
      %lt3A_532 = arith.cmpi slt, %add3A_530, %lt3A_531 : i32
      %convert_element_type3A_533 = arith.extui %lt3A_532 : i1 to i32
      %cond3A_534 = arith.constant 0 : i32
      %cond3A_535 = arith.cmpi ne, %convert_element_type3A_533, %cond3A_534 : i32
      scf.if %cond3A_535 {
        %add3A_536 = arith.constant 3 : i32
        %add3A_537 = arith.addi %add3A_478, %add3A_536 : i32
        %jit3A_538 = arith.constant 2 : i32
        %div3A_539 = arith.divsi %add3A_537, %jit3A_538 : i32
        %sign3A_540 = arith.constant 0 : i32
        %sign3A_541 = arith.cmpi sgt, %add3A_537, %sign3A_540 : i32
        %sign3A_542 = arith.extui %sign3A_541 : i1 to i32
        %sign3A_543 = arith.constant 0 : i32
        %sign3A_544 = arith.cmpi slt, %add3A_537, %sign3A_543 : i32
        %sign3A_545 = arith.extui %sign3A_544 : i1 to i32
        %sign3A_546 = arith.subi %sign3A_542, %sign3A_545 : i32
        %sign3A_547 = arith.constant 0 : i32
        %sign3A_548 = arith.cmpi sgt, %jit3A_538, %sign3A_547 : i32
        %sign3A_549 = arith.extui %sign3A_548 : i1 to i32
        %sign3A_550 = arith.constant 0 : i32
        %sign3A_551 = arith.cmpi slt, %jit3A_538, %sign3A_550 : i32
        %sign3A_552 = arith.extui %sign3A_551 : i1 to i32
        %sign3A_553 = arith.subi %sign3A_549, %sign3A_552 : i32
        %ne3A_554 = arith.cmpi ne, %sign3A_546, %sign3A_553 : i32
        %rem3A_555 = arith.remsi %add3A_537, %jit3A_538 : i32
        %ne3A_556 = arith.constant 0 : i32
        %ne3A_557 = arith.cmpi ne, %rem3A_555, %ne3A_556 : i32
        %and3A_558 = arith.andi %ne3A_554, %ne3A_557 : i1
        %sub3A_559 = arith.constant 1 : i32
        %sub3A_560 = arith.subi %div3A_539, %sub3A_559 : i32
        %select_n3A_561 = arith.select %and3A_558, %sub3A_560, %div3A_539 : i32
        %jit3A_562 = arith.constant 2 : i32
        %eq3A_563 = arith.constant 0 : i32
        %eq3A_564 = arith.cmpi eq, %jit3A_562, %eq3A_563 : i32
        %jit3A_565 = arith.constant 1 : i32
        %select_n3A_566 = arith.select %eq3A_564, %jit3A_565, %jit3A_562 : i32
        %rem3A_567 = arith.remsi %add3A_537, %select_n3A_566 : i32
        %ne3A_568 = arith.constant 0 : i32
        %ne3A_569 = arith.cmpi ne, %rem3A_567, %ne3A_568 : i32
        %lt3A_570 = arith.constant 0 : i32
        %lt3A_571 = arith.cmpi slt, %rem3A_567, %lt3A_570 : i32
        %lt3A_572 = arith.constant 0 : i32
        %lt3A_573 = arith.cmpi slt, %select_n3A_566, %lt3A_572 : i32
        %ne3A_574 = arith.xori %lt3A_571, %lt3A_573 : i1
        %and3A_575 = arith.andi %ne3A_574, %ne3A_569 : i1
        %add3A_576 = arith.addi %rem3A_567, %select_n3A_566 : i32
        %select_n3A_577 = arith.select %and3A_575, %add3A_576, %rem3A_567 : i32
        %mul3A_578 = arith.constant 64 : i32
        %mul3A_579 = arith.muli %mul3A_578, %select_n3A_577 : i32
        %dma_start3A_580 = arith.constant 128 : i32
        %dma_start3A_581 = arith.constant 0 : i32
        %dma_start3A_582 = tpu.memref_slice %arg11[%dma_start3A_580, %dma_start3A_581] : memref<192x128xf32, #tpu.memory_space<vmem>> -> memref<64x128xf32, #tpu.memory_space<vmem>>
        %dma_start3A_583 = tpu.memref_slice %arg8[%select_n3A_561, %mul3A_579] : memref<79x128xi32, #tpu.memory_space<vmem>> -> memref<1x64xi32, #tpu.memory_space<vmem>>
        %dma_start3A_584 = tpu.memref_squeeze %dma_start3A_583 : memref<1x64xi32, #tpu.memory_space<vmem>> -> memref<64xi32, #tpu.memory_space<vmem>>
        %dma_start3A_585 = arith.constant 0 : i32
        %dma_start3A_586 = arith.constant 0 : i32
        %dma_start3A_587 = tpu.memref_slice %arg2[%dma_start3A_585, %dma_start3A_586] : memref<10000x128xf32, #tpu.memory_space<hbm>> -> memref<10000x128xf32, #tpu.memory_space<hbm>>
        tpu.enqueue_indirect_dma source(%dma_start3A_587 : memref<10000x128xf32, #tpu.memory_space<hbm>>) target(%dma_start3A_582 : memref<64x128xf32, #tpu.memory_space<vmem>>) offsets(%dma_start3A_584 : memref<64xi32, #tpu.memory_space<vmem>>) semaphore(%arg15 : memref<!tpu.dma_semaphore, #tpu.memory_space<semaphore_mem>>)
      } else {
      }
    }
    %scan3A_38 = arith.constant 52 : i32
    %run_scoped3A = arith.constant 78 : i32
    "tpu.region"() ({
      %run_scoped3A_50 = tpu.sem_alloc : memref<!tpu.dma_semaphore, #tpu.memory_space<semaphore_mem>>
      %dma_start3A_51 = arith.constant 0 : i32
      %dma_start3A_52 = arith.constant 0 : i32
      %dma_start3A_53 = tpu.memref_slice %arg11[%dma_start3A_51, %dma_start3A_52] : memref<192x128xf32, #tpu.memory_space<vmem>> -> memref<16x128xf32, #tpu.memory_space<vmem>>
      %dma_start3A_54 = arith.constant 0 : i32
      %dma_start3A_55 = tpu.memref_slice %arg8[%run_scoped3A, %dma_start3A_54] : memref<79x128xi32, #tpu.memory_space<vmem>> -> memref<1x16xi32, #tpu.memory_space<vmem>>
      %dma_start3A_56 = tpu.memref_squeeze %dma_start3A_55 : memref<1x16xi32, #tpu.memory_space<vmem>> -> memref<16xi32, #tpu.memory_space<vmem>>
      %dma_start3A_57 = arith.constant 0 : i32
      %dma_start3A_58 = arith.constant 0 : i32
      %dma_start3A_59 = tpu.memref_slice %arg2[%dma_start3A_57, %dma_start3A_58] : memref<10000x128xf32, #tpu.memory_space<hbm>> -> memref<10000x128xf32, #tpu.memory_space<hbm>>
      tpu.enqueue_indirect_dma source(%dma_start3A_59 : memref<10000x128xf32, #tpu.memory_space<hbm>>) target(%dma_start3A_53 : memref<16x128xf32, #tpu.memory_space<vmem>>) offsets(%dma_start3A_56 : memref<16xi32, #tpu.memory_space<vmem>>) semaphore(%run_scoped3A_50 : memref<!tpu.dma_semaphore, #tpu.memory_space<semaphore_mem>>)
      %dma_wait3A = arith.constant 0 : i32
      %dma_wait3A_60 = arith.constant 0 : i32
      %dma_wait3A_61 = tpu.memref_slice %arg11[%dma_wait3A, %dma_wait3A_60] : memref<192x128xf32, #tpu.memory_space<vmem>> -> memref<16x128xf32, #tpu.memory_space<vmem>>
      %dma_wait3A_62 = arith.constant 0 : i32
      %dma_wait3A_63 = tpu.memref_slice %arg8[%run_scoped3A, %dma_wait3A_62] : memref<79x128xi32, #tpu.memory_space<vmem>> -> memref<1x16xi32, #tpu.memory_space<vmem>>
      %dma_wait3A_64 = tpu.memref_squeeze %dma_wait3A_63 : memref<1x16xi32, #tpu.memory_space<vmem>> -> memref<16xi32, #tpu.memory_space<vmem>>
      %dma_wait3A_65 = arith.constant 0 : i32
      %dma_wait3A_66 = arith.constant 0 : i32
      %dma_wait3A_67 = tpu.memref_slice %arg2[%dma_wait3A_65, %dma_wait3A_66] : memref<10000x128xf32, #tpu.memory_space<hbm>> -> memref<10000x128xf32, #tpu.memory_space<hbm>>
      tpu.wait_indirect_dma semaphore(%run_scoped3A_50 : memref<!tpu.dma_semaphore, #tpu.memory_space<semaphore_mem>>) src(%dma_wait3A_67 : memref<10000x128xf32, #tpu.memory_space<hbm>>) dst(%dma_wait3A_61 : memref<16x128xf32, #tpu.memory_space<vmem>>)
      tpu.yield
    }) : () -> ()
    %run_scoped3A_39 = arith.constant 0 : i32
    "tpu.region"() ({
      %run_scoped3A_50 = tpu.sem_alloc : memref<!tpu.dma_semaphore, #tpu.memory_space<semaphore_mem>>
      %dma_start3A_51 = arith.constant 0 : i32
      %dma_start3A_52 = arith.constant 0 : i32
      %dma_start3A_53 = tpu.memref_slice %arg11[%dma_start3A_51, %dma_start3A_52] : memref<192x128xf32, #tpu.memory_space<vmem>> -> memref<16x128xf32, #tpu.memory_space<vmem>>
      %dma_start3A_54 = arith.constant 0 : i32
      %dma_start3A_55 = tpu.memref_slice %arg10[%run_scoped3A_39, %dma_start3A_54] : memref<8x16xi32, #tpu.memory_space<vmem>> -> memref<1x16xi32, #tpu.memory_space<vmem>>
      %dma_start3A_56 = tpu.memref_squeeze %dma_start3A_55 : memref<1x16xi32, #tpu.memory_space<vmem>> -> memref<16xi32, #tpu.memory_space<vmem>>
      %dma_start3A_57 = arith.constant 0 : i32
      %dma_start3A_58 = arith.constant 0 : i32
      %dma_start3A_59 = tpu.memref_slice %arg12[%dma_start3A_57, %dma_start3A_58] : memref<10000x128xf32, #tpu.memory_space<vmem_shared>> -> memref<10000x128xf32, #tpu.memory_space<vmem_shared>>
      tpu.enqueue_indirect_dma source(%dma_start3A_53 : memref<16x128xf32, #tpu.memory_space<vmem>>) target(%dma_start3A_59 : memref<10000x128xf32, #tpu.memory_space<vmem_shared>>) offsets(%dma_start3A_56 : memref<16xi32, #tpu.memory_space<vmem>>) semaphore(%run_scoped3A_50 : memref<!tpu.dma_semaphore, #tpu.memory_space<semaphore_mem>>) {add = true}
      %dma_wait3A = arith.constant 0 : i32
      %dma_wait3A_60 = arith.constant 0 : i32
      %dma_wait3A_61 = tpu.memref_slice %arg11[%dma_wait3A, %dma_wait3A_60] : memref<192x128xf32, #tpu.memory_space<vmem>> -> memref<16x128xf32, #tpu.memory_space<vmem>>
      %dma_wait3A_62 = arith.constant 0 : i32
      %dma_wait3A_63 = tpu.memref_slice %arg10[%run_scoped3A_39, %dma_wait3A_62] : memref<8x16xi32, #tpu.memory_space<vmem>> -> memref<1x16xi32, #tpu.memory_space<vmem>>
      %dma_wait3A_64 = tpu.memref_squeeze %dma_wait3A_63 : memref<1x16xi32, #tpu.memory_space<vmem>> -> memref<16xi32, #tpu.memory_space<vmem>>
      %dma_wait3A_65 = arith.constant 0 : i32
      %dma_wait3A_66 = arith.constant 0 : i32
      %dma_wait3A_67 = tpu.memref_slice %arg12[%dma_wait3A_65, %dma_wait3A_66] : memref<10000x128xf32, #tpu.memory_space<vmem_shared>> -> memref<10000x128xf32, #tpu.memory_space<vmem_shared>>
      tpu.wait_indirect_dma semaphore(%run_scoped3A_50 : memref<!tpu.dma_semaphore, #tpu.memory_space<semaphore_mem>>) src(%dma_wait3A_61 : memref<16x128xf32, #tpu.memory_space<vmem>>) dst(%dma_wait3A_67 : memref<10000x128xf32, #tpu.memory_space<vmem_shared>>)
      tpu.yield
    }) : () -> ()
    %barrier3A_40 = arith.constant 0 : index
    tpu.barrier barrier_id(%barrier3A_40)
    %mul3A_41 = arith.constant 624 : i32
    %mul3A_42 = arith.muli %arg1, %mul3A_41 : i32
    %mul3A_43 = arith.constant 624 : i32
    %mul3A_44 = arith.muli %arg1, %mul3A_43 : i32
    "tpu.region"() ({
      %run_scoped3A_50 = tpu.sem_alloc : memref<!tpu.dma_semaphore, #tpu.memory_space<semaphore_mem>>
      %dma_start3A_51 = arith.constant 0 : i32
      %dma_start3A_52 = tpu.memref_slice %arg7[%arg0, %mul3A_44, %dma_start3A_51] : memref<2x10000x128xf32, #tpu.memory_space<hbm>> -> memref<1x624x128xf32, #tpu.memory_space<hbm>>
      %dma_start3A_53 = tpu.memref_squeeze %dma_start3A_52 : memref<1x624x128xf32, #tpu.memory_space<hbm>> -> memref<624x128xf32, #tpu.memory_space<hbm>>
      %dma_start3A_54 = arith.constant 0 : i32
      %dma_start3A_55 = tpu.memref_slice %arg12[%mul3A_42, %dma_start3A_54] : memref<10000x128xf32, #tpu.memory_space<vmem_shared>> -> memref<624x128xf32, #tpu.memory_space<vmem_shared>>
      tpu.enqueue_dma source(%dma_start3A_55 : memref<624x128xf32, #tpu.memory_space<vmem_shared>>) target(%dma_start3A_53 : memref<624x128xf32, #tpu.memory_space<hbm>>) target_semaphore(%run_scoped3A_50 : memref<!tpu.dma_semaphore, #tpu.memory_space<semaphore_mem>>)
      %dma_wait3A = arith.constant 0 : i32
      %dma_wait3A_56 = tpu.memref_slice %arg7[%arg0, %mul3A_44, %dma_wait3A] : memref<2x10000x128xf32, #tpu.memory_space<hbm>> -> memref<1x624x128xf32, #tpu.memory_space<hbm>>
      %dma_wait3A_57 = tpu.memref_squeeze %dma_wait3A_56 : memref<1x624x128xf32, #tpu.memory_space<hbm>> -> memref<624x128xf32, #tpu.memory_space<hbm>>
      %dma_wait3A_58 = arith.constant 0 : i32
      %dma_wait3A_59 = tpu.memref_slice %arg12[%mul3A_42, %dma_wait3A_58] : memref<10000x128xf32, #tpu.memory_space<vmem_shared>> -> memref<624x128xf32, #tpu.memory_space<vmem_shared>>
      tpu.wait_dma2 semaphore(%run_scoped3A_50 : memref<!tpu.dma_semaphore, #tpu.memory_space<semaphore_mem>>) src(%dma_wait3A_59 : memref<624x128xf32, #tpu.memory_space<vmem_shared>>) dst(%dma_wait3A_57 : memref<624x128xf32, #tpu.memory_space<hbm>>)
      tpu.yield
    }) : () -> ()
    %eq3A_45 = arith.constant 15 : i32
    %eq3A_46 = arith.cmpi eq, %arg1, %eq3A_45 : i32
    %convert_element_type3A_47 = arith.extui %eq3A_46 : i1 to i32
    %cond3A_48 = arith.constant 0 : i32
    %cond3A_49 = arith.cmpi ne, %convert_element_type3A_47, %cond3A_48 : i32
    scf.if %cond3A_49 {
      "tpu.region"() ({
        %run_scoped3A_50 = tpu.sem_alloc : memref<!tpu.dma_semaphore, #tpu.memory_space<semaphore_mem>>
        %dma_start3A_51 = arith.constant 9984 : i32
        %dma_start3A_52 = arith.constant 0 : i32
        %dma_start3A_53 = tpu.memref_slice %arg7[%arg0, %dma_start3A_51, %dma_start3A_52] : memref<2x10000x128xf32, #tpu.memory_space<hbm>> -> memref<1x16x128xf32, #tpu.memory_space<hbm>>
        %dma_start3A_54 = tpu.memref_squeeze %dma_start3A_53 : memref<1x16x128xf32, #tpu.memory_space<hbm>> -> memref<16x128xf32, #tpu.memory_space<hbm>>
        %dma_start3A_55 = arith.constant 9984 : i32
        %dma_start3A_56 = arith.constant 0 : i32
        %dma_start3A_57 = tpu.memref_slice %arg12[%dma_start3A_55, %dma_start3A_56] : memref<10000x128xf32, #tpu.memory_space<vmem_shared>> -> memref<16x128xf32, #tpu.memory_space<vmem_shared>>
        tpu.enqueue_dma source(%dma_start3A_57 : memref<16x128xf32, #tpu.memory_space<vmem_shared>>) target(%dma_start3A_54 : memref<16x128xf32, #tpu.memory_space<hbm>>) target_semaphore(%run_scoped3A_50 : memref<!tpu.dma_semaphore, #tpu.memory_space<semaphore_mem>>)
        %dma_wait3A = arith.constant 9984 : i32
        %dma_wait3A_58 = arith.constant 0 : i32
        %dma_wait3A_59 = tpu.memref_slice %arg7[%arg0, %dma_wait3A, %dma_wait3A_58] : memref<2x10000x128xf32, #tpu.memory_space<hbm>> -> memref<1x16x128xf32, #tpu.memory_space<hbm>>
        %dma_wait3A_60 = tpu.memref_squeeze %dma_wait3A_59 : memref<1x16x128xf32, #tpu.memory_space<hbm>> -> memref<16x128xf32, #tpu.memory_space<hbm>>
        %dma_wait3A_61 = arith.constant 9984 : i32
        %dma_wait3A_62 = arith.constant 0 : i32
        %dma_wait3A_63 = tpu.memref_slice %arg12[%dma_wait3A_61, %dma_wait3A_62] : memref<10000x128xf32, #tpu.memory_space<vmem_shared>> -> memref<16x128xf32, #tpu.memory_space<vmem_shared>>
        tpu.wait_dma2 semaphore(%run_scoped3A_50 : memref<!tpu.dma_semaphore, #tpu.memory_space<semaphore_mem>>) src(%dma_wait3A_63 : memref<16x128xf32, #tpu.memory_space<vmem_shared>>) dst(%dma_wait3A_60 : memref<16x128xf32, #tpu.memory_space<hbm>>)
        tpu.yield
      }) : () -> ()
    } else {
    }
    return
  }
}

#map = affine_map<(d0, d1) -> (0, 0, 0)>
#map1 = affine_map<(d0, d1) -> (0, 0)>
module attributes {stable_mosaic.version = 14 : i64} {
  func.func @_sc_degree(%arg0: i32, %arg1: i32, %arg2: memref<32x79x128xi32, #tpu.memory_space<hbm>>, %arg3: memref<32x8x16xi32, #tpu.memory_space<hbm>>, %arg4: memref<64x128xf32, #tpu.memory_space<hbm>>, %arg5: memref<624x128xf32, #tpu.memory_space<hbm>>, %arg6: memref<2x10000x128xf32, #tpu.memory_space<hbm>>, %arg7: memref<79x128xi32, #tpu.memory_space<vmem>>, %arg8: memref<8x16xi32, #tpu.memory_space<vmem>>, %arg9: memref<64x128xf32, #tpu.memory_space<vmem>>, %arg10: memref<10000x128xf32, #tpu.memory_space<vmem_shared>>, %arg11: memref<!tpu.dma_semaphore, #tpu.memory_space<semaphore_mem>>, %arg12: memref<!tpu.dma_semaphore, #tpu.memory_space<semaphore_mem>>, %arg13: memref<!tpu.dma_semaphore, #tpu.memory_space<semaphore_mem>>, %arg14: memref<!tpu.dma_semaphore, #tpu.memory_space<semaphore_mem>>) attributes {dimension_semantics = [#tpu.dimension_semantics<core_parallel>, #tpu.dimension_semantics<subcore_parallel>], iteration_bounds = array<i64: 2, 16>, scalar_prefetch = 0 : i64, scratch_operands = 8 : i64, tpu.core_type = #tpu.core_type<sc_vector_subcore>, window_params = [{transform_indices = #map}, {transform_indices = #map}, {transform_indices = #map1}, {transform_indices = #map1}, {transform_indices = #map}]} {
    %mul3A = arith.constant 2 : i32
    %mul3A_0 = arith.muli %arg1, %mul3A : i32
    %add3A = arith.addi %mul3A_0, %arg0 : i32
    %mul3A_1 = arith.constant 624 : i32
    %mul3A_2 = arith.muli %arg1, %mul3A_1 : i32
    "tpu.region"() ({
      %run_scoped3A_20 = tpu.sem_alloc : memref<!tpu.dma_semaphore, #tpu.memory_space<semaphore_mem>>
      %dma_start3A = arith.constant 0 : i32
      %dma_start3A_21 = tpu.memref_slice %arg10[%mul3A_2, %dma_start3A] : memref<10000x128xf32, #tpu.memory_space<vmem_shared>> -> memref<624x128xf32, #tpu.memory_space<vmem_shared>>
      %dma_start3A_22 = arith.constant 0 : i32
      %dma_start3A_23 = arith.constant 0 : i32
      %dma_start3A_24 = tpu.memref_slice %arg5[%dma_start3A_22, %dma_start3A_23] : memref<624x128xf32, #tpu.memory_space<hbm>> -> memref<624x128xf32, #tpu.memory_space<hbm>>
      tpu.enqueue_dma source(%dma_start3A_24 : memref<624x128xf32, #tpu.memory_space<hbm>>) target(%dma_start3A_21 : memref<624x128xf32, #tpu.memory_space<vmem_shared>>) target_semaphore(%run_scoped3A_20 : memref<!tpu.dma_semaphore, #tpu.memory_space<semaphore_mem>>)
      %dma_wait3A = arith.constant 0 : i32
      %dma_wait3A_25 = tpu.memref_slice %arg10[%mul3A_2, %dma_wait3A] : memref<10000x128xf32, #tpu.memory_space<vmem_shared>> -> memref<624x128xf32, #tpu.memory_space<vmem_shared>>
      %dma_wait3A_26 = arith.constant 0 : i32
      %dma_wait3A_27 = arith.constant 0 : i32
      %dma_wait3A_28 = tpu.memref_slice %arg5[%dma_wait3A_26, %dma_wait3A_27] : memref<624x128xf32, #tpu.memory_space<hbm>> -> memref<624x128xf32, #tpu.memory_space<hbm>>
      tpu.wait_dma2 semaphore(%run_scoped3A_20 : memref<!tpu.dma_semaphore, #tpu.memory_space<semaphore_mem>>) src(%dma_wait3A_28 : memref<624x128xf32, #tpu.memory_space<hbm>>) dst(%dma_wait3A_25 : memref<624x128xf32, #tpu.memory_space<vmem_shared>>)
      tpu.yield
    }) : () -> ()
    %eq3A = arith.constant 15 : i32
    %eq3A_3 = arith.cmpi eq, %arg1, %eq3A : i32
    %convert_element_type3A = arith.extui %eq3A_3 : i1 to i32
    %cond3A = arith.constant 0 : i32
    %cond3A_4 = arith.cmpi ne, %convert_element_type3A, %cond3A : i32
    scf.if %cond3A_4 {
      "tpu.region"() ({
        %run_scoped3A_20 = tpu.sem_alloc : memref<!tpu.dma_semaphore, #tpu.memory_space<semaphore_mem>>
        %dma_start3A = arith.constant 9984 : i32
        %dma_start3A_21 = arith.constant 0 : i32
        %dma_start3A_22 = tpu.memref_slice %arg10[%dma_start3A, %dma_start3A_21] : memref<10000x128xf32, #tpu.memory_space<vmem_shared>> -> memref<16x128xf32, #tpu.memory_space<vmem_shared>>
        %dma_start3A_23 = arith.constant 0 : i32
        %dma_start3A_24 = arith.constant 0 : i32
        %dma_start3A_25 = tpu.memref_slice %arg5[%dma_start3A_23, %dma_start3A_24] : memref<624x128xf32, #tpu.memory_space<hbm>> -> memref<16x128xf32, #tpu.memory_space<hbm>>
        tpu.enqueue_dma source(%dma_start3A_25 : memref<16x128xf32, #tpu.memory_space<hbm>>) target(%dma_start3A_22 : memref<16x128xf32, #tpu.memory_space<vmem_shared>>) target_semaphore(%run_scoped3A_20 : memref<!tpu.dma_semaphore, #tpu.memory_space<semaphore_mem>>)
        %dma_wait3A = arith.constant 9984 : i32
        %dma_wait3A_26 = arith.constant 0 : i32
        %dma_wait3A_27 = tpu.memref_slice %arg10[%dma_wait3A, %dma_wait3A_26] : memref<10000x128xf32, #tpu.memory_space<vmem_shared>> -> memref<16x128xf32, #tpu.memory_space<vmem_shared>>
        %dma_wait3A_28 = arith.constant 0 : i32
        %dma_wait3A_29 = arith.constant 0 : i32
        %dma_wait3A_30 = tpu.memref_slice %arg5[%dma_wait3A_28, %dma_wait3A_29] : memref<624x128xf32, #tpu.memory_space<hbm>> -> memref<16x128xf32, #tpu.memory_space<hbm>>
        tpu.wait_dma2 semaphore(%run_scoped3A_20 : memref<!tpu.dma_semaphore, #tpu.memory_space<semaphore_mem>>) src(%dma_wait3A_30 : memref<16x128xf32, #tpu.memory_space<hbm>>) dst(%dma_wait3A_27 : memref<16x128xf32, #tpu.memory_space<vmem_shared>>)
        tpu.yield
      }) : () -> ()
    } else {
    }
    "tpu.region"() ({
      %run_scoped3A_20 = tpu.sem_alloc : memref<!tpu.dma_semaphore, #tpu.memory_space<semaphore_mem>>
      %dma_start3A = arith.constant 0 : i32
      %dma_start3A_21 = arith.constant 0 : i32
      %dma_start3A_22 = tpu.memref_slice %arg2[%add3A, %dma_start3A, %dma_start3A_21] : memref<32x79x128xi32, #tpu.memory_space<hbm>> -> memref<1x79x128xi32, #tpu.memory_space<hbm>>
      %dma_start3A_23 = tpu.memref_squeeze %dma_start3A_22 : memref<1x79x128xi32, #tpu.memory_space<hbm>> -> memref<79x128xi32, #tpu.memory_space<hbm>>
      %dma_start3A_24 = arith.constant 0 : i32
      %dma_start3A_25 = arith.constant 0 : i32
      %dma_start3A_26 = tpu.memref_slice %arg2[%add3A, %dma_start3A_24, %dma_start3A_25] : memref<32x79x128xi32, #tpu.memory_space<hbm>> -> memref<1x79x128xi32, #tpu.memory_space<hbm>>
      %dma_start3A_27 = tpu.memref_squeeze %dma_start3A_26 : memref<1x79x128xi32, #tpu.memory_space<hbm>> -> memref<79x128xi32, #tpu.memory_space<hbm>>
      tpu.enqueue_dma source(%dma_start3A_27 : memref<79x128xi32, #tpu.memory_space<hbm>>) target(%arg7 : memref<79x128xi32, #tpu.memory_space<vmem>>) target_semaphore(%run_scoped3A_20 : memref<!tpu.dma_semaphore, #tpu.memory_space<semaphore_mem>>)
      %dma_wait3A = arith.constant 0 : i32
      %dma_wait3A_28 = arith.constant 0 : i32
      %dma_wait3A_29 = tpu.memref_slice %arg2[%add3A, %dma_wait3A, %dma_wait3A_28] : memref<32x79x128xi32, #tpu.memory_space<hbm>> -> memref<1x79x128xi32, #tpu.memory_space<hbm>>
      %dma_wait3A_30 = tpu.memref_squeeze %dma_wait3A_29 : memref<1x79x128xi32, #tpu.memory_space<hbm>> -> memref<79x128xi32, #tpu.memory_space<hbm>>
      %dma_wait3A_31 = arith.constant 0 : i32
      %dma_wait3A_32 = arith.constant 0 : i32
      %dma_wait3A_33 = tpu.memref_slice %arg2[%add3A, %dma_wait3A_31, %dma_wait3A_32] : memref<32x79x128xi32, #tpu.memory_space<hbm>> -> memref<1x79x128xi32, #tpu.memory_space<hbm>>
      %dma_wait3A_34 = tpu.memref_squeeze %dma_wait3A_33 : memref<1x79x128xi32, #tpu.memory_space<hbm>> -> memref<79x128xi32, #tpu.memory_space<hbm>>
      tpu.wait_dma2 semaphore(%run_scoped3A_20 : memref<!tpu.dma_semaphore, #tpu.memory_space<semaphore_mem>>) src(%dma_wait3A_34 : memref<79x128xi32, #tpu.memory_space<hbm>>) dst(%arg7 : memref<79x128xi32, #tpu.memory_space<vmem>>)
      tpu.yield
    }) : () -> ()
    "tpu.region"() ({
      %run_scoped3A_20 = tpu.sem_alloc : memref<!tpu.dma_semaphore, #tpu.memory_space<semaphore_mem>>
      %dma_start3A = arith.constant 0 : i32
      %dma_start3A_21 = arith.constant 0 : i32
      %dma_start3A_22 = tpu.memref_slice %arg3[%add3A, %dma_start3A, %dma_start3A_21] : memref<32x8x16xi32, #tpu.memory_space<hbm>> -> memref<1x8x16xi32, #tpu.memory_space<hbm>>
      %dma_start3A_23 = tpu.memref_squeeze %dma_start3A_22 : memref<1x8x16xi32, #tpu.memory_space<hbm>> -> memref<8x16xi32, #tpu.memory_space<hbm>>
      %dma_start3A_24 = arith.constant 0 : i32
      %dma_start3A_25 = arith.constant 0 : i32
      %dma_start3A_26 = tpu.memref_slice %arg3[%add3A, %dma_start3A_24, %dma_start3A_25] : memref<32x8x16xi32, #tpu.memory_space<hbm>> -> memref<1x8x16xi32, #tpu.memory_space<hbm>>
      %dma_start3A_27 = tpu.memref_squeeze %dma_start3A_26 : memref<1x8x16xi32, #tpu.memory_space<hbm>> -> memref<8x16xi32, #tpu.memory_space<hbm>>
      tpu.enqueue_dma source(%dma_start3A_27 : memref<8x16xi32, #tpu.memory_space<hbm>>) target(%arg8 : memref<8x16xi32, #tpu.memory_space<vmem>>) target_semaphore(%run_scoped3A_20 : memref<!tpu.dma_semaphore, #tpu.memory_space<semaphore_mem>>)
      %dma_wait3A = arith.constant 0 : i32
      %dma_wait3A_28 = arith.constant 0 : i32
      %dma_wait3A_29 = tpu.memref_slice %arg3[%add3A, %dma_wait3A, %dma_wait3A_28] : memref<32x8x16xi32, #tpu.memory_space<hbm>> -> memref<1x8x16xi32, #tpu.memory_space<hbm>>
      %dma_wait3A_30 = tpu.memref_squeeze %dma_wait3A_29 : memref<1x8x16xi32, #tpu.memory_space<hbm>> -> memref<8x16xi32, #tpu.memory_space<hbm>>
      %dma_wait3A_31 = arith.constant 0 : i32
      %dma_wait3A_32 = arith.constant 0 : i32
      %dma_wait3A_33 = tpu.memref_slice %arg3[%add3A, %dma_wait3A_31, %dma_wait3A_32] : memref<32x8x16xi32, #tpu.memory_space<hbm>> -> memref<1x8x16xi32, #tpu.memory_space<hbm>>
      %dma_wait3A_34 = tpu.memref_squeeze %dma_wait3A_33 : memref<1x8x16xi32, #tpu.memory_space<hbm>> -> memref<8x16xi32, #tpu.memory_space<hbm>>
      tpu.wait_dma2 semaphore(%run_scoped3A_20 : memref<!tpu.dma_semaphore, #tpu.memory_space<semaphore_mem>>) src(%dma_wait3A_34 : memref<8x16xi32, #tpu.memory_space<hbm>>) dst(%arg8 : memref<8x16xi32, #tpu.memory_space<vmem>>)
      tpu.yield
    }) : () -> ()
    "tpu.region"() ({
      %run_scoped3A_20 = tpu.sem_alloc : memref<!tpu.dma_semaphore, #tpu.memory_space<semaphore_mem>>
      tpu.enqueue_dma source(%arg4 : memref<64x128xf32, #tpu.memory_space<hbm>>) target(%arg9 : memref<64x128xf32, #tpu.memory_space<vmem>>) target_semaphore(%run_scoped3A_20 : memref<!tpu.dma_semaphore, #tpu.memory_space<semaphore_mem>>)
      tpu.wait_dma2 semaphore(%run_scoped3A_20 : memref<!tpu.dma_semaphore, #tpu.memory_space<semaphore_mem>>) src(%arg4 : memref<64x128xf32, #tpu.memory_space<hbm>>) dst(%arg9 : memref<64x128xf32, #tpu.memory_space<vmem>>)
      tpu.yield
    }) : () -> ()
    %barrier3A = arith.constant 0 : index
    tpu.barrier barrier_id(%barrier3A)
    %scan3A = arith.constant 0 : i32
    %scan3A_5 = arith.constant 0 : i32
    %scan3A_6 = arith.constant 39 : i32
    %scan3A_7 = arith.addi %scan3A_5, %scan3A_6 : i32
    %scan3A_8 = arith.constant 1 : i32
    scf.for %scan3A_20 = %scan3A_5 to %scan3A_7 step %scan3A_8  : i32 {
      %mul3A_21 = arith.constant 4 : i32
      %mul3A_22 = arith.muli %mul3A_21, %scan3A_20 : i32
      %add3A_23 = arith.constant 0 : i32
      %add3A_24 = arith.addi %mul3A_22, %add3A_23 : i32
      %jit3A = arith.constant 2 : i32
      %div3A = arith.divsi %add3A_24, %jit3A : i32
      %sign3A = arith.constant 0 : i32
      %sign3A_25 = arith.cmpi sgt, %add3A_24, %sign3A : i32
      %sign3A_26 = arith.extui %sign3A_25 : i1 to i32
      %sign3A_27 = arith.constant 0 : i32
      %sign3A_28 = arith.cmpi slt, %add3A_24, %sign3A_27 : i32
      %sign3A_29 = arith.extui %sign3A_28 : i1 to i32
      %sign3A_30 = arith.subi %sign3A_26, %sign3A_29 : i32
      %sign3A_31 = arith.constant 0 : i32
      %sign3A_32 = arith.cmpi sgt, %jit3A, %sign3A_31 : i32
      %sign3A_33 = arith.extui %sign3A_32 : i1 to i32
      %sign3A_34 = arith.constant 0 : i32
      %sign3A_35 = arith.cmpi slt, %jit3A, %sign3A_34 : i32
      %sign3A_36 = arith.extui %sign3A_35 : i1 to i32
      %sign3A_37 = arith.subi %sign3A_33, %sign3A_36 : i32
      %ne3A = arith.cmpi ne, %sign3A_30, %sign3A_37 : i32
      %rem3A = arith.remsi %add3A_24, %jit3A : i32
      %ne3A_38 = arith.constant 0 : i32
      %ne3A_39 = arith.cmpi ne, %rem3A, %ne3A_38 : i32
      %and3A = arith.andi %ne3A, %ne3A_39 : i1
      %sub3A = arith.constant 1 : i32
      %sub3A_40 = arith.subi %div3A, %sub3A : i32
      %select_n3A = arith.select %and3A, %sub3A_40, %div3A : i32
      %jit3A_41 = arith.constant 2 : i32
      %eq3A_42 = arith.constant 0 : i32
      %eq3A_43 = arith.cmpi eq, %jit3A_41, %eq3A_42 : i32
      %jit3A_44 = arith.constant 1 : i32
      %select_n3A_45 = arith.select %eq3A_43, %jit3A_44, %jit3A_41 : i32
      %rem3A_46 = arith.remsi %add3A_24, %select_n3A_45 : i32
      %ne3A_47 = arith.constant 0 : i32
      %ne3A_48 = arith.cmpi ne, %rem3A_46, %ne3A_47 : i32
      %lt3A = arith.constant 0 : i32
      %lt3A_49 = arith.cmpi slt, %rem3A_46, %lt3A : i32
      %lt3A_50 = arith.constant 0 : i32
      %lt3A_51 = arith.cmpi slt, %select_n3A_45, %lt3A_50 : i32
      %ne3A_52 = arith.xori %lt3A_49, %lt3A_51 : i1
      %and3A_53 = arith.andi %ne3A_52, %ne3A_48 : i1
      %add3A_54 = arith.addi %rem3A_46, %select_n3A_45 : i32
      %select_n3A_55 = arith.select %and3A_53, %add3A_54, %rem3A_46 : i32
      %mul3A_56 = arith.constant 64 : i32
      %mul3A_57 = arith.muli %mul3A_56, %select_n3A_55 : i32
      %dma_start3A = tpu.memref_slice %arg7[%select_n3A, %mul3A_57] : memref<79x128xi32, #tpu.memory_space<vmem>> -> memref<1x64xi32, #tpu.memory_space<vmem>>
      %dma_start3A_58 = tpu.memref_squeeze %dma_start3A : memref<1x64xi32, #tpu.memory_space<vmem>> -> memref<64xi32, #tpu.memory_space<vmem>>
      %dma_start3A_59 = arith.constant 0 : i32
      %dma_start3A_60 = arith.constant 0 : i32
      %dma_start3A_61 = tpu.memref_slice %arg10[%dma_start3A_59, %dma_start3A_60] : memref<10000x128xf32, #tpu.memory_space<vmem_shared>> -> memref<10000x128xf32, #tpu.memory_space<vmem_shared>>
      tpu.enqueue_indirect_dma source(%arg9 : memref<64x128xf32, #tpu.memory_space<vmem>>) target(%dma_start3A_61 : memref<10000x128xf32, #tpu.memory_space<vmem_shared>>) offsets(%dma_start3A_58 : memref<64xi32, #tpu.memory_space<vmem>>) semaphore(%arg11 : memref<!tpu.dma_semaphore, #tpu.memory_space<semaphore_mem>>) {add = true}
      %mul3A_62 = arith.constant 4 : i32
      %mul3A_63 = arith.muli %mul3A_62, %scan3A_20 : i32
      %add3A_64 = arith.constant 1 : i32
      %add3A_65 = arith.addi %mul3A_63, %add3A_64 : i32
      %jit3A_66 = arith.constant 2 : i32
      %div3A_67 = arith.divsi %add3A_65, %jit3A_66 : i32
      %sign3A_68 = arith.constant 0 : i32
      %sign3A_69 = arith.cmpi sgt, %add3A_65, %sign3A_68 : i32
      %sign3A_70 = arith.extui %sign3A_69 : i1 to i32
      %sign3A_71 = arith.constant 0 : i32
      %sign3A_72 = arith.cmpi slt, %add3A_65, %sign3A_71 : i32
      %sign3A_73 = arith.extui %sign3A_72 : i1 to i32
      %sign3A_74 = arith.subi %sign3A_70, %sign3A_73 : i32
      %sign3A_75 = arith.constant 0 : i32
      %sign3A_76 = arith.cmpi sgt, %jit3A_66, %sign3A_75 : i32
      %sign3A_77 = arith.extui %sign3A_76 : i1 to i32
      %sign3A_78 = arith.constant 0 : i32
      %sign3A_79 = arith.cmpi slt, %jit3A_66, %sign3A_78 : i32
      %sign3A_80 = arith.extui %sign3A_79 : i1 to i32
      %sign3A_81 = arith.subi %sign3A_77, %sign3A_80 : i32
      %ne3A_82 = arith.cmpi ne, %sign3A_74, %sign3A_81 : i32
      %rem3A_83 = arith.remsi %add3A_65, %jit3A_66 : i32
      %ne3A_84 = arith.constant 0 : i32
      %ne3A_85 = arith.cmpi ne, %rem3A_83, %ne3A_84 : i32
      %and3A_86 = arith.andi %ne3A_82, %ne3A_85 : i1
      %sub3A_87 = arith.constant 1 : i32
      %sub3A_88 = arith.subi %div3A_67, %sub3A_87 : i32
      %select_n3A_89 = arith.select %and3A_86, %sub3A_88, %div3A_67 : i32
      %jit3A_90 = arith.constant 2 : i32
      %eq3A_91 = arith.constant 0 : i32
      %eq3A_92 = arith.cmpi eq, %jit3A_90, %eq3A_91 : i32
      %jit3A_93 = arith.constant 1 : i32
      %select_n3A_94 = arith.select %eq3A_92, %jit3A_93, %jit3A_90 : i32
      %rem3A_95 = arith.remsi %add3A_65, %select_n3A_94 : i32
      %ne3A_96 = arith.constant 0 : i32
      %ne3A_97 = arith.cmpi ne, %rem3A_95, %ne3A_96 : i32
      %lt3A_98 = arith.constant 0 : i32
      %lt3A_99 = arith.cmpi slt, %rem3A_95, %lt3A_98 : i32
      %lt3A_100 = arith.constant 0 : i32
      %lt3A_101 = arith.cmpi slt, %select_n3A_94, %lt3A_100 : i32
      %ne3A_102 = arith.xori %lt3A_99, %lt3A_101 : i1
      %and3A_103 = arith.andi %ne3A_102, %ne3A_97 : i1
      %add3A_104 = arith.addi %rem3A_95, %select_n3A_94 : i32
      %select_n3A_105 = arith.select %and3A_103, %add3A_104, %rem3A_95 : i32
      %mul3A_106 = arith.constant 64 : i32
      %mul3A_107 = arith.muli %mul3A_106, %select_n3A_105 : i32
      %dma_start3A_108 = tpu.memref_slice %arg7[%select_n3A_89, %mul3A_107] : memref<79x128xi32, #tpu.memory_space<vmem>> -> memref<1x64xi32, #tpu.memory_space<vmem>>
      %dma_start3A_109 = tpu.memref_squeeze %dma_start3A_108 : memref<1x64xi32, #tpu.memory_space<vmem>> -> memref<64xi32, #tpu.memory_space<vmem>>
      %dma_start3A_110 = arith.constant 0 : i32
      %dma_start3A_111 = arith.constant 0 : i32
      %dma_start3A_112 = tpu.memref_slice %arg10[%dma_start3A_110, %dma_start3A_111] : memref<10000x128xf32, #tpu.memory_space<vmem_shared>> -> memref<10000x128xf32, #tpu.memory_space<vmem_shared>>
      tpu.enqueue_indirect_dma source(%arg9 : memref<64x128xf32, #tpu.memory_space<vmem>>) target(%dma_start3A_112 : memref<10000x128xf32, #tpu.memory_space<vmem_shared>>) offsets(%dma_start3A_109 : memref<64xi32, #tpu.memory_space<vmem>>) semaphore(%arg12 : memref<!tpu.dma_semaphore, #tpu.memory_space<semaphore_mem>>) {add = true}
      %mul3A_113 = arith.constant 4 : i32
      %mul3A_114 = arith.muli %mul3A_113, %scan3A_20 : i32
      %add3A_115 = arith.constant 2 : i32
      %add3A_116 = arith.addi %mul3A_114, %add3A_115 : i32
      %jit3A_117 = arith.constant 2 : i32
      %div3A_118 = arith.divsi %add3A_116, %jit3A_117 : i32
      %sign3A_119 = arith.constant 0 : i32
      %sign3A_120 = arith.cmpi sgt, %add3A_116, %sign3A_119 : i32
      %sign3A_121 = arith.extui %sign3A_120 : i1 to i32
      %sign3A_122 = arith.constant 0 : i32
      %sign3A_123 = arith.cmpi slt, %add3A_116, %sign3A_122 : i32
      %sign3A_124 = arith.extui %sign3A_123 : i1 to i32
      %sign3A_125 = arith.subi %sign3A_121, %sign3A_124 : i32
      %sign3A_126 = arith.constant 0 : i32
      %sign3A_127 = arith.cmpi sgt, %jit3A_117, %sign3A_126 : i32
      %sign3A_128 = arith.extui %sign3A_127 : i1 to i32
      %sign3A_129 = arith.constant 0 : i32
      %sign3A_130 = arith.cmpi slt, %jit3A_117, %sign3A_129 : i32
      %sign3A_131 = arith.extui %sign3A_130 : i1 to i32
      %sign3A_132 = arith.subi %sign3A_128, %sign3A_131 : i32
      %ne3A_133 = arith.cmpi ne, %sign3A_125, %sign3A_132 : i32
      %rem3A_134 = arith.remsi %add3A_116, %jit3A_117 : i32
      %ne3A_135 = arith.constant 0 : i32
      %ne3A_136 = arith.cmpi ne, %rem3A_134, %ne3A_135 : i32
      %and3A_137 = arith.andi %ne3A_133, %ne3A_136 : i1
      %sub3A_138 = arith.constant 1 : i32
      %sub3A_139 = arith.subi %div3A_118, %sub3A_138 : i32
      %select_n3A_140 = arith.select %and3A_137, %sub3A_139, %div3A_118 : i32
      %jit3A_141 = arith.constant 2 : i32
      %eq3A_142 = arith.constant 0 : i32
      %eq3A_143 = arith.cmpi eq, %jit3A_141, %eq3A_142 : i32
      %jit3A_144 = arith.constant 1 : i32
      %select_n3A_145 = arith.select %eq3A_143, %jit3A_144, %jit3A_141 : i32
      %rem3A_146 = arith.remsi %add3A_116, %select_n3A_145 : i32
      %ne3A_147 = arith.constant 0 : i32
      %ne3A_148 = arith.cmpi ne, %rem3A_146, %ne3A_147 : i32
      %lt3A_149 = arith.constant 0 : i32
      %lt3A_150 = arith.cmpi slt, %rem3A_146, %lt3A_149 : i32
      %lt3A_151 = arith.constant 0 : i32
      %lt3A_152 = arith.cmpi slt, %select_n3A_145, %lt3A_151 : i32
      %ne3A_153 = arith.xori %lt3A_150, %lt3A_152 : i1
      %and3A_154 = arith.andi %ne3A_153, %ne3A_148 : i1
      %add3A_155 = arith.addi %rem3A_146, %select_n3A_145 : i32
      %select_n3A_156 = arith.select %and3A_154, %add3A_155, %rem3A_146 : i32
      %mul3A_157 = arith.constant 64 : i32
      %mul3A_158 = arith.muli %mul3A_157, %select_n3A_156 : i32
      %dma_start3A_159 = tpu.memref_slice %arg7[%select_n3A_140, %mul3A_158] : memref<79x128xi32, #tpu.memory_space<vmem>> -> memref<1x64xi32, #tpu.memory_space<vmem>>
      %dma_start3A_160 = tpu.memref_squeeze %dma_start3A_159 : memref<1x64xi32, #tpu.memory_space<vmem>> -> memref<64xi32, #tpu.memory_space<vmem>>
      %dma_start3A_161 = arith.constant 0 : i32
      %dma_start3A_162 = arith.constant 0 : i32
      %dma_start3A_163 = tpu.memref_slice %arg10[%dma_start3A_161, %dma_start3A_162] : memref<10000x128xf32, #tpu.memory_space<vmem_shared>> -> memref<10000x128xf32, #tpu.memory_space<vmem_shared>>
      tpu.enqueue_indirect_dma source(%arg9 : memref<64x128xf32, #tpu.memory_space<vmem>>) target(%dma_start3A_163 : memref<10000x128xf32, #tpu.memory_space<vmem_shared>>) offsets(%dma_start3A_160 : memref<64xi32, #tpu.memory_space<vmem>>) semaphore(%arg13 : memref<!tpu.dma_semaphore, #tpu.memory_space<semaphore_mem>>) {add = true}
      %mul3A_164 = arith.constant 4 : i32
      %mul3A_165 = arith.muli %mul3A_164, %scan3A_20 : i32
      %add3A_166 = arith.constant 3 : i32
      %add3A_167 = arith.addi %mul3A_165, %add3A_166 : i32
      %jit3A_168 = arith.constant 2 : i32
      %div3A_169 = arith.divsi %add3A_167, %jit3A_168 : i32
      %sign3A_170 = arith.constant 0 : i32
      %sign3A_171 = arith.cmpi sgt, %add3A_167, %sign3A_170 : i32
      %sign3A_172 = arith.extui %sign3A_171 : i1 to i32
      %sign3A_173 = arith.constant 0 : i32
      %sign3A_174 = arith.cmpi slt, %add3A_167, %sign3A_173 : i32
      %sign3A_175 = arith.extui %sign3A_174 : i1 to i32
      %sign3A_176 = arith.subi %sign3A_172, %sign3A_175 : i32
      %sign3A_177 = arith.constant 0 : i32
      %sign3A_178 = arith.cmpi sgt, %jit3A_168, %sign3A_177 : i32
      %sign3A_179 = arith.extui %sign3A_178 : i1 to i32
      %sign3A_180 = arith.constant 0 : i32
      %sign3A_181 = arith.cmpi slt, %jit3A_168, %sign3A_180 : i32
      %sign3A_182 = arith.extui %sign3A_181 : i1 to i32
      %sign3A_183 = arith.subi %sign3A_179, %sign3A_182 : i32
      %ne3A_184 = arith.cmpi ne, %sign3A_176, %sign3A_183 : i32
      %rem3A_185 = arith.remsi %add3A_167, %jit3A_168 : i32
      %ne3A_186 = arith.constant 0 : i32
      %ne3A_187 = arith.cmpi ne, %rem3A_185, %ne3A_186 : i32
      %and3A_188 = arith.andi %ne3A_184, %ne3A_187 : i1
      %sub3A_189 = arith.constant 1 : i32
      %sub3A_190 = arith.subi %div3A_169, %sub3A_189 : i32
      %select_n3A_191 = arith.select %and3A_188, %sub3A_190, %div3A_169 : i32
      %jit3A_192 = arith.constant 2 : i32
      %eq3A_193 = arith.constant 0 : i32
      %eq3A_194 = arith.cmpi eq, %jit3A_192, %eq3A_193 : i32
      %jit3A_195 = arith.constant 1 : i32
      %select_n3A_196 = arith.select %eq3A_194, %jit3A_195, %jit3A_192 : i32
      %rem3A_197 = arith.remsi %add3A_167, %select_n3A_196 : i32
      %ne3A_198 = arith.constant 0 : i32
      %ne3A_199 = arith.cmpi ne, %rem3A_197, %ne3A_198 : i32
      %lt3A_200 = arith.constant 0 : i32
      %lt3A_201 = arith.cmpi slt, %rem3A_197, %lt3A_200 : i32
      %lt3A_202 = arith.constant 0 : i32
      %lt3A_203 = arith.cmpi slt, %select_n3A_196, %lt3A_202 : i32
      %ne3A_204 = arith.xori %lt3A_201, %lt3A_203 : i1
      %and3A_205 = arith.andi %ne3A_204, %ne3A_199 : i1
      %add3A_206 = arith.addi %rem3A_197, %select_n3A_196 : i32
      %select_n3A_207 = arith.select %and3A_205, %add3A_206, %rem3A_197 : i32
      %mul3A_208 = arith.constant 64 : i32
      %mul3A_209 = arith.muli %mul3A_208, %select_n3A_207 : i32
      %dma_start3A_210 = tpu.memref_slice %arg7[%select_n3A_191, %mul3A_209] : memref<79x128xi32, #tpu.memory_space<vmem>> -> memref<1x64xi32, #tpu.memory_space<vmem>>
      %dma_start3A_211 = tpu.memref_squeeze %dma_start3A_210 : memref<1x64xi32, #tpu.memory_space<vmem>> -> memref<64xi32, #tpu.memory_space<vmem>>
      %dma_start3A_212 = arith.constant 0 : i32
      %dma_start3A_213 = arith.constant 0 : i32
      %dma_start3A_214 = tpu.memref_slice %arg10[%dma_start3A_212, %dma_start3A_213] : memref<10000x128xf32, #tpu.memory_space<vmem_shared>> -> memref<10000x128xf32, #tpu.memory_space<vmem_shared>>
      tpu.enqueue_indirect_dma source(%arg9 : memref<64x128xf32, #tpu.memory_space<vmem>>) target(%dma_start3A_214 : memref<10000x128xf32, #tpu.memory_space<vmem_shared>>) offsets(%dma_start3A_211 : memref<64xi32, #tpu.memory_space<vmem>>) semaphore(%arg14 : memref<!tpu.dma_semaphore, #tpu.memory_space<semaphore_mem>>) {add = true}
      %mul3A_215 = arith.constant 4 : i32
      %mul3A_216 = arith.muli %mul3A_215, %scan3A_20 : i32
      %add3A_217 = arith.constant 0 : i32
      %add3A_218 = arith.addi %mul3A_216, %add3A_217 : i32
      %jit3A_219 = arith.constant 2 : i32
      %div3A_220 = arith.divsi %add3A_218, %jit3A_219 : i32
      %sign3A_221 = arith.constant 0 : i32
      %sign3A_222 = arith.cmpi sgt, %add3A_218, %sign3A_221 : i32
      %sign3A_223 = arith.extui %sign3A_222 : i1 to i32
      %sign3A_224 = arith.constant 0 : i32
      %sign3A_225 = arith.cmpi slt, %add3A_218, %sign3A_224 : i32
      %sign3A_226 = arith.extui %sign3A_225 : i1 to i32
      %sign3A_227 = arith.subi %sign3A_223, %sign3A_226 : i32
      %sign3A_228 = arith.constant 0 : i32
      %sign3A_229 = arith.cmpi sgt, %jit3A_219, %sign3A_228 : i32
      %sign3A_230 = arith.extui %sign3A_229 : i1 to i32
      %sign3A_231 = arith.constant 0 : i32
      %sign3A_232 = arith.cmpi slt, %jit3A_219, %sign3A_231 : i32
      %sign3A_233 = arith.extui %sign3A_232 : i1 to i32
      %sign3A_234 = arith.subi %sign3A_230, %sign3A_233 : i32
      %ne3A_235 = arith.cmpi ne, %sign3A_227, %sign3A_234 : i32
      %rem3A_236 = arith.remsi %add3A_218, %jit3A_219 : i32
      %ne3A_237 = arith.constant 0 : i32
      %ne3A_238 = arith.cmpi ne, %rem3A_236, %ne3A_237 : i32
      %and3A_239 = arith.andi %ne3A_235, %ne3A_238 : i1
      %sub3A_240 = arith.constant 1 : i32
      %sub3A_241 = arith.subi %div3A_220, %sub3A_240 : i32
      %select_n3A_242 = arith.select %and3A_239, %sub3A_241, %div3A_220 : i32
      %jit3A_243 = arith.constant 2 : i32
      %eq3A_244 = arith.constant 0 : i32
      %eq3A_245 = arith.cmpi eq, %jit3A_243, %eq3A_244 : i32
      %jit3A_246 = arith.constant 1 : i32
      %select_n3A_247 = arith.select %eq3A_245, %jit3A_246, %jit3A_243 : i32
      %rem3A_248 = arith.remsi %add3A_218, %select_n3A_247 : i32
      %ne3A_249 = arith.constant 0 : i32
      %ne3A_250 = arith.cmpi ne, %rem3A_248, %ne3A_249 : i32
      %lt3A_251 = arith.constant 0 : i32
      %lt3A_252 = arith.cmpi slt, %rem3A_248, %lt3A_251 : i32
      %lt3A_253 = arith.constant 0 : i32
      %lt3A_254 = arith.cmpi slt, %select_n3A_247, %lt3A_253 : i32
      %ne3A_255 = arith.xori %lt3A_252, %lt3A_254 : i1
      %and3A_256 = arith.andi %ne3A_255, %ne3A_250 : i1
      %add3A_257 = arith.addi %rem3A_248, %select_n3A_247 : i32
      %select_n3A_258 = arith.select %and3A_256, %add3A_257, %rem3A_248 : i32
      %mul3A_259 = arith.constant 64 : i32
      %mul3A_260 = arith.muli %mul3A_259, %select_n3A_258 : i32
      %dma_wait3A = tpu.memref_slice %arg7[%select_n3A_242, %mul3A_260] : memref<79x128xi32, #tpu.memory_space<vmem>> -> memref<1x64xi32, #tpu.memory_space<vmem>>
      %dma_wait3A_261 = tpu.memref_squeeze %dma_wait3A : memref<1x64xi32, #tpu.memory_space<vmem>> -> memref<64xi32, #tpu.memory_space<vmem>>
      %dma_wait3A_262 = arith.constant 0 : i32
      %dma_wait3A_263 = arith.constant 0 : i32
      %dma_wait3A_264 = tpu.memref_slice %arg10[%dma_wait3A_262, %dma_wait3A_263] : memref<10000x128xf32, #tpu.memory_space<vmem_shared>> -> memref<10000x128xf32, #tpu.memory_space<vmem_shared>>
      tpu.wait_indirect_dma semaphore(%arg11 : memref<!tpu.dma_semaphore, #tpu.memory_space<semaphore_mem>>) src(%arg9 : memref<64x128xf32, #tpu.memory_space<vmem>>) dst(%dma_wait3A_264 : memref<10000x128xf32, #tpu.memory_space<vmem_shared>>)
      %mul3A_265 = arith.constant 4 : i32
      %mul3A_266 = arith.muli %mul3A_265, %scan3A_20 : i32
      %add3A_267 = arith.constant 1 : i32
      %add3A_268 = arith.addi %mul3A_266, %add3A_267 : i32
      %jit3A_269 = arith.constant 2 : i32
      %div3A_270 = arith.divsi %add3A_268, %jit3A_269 : i32
      %sign3A_271 = arith.constant 0 : i32
      %sign3A_272 = arith.cmpi sgt, %add3A_268, %sign3A_271 : i32
      %sign3A_273 = arith.extui %sign3A_272 : i1 to i32
      %sign3A_274 = arith.constant 0 : i32
      %sign3A_275 = arith.cmpi slt, %add3A_268, %sign3A_274 : i32
      %sign3A_276 = arith.extui %sign3A_275 : i1 to i32
      %sign3A_277 = arith.subi %sign3A_273, %sign3A_276 : i32
      %sign3A_278 = arith.constant 0 : i32
      %sign3A_279 = arith.cmpi sgt, %jit3A_269, %sign3A_278 : i32
      %sign3A_280 = arith.extui %sign3A_279 : i1 to i32
      %sign3A_281 = arith.constant 0 : i32
      %sign3A_282 = arith.cmpi slt, %jit3A_269, %sign3A_281 : i32
      %sign3A_283 = arith.extui %sign3A_282 : i1 to i32
      %sign3A_284 = arith.subi %sign3A_280, %sign3A_283 : i32
      %ne3A_285 = arith.cmpi ne, %sign3A_277, %sign3A_284 : i32
      %rem3A_286 = arith.remsi %add3A_268, %jit3A_269 : i32
      %ne3A_287 = arith.constant 0 : i32
      %ne3A_288 = arith.cmpi ne, %rem3A_286, %ne3A_287 : i32
      %and3A_289 = arith.andi %ne3A_285, %ne3A_288 : i1
      %sub3A_290 = arith.constant 1 : i32
      %sub3A_291 = arith.subi %div3A_270, %sub3A_290 : i32
      %select_n3A_292 = arith.select %and3A_289, %sub3A_291, %div3A_270 : i32
      %jit3A_293 = arith.constant 2 : i32
      %eq3A_294 = arith.constant 0 : i32
      %eq3A_295 = arith.cmpi eq, %jit3A_293, %eq3A_294 : i32
      %jit3A_296 = arith.constant 1 : i32
      %select_n3A_297 = arith.select %eq3A_295, %jit3A_296, %jit3A_293 : i32
      %rem3A_298 = arith.remsi %add3A_268, %select_n3A_297 : i32
      %ne3A_299 = arith.constant 0 : i32
      %ne3A_300 = arith.cmpi ne, %rem3A_298, %ne3A_299 : i32
      %lt3A_301 = arith.constant 0 : i32
      %lt3A_302 = arith.cmpi slt, %rem3A_298, %lt3A_301 : i32
      %lt3A_303 = arith.constant 0 : i32
      %lt3A_304 = arith.cmpi slt, %select_n3A_297, %lt3A_303 : i32
      %ne3A_305 = arith.xori %lt3A_302, %lt3A_304 : i1
      %and3A_306 = arith.andi %ne3A_305, %ne3A_300 : i1
      %add3A_307 = arith.addi %rem3A_298, %select_n3A_297 : i32
      %select_n3A_308 = arith.select %and3A_306, %add3A_307, %rem3A_298 : i32
      %mul3A_309 = arith.constant 64 : i32
      %mul3A_310 = arith.muli %mul3A_309, %select_n3A_308 : i32
      %dma_wait3A_311 = tpu.memref_slice %arg7[%select_n3A_292, %mul3A_310] : memref<79x128xi32, #tpu.memory_space<vmem>> -> memref<1x64xi32, #tpu.memory_space<vmem>>
      %dma_wait3A_312 = tpu.memref_squeeze %dma_wait3A_311 : memref<1x64xi32, #tpu.memory_space<vmem>> -> memref<64xi32, #tpu.memory_space<vmem>>
      %dma_wait3A_313 = arith.constant 0 : i32
      %dma_wait3A_314 = arith.constant 0 : i32
      %dma_wait3A_315 = tpu.memref_slice %arg10[%dma_wait3A_313, %dma_wait3A_314] : memref<10000x128xf32, #tpu.memory_space<vmem_shared>> -> memref<10000x128xf32, #tpu.memory_space<vmem_shared>>
      tpu.wait_indirect_dma semaphore(%arg12 : memref<!tpu.dma_semaphore, #tpu.memory_space<semaphore_mem>>) src(%arg9 : memref<64x128xf32, #tpu.memory_space<vmem>>) dst(%dma_wait3A_315 : memref<10000x128xf32, #tpu.memory_space<vmem_shared>>)
      %mul3A_316 = arith.constant 4 : i32
      %mul3A_317 = arith.muli %mul3A_316, %scan3A_20 : i32
      %add3A_318 = arith.constant 2 : i32
      %add3A_319 = arith.addi %mul3A_317, %add3A_318 : i32
      %jit3A_320 = arith.constant 2 : i32
      %div3A_321 = arith.divsi %add3A_319, %jit3A_320 : i32
      %sign3A_322 = arith.constant 0 : i32
      %sign3A_323 = arith.cmpi sgt, %add3A_319, %sign3A_322 : i32
      %sign3A_324 = arith.extui %sign3A_323 : i1 to i32
      %sign3A_325 = arith.constant 0 : i32
      %sign3A_326 = arith.cmpi slt, %add3A_319, %sign3A_325 : i32
      %sign3A_327 = arith.extui %sign3A_326 : i1 to i32
      %sign3A_328 = arith.subi %sign3A_324, %sign3A_327 : i32
      %sign3A_329 = arith.constant 0 : i32
      %sign3A_330 = arith.cmpi sgt, %jit3A_320, %sign3A_329 : i32
      %sign3A_331 = arith.extui %sign3A_330 : i1 to i32
      %sign3A_332 = arith.constant 0 : i32
      %sign3A_333 = arith.cmpi slt, %jit3A_320, %sign3A_332 : i32
      %sign3A_334 = arith.extui %sign3A_333 : i1 to i32
      %sign3A_335 = arith.subi %sign3A_331, %sign3A_334 : i32
      %ne3A_336 = arith.cmpi ne, %sign3A_328, %sign3A_335 : i32
      %rem3A_337 = arith.remsi %add3A_319, %jit3A_320 : i32
      %ne3A_338 = arith.constant 0 : i32
      %ne3A_339 = arith.cmpi ne, %rem3A_337, %ne3A_338 : i32
      %and3A_340 = arith.andi %ne3A_336, %ne3A_339 : i1
      %sub3A_341 = arith.constant 1 : i32
      %sub3A_342 = arith.subi %div3A_321, %sub3A_341 : i32
      %select_n3A_343 = arith.select %and3A_340, %sub3A_342, %div3A_321 : i32
      %jit3A_344 = arith.constant 2 : i32
      %eq3A_345 = arith.constant 0 : i32
      %eq3A_346 = arith.cmpi eq, %jit3A_344, %eq3A_345 : i32
      %jit3A_347 = arith.constant 1 : i32
      %select_n3A_348 = arith.select %eq3A_346, %jit3A_347, %jit3A_344 : i32
      %rem3A_349 = arith.remsi %add3A_319, %select_n3A_348 : i32
      %ne3A_350 = arith.constant 0 : i32
      %ne3A_351 = arith.cmpi ne, %rem3A_349, %ne3A_350 : i32
      %lt3A_352 = arith.constant 0 : i32
      %lt3A_353 = arith.cmpi slt, %rem3A_349, %lt3A_352 : i32
      %lt3A_354 = arith.constant 0 : i32
      %lt3A_355 = arith.cmpi slt, %select_n3A_348, %lt3A_354 : i32
      %ne3A_356 = arith.xori %lt3A_353, %lt3A_355 : i1
      %and3A_357 = arith.andi %ne3A_356, %ne3A_351 : i1
      %add3A_358 = arith.addi %rem3A_349, %select_n3A_348 : i32
      %select_n3A_359 = arith.select %and3A_357, %add3A_358, %rem3A_349 : i32
      %mul3A_360 = arith.constant 64 : i32
      %mul3A_361 = arith.muli %mul3A_360, %select_n3A_359 : i32
      %dma_wait3A_362 = tpu.memref_slice %arg7[%select_n3A_343, %mul3A_361] : memref<79x128xi32, #tpu.memory_space<vmem>> -> memref<1x64xi32, #tpu.memory_space<vmem>>
      %dma_wait3A_363 = tpu.memref_squeeze %dma_wait3A_362 : memref<1x64xi32, #tpu.memory_space<vmem>> -> memref<64xi32, #tpu.memory_space<vmem>>
      %dma_wait3A_364 = arith.constant 0 : i32
      %dma_wait3A_365 = arith.constant 0 : i32
      %dma_wait3A_366 = tpu.memref_slice %arg10[%dma_wait3A_364, %dma_wait3A_365] : memref<10000x128xf32, #tpu.memory_space<vmem_shared>> -> memref<10000x128xf32, #tpu.memory_space<vmem_shared>>
      tpu.wait_indirect_dma semaphore(%arg13 : memref<!tpu.dma_semaphore, #tpu.memory_space<semaphore_mem>>) src(%arg9 : memref<64x128xf32, #tpu.memory_space<vmem>>) dst(%dma_wait3A_366 : memref<10000x128xf32, #tpu.memory_space<vmem_shared>>)
      %mul3A_367 = arith.constant 4 : i32
      %mul3A_368 = arith.muli %mul3A_367, %scan3A_20 : i32
      %add3A_369 = arith.constant 3 : i32
      %add3A_370 = arith.addi %mul3A_368, %add3A_369 : i32
      %jit3A_371 = arith.constant 2 : i32
      %div3A_372 = arith.divsi %add3A_370, %jit3A_371 : i32
      %sign3A_373 = arith.constant 0 : i32
      %sign3A_374 = arith.cmpi sgt, %add3A_370, %sign3A_373 : i32
      %sign3A_375 = arith.extui %sign3A_374 : i1 to i32
      %sign3A_376 = arith.constant 0 : i32
      %sign3A_377 = arith.cmpi slt, %add3A_370, %sign3A_376 : i32
      %sign3A_378 = arith.extui %sign3A_377 : i1 to i32
      %sign3A_379 = arith.subi %sign3A_375, %sign3A_378 : i32
      %sign3A_380 = arith.constant 0 : i32
      %sign3A_381 = arith.cmpi sgt, %jit3A_371, %sign3A_380 : i32
      %sign3A_382 = arith.extui %sign3A_381 : i1 to i32
      %sign3A_383 = arith.constant 0 : i32
      %sign3A_384 = arith.cmpi slt, %jit3A_371, %sign3A_383 : i32
      %sign3A_385 = arith.extui %sign3A_384 : i1 to i32
      %sign3A_386 = arith.subi %sign3A_382, %sign3A_385 : i32
      %ne3A_387 = arith.cmpi ne, %sign3A_379, %sign3A_386 : i32
      %rem3A_388 = arith.remsi %add3A_370, %jit3A_371 : i32
      %ne3A_389 = arith.constant 0 : i32
      %ne3A_390 = arith.cmpi ne, %rem3A_388, %ne3A_389 : i32
      %and3A_391 = arith.andi %ne3A_387, %ne3A_390 : i1
      %sub3A_392 = arith.constant 1 : i32
      %sub3A_393 = arith.subi %div3A_372, %sub3A_392 : i32
      %select_n3A_394 = arith.select %and3A_391, %sub3A_393, %div3A_372 : i32
      %jit3A_395 = arith.constant 2 : i32
      %eq3A_396 = arith.constant 0 : i32
      %eq3A_397 = arith.cmpi eq, %jit3A_395, %eq3A_396 : i32
      %jit3A_398 = arith.constant 1 : i32
      %select_n3A_399 = arith.select %eq3A_397, %jit3A_398, %jit3A_395 : i32
      %rem3A_400 = arith.remsi %add3A_370, %select_n3A_399 : i32
      %ne3A_401 = arith.constant 0 : i32
      %ne3A_402 = arith.cmpi ne, %rem3A_400, %ne3A_401 : i32
      %lt3A_403 = arith.constant 0 : i32
      %lt3A_404 = arith.cmpi slt, %rem3A_400, %lt3A_403 : i32
      %lt3A_405 = arith.constant 0 : i32
      %lt3A_406 = arith.cmpi slt, %select_n3A_399, %lt3A_405 : i32
      %ne3A_407 = arith.xori %lt3A_404, %lt3A_406 : i1
      %and3A_408 = arith.andi %ne3A_407, %ne3A_402 : i1
      %add3A_409 = arith.addi %rem3A_400, %select_n3A_399 : i32
      %select_n3A_410 = arith.select %and3A_408, %add3A_409, %rem3A_400 : i32
      %mul3A_411 = arith.constant 64 : i32
      %mul3A_412 = arith.muli %mul3A_411, %select_n3A_410 : i32
      %dma_wait3A_413 = tpu.memref_slice %arg7[%select_n3A_394, %mul3A_412] : memref<79x128xi32, #tpu.memory_space<vmem>> -> memref<1x64xi32, #tpu.memory_space<vmem>>
      %dma_wait3A_414 = tpu.memref_squeeze %dma_wait3A_413 : memref<1x64xi32, #tpu.memory_space<vmem>> -> memref<64xi32, #tpu.memory_space<vmem>>
      %dma_wait3A_415 = arith.constant 0 : i32
      %dma_wait3A_416 = arith.constant 0 : i32
      %dma_wait3A_417 = tpu.memref_slice %arg10[%dma_wait3A_415, %dma_wait3A_416] : memref<10000x128xf32, #tpu.memory_space<vmem_shared>> -> memref<10000x128xf32, #tpu.memory_space<vmem_shared>>
      tpu.wait_indirect_dma semaphore(%arg14 : memref<!tpu.dma_semaphore, #tpu.memory_space<semaphore_mem>>) src(%arg9 : memref<64x128xf32, #tpu.memory_space<vmem>>) dst(%dma_wait3A_417 : memref<10000x128xf32, #tpu.memory_space<vmem_shared>>)
    }
    %scan3A_9 = arith.constant 39 : i32
    %run_scoped3A = arith.constant 0 : i32
    "tpu.region"() ({
      %run_scoped3A_20 = tpu.sem_alloc : memref<!tpu.dma_semaphore, #tpu.memory_space<semaphore_mem>>
      %dma_start3A = arith.constant 0 : i32
      %dma_start3A_21 = arith.constant 0 : i32
      %dma_start3A_22 = tpu.memref_slice %arg9[%dma_start3A, %dma_start3A_21] : memref<64x128xf32, #tpu.memory_space<vmem>> -> memref<16x128xf32, #tpu.memory_space<vmem>>
      %dma_start3A_23 = arith.constant 0 : i32
      %dma_start3A_24 = tpu.memref_slice %arg8[%run_scoped3A, %dma_start3A_23] : memref<8x16xi32, #tpu.memory_space<vmem>> -> memref<1x16xi32, #tpu.memory_space<vmem>>
      %dma_start3A_25 = tpu.memref_squeeze %dma_start3A_24 : memref<1x16xi32, #tpu.memory_space<vmem>> -> memref<16xi32, #tpu.memory_space<vmem>>
      %dma_start3A_26 = arith.constant 0 : i32
      %dma_start3A_27 = arith.constant 0 : i32
      %dma_start3A_28 = tpu.memref_slice %arg10[%dma_start3A_26, %dma_start3A_27] : memref<10000x128xf32, #tpu.memory_space<vmem_shared>> -> memref<10000x128xf32, #tpu.memory_space<vmem_shared>>
      tpu.enqueue_indirect_dma source(%dma_start3A_22 : memref<16x128xf32, #tpu.memory_space<vmem>>) target(%dma_start3A_28 : memref<10000x128xf32, #tpu.memory_space<vmem_shared>>) offsets(%dma_start3A_25 : memref<16xi32, #tpu.memory_space<vmem>>) semaphore(%run_scoped3A_20 : memref<!tpu.dma_semaphore, #tpu.memory_space<semaphore_mem>>) {add = true}
      %dma_wait3A = arith.constant 0 : i32
      %dma_wait3A_29 = arith.constant 0 : i32
      %dma_wait3A_30 = tpu.memref_slice %arg9[%dma_wait3A, %dma_wait3A_29] : memref<64x128xf32, #tpu.memory_space<vmem>> -> memref<16x128xf32, #tpu.memory_space<vmem>>
      %dma_wait3A_31 = arith.constant 0 : i32
      %dma_wait3A_32 = tpu.memref_slice %arg8[%run_scoped3A, %dma_wait3A_31] : memref<8x16xi32, #tpu.memory_space<vmem>> -> memref<1x16xi32, #tpu.memory_space<vmem>>
      %dma_wait3A_33 = tpu.memref_squeeze %dma_wait3A_32 : memref<1x16xi32, #tpu.memory_space<vmem>> -> memref<16xi32, #tpu.memory_space<vmem>>
      %dma_wait3A_34 = arith.constant 0 : i32
      %dma_wait3A_35 = arith.constant 0 : i32
      %dma_wait3A_36 = tpu.memref_slice %arg10[%dma_wait3A_34, %dma_wait3A_35] : memref<10000x128xf32, #tpu.memory_space<vmem_shared>> -> memref<10000x128xf32, #tpu.memory_space<vmem_shared>>
      tpu.wait_indirect_dma semaphore(%run_scoped3A_20 : memref<!tpu.dma_semaphore, #tpu.memory_space<semaphore_mem>>) src(%dma_wait3A_30 : memref<16x128xf32, #tpu.memory_space<vmem>>) dst(%dma_wait3A_36 : memref<10000x128xf32, #tpu.memory_space<vmem_shared>>)
      tpu.yield
    }) : () -> ()
    %barrier3A_10 = arith.constant 0 : index
    tpu.barrier barrier_id(%barrier3A_10)
    %mul3A_11 = arith.constant 624 : i32
    %mul3A_12 = arith.muli %arg1, %mul3A_11 : i32
    %mul3A_13 = arith.constant 624 : i32
    %mul3A_14 = arith.muli %arg1, %mul3A_13 : i32
    "tpu.region"() ({
      %run_scoped3A_20 = tpu.sem_alloc : memref<!tpu.dma_semaphore, #tpu.memory_space<semaphore_mem>>
      %dma_start3A = arith.constant 0 : i32
      %dma_start3A_21 = tpu.memref_slice %arg6[%arg0, %mul3A_14, %dma_start3A] : memref<2x10000x128xf32, #tpu.memory_space<hbm>> -> memref<1x624x128xf32, #tpu.memory_space<hbm>>
      %dma_start3A_22 = tpu.memref_squeeze %dma_start3A_21 : memref<1x624x128xf32, #tpu.memory_space<hbm>> -> memref<624x128xf32, #tpu.memory_space<hbm>>
      %dma_start3A_23 = arith.constant 0 : i32
      %dma_start3A_24 = tpu.memref_slice %arg10[%mul3A_12, %dma_start3A_23] : memref<10000x128xf32, #tpu.memory_space<vmem_shared>> -> memref<624x128xf32, #tpu.memory_space<vmem_shared>>
      tpu.enqueue_dma source(%dma_start3A_24 : memref<624x128xf32, #tpu.memory_space<vmem_shared>>) target(%dma_start3A_22 : memref<624x128xf32, #tpu.memory_space<hbm>>) target_semaphore(%run_scoped3A_20 : memref<!tpu.dma_semaphore, #tpu.memory_space<semaphore_mem>>)
      %dma_wait3A = arith.constant 0 : i32
      %dma_wait3A_25 = tpu.memref_slice %arg6[%arg0, %mul3A_14, %dma_wait3A] : memref<2x10000x128xf32, #tpu.memory_space<hbm>> -> memref<1x624x128xf32, #tpu.memory_space<hbm>>
      %dma_wait3A_26 = tpu.memref_squeeze %dma_wait3A_25 : memref<1x624x128xf32, #tpu.memory_space<hbm>> -> memref<624x128xf32, #tpu.memory_space<hbm>>
      %dma_wait3A_27 = arith.constant 0 : i32
      %dma_wait3A_28 = tpu.memref_slice %arg10[%mul3A_12, %dma_wait3A_27] : memref<10000x128xf32, #tpu.memory_space<vmem_shared>> -> memref<624x128xf32, #tpu.memory_space<vmem_shared>>
      tpu.wait_dma2 semaphore(%run_scoped3A_20 : memref<!tpu.dma_semaphore, #tpu.memory_space<semaphore_mem>>) src(%dma_wait3A_28 : memref<624x128xf32, #tpu.memory_space<vmem_shared>>) dst(%dma_wait3A_26 : memref<624x128xf32, #tpu.memory_space<hbm>>)
      tpu.yield
    }) : () -> ()
    %eq3A_15 = arith.constant 15 : i32
    %eq3A_16 = arith.cmpi eq, %arg1, %eq3A_15 : i32
    %convert_element_type3A_17 = arith.extui %eq3A_16 : i1 to i32
    %cond3A_18 = arith.constant 0 : i32
    %cond3A_19 = arith.cmpi ne, %convert_element_type3A_17, %cond3A_18 : i32
    scf.if %cond3A_19 {
      "tpu.region"() ({
        %run_scoped3A_20 = tpu.sem_alloc : memref<!tpu.dma_semaphore, #tpu.memory_space<semaphore_mem>>
        %dma_start3A = arith.constant 9984 : i32
        %dma_start3A_21 = arith.constant 0 : i32
        %dma_start3A_22 = tpu.memref_slice %arg6[%arg0, %dma_start3A, %dma_start3A_21] : memref<2x10000x128xf32, #tpu.memory_space<hbm>> -> memref<1x16x128xf32, #tpu.memory_space<hbm>>
        %dma_start3A_23 = tpu.memref_squeeze %dma_start3A_22 : memref<1x16x128xf32, #tpu.memory_space<hbm>> -> memref<16x128xf32, #tpu.memory_space<hbm>>
        %dma_start3A_24 = arith.constant 9984 : i32
        %dma_start3A_25 = arith.constant 0 : i32
        %dma_start3A_26 = tpu.memref_slice %arg10[%dma_start3A_24, %dma_start3A_25] : memref<10000x128xf32, #tpu.memory_space<vmem_shared>> -> memref<16x128xf32, #tpu.memory_space<vmem_shared>>
        tpu.enqueue_dma source(%dma_start3A_26 : memref<16x128xf32, #tpu.memory_space<vmem_shared>>) target(%dma_start3A_23 : memref<16x128xf32, #tpu.memory_space<hbm>>) target_semaphore(%run_scoped3A_20 : memref<!tpu.dma_semaphore, #tpu.memory_space<semaphore_mem>>)
        %dma_wait3A = arith.constant 9984 : i32
        %dma_wait3A_27 = arith.constant 0 : i32
        %dma_wait3A_28 = tpu.memref_slice %arg6[%arg0, %dma_wait3A, %dma_wait3A_27] : memref<2x10000x128xf32, #tpu.memory_space<hbm>> -> memref<1x16x128xf32, #tpu.memory_space<hbm>>
        %dma_wait3A_29 = tpu.memref_squeeze %dma_wait3A_28 : memref<1x16x128xf32, #tpu.memory_space<hbm>> -> memref<16x128xf32, #tpu.memory_space<hbm>>
        %dma_wait3A_30 = arith.constant 9984 : i32
        %dma_wait3A_31 = arith.constant 0 : i32
        %dma_wait3A_32 = tpu.memref_slice %arg10[%dma_wait3A_30, %dma_wait3A_31] : memref<10000x128xf32, #tpu.memory_space<vmem_shared>> -> memref<16x128xf32, #tpu.memory_space<vmem_shared>>
        tpu.wait_dma2 semaphore(%run_scoped3A_20 : memref<!tpu.dma_semaphore, #tpu.memory_space<semaphore_mem>>) src(%dma_wait3A_32 : memref<16x128xf32, #tpu.memory_space<vmem_shared>>) dst(%dma_wait3A_29 : memref<16x128xf32, #tpu.memory_space<hbm>>)
        tpu.yield
      }) : () -> ()
    } else {
    }
    return
  }
}

#map = affine_map<(d0, d1) -> (0, 0)>
#map1 = affine_map<(d0, d1) -> (0, 0, 0)>
module attributes {stable_mosaic.version = 14 : i64} {
  func.func @_sc_scatter(%arg0: i32, %arg1: i32, %arg2: memref<10000x128xf32, #tpu.memory_space<hbm>>, %arg3: memref<32x79x128xi32, #tpu.memory_space<hbm>>, %arg4: memref<32x79x128xi32, #tpu.memory_space<hbm>>, %arg5: memref<32x8x16xi32, #tpu.memory_space<hbm>>, %arg6: memref<624x128xf32, #tpu.memory_space<hbm>>, %arg7: memref<2x10000x128xf32, #tpu.memory_space<hbm>>, %arg8: memref<79x128xi32, #tpu.memory_space<vmem>>, %arg9: memref<79x128xi32, #tpu.memory_space<vmem>>, %arg10: memref<8x16xi32, #tpu.memory_space<vmem>>, %arg11: memref<192x128xf32, #tpu.memory_space<vmem>>, %arg12: memref<10000x128xf32, #tpu.memory_space<vmem_shared>>, %arg13: memref<!tpu.dma_semaphore, #tpu.memory_space<semaphore_mem>>, %arg14: memref<!tpu.dma_semaphore, #tpu.memory_space<semaphore_mem>>, %arg15: memref<!tpu.dma_semaphore, #tpu.memory_space<semaphore_mem>>, %arg16: memref<!tpu.dma_semaphore, #tpu.memory_space<semaphore_mem>>, %arg17: memref<!tpu.dma_semaphore, #tpu.memory_space<semaphore_mem>>, %arg18: memref<!tpu.dma_semaphore, #tpu.memory_space<semaphore_mem>>) attributes {dimension_semantics = [#tpu.dimension_semantics<core_parallel>, #tpu.dimension_semantics<subcore_parallel>], iteration_bounds = array<i64: 2, 16>, scalar_prefetch = 0 : i64, scratch_operands = 11 : i64, tpu.core_type = #tpu.core_type<sc_vector_subcore>, window_params = [{transform_indices = #map}, {transform_indices = #map1}, {transform_indices = #map1}, {transform_indices = #map1}, {transform_indices = #map}, {transform_indices = #map1}]} {
    %mul3A = arith.constant 2 : i32
    %mul3A_0 = arith.muli %arg1, %mul3A : i32
    %add3A = arith.addi %mul3A_0, %arg0 : i32
    %mul3A_1 = arith.constant 624 : i32
    %mul3A_2 = arith.muli %arg1, %mul3A_1 : i32
    "tpu.region"() ({
      %run_scoped3A_50 = tpu.sem_alloc : memref<!tpu.dma_semaphore, #tpu.memory_space<semaphore_mem>>
      %dma_start3A_51 = arith.constant 0 : i32
      %dma_start3A_52 = tpu.memref_slice %arg12[%mul3A_2, %dma_start3A_51] : memref<10000x128xf32, #tpu.memory_space<vmem_shared>> -> memref<624x128xf32, #tpu.memory_space<vmem_shared>>
      %dma_start3A_53 = arith.constant 0 : i32
      %dma_start3A_54 = arith.constant 0 : i32
      %dma_start3A_55 = tpu.memref_slice %arg6[%dma_start3A_53, %dma_start3A_54] : memref<624x128xf32, #tpu.memory_space<hbm>> -> memref<624x128xf32, #tpu.memory_space<hbm>>
      tpu.enqueue_dma source(%dma_start3A_55 : memref<624x128xf32, #tpu.memory_space<hbm>>) target(%dma_start3A_52 : memref<624x128xf32, #tpu.memory_space<vmem_shared>>) target_semaphore(%run_scoped3A_50 : memref<!tpu.dma_semaphore, #tpu.memory_space<semaphore_mem>>)
      %dma_wait3A = arith.constant 0 : i32
      %dma_wait3A_56 = tpu.memref_slice %arg12[%mul3A_2, %dma_wait3A] : memref<10000x128xf32, #tpu.memory_space<vmem_shared>> -> memref<624x128xf32, #tpu.memory_space<vmem_shared>>
      %dma_wait3A_57 = arith.constant 0 : i32
      %dma_wait3A_58 = arith.constant 0 : i32
      %dma_wait3A_59 = tpu.memref_slice %arg6[%dma_wait3A_57, %dma_wait3A_58] : memref<624x128xf32, #tpu.memory_space<hbm>> -> memref<624x128xf32, #tpu.memory_space<hbm>>
      tpu.wait_dma2 semaphore(%run_scoped3A_50 : memref<!tpu.dma_semaphore, #tpu.memory_space<semaphore_mem>>) src(%dma_wait3A_59 : memref<624x128xf32, #tpu.memory_space<hbm>>) dst(%dma_wait3A_56 : memref<624x128xf32, #tpu.memory_space<vmem_shared>>)
      tpu.yield
    }) : () -> ()
    %eq3A = arith.constant 15 : i32
    %eq3A_3 = arith.cmpi eq, %arg1, %eq3A : i32
    %convert_element_type3A = arith.extui %eq3A_3 : i1 to i32
    %cond3A = arith.constant 0 : i32
    %cond3A_4 = arith.cmpi ne, %convert_element_type3A, %cond3A : i32
    scf.if %cond3A_4 {
      "tpu.region"() ({
        %run_scoped3A_50 = tpu.sem_alloc : memref<!tpu.dma_semaphore, #tpu.memory_space<semaphore_mem>>
        %dma_start3A_51 = arith.constant 9984 : i32
        %dma_start3A_52 = arith.constant 0 : i32
        %dma_start3A_53 = tpu.memref_slice %arg12[%dma_start3A_51, %dma_start3A_52] : memref<10000x128xf32, #tpu.memory_space<vmem_shared>> -> memref<16x128xf32, #tpu.memory_space<vmem_shared>>
        %dma_start3A_54 = arith.constant 0 : i32
        %dma_start3A_55 = arith.constant 0 : i32
        %dma_start3A_56 = tpu.memref_slice %arg6[%dma_start3A_54, %dma_start3A_55] : memref<624x128xf32, #tpu.memory_space<hbm>> -> memref<16x128xf32, #tpu.memory_space<hbm>>
        tpu.enqueue_dma source(%dma_start3A_56 : memref<16x128xf32, #tpu.memory_space<hbm>>) target(%dma_start3A_53 : memref<16x128xf32, #tpu.memory_space<vmem_shared>>) target_semaphore(%run_scoped3A_50 : memref<!tpu.dma_semaphore, #tpu.memory_space<semaphore_mem>>)
        %dma_wait3A = arith.constant 9984 : i32
        %dma_wait3A_57 = arith.constant 0 : i32
        %dma_wait3A_58 = tpu.memref_slice %arg12[%dma_wait3A, %dma_wait3A_57] : memref<10000x128xf32, #tpu.memory_space<vmem_shared>> -> memref<16x128xf32, #tpu.memory_space<vmem_shared>>
        %dma_wait3A_59 = arith.constant 0 : i32
        %dma_wait3A_60 = arith.constant 0 : i32
        %dma_wait3A_61 = tpu.memref_slice %arg6[%dma_wait3A_59, %dma_wait3A_60] : memref<624x128xf32, #tpu.memory_space<hbm>> -> memref<16x128xf32, #tpu.memory_space<hbm>>
        tpu.wait_dma2 semaphore(%run_scoped3A_50 : memref<!tpu.dma_semaphore, #tpu.memory_space<semaphore_mem>>) src(%dma_wait3A_61 : memref<16x128xf32, #tpu.memory_space<hbm>>) dst(%dma_wait3A_58 : memref<16x128xf32, #tpu.memory_space<vmem_shared>>)
        tpu.yield
      }) : () -> ()
    } else {
    }
    "tpu.region"() ({
      %run_scoped3A_50 = tpu.sem_alloc : memref<!tpu.dma_semaphore, #tpu.memory_space<semaphore_mem>>
      %dma_start3A_51 = arith.constant 0 : i32
      %dma_start3A_52 = arith.constant 0 : i32
      %dma_start3A_53 = tpu.memref_slice %arg3[%add3A, %dma_start3A_51, %dma_start3A_52] : memref<32x79x128xi32, #tpu.memory_space<hbm>> -> memref<1x79x128xi32, #tpu.memory_space<hbm>>
      %dma_start3A_54 = tpu.memref_squeeze %dma_start3A_53 : memref<1x79x128xi32, #tpu.memory_space<hbm>> -> memref<79x128xi32, #tpu.memory_space<hbm>>
      %dma_start3A_55 = arith.constant 0 : i32
      %dma_start3A_56 = arith.constant 0 : i32
      %dma_start3A_57 = tpu.memref_slice %arg3[%add3A, %dma_start3A_55, %dma_start3A_56] : memref<32x79x128xi32, #tpu.memory_space<hbm>> -> memref<1x79x128xi32, #tpu.memory_space<hbm>>
      %dma_start3A_58 = tpu.memref_squeeze %dma_start3A_57 : memref<1x79x128xi32, #tpu.memory_space<hbm>> -> memref<79x128xi32, #tpu.memory_space<hbm>>
      tpu.enqueue_dma source(%dma_start3A_58 : memref<79x128xi32, #tpu.memory_space<hbm>>) target(%arg8 : memref<79x128xi32, #tpu.memory_space<vmem>>) target_semaphore(%run_scoped3A_50 : memref<!tpu.dma_semaphore, #tpu.memory_space<semaphore_mem>>)
      %dma_wait3A = arith.constant 0 : i32
      %dma_wait3A_59 = arith.constant 0 : i32
      %dma_wait3A_60 = tpu.memref_slice %arg3[%add3A, %dma_wait3A, %dma_wait3A_59] : memref<32x79x128xi32, #tpu.memory_space<hbm>> -> memref<1x79x128xi32, #tpu.memory_space<hbm>>
      %dma_wait3A_61 = tpu.memref_squeeze %dma_wait3A_60 : memref<1x79x128xi32, #tpu.memory_space<hbm>> -> memref<79x128xi32, #tpu.memory_space<hbm>>
      %dma_wait3A_62 = arith.constant 0 : i32
      %dma_wait3A_63 = arith.constant 0 : i32
      %dma_wait3A_64 = tpu.memref_slice %arg3[%add3A, %dma_wait3A_62, %dma_wait3A_63] : memref<32x79x128xi32, #tpu.memory_space<hbm>> -> memref<1x79x128xi32, #tpu.memory_space<hbm>>
      %dma_wait3A_65 = tpu.memref_squeeze %dma_wait3A_64 : memref<1x79x128xi32, #tpu.memory_space<hbm>> -> memref<79x128xi32, #tpu.memory_space<hbm>>
      tpu.wait_dma2 semaphore(%run_scoped3A_50 : memref<!tpu.dma_semaphore, #tpu.memory_space<semaphore_mem>>) src(%dma_wait3A_65 : memref<79x128xi32, #tpu.memory_space<hbm>>) dst(%arg8 : memref<79x128xi32, #tpu.memory_space<vmem>>)
      tpu.yield
    }) : () -> ()
    "tpu.region"() ({
      %run_scoped3A_50 = tpu.sem_alloc : memref<!tpu.dma_semaphore, #tpu.memory_space<semaphore_mem>>
      %dma_start3A_51 = arith.constant 0 : i32
      %dma_start3A_52 = arith.constant 0 : i32
      %dma_start3A_53 = tpu.memref_slice %arg4[%add3A, %dma_start3A_51, %dma_start3A_52] : memref<32x79x128xi32, #tpu.memory_space<hbm>> -> memref<1x79x128xi32, #tpu.memory_space<hbm>>
      %dma_start3A_54 = tpu.memref_squeeze %dma_start3A_53 : memref<1x79x128xi32, #tpu.memory_space<hbm>> -> memref<79x128xi32, #tpu.memory_space<hbm>>
      %dma_start3A_55 = arith.constant 0 : i32
      %dma_start3A_56 = arith.constant 0 : i32
      %dma_start3A_57 = tpu.memref_slice %arg4[%add3A, %dma_start3A_55, %dma_start3A_56] : memref<32x79x128xi32, #tpu.memory_space<hbm>> -> memref<1x79x128xi32, #tpu.memory_space<hbm>>
      %dma_start3A_58 = tpu.memref_squeeze %dma_start3A_57 : memref<1x79x128xi32, #tpu.memory_space<hbm>> -> memref<79x128xi32, #tpu.memory_space<hbm>>
      tpu.enqueue_dma source(%dma_start3A_58 : memref<79x128xi32, #tpu.memory_space<hbm>>) target(%arg9 : memref<79x128xi32, #tpu.memory_space<vmem>>) target_semaphore(%run_scoped3A_50 : memref<!tpu.dma_semaphore, #tpu.memory_space<semaphore_mem>>)
      %dma_wait3A = arith.constant 0 : i32
      %dma_wait3A_59 = arith.constant 0 : i32
      %dma_wait3A_60 = tpu.memref_slice %arg4[%add3A, %dma_wait3A, %dma_wait3A_59] : memref<32x79x128xi32, #tpu.memory_space<hbm>> -> memref<1x79x128xi32, #tpu.memory_space<hbm>>
      %dma_wait3A_61 = tpu.memref_squeeze %dma_wait3A_60 : memref<1x79x128xi32, #tpu.memory_space<hbm>> -> memref<79x128xi32, #tpu.memory_space<hbm>>
      %dma_wait3A_62 = arith.constant 0 : i32
      %dma_wait3A_63 = arith.constant 0 : i32
      %dma_wait3A_64 = tpu.memref_slice %arg4[%add3A, %dma_wait3A_62, %dma_wait3A_63] : memref<32x79x128xi32, #tpu.memory_space<hbm>> -> memref<1x79x128xi32, #tpu.memory_space<hbm>>
      %dma_wait3A_65 = tpu.memref_squeeze %dma_wait3A_64 : memref<1x79x128xi32, #tpu.memory_space<hbm>> -> memref<79x128xi32, #tpu.memory_space<hbm>>
      tpu.wait_dma2 semaphore(%run_scoped3A_50 : memref<!tpu.dma_semaphore, #tpu.memory_space<semaphore_mem>>) src(%dma_wait3A_65 : memref<79x128xi32, #tpu.memory_space<hbm>>) dst(%arg9 : memref<79x128xi32, #tpu.memory_space<vmem>>)
      tpu.yield
    }) : () -> ()
    "tpu.region"() ({
      %run_scoped3A_50 = tpu.sem_alloc : memref<!tpu.dma_semaphore, #tpu.memory_space<semaphore_mem>>
      %dma_start3A_51 = arith.constant 0 : i32
      %dma_start3A_52 = arith.constant 0 : i32
      %dma_start3A_53 = tpu.memref_slice %arg5[%add3A, %dma_start3A_51, %dma_start3A_52] : memref<32x8x16xi32, #tpu.memory_space<hbm>> -> memref<1x8x16xi32, #tpu.memory_space<hbm>>
      %dma_start3A_54 = tpu.memref_squeeze %dma_start3A_53 : memref<1x8x16xi32, #tpu.memory_space<hbm>> -> memref<8x16xi32, #tpu.memory_space<hbm>>
      %dma_start3A_55 = arith.constant 0 : i32
      %dma_start3A_56 = arith.constant 0 : i32
      %dma_start3A_57 = tpu.memref_slice %arg5[%add3A, %dma_start3A_55, %dma_start3A_56] : memref<32x8x16xi32, #tpu.memory_space<hbm>> -> memref<1x8x16xi32, #tpu.memory_space<hbm>>
      %dma_start3A_58 = tpu.memref_squeeze %dma_start3A_57 : memref<1x8x16xi32, #tpu.memory_space<hbm>> -> memref<8x16xi32, #tpu.memory_space<hbm>>
      tpu.enqueue_dma source(%dma_start3A_58 : memref<8x16xi32, #tpu.memory_space<hbm>>) target(%arg10 : memref<8x16xi32, #tpu.memory_space<vmem>>) target_semaphore(%run_scoped3A_50 : memref<!tpu.dma_semaphore, #tpu.memory_space<semaphore_mem>>)
      %dma_wait3A = arith.constant 0 : i32
      %dma_wait3A_59 = arith.constant 0 : i32
      %dma_wait3A_60 = tpu.memref_slice %arg5[%add3A, %dma_wait3A, %dma_wait3A_59] : memref<32x8x16xi32, #tpu.memory_space<hbm>> -> memref<1x8x16xi32, #tpu.memory_space<hbm>>
      %dma_wait3A_61 = tpu.memref_squeeze %dma_wait3A_60 : memref<1x8x16xi32, #tpu.memory_space<hbm>> -> memref<8x16xi32, #tpu.memory_space<hbm>>
      %dma_wait3A_62 = arith.constant 0 : i32
      %dma_wait3A_63 = arith.constant 0 : i32
      %dma_wait3A_64 = tpu.memref_slice %arg5[%add3A, %dma_wait3A_62, %dma_wait3A_63] : memref<32x8x16xi32, #tpu.memory_space<hbm>> -> memref<1x8x16xi32, #tpu.memory_space<hbm>>
      %dma_wait3A_65 = tpu.memref_squeeze %dma_wait3A_64 : memref<1x8x16xi32, #tpu.memory_space<hbm>> -> memref<8x16xi32, #tpu.memory_space<hbm>>
      tpu.wait_dma2 semaphore(%run_scoped3A_50 : memref<!tpu.dma_semaphore, #tpu.memory_space<semaphore_mem>>) src(%dma_wait3A_65 : memref<8x16xi32, #tpu.memory_space<hbm>>) dst(%arg10 : memref<8x16xi32, #tpu.memory_space<vmem>>)
      tpu.yield
    }) : () -> ()
    %barrier3A = arith.constant 0 : index
    tpu.barrier barrier_id(%barrier3A)
    %dma_start3A = arith.constant 0 : i32
    %dma_start3A_5 = arith.constant 0 : i32
    %dma_start3A_6 = arith.constant 0 : i32
    %dma_start3A_7 = tpu.memref_slice %arg11[%dma_start3A_5, %dma_start3A_6] : memref<192x128xf32, #tpu.memory_space<vmem>> -> memref<64x128xf32, #tpu.memory_space<vmem>>
    %dma_start3A_8 = arith.constant 0 : i32
    %dma_start3A_9 = tpu.memref_slice %arg8[%dma_start3A, %dma_start3A_8] : memref<79x128xi32, #tpu.memory_space<vmem>> -> memref<1x64xi32, #tpu.memory_space<vmem>>
    %dma_start3A_10 = tpu.memref_squeeze %dma_start3A_9 : memref<1x64xi32, #tpu.memory_space<vmem>> -> memref<64xi32, #tpu.memory_space<vmem>>
    %dma_start3A_11 = arith.constant 0 : i32
    %dma_start3A_12 = arith.constant 0 : i32
    %dma_start3A_13 = tpu.memref_slice %arg2[%dma_start3A_11, %dma_start3A_12] : memref<10000x128xf32, #tpu.memory_space<hbm>> -> memref<10000x128xf32, #tpu.memory_space<hbm>>
    tpu.enqueue_indirect_dma source(%dma_start3A_13 : memref<10000x128xf32, #tpu.memory_space<hbm>>) target(%dma_start3A_7 : memref<64x128xf32, #tpu.memory_space<vmem>>) offsets(%dma_start3A_10 : memref<64xi32, #tpu.memory_space<vmem>>) semaphore(%arg13 : memref<!tpu.dma_semaphore, #tpu.memory_space<semaphore_mem>>)
    %dma_start3A_14 = arith.constant 0 : i32
    %dma_start3A_15 = arith.constant 64 : i32
    %dma_start3A_16 = arith.constant 0 : i32
    %dma_start3A_17 = tpu.memref_slice %arg11[%dma_start3A_15, %dma_start3A_16] : memref<192x128xf32, #tpu.memory_space<vmem>> -> memref<64x128xf32, #tpu.memory_space<vmem>>
    %dma_start3A_18 = arith.constant 64 : i32
    %dma_start3A_19 = tpu.memref_slice %arg8[%dma_start3A_14, %dma_start3A_18] : memref<79x128xi32, #tpu.memory_space<vmem>> -> memref<1x64xi32, #tpu.memory_space<vmem>>
    %dma_start3A_20 = tpu.memref_squeeze %dma_start3A_19 : memref<1x64xi32, #tpu.memory_space<vmem>> -> memref<64xi32, #tpu.memory_space<vmem>>
    %dma_start3A_21 = arith.constant 0 : i32
    %dma_start3A_22 = arith.constant 0 : i32
    %dma_start3A_23 = tpu.memref_slice %arg2[%dma_start3A_21, %dma_start3A_22] : memref<10000x128xf32, #tpu.memory_space<hbm>> -> memref<10000x128xf32, #tpu.memory_space<hbm>>
    tpu.enqueue_indirect_dma source(%dma_start3A_23 : memref<10000x128xf32, #tpu.memory_space<hbm>>) target(%dma_start3A_17 : memref<64x128xf32, #tpu.memory_space<vmem>>) offsets(%dma_start3A_20 : memref<64xi32, #tpu.memory_space<vmem>>) semaphore(%arg14 : memref<!tpu.dma_semaphore, #tpu.memory_space<semaphore_mem>>)
    %dma_start3A_24 = arith.constant 1 : i32
    %dma_start3A_25 = arith.constant 128 : i32
    %dma_start3A_26 = arith.constant 0 : i32
    %dma_start3A_27 = tpu.memref_slice %arg11[%dma_start3A_25, %dma_start3A_26] : memref<192x128xf32, #tpu.memory_space<vmem>> -> memref<64x128xf32, #tpu.memory_space<vmem>>
    %dma_start3A_28 = arith.constant 0 : i32
    %dma_start3A_29 = tpu.memref_slice %arg8[%dma_start3A_24, %dma_start3A_28] : memref<79x128xi32, #tpu.memory_space<vmem>> -> memref<1x64xi32, #tpu.memory_space<vmem>>
    %dma_start3A_30 = tpu.memref_squeeze %dma_start3A_29 : memref<1x64xi32, #tpu.memory_space<vmem>> -> memref<64xi32, #tpu.memory_space<vmem>>
    %dma_start3A_31 = arith.constant 0 : i32
    %dma_start3A_32 = arith.constant 0 : i32
    %dma_start3A_33 = tpu.memref_slice %arg2[%dma_start3A_31, %dma_start3A_32] : memref<10000x128xf32, #tpu.memory_space<hbm>> -> memref<10000x128xf32, #tpu.memory_space<hbm>>
    tpu.enqueue_indirect_dma source(%dma_start3A_33 : memref<10000x128xf32, #tpu.memory_space<hbm>>) target(%dma_start3A_27 : memref<64x128xf32, #tpu.memory_space<vmem>>) offsets(%dma_start3A_30 : memref<64xi32, #tpu.memory_space<vmem>>) semaphore(%arg15 : memref<!tpu.dma_semaphore, #tpu.memory_space<semaphore_mem>>)
    %scan3A = arith.constant 0 : i32
    %scan3A_34 = arith.constant 0 : i32
    %scan3A_35 = arith.constant 52 : i32
    %scan3A_36 = arith.addi %scan3A_34, %scan3A_35 : i32
    %scan3A_37 = arith.constant 1 : i32
    scf.for %scan3A_50 = %scan3A_34 to %scan3A_36 step %scan3A_37  : i32 {
      %mul3A_51 = arith.constant 3 : i32
      %mul3A_52 = arith.muli %mul3A_51, %scan3A_50 : i32
      %add3A_53 = arith.constant 0 : i32
      %add3A_54 = arith.addi %mul3A_52, %add3A_53 : i32
      %jit3A = arith.constant 2 : i32
      %div3A = arith.divsi %add3A_54, %jit3A : i32
      %sign3A = arith.constant 0 : i32
      %sign3A_55 = arith.cmpi sgt, %add3A_54, %sign3A : i32
      %sign3A_56 = arith.extui %sign3A_55 : i1 to i32
      %sign3A_57 = arith.constant 0 : i32
      %sign3A_58 = arith.cmpi slt, %add3A_54, %sign3A_57 : i32
      %sign3A_59 = arith.extui %sign3A_58 : i1 to i32
      %sign3A_60 = arith.subi %sign3A_56, %sign3A_59 : i32
      %sign3A_61 = arith.constant 0 : i32
      %sign3A_62 = arith.cmpi sgt, %jit3A, %sign3A_61 : i32
      %sign3A_63 = arith.extui %sign3A_62 : i1 to i32
      %sign3A_64 = arith.constant 0 : i32
      %sign3A_65 = arith.cmpi slt, %jit3A, %sign3A_64 : i32
      %sign3A_66 = arith.extui %sign3A_65 : i1 to i32
      %sign3A_67 = arith.subi %sign3A_63, %sign3A_66 : i32
      %ne3A = arith.cmpi ne, %sign3A_60, %sign3A_67 : i32
      %rem3A = arith.remsi %add3A_54, %jit3A : i32
      %ne3A_68 = arith.constant 0 : i32
      %ne3A_69 = arith.cmpi ne, %rem3A, %ne3A_68 : i32
      %and3A = arith.andi %ne3A, %ne3A_69 : i1
      %sub3A = arith.constant 1 : i32
      %sub3A_70 = arith.subi %div3A, %sub3A : i32
      %select_n3A = arith.select %and3A, %sub3A_70, %div3A : i32
      %jit3A_71 = arith.constant 2 : i32
      %eq3A_72 = arith.constant 0 : i32
      %eq3A_73 = arith.cmpi eq, %jit3A_71, %eq3A_72 : i32
      %jit3A_74 = arith.constant 1 : i32
      %select_n3A_75 = arith.select %eq3A_73, %jit3A_74, %jit3A_71 : i32
      %rem3A_76 = arith.remsi %add3A_54, %select_n3A_75 : i32
      %ne3A_77 = arith.constant 0 : i32
      %ne3A_78 = arith.cmpi ne, %rem3A_76, %ne3A_77 : i32
      %lt3A = arith.constant 0 : i32
      %lt3A_79 = arith.cmpi slt, %rem3A_76, %lt3A : i32
      %lt3A_80 = arith.constant 0 : i32
      %lt3A_81 = arith.cmpi slt, %select_n3A_75, %lt3A_80 : i32
      %ne3A_82 = arith.xori %lt3A_79, %lt3A_81 : i1
      %and3A_83 = arith.andi %ne3A_82, %ne3A_78 : i1
      %add3A_84 = arith.addi %rem3A_76, %select_n3A_75 : i32
      %select_n3A_85 = arith.select %and3A_83, %add3A_84, %rem3A_76 : i32
      %mul3A_86 = arith.constant 64 : i32
      %mul3A_87 = arith.muli %mul3A_86, %select_n3A_85 : i32
      %dma_wait3A = arith.constant 0 : i32
      %dma_wait3A_88 = arith.constant 0 : i32
      %dma_wait3A_89 = tpu.memref_slice %arg11[%dma_wait3A, %dma_wait3A_88] : memref<192x128xf32, #tpu.memory_space<vmem>> -> memref<64x128xf32, #tpu.memory_space<vmem>>
      %dma_wait3A_90 = tpu.memref_slice %arg8[%select_n3A, %mul3A_87] : memref<79x128xi32, #tpu.memory_space<vmem>> -> memref<1x64xi32, #tpu.memory_space<vmem>>
      %dma_wait3A_91 = tpu.memref_squeeze %dma_wait3A_90 : memref<1x64xi32, #tpu.memory_space<vmem>> -> memref<64xi32, #tpu.memory_space<vmem>>
      %dma_wait3A_92 = arith.constant 0 : i32
      %dma_wait3A_93 = arith.constant 0 : i32
      %dma_wait3A_94 = tpu.memref_slice %arg2[%dma_wait3A_92, %dma_wait3A_93] : memref<10000x128xf32, #tpu.memory_space<hbm>> -> memref<10000x128xf32, #tpu.memory_space<hbm>>
      tpu.wait_indirect_dma semaphore(%arg13 : memref<!tpu.dma_semaphore, #tpu.memory_space<semaphore_mem>>) src(%dma_wait3A_94 : memref<10000x128xf32, #tpu.memory_space<hbm>>) dst(%dma_wait3A_89 : memref<64x128xf32, #tpu.memory_space<vmem>>)
      %jit3A_95 = arith.constant 2 : i32
      %div3A_96 = arith.divsi %add3A_54, %jit3A_95 : i32
      %sign3A_97 = arith.constant 0 : i32
      %sign3A_98 = arith.cmpi sgt, %add3A_54, %sign3A_97 : i32
      %sign3A_99 = arith.extui %sign3A_98 : i1 to i32
      %sign3A_100 = arith.constant 0 : i32
      %sign3A_101 = arith.cmpi slt, %add3A_54, %sign3A_100 : i32
      %sign3A_102 = arith.extui %sign3A_101 : i1 to i32
      %sign3A_103 = arith.subi %sign3A_99, %sign3A_102 : i32
      %sign3A_104 = arith.constant 0 : i32
      %sign3A_105 = arith.cmpi sgt, %jit3A_95, %sign3A_104 : i32
      %sign3A_106 = arith.extui %sign3A_105 : i1 to i32
      %sign3A_107 = arith.constant 0 : i32
      %sign3A_108 = arith.cmpi slt, %jit3A_95, %sign3A_107 : i32
      %sign3A_109 = arith.extui %sign3A_108 : i1 to i32
      %sign3A_110 = arith.subi %sign3A_106, %sign3A_109 : i32
      %ne3A_111 = arith.cmpi ne, %sign3A_103, %sign3A_110 : i32
      %rem3A_112 = arith.remsi %add3A_54, %jit3A_95 : i32
      %ne3A_113 = arith.constant 0 : i32
      %ne3A_114 = arith.cmpi ne, %rem3A_112, %ne3A_113 : i32
      %and3A_115 = arith.andi %ne3A_111, %ne3A_114 : i1
      %sub3A_116 = arith.constant 1 : i32
      %sub3A_117 = arith.subi %div3A_96, %sub3A_116 : i32
      %select_n3A_118 = arith.select %and3A_115, %sub3A_117, %div3A_96 : i32
      %jit3A_119 = arith.constant 2 : i32
      %eq3A_120 = arith.constant 0 : i32
      %eq3A_121 = arith.cmpi eq, %jit3A_119, %eq3A_120 : i32
      %jit3A_122 = arith.constant 1 : i32
      %select_n3A_123 = arith.select %eq3A_121, %jit3A_122, %jit3A_119 : i32
      %rem3A_124 = arith.remsi %add3A_54, %select_n3A_123 : i32
      %ne3A_125 = arith.constant 0 : i32
      %ne3A_126 = arith.cmpi ne, %rem3A_124, %ne3A_125 : i32
      %lt3A_127 = arith.constant 0 : i32
      %lt3A_128 = arith.cmpi slt, %rem3A_124, %lt3A_127 : i32
      %lt3A_129 = arith.constant 0 : i32
      %lt3A_130 = arith.cmpi slt, %select_n3A_123, %lt3A_129 : i32
      %ne3A_131 = arith.xori %lt3A_128, %lt3A_130 : i1
      %and3A_132 = arith.andi %ne3A_131, %ne3A_126 : i1
      %add3A_133 = arith.addi %rem3A_124, %select_n3A_123 : i32
      %select_n3A_134 = arith.select %and3A_132, %add3A_133, %rem3A_124 : i32
      %mul3A_135 = arith.constant 64 : i32
      %mul3A_136 = arith.muli %mul3A_135, %select_n3A_134 : i32
      %dma_start3A_137 = arith.constant 0 : i32
      %dma_start3A_138 = arith.constant 0 : i32
      %dma_start3A_139 = tpu.memref_slice %arg11[%dma_start3A_137, %dma_start3A_138] : memref<192x128xf32, #tpu.memory_space<vmem>> -> memref<64x128xf32, #tpu.memory_space<vmem>>
      %dma_start3A_140 = tpu.memref_slice %arg9[%select_n3A_118, %mul3A_136] : memref<79x128xi32, #tpu.memory_space<vmem>> -> memref<1x64xi32, #tpu.memory_space<vmem>>
      %dma_start3A_141 = tpu.memref_squeeze %dma_start3A_140 : memref<1x64xi32, #tpu.memory_space<vmem>> -> memref<64xi32, #tpu.memory_space<vmem>>
      %dma_start3A_142 = arith.constant 0 : i32
      %dma_start3A_143 = arith.constant 0 : i32
      %dma_start3A_144 = tpu.memref_slice %arg12[%dma_start3A_142, %dma_start3A_143] : memref<10000x128xf32, #tpu.memory_space<vmem_shared>> -> memref<10000x128xf32, #tpu.memory_space<vmem_shared>>
      tpu.enqueue_indirect_dma source(%dma_start3A_139 : memref<64x128xf32, #tpu.memory_space<vmem>>) target(%dma_start3A_144 : memref<10000x128xf32, #tpu.memory_space<vmem_shared>>) offsets(%dma_start3A_141 : memref<64xi32, #tpu.memory_space<vmem>>) semaphore(%arg16 : memref<!tpu.dma_semaphore, #tpu.memory_space<semaphore_mem>>) {add = true}
      %mul3A_145 = arith.constant 3 : i32
      %mul3A_146 = arith.muli %mul3A_145, %scan3A_50 : i32
      %add3A_147 = arith.constant 1 : i32
      %add3A_148 = arith.addi %mul3A_146, %add3A_147 : i32
      %jit3A_149 = arith.constant 2 : i32
      %div3A_150 = arith.divsi %add3A_148, %jit3A_149 : i32
      %sign3A_151 = arith.constant 0 : i32
      %sign3A_152 = arith.cmpi sgt, %add3A_148, %sign3A_151 : i32
      %sign3A_153 = arith.extui %sign3A_152 : i1 to i32
      %sign3A_154 = arith.constant 0 : i32
      %sign3A_155 = arith.cmpi slt, %add3A_148, %sign3A_154 : i32
      %sign3A_156 = arith.extui %sign3A_155 : i1 to i32
      %sign3A_157 = arith.subi %sign3A_153, %sign3A_156 : i32
      %sign3A_158 = arith.constant 0 : i32
      %sign3A_159 = arith.cmpi sgt, %jit3A_149, %sign3A_158 : i32
      %sign3A_160 = arith.extui %sign3A_159 : i1 to i32
      %sign3A_161 = arith.constant 0 : i32
      %sign3A_162 = arith.cmpi slt, %jit3A_149, %sign3A_161 : i32
      %sign3A_163 = arith.extui %sign3A_162 : i1 to i32
      %sign3A_164 = arith.subi %sign3A_160, %sign3A_163 : i32
      %ne3A_165 = arith.cmpi ne, %sign3A_157, %sign3A_164 : i32
      %rem3A_166 = arith.remsi %add3A_148, %jit3A_149 : i32
      %ne3A_167 = arith.constant 0 : i32
      %ne3A_168 = arith.cmpi ne, %rem3A_166, %ne3A_167 : i32
      %and3A_169 = arith.andi %ne3A_165, %ne3A_168 : i1
      %sub3A_170 = arith.constant 1 : i32
      %sub3A_171 = arith.subi %div3A_150, %sub3A_170 : i32
      %select_n3A_172 = arith.select %and3A_169, %sub3A_171, %div3A_150 : i32
      %jit3A_173 = arith.constant 2 : i32
      %eq3A_174 = arith.constant 0 : i32
      %eq3A_175 = arith.cmpi eq, %jit3A_173, %eq3A_174 : i32
      %jit3A_176 = arith.constant 1 : i32
      %select_n3A_177 = arith.select %eq3A_175, %jit3A_176, %jit3A_173 : i32
      %rem3A_178 = arith.remsi %add3A_148, %select_n3A_177 : i32
      %ne3A_179 = arith.constant 0 : i32
      %ne3A_180 = arith.cmpi ne, %rem3A_178, %ne3A_179 : i32
      %lt3A_181 = arith.constant 0 : i32
      %lt3A_182 = arith.cmpi slt, %rem3A_178, %lt3A_181 : i32
      %lt3A_183 = arith.constant 0 : i32
      %lt3A_184 = arith.cmpi slt, %select_n3A_177, %lt3A_183 : i32
      %ne3A_185 = arith.xori %lt3A_182, %lt3A_184 : i1
      %and3A_186 = arith.andi %ne3A_185, %ne3A_180 : i1
      %add3A_187 = arith.addi %rem3A_178, %select_n3A_177 : i32
      %select_n3A_188 = arith.select %and3A_186, %add3A_187, %rem3A_178 : i32
      %mul3A_189 = arith.constant 64 : i32
      %mul3A_190 = arith.muli %mul3A_189, %select_n3A_188 : i32
      %dma_wait3A_191 = arith.constant 64 : i32
      %dma_wait3A_192 = arith.constant 0 : i32
      %dma_wait3A_193 = tpu.memref_slice %arg11[%dma_wait3A_191, %dma_wait3A_192] : memref<192x128xf32, #tpu.memory_space<vmem>> -> memref<64x128xf32, #tpu.memory_space<vmem>>
      %dma_wait3A_194 = tpu.memref_slice %arg8[%select_n3A_172, %mul3A_190] : memref<79x128xi32, #tpu.memory_space<vmem>> -> memref<1x64xi32, #tpu.memory_space<vmem>>
      %dma_wait3A_195 = tpu.memref_squeeze %dma_wait3A_194 : memref<1x64xi32, #tpu.memory_space<vmem>> -> memref<64xi32, #tpu.memory_space<vmem>>
      %dma_wait3A_196 = arith.constant 0 : i32
      %dma_wait3A_197 = arith.constant 0 : i32
      %dma_wait3A_198 = tpu.memref_slice %arg2[%dma_wait3A_196, %dma_wait3A_197] : memref<10000x128xf32, #tpu.memory_space<hbm>> -> memref<10000x128xf32, #tpu.memory_space<hbm>>
      tpu.wait_indirect_dma semaphore(%arg14 : memref<!tpu.dma_semaphore, #tpu.memory_space<semaphore_mem>>) src(%dma_wait3A_198 : memref<10000x128xf32, #tpu.memory_space<hbm>>) dst(%dma_wait3A_193 : memref<64x128xf32, #tpu.memory_space<vmem>>)
      %jit3A_199 = arith.constant 2 : i32
      %div3A_200 = arith.divsi %add3A_148, %jit3A_199 : i32
      %sign3A_201 = arith.constant 0 : i32
      %sign3A_202 = arith.cmpi sgt, %add3A_148, %sign3A_201 : i32
      %sign3A_203 = arith.extui %sign3A_202 : i1 to i32
      %sign3A_204 = arith.constant 0 : i32
      %sign3A_205 = arith.cmpi slt, %add3A_148, %sign3A_204 : i32
      %sign3A_206 = arith.extui %sign3A_205 : i1 to i32
      %sign3A_207 = arith.subi %sign3A_203, %sign3A_206 : i32
      %sign3A_208 = arith.constant 0 : i32
      %sign3A_209 = arith.cmpi sgt, %jit3A_199, %sign3A_208 : i32
      %sign3A_210 = arith.extui %sign3A_209 : i1 to i32
      %sign3A_211 = arith.constant 0 : i32
      %sign3A_212 = arith.cmpi slt, %jit3A_199, %sign3A_211 : i32
      %sign3A_213 = arith.extui %sign3A_212 : i1 to i32
      %sign3A_214 = arith.subi %sign3A_210, %sign3A_213 : i32
      %ne3A_215 = arith.cmpi ne, %sign3A_207, %sign3A_214 : i32
      %rem3A_216 = arith.remsi %add3A_148, %jit3A_199 : i32
      %ne3A_217 = arith.constant 0 : i32
      %ne3A_218 = arith.cmpi ne, %rem3A_216, %ne3A_217 : i32
      %and3A_219 = arith.andi %ne3A_215, %ne3A_218 : i1
      %sub3A_220 = arith.constant 1 : i32
      %sub3A_221 = arith.subi %div3A_200, %sub3A_220 : i32
      %select_n3A_222 = arith.select %and3A_219, %sub3A_221, %div3A_200 : i32
      %jit3A_223 = arith.constant 2 : i32
      %eq3A_224 = arith.constant 0 : i32
      %eq3A_225 = arith.cmpi eq, %jit3A_223, %eq3A_224 : i32
      %jit3A_226 = arith.constant 1 : i32
      %select_n3A_227 = arith.select %eq3A_225, %jit3A_226, %jit3A_223 : i32
      %rem3A_228 = arith.remsi %add3A_148, %select_n3A_227 : i32
      %ne3A_229 = arith.constant 0 : i32
      %ne3A_230 = arith.cmpi ne, %rem3A_228, %ne3A_229 : i32
      %lt3A_231 = arith.constant 0 : i32
      %lt3A_232 = arith.cmpi slt, %rem3A_228, %lt3A_231 : i32
      %lt3A_233 = arith.constant 0 : i32
      %lt3A_234 = arith.cmpi slt, %select_n3A_227, %lt3A_233 : i32
      %ne3A_235 = arith.xori %lt3A_232, %lt3A_234 : i1
      %and3A_236 = arith.andi %ne3A_235, %ne3A_230 : i1
      %add3A_237 = arith.addi %rem3A_228, %select_n3A_227 : i32
      %select_n3A_238 = arith.select %and3A_236, %add3A_237, %rem3A_228 : i32
      %mul3A_239 = arith.constant 64 : i32
      %mul3A_240 = arith.muli %mul3A_239, %select_n3A_238 : i32
      %dma_start3A_241 = arith.constant 64 : i32
      %dma_start3A_242 = arith.constant 0 : i32
      %dma_start3A_243 = tpu.memref_slice %arg11[%dma_start3A_241, %dma_start3A_242] : memref<192x128xf32, #tpu.memory_space<vmem>> -> memref<64x128xf32, #tpu.memory_space<vmem>>
      %dma_start3A_244 = tpu.memref_slice %arg9[%select_n3A_222, %mul3A_240] : memref<79x128xi32, #tpu.memory_space<vmem>> -> memref<1x64xi32, #tpu.memory_space<vmem>>
      %dma_start3A_245 = tpu.memref_squeeze %dma_start3A_244 : memref<1x64xi32, #tpu.memory_space<vmem>> -> memref<64xi32, #tpu.memory_space<vmem>>
      %dma_start3A_246 = arith.constant 0 : i32
      %dma_start3A_247 = arith.constant 0 : i32
      %dma_start3A_248 = tpu.memref_slice %arg12[%dma_start3A_246, %dma_start3A_247] : memref<10000x128xf32, #tpu.memory_space<vmem_shared>> -> memref<10000x128xf32, #tpu.memory_space<vmem_shared>>
      tpu.enqueue_indirect_dma source(%dma_start3A_243 : memref<64x128xf32, #tpu.memory_space<vmem>>) target(%dma_start3A_248 : memref<10000x128xf32, #tpu.memory_space<vmem_shared>>) offsets(%dma_start3A_245 : memref<64xi32, #tpu.memory_space<vmem>>) semaphore(%arg17 : memref<!tpu.dma_semaphore, #tpu.memory_space<semaphore_mem>>) {add = true}
      %mul3A_249 = arith.constant 3 : i32
      %mul3A_250 = arith.muli %mul3A_249, %scan3A_50 : i32
      %add3A_251 = arith.constant 2 : i32
      %add3A_252 = arith.addi %mul3A_250, %add3A_251 : i32
      %jit3A_253 = arith.constant 2 : i32
      %div3A_254 = arith.divsi %add3A_252, %jit3A_253 : i32
      %sign3A_255 = arith.constant 0 : i32
      %sign3A_256 = arith.cmpi sgt, %add3A_252, %sign3A_255 : i32
      %sign3A_257 = arith.extui %sign3A_256 : i1 to i32
      %sign3A_258 = arith.constant 0 : i32
      %sign3A_259 = arith.cmpi slt, %add3A_252, %sign3A_258 : i32
      %sign3A_260 = arith.extui %sign3A_259 : i1 to i32
      %sign3A_261 = arith.subi %sign3A_257, %sign3A_260 : i32
      %sign3A_262 = arith.constant 0 : i32
      %sign3A_263 = arith.cmpi sgt, %jit3A_253, %sign3A_262 : i32
      %sign3A_264 = arith.extui %sign3A_263 : i1 to i32
      %sign3A_265 = arith.constant 0 : i32
      %sign3A_266 = arith.cmpi slt, %jit3A_253, %sign3A_265 : i32
      %sign3A_267 = arith.extui %sign3A_266 : i1 to i32
      %sign3A_268 = arith.subi %sign3A_264, %sign3A_267 : i32
      %ne3A_269 = arith.cmpi ne, %sign3A_261, %sign3A_268 : i32
      %rem3A_270 = arith.remsi %add3A_252, %jit3A_253 : i32
      %ne3A_271 = arith.constant 0 : i32
      %ne3A_272 = arith.cmpi ne, %rem3A_270, %ne3A_271 : i32
      %and3A_273 = arith.andi %ne3A_269, %ne3A_272 : i1
      %sub3A_274 = arith.constant 1 : i32
      %sub3A_275 = arith.subi %div3A_254, %sub3A_274 : i32
      %select_n3A_276 = arith.select %and3A_273, %sub3A_275, %div3A_254 : i32
      %jit3A_277 = arith.constant 2 : i32
      %eq3A_278 = arith.constant 0 : i32
      %eq3A_279 = arith.cmpi eq, %jit3A_277, %eq3A_278 : i32
      %jit3A_280 = arith.constant 1 : i32
      %select_n3A_281 = arith.select %eq3A_279, %jit3A_280, %jit3A_277 : i32
      %rem3A_282 = arith.remsi %add3A_252, %select_n3A_281 : i32
      %ne3A_283 = arith.constant 0 : i32
      %ne3A_284 = arith.cmpi ne, %rem3A_282, %ne3A_283 : i32
      %lt3A_285 = arith.constant 0 : i32
      %lt3A_286 = arith.cmpi slt, %rem3A_282, %lt3A_285 : i32
      %lt3A_287 = arith.constant 0 : i32
      %lt3A_288 = arith.cmpi slt, %select_n3A_281, %lt3A_287 : i32
      %ne3A_289 = arith.xori %lt3A_286, %lt3A_288 : i1
      %and3A_290 = arith.andi %ne3A_289, %ne3A_284 : i1
      %add3A_291 = arith.addi %rem3A_282, %select_n3A_281 : i32
      %select_n3A_292 = arith.select %and3A_290, %add3A_291, %rem3A_282 : i32
      %mul3A_293 = arith.constant 64 : i32
      %mul3A_294 = arith.muli %mul3A_293, %select_n3A_292 : i32
      %dma_wait3A_295 = arith.constant 128 : i32
      %dma_wait3A_296 = arith.constant 0 : i32
      %dma_wait3A_297 = tpu.memref_slice %arg11[%dma_wait3A_295, %dma_wait3A_296] : memref<192x128xf32, #tpu.memory_space<vmem>> -> memref<64x128xf32, #tpu.memory_space<vmem>>
      %dma_wait3A_298 = tpu.memref_slice %arg8[%select_n3A_276, %mul3A_294] : memref<79x128xi32, #tpu.memory_space<vmem>> -> memref<1x64xi32, #tpu.memory_space<vmem>>
      %dma_wait3A_299 = tpu.memref_squeeze %dma_wait3A_298 : memref<1x64xi32, #tpu.memory_space<vmem>> -> memref<64xi32, #tpu.memory_space<vmem>>
      %dma_wait3A_300 = arith.constant 0 : i32
      %dma_wait3A_301 = arith.constant 0 : i32
      %dma_wait3A_302 = tpu.memref_slice %arg2[%dma_wait3A_300, %dma_wait3A_301] : memref<10000x128xf32, #tpu.memory_space<hbm>> -> memref<10000x128xf32, #tpu.memory_space<hbm>>
      tpu.wait_indirect_dma semaphore(%arg15 : memref<!tpu.dma_semaphore, #tpu.memory_space<semaphore_mem>>) src(%dma_wait3A_302 : memref<10000x128xf32, #tpu.memory_space<hbm>>) dst(%dma_wait3A_297 : memref<64x128xf32, #tpu.memory_space<vmem>>)
      %jit3A_303 = arith.constant 2 : i32
      %div3A_304 = arith.divsi %add3A_252, %jit3A_303 : i32
      %sign3A_305 = arith.constant 0 : i32
      %sign3A_306 = arith.cmpi sgt, %add3A_252, %sign3A_305 : i32
      %sign3A_307 = arith.extui %sign3A_306 : i1 to i32
      %sign3A_308 = arith.constant 0 : i32
      %sign3A_309 = arith.cmpi slt, %add3A_252, %sign3A_308 : i32
      %sign3A_310 = arith.extui %sign3A_309 : i1 to i32
      %sign3A_311 = arith.subi %sign3A_307, %sign3A_310 : i32
      %sign3A_312 = arith.constant 0 : i32
      %sign3A_313 = arith.cmpi sgt, %jit3A_303, %sign3A_312 : i32
      %sign3A_314 = arith.extui %sign3A_313 : i1 to i32
      %sign3A_315 = arith.constant 0 : i32
      %sign3A_316 = arith.cmpi slt, %jit3A_303, %sign3A_315 : i32
      %sign3A_317 = arith.extui %sign3A_316 : i1 to i32
      %sign3A_318 = arith.subi %sign3A_314, %sign3A_317 : i32
      %ne3A_319 = arith.cmpi ne, %sign3A_311, %sign3A_318 : i32
      %rem3A_320 = arith.remsi %add3A_252, %jit3A_303 : i32
      %ne3A_321 = arith.constant 0 : i32
      %ne3A_322 = arith.cmpi ne, %rem3A_320, %ne3A_321 : i32
      %and3A_323 = arith.andi %ne3A_319, %ne3A_322 : i1
      %sub3A_324 = arith.constant 1 : i32
      %sub3A_325 = arith.subi %div3A_304, %sub3A_324 : i32
      %select_n3A_326 = arith.select %and3A_323, %sub3A_325, %div3A_304 : i32
      %jit3A_327 = arith.constant 2 : i32
      %eq3A_328 = arith.constant 0 : i32
      %eq3A_329 = arith.cmpi eq, %jit3A_327, %eq3A_328 : i32
      %jit3A_330 = arith.constant 1 : i32
      %select_n3A_331 = arith.select %eq3A_329, %jit3A_330, %jit3A_327 : i32
      %rem3A_332 = arith.remsi %add3A_252, %select_n3A_331 : i32
      %ne3A_333 = arith.constant 0 : i32
      %ne3A_334 = arith.cmpi ne, %rem3A_332, %ne3A_333 : i32
      %lt3A_335 = arith.constant 0 : i32
      %lt3A_336 = arith.cmpi slt, %rem3A_332, %lt3A_335 : i32
      %lt3A_337 = arith.constant 0 : i32
      %lt3A_338 = arith.cmpi slt, %select_n3A_331, %lt3A_337 : i32
      %ne3A_339 = arith.xori %lt3A_336, %lt3A_338 : i1
      %and3A_340 = arith.andi %ne3A_339, %ne3A_334 : i1
      %add3A_341 = arith.addi %rem3A_332, %select_n3A_331 : i32
      %select_n3A_342 = arith.select %and3A_340, %add3A_341, %rem3A_332 : i32
      %mul3A_343 = arith.constant 64 : i32
      %mul3A_344 = arith.muli %mul3A_343, %select_n3A_342 : i32
      %dma_start3A_345 = arith.constant 128 : i32
      %dma_start3A_346 = arith.constant 0 : i32
      %dma_start3A_347 = tpu.memref_slice %arg11[%dma_start3A_345, %dma_start3A_346] : memref<192x128xf32, #tpu.memory_space<vmem>> -> memref<64x128xf32, #tpu.memory_space<vmem>>
      %dma_start3A_348 = tpu.memref_slice %arg9[%select_n3A_326, %mul3A_344] : memref<79x128xi32, #tpu.memory_space<vmem>> -> memref<1x64xi32, #tpu.memory_space<vmem>>
      %dma_start3A_349 = tpu.memref_squeeze %dma_start3A_348 : memref<1x64xi32, #tpu.memory_space<vmem>> -> memref<64xi32, #tpu.memory_space<vmem>>
      %dma_start3A_350 = arith.constant 0 : i32
      %dma_start3A_351 = arith.constant 0 : i32
      %dma_start3A_352 = tpu.memref_slice %arg12[%dma_start3A_350, %dma_start3A_351] : memref<10000x128xf32, #tpu.memory_space<vmem_shared>> -> memref<10000x128xf32, #tpu.memory_space<vmem_shared>>
      tpu.enqueue_indirect_dma source(%dma_start3A_347 : memref<64x128xf32, #tpu.memory_space<vmem>>) target(%dma_start3A_352 : memref<10000x128xf32, #tpu.memory_space<vmem_shared>>) offsets(%dma_start3A_349 : memref<64xi32, #tpu.memory_space<vmem>>) semaphore(%arg18 : memref<!tpu.dma_semaphore, #tpu.memory_space<semaphore_mem>>) {add = true}
      %mul3A_353 = arith.constant 3 : i32
      %mul3A_354 = arith.muli %mul3A_353, %scan3A_50 : i32
      %add3A_355 = arith.constant 0 : i32
      %add3A_356 = arith.addi %mul3A_354, %add3A_355 : i32
      %jit3A_357 = arith.constant 2 : i32
      %div3A_358 = arith.divsi %add3A_356, %jit3A_357 : i32
      %sign3A_359 = arith.constant 0 : i32
      %sign3A_360 = arith.cmpi sgt, %add3A_356, %sign3A_359 : i32
      %sign3A_361 = arith.extui %sign3A_360 : i1 to i32
      %sign3A_362 = arith.constant 0 : i32
      %sign3A_363 = arith.cmpi slt, %add3A_356, %sign3A_362 : i32
      %sign3A_364 = arith.extui %sign3A_363 : i1 to i32
      %sign3A_365 = arith.subi %sign3A_361, %sign3A_364 : i32
      %sign3A_366 = arith.constant 0 : i32
      %sign3A_367 = arith.cmpi sgt, %jit3A_357, %sign3A_366 : i32
      %sign3A_368 = arith.extui %sign3A_367 : i1 to i32
      %sign3A_369 = arith.constant 0 : i32
      %sign3A_370 = arith.cmpi slt, %jit3A_357, %sign3A_369 : i32
      %sign3A_371 = arith.extui %sign3A_370 : i1 to i32
      %sign3A_372 = arith.subi %sign3A_368, %sign3A_371 : i32
      %ne3A_373 = arith.cmpi ne, %sign3A_365, %sign3A_372 : i32
      %rem3A_374 = arith.remsi %add3A_356, %jit3A_357 : i32
      %ne3A_375 = arith.constant 0 : i32
      %ne3A_376 = arith.cmpi ne, %rem3A_374, %ne3A_375 : i32
      %and3A_377 = arith.andi %ne3A_373, %ne3A_376 : i1
      %sub3A_378 = arith.constant 1 : i32
      %sub3A_379 = arith.subi %div3A_358, %sub3A_378 : i32
      %select_n3A_380 = arith.select %and3A_377, %sub3A_379, %div3A_358 : i32
      %jit3A_381 = arith.constant 2 : i32
      %eq3A_382 = arith.constant 0 : i32
      %eq3A_383 = arith.cmpi eq, %jit3A_381, %eq3A_382 : i32
      %jit3A_384 = arith.constant 1 : i32
      %select_n3A_385 = arith.select %eq3A_383, %jit3A_384, %jit3A_381 : i32
      %rem3A_386 = arith.remsi %add3A_356, %select_n3A_385 : i32
      %ne3A_387 = arith.constant 0 : i32
      %ne3A_388 = arith.cmpi ne, %rem3A_386, %ne3A_387 : i32
      %lt3A_389 = arith.constant 0 : i32
      %lt3A_390 = arith.cmpi slt, %rem3A_386, %lt3A_389 : i32
      %lt3A_391 = arith.constant 0 : i32
      %lt3A_392 = arith.cmpi slt, %select_n3A_385, %lt3A_391 : i32
      %ne3A_393 = arith.xori %lt3A_390, %lt3A_392 : i1
      %and3A_394 = arith.andi %ne3A_393, %ne3A_388 : i1
      %add3A_395 = arith.addi %rem3A_386, %select_n3A_385 : i32
      %select_n3A_396 = arith.select %and3A_394, %add3A_395, %rem3A_386 : i32
      %mul3A_397 = arith.constant 64 : i32
      %mul3A_398 = arith.muli %mul3A_397, %select_n3A_396 : i32
      %dma_wait3A_399 = arith.constant 0 : i32
      %dma_wait3A_400 = arith.constant 0 : i32
      %dma_wait3A_401 = tpu.memref_slice %arg11[%dma_wait3A_399, %dma_wait3A_400] : memref<192x128xf32, #tpu.memory_space<vmem>> -> memref<64x128xf32, #tpu.memory_space<vmem>>
      %dma_wait3A_402 = tpu.memref_slice %arg9[%select_n3A_380, %mul3A_398] : memref<79x128xi32, #tpu.memory_space<vmem>> -> memref<1x64xi32, #tpu.memory_space<vmem>>
      %dma_wait3A_403 = tpu.memref_squeeze %dma_wait3A_402 : memref<1x64xi32, #tpu.memory_space<vmem>> -> memref<64xi32, #tpu.memory_space<vmem>>
      %dma_wait3A_404 = arith.constant 0 : i32
      %dma_wait3A_405 = arith.constant 0 : i32
      %dma_wait3A_406 = tpu.memref_slice %arg12[%dma_wait3A_404, %dma_wait3A_405] : memref<10000x128xf32, #tpu.memory_space<vmem_shared>> -> memref<10000x128xf32, #tpu.memory_space<vmem_shared>>
      tpu.wait_indirect_dma semaphore(%arg16 : memref<!tpu.dma_semaphore, #tpu.memory_space<semaphore_mem>>) src(%dma_wait3A_401 : memref<64x128xf32, #tpu.memory_space<vmem>>) dst(%dma_wait3A_406 : memref<10000x128xf32, #tpu.memory_space<vmem_shared>>)
      %add3A_407 = arith.constant 3 : i32
      %add3A_408 = arith.addi %add3A_356, %add3A_407 : i32
      %lt3A_409 = arith.constant 156 : i32
      %lt3A_410 = arith.cmpi slt, %add3A_408, %lt3A_409 : i32
      %convert_element_type3A_411 = arith.extui %lt3A_410 : i1 to i32
      %cond3A_412 = arith.constant 0 : i32
      %cond3A_413 = arith.cmpi ne, %convert_element_type3A_411, %cond3A_412 : i32
      scf.if %cond3A_413 {
        %add3A_536 = arith.constant 3 : i32
        %add3A_537 = arith.addi %add3A_356, %add3A_536 : i32
        %jit3A_538 = arith.constant 2 : i32
        %div3A_539 = arith.divsi %add3A_537, %jit3A_538 : i32
        %sign3A_540 = arith.constant 0 : i32
        %sign3A_541 = arith.cmpi sgt, %add3A_537, %sign3A_540 : i32
        %sign3A_542 = arith.extui %sign3A_541 : i1 to i32
        %sign3A_543 = arith.constant 0 : i32
        %sign3A_544 = arith.cmpi slt, %add3A_537, %sign3A_543 : i32
        %sign3A_545 = arith.extui %sign3A_544 : i1 to i32
        %sign3A_546 = arith.subi %sign3A_542, %sign3A_545 : i32
        %sign3A_547 = arith.constant 0 : i32
        %sign3A_548 = arith.cmpi sgt, %jit3A_538, %sign3A_547 : i32
        %sign3A_549 = arith.extui %sign3A_548 : i1 to i32
        %sign3A_550 = arith.constant 0 : i32
        %sign3A_551 = arith.cmpi slt, %jit3A_538, %sign3A_550 : i32
        %sign3A_552 = arith.extui %sign3A_551 : i1 to i32
        %sign3A_553 = arith.subi %sign3A_549, %sign3A_552 : i32
        %ne3A_554 = arith.cmpi ne, %sign3A_546, %sign3A_553 : i32
        %rem3A_555 = arith.remsi %add3A_537, %jit3A_538 : i32
        %ne3A_556 = arith.constant 0 : i32
        %ne3A_557 = arith.cmpi ne, %rem3A_555, %ne3A_556 : i32
        %and3A_558 = arith.andi %ne3A_554, %ne3A_557 : i1
        %sub3A_559 = arith.constant 1 : i32
        %sub3A_560 = arith.subi %div3A_539, %sub3A_559 : i32
        %select_n3A_561 = arith.select %and3A_558, %sub3A_560, %div3A_539 : i32
        %jit3A_562 = arith.constant 2 : i32
        %eq3A_563 = arith.constant 0 : i32
        %eq3A_564 = arith.cmpi eq, %jit3A_562, %eq3A_563 : i32
        %jit3A_565 = arith.constant 1 : i32
        %select_n3A_566 = arith.select %eq3A_564, %jit3A_565, %jit3A_562 : i32
        %rem3A_567 = arith.remsi %add3A_537, %select_n3A_566 : i32
        %ne3A_568 = arith.constant 0 : i32
        %ne3A_569 = arith.cmpi ne, %rem3A_567, %ne3A_568 : i32
        %lt3A_570 = arith.constant 0 : i32
        %lt3A_571 = arith.cmpi slt, %rem3A_567, %lt3A_570 : i32
        %lt3A_572 = arith.constant 0 : i32
        %lt3A_573 = arith.cmpi slt, %select_n3A_566, %lt3A_572 : i32
        %ne3A_574 = arith.xori %lt3A_571, %lt3A_573 : i1
        %and3A_575 = arith.andi %ne3A_574, %ne3A_569 : i1
        %add3A_576 = arith.addi %rem3A_567, %select_n3A_566 : i32
        %select_n3A_577 = arith.select %and3A_575, %add3A_576, %rem3A_567 : i32
        %mul3A_578 = arith.constant 64 : i32
        %mul3A_579 = arith.muli %mul3A_578, %select_n3A_577 : i32
        %dma_start3A_580 = arith.constant 0 : i32
        %dma_start3A_581 = arith.constant 0 : i32
        %dma_start3A_582 = tpu.memref_slice %arg11[%dma_start3A_580, %dma_start3A_581] : memref<192x128xf32, #tpu.memory_space<vmem>> -> memref<64x128xf32, #tpu.memory_space<vmem>>
        %dma_start3A_583 = tpu.memref_slice %arg8[%select_n3A_561, %mul3A_579] : memref<79x128xi32, #tpu.memory_space<vmem>> -> memref<1x64xi32, #tpu.memory_space<vmem>>
        %dma_start3A_584 = tpu.memref_squeeze %dma_start3A_583 : memref<1x64xi32, #tpu.memory_space<vmem>> -> memref<64xi32, #tpu.memory_space<vmem>>
        %dma_start3A_585 = arith.constant 0 : i32
        %dma_start3A_586 = arith.constant 0 : i32
        %dma_start3A_587 = tpu.memref_slice %arg2[%dma_start3A_585, %dma_start3A_586] : memref<10000x128xf32, #tpu.memory_space<hbm>> -> memref<10000x128xf32, #tpu.memory_space<hbm>>
        tpu.enqueue_indirect_dma source(%dma_start3A_587 : memref<10000x128xf32, #tpu.memory_space<hbm>>) target(%dma_start3A_582 : memref<64x128xf32, #tpu.memory_space<vmem>>) offsets(%dma_start3A_584 : memref<64xi32, #tpu.memory_space<vmem>>) semaphore(%arg13 : memref<!tpu.dma_semaphore, #tpu.memory_space<semaphore_mem>>)
      } else {
      }
      %mul3A_414 = arith.constant 3 : i32
      %mul3A_415 = arith.muli %mul3A_414, %scan3A_50 : i32
      %add3A_416 = arith.constant 1 : i32
      %add3A_417 = arith.addi %mul3A_415, %add3A_416 : i32
      %jit3A_418 = arith.constant 2 : i32
      %div3A_419 = arith.divsi %add3A_417, %jit3A_418 : i32
      %sign3A_420 = arith.constant 0 : i32
      %sign3A_421 = arith.cmpi sgt, %add3A_417, %sign3A_420 : i32
      %sign3A_422 = arith.extui %sign3A_421 : i1 to i32
      %sign3A_423 = arith.constant 0 : i32
      %sign3A_424 = arith.cmpi slt, %add3A_417, %sign3A_423 : i32
      %sign3A_425 = arith.extui %sign3A_424 : i1 to i32
      %sign3A_426 = arith.subi %sign3A_422, %sign3A_425 : i32
      %sign3A_427 = arith.constant 0 : i32
      %sign3A_428 = arith.cmpi sgt, %jit3A_418, %sign3A_427 : i32
      %sign3A_429 = arith.extui %sign3A_428 : i1 to i32
      %sign3A_430 = arith.constant 0 : i32
      %sign3A_431 = arith.cmpi slt, %jit3A_418, %sign3A_430 : i32
      %sign3A_432 = arith.extui %sign3A_431 : i1 to i32
      %sign3A_433 = arith.subi %sign3A_429, %sign3A_432 : i32
      %ne3A_434 = arith.cmpi ne, %sign3A_426, %sign3A_433 : i32
      %rem3A_435 = arith.remsi %add3A_417, %jit3A_418 : i32
      %ne3A_436 = arith.constant 0 : i32
      %ne3A_437 = arith.cmpi ne, %rem3A_435, %ne3A_436 : i32
      %and3A_438 = arith.andi %ne3A_434, %ne3A_437 : i1
      %sub3A_439 = arith.constant 1 : i32
      %sub3A_440 = arith.subi %div3A_419, %sub3A_439 : i32
      %select_n3A_441 = arith.select %and3A_438, %sub3A_440, %div3A_419 : i32
      %jit3A_442 = arith.constant 2 : i32
      %eq3A_443 = arith.constant 0 : i32
      %eq3A_444 = arith.cmpi eq, %jit3A_442, %eq3A_443 : i32
      %jit3A_445 = arith.constant 1 : i32
      %select_n3A_446 = arith.select %eq3A_444, %jit3A_445, %jit3A_442 : i32
      %rem3A_447 = arith.remsi %add3A_417, %select_n3A_446 : i32
      %ne3A_448 = arith.constant 0 : i32
      %ne3A_449 = arith.cmpi ne, %rem3A_447, %ne3A_448 : i32
      %lt3A_450 = arith.constant 0 : i32
      %lt3A_451 = arith.cmpi slt, %rem3A_447, %lt3A_450 : i32
      %lt3A_452 = arith.constant 0 : i32
      %lt3A_453 = arith.cmpi slt, %select_n3A_446, %lt3A_452 : i32
      %ne3A_454 = arith.xori %lt3A_451, %lt3A_453 : i1
      %and3A_455 = arith.andi %ne3A_454, %ne3A_449 : i1
      %add3A_456 = arith.addi %rem3A_447, %select_n3A_446 : i32
      %select_n3A_457 = arith.select %and3A_455, %add3A_456, %rem3A_447 : i32
      %mul3A_458 = arith.constant 64 : i32
      %mul3A_459 = arith.muli %mul3A_458, %select_n3A_457 : i32
      %dma_wait3A_460 = arith.constant 64 : i32
      %dma_wait3A_461 = arith.constant 0 : i32
      %dma_wait3A_462 = tpu.memref_slice %arg11[%dma_wait3A_460, %dma_wait3A_461] : memref<192x128xf32, #tpu.memory_space<vmem>> -> memref<64x128xf32, #tpu.memory_space<vmem>>
      %dma_wait3A_463 = tpu.memref_slice %arg9[%select_n3A_441, %mul3A_459] : memref<79x128xi32, #tpu.memory_space<vmem>> -> memref<1x64xi32, #tpu.memory_space<vmem>>
      %dma_wait3A_464 = tpu.memref_squeeze %dma_wait3A_463 : memref<1x64xi32, #tpu.memory_space<vmem>> -> memref<64xi32, #tpu.memory_space<vmem>>
      %dma_wait3A_465 = arith.constant 0 : i32
      %dma_wait3A_466 = arith.constant 0 : i32
      %dma_wait3A_467 = tpu.memref_slice %arg12[%dma_wait3A_465, %dma_wait3A_466] : memref<10000x128xf32, #tpu.memory_space<vmem_shared>> -> memref<10000x128xf32, #tpu.memory_space<vmem_shared>>
      tpu.wait_indirect_dma semaphore(%arg17 : memref<!tpu.dma_semaphore, #tpu.memory_space<semaphore_mem>>) src(%dma_wait3A_462 : memref<64x128xf32, #tpu.memory_space<vmem>>) dst(%dma_wait3A_467 : memref<10000x128xf32, #tpu.memory_space<vmem_shared>>)
      %add3A_468 = arith.constant 3 : i32
      %add3A_469 = arith.addi %add3A_417, %add3A_468 : i32
      %lt3A_470 = arith.constant 156 : i32
      %lt3A_471 = arith.cmpi slt, %add3A_469, %lt3A_470 : i32
      %convert_element_type3A_472 = arith.extui %lt3A_471 : i1 to i32
      %cond3A_473 = arith.constant 0 : i32
      %cond3A_474 = arith.cmpi ne, %convert_element_type3A_472, %cond3A_473 : i32
      scf.if %cond3A_474 {
        %add3A_536 = arith.constant 3 : i32
        %add3A_537 = arith.addi %add3A_417, %add3A_536 : i32
        %jit3A_538 = arith.constant 2 : i32
        %div3A_539 = arith.divsi %add3A_537, %jit3A_538 : i32
        %sign3A_540 = arith.constant 0 : i32
        %sign3A_541 = arith.cmpi sgt, %add3A_537, %sign3A_540 : i32
        %sign3A_542 = arith.extui %sign3A_541 : i1 to i32
        %sign3A_543 = arith.constant 0 : i32
        %sign3A_544 = arith.cmpi slt, %add3A_537, %sign3A_543 : i32
        %sign3A_545 = arith.extui %sign3A_544 : i1 to i32
        %sign3A_546 = arith.subi %sign3A_542, %sign3A_545 : i32
        %sign3A_547 = arith.constant 0 : i32
        %sign3A_548 = arith.cmpi sgt, %jit3A_538, %sign3A_547 : i32
        %sign3A_549 = arith.extui %sign3A_548 : i1 to i32
        %sign3A_550 = arith.constant 0 : i32
        %sign3A_551 = arith.cmpi slt, %jit3A_538, %sign3A_550 : i32
        %sign3A_552 = arith.extui %sign3A_551 : i1 to i32
        %sign3A_553 = arith.subi %sign3A_549, %sign3A_552 : i32
        %ne3A_554 = arith.cmpi ne, %sign3A_546, %sign3A_553 : i32
        %rem3A_555 = arith.remsi %add3A_537, %jit3A_538 : i32
        %ne3A_556 = arith.constant 0 : i32
        %ne3A_557 = arith.cmpi ne, %rem3A_555, %ne3A_556 : i32
        %and3A_558 = arith.andi %ne3A_554, %ne3A_557 : i1
        %sub3A_559 = arith.constant 1 : i32
        %sub3A_560 = arith.subi %div3A_539, %sub3A_559 : i32
        %select_n3A_561 = arith.select %and3A_558, %sub3A_560, %div3A_539 : i32
        %jit3A_562 = arith.constant 2 : i32
        %eq3A_563 = arith.constant 0 : i32
        %eq3A_564 = arith.cmpi eq, %jit3A_562, %eq3A_563 : i32
        %jit3A_565 = arith.constant 1 : i32
        %select_n3A_566 = arith.select %eq3A_564, %jit3A_565, %jit3A_562 : i32
        %rem3A_567 = arith.remsi %add3A_537, %select_n3A_566 : i32
        %ne3A_568 = arith.constant 0 : i32
        %ne3A_569 = arith.cmpi ne, %rem3A_567, %ne3A_568 : i32
        %lt3A_570 = arith.constant 0 : i32
        %lt3A_571 = arith.cmpi slt, %rem3A_567, %lt3A_570 : i32
        %lt3A_572 = arith.constant 0 : i32
        %lt3A_573 = arith.cmpi slt, %select_n3A_566, %lt3A_572 : i32
        %ne3A_574 = arith.xori %lt3A_571, %lt3A_573 : i1
        %and3A_575 = arith.andi %ne3A_574, %ne3A_569 : i1
        %add3A_576 = arith.addi %rem3A_567, %select_n3A_566 : i32
        %select_n3A_577 = arith.select %and3A_575, %add3A_576, %rem3A_567 : i32
        %mul3A_578 = arith.constant 64 : i32
        %mul3A_579 = arith.muli %mul3A_578, %select_n3A_577 : i32
        %dma_start3A_580 = arith.constant 64 : i32
        %dma_start3A_581 = arith.constant 0 : i32
        %dma_start3A_582 = tpu.memref_slice %arg11[%dma_start3A_580, %dma_start3A_581] : memref<192x128xf32, #tpu.memory_space<vmem>> -> memref<64x128xf32, #tpu.memory_space<vmem>>
        %dma_start3A_583 = tpu.memref_slice %arg8[%select_n3A_561, %mul3A_579] : memref<79x128xi32, #tpu.memory_space<vmem>> -> memref<1x64xi32, #tpu.memory_space<vmem>>
        %dma_start3A_584 = tpu.memref_squeeze %dma_start3A_583 : memref<1x64xi32, #tpu.memory_space<vmem>> -> memref<64xi32, #tpu.memory_space<vmem>>
        %dma_start3A_585 = arith.constant 0 : i32
        %dma_start3A_586 = arith.constant 0 : i32
        %dma_start3A_587 = tpu.memref_slice %arg2[%dma_start3A_585, %dma_start3A_586] : memref<10000x128xf32, #tpu.memory_space<hbm>> -> memref<10000x128xf32, #tpu.memory_space<hbm>>
        tpu.enqueue_indirect_dma source(%dma_start3A_587 : memref<10000x128xf32, #tpu.memory_space<hbm>>) target(%dma_start3A_582 : memref<64x128xf32, #tpu.memory_space<vmem>>) offsets(%dma_start3A_584 : memref<64xi32, #tpu.memory_space<vmem>>) semaphore(%arg14 : memref<!tpu.dma_semaphore, #tpu.memory_space<semaphore_mem>>)
      } else {
      }
      %mul3A_475 = arith.constant 3 : i32
      %mul3A_476 = arith.muli %mul3A_475, %scan3A_50 : i32
      %add3A_477 = arith.constant 2 : i32
      %add3A_478 = arith.addi %mul3A_476, %add3A_477 : i32
      %jit3A_479 = arith.constant 2 : i32
      %div3A_480 = arith.divsi %add3A_478, %jit3A_479 : i32
      %sign3A_481 = arith.constant 0 : i32
      %sign3A_482 = arith.cmpi sgt, %add3A_478, %sign3A_481 : i32
      %sign3A_483 = arith.extui %sign3A_482 : i1 to i32
      %sign3A_484 = arith.constant 0 : i32
      %sign3A_485 = arith.cmpi slt, %add3A_478, %sign3A_484 : i32
      %sign3A_486 = arith.extui %sign3A_485 : i1 to i32
      %sign3A_487 = arith.subi %sign3A_483, %sign3A_486 : i32
      %sign3A_488 = arith.constant 0 : i32
      %sign3A_489 = arith.cmpi sgt, %jit3A_479, %sign3A_488 : i32
      %sign3A_490 = arith.extui %sign3A_489 : i1 to i32
      %sign3A_491 = arith.constant 0 : i32
      %sign3A_492 = arith.cmpi slt, %jit3A_479, %sign3A_491 : i32
      %sign3A_493 = arith.extui %sign3A_492 : i1 to i32
      %sign3A_494 = arith.subi %sign3A_490, %sign3A_493 : i32
      %ne3A_495 = arith.cmpi ne, %sign3A_487, %sign3A_494 : i32
      %rem3A_496 = arith.remsi %add3A_478, %jit3A_479 : i32
      %ne3A_497 = arith.constant 0 : i32
      %ne3A_498 = arith.cmpi ne, %rem3A_496, %ne3A_497 : i32
      %and3A_499 = arith.andi %ne3A_495, %ne3A_498 : i1
      %sub3A_500 = arith.constant 1 : i32
      %sub3A_501 = arith.subi %div3A_480, %sub3A_500 : i32
      %select_n3A_502 = arith.select %and3A_499, %sub3A_501, %div3A_480 : i32
      %jit3A_503 = arith.constant 2 : i32
      %eq3A_504 = arith.constant 0 : i32
      %eq3A_505 = arith.cmpi eq, %jit3A_503, %eq3A_504 : i32
      %jit3A_506 = arith.constant 1 : i32
      %select_n3A_507 = arith.select %eq3A_505, %jit3A_506, %jit3A_503 : i32
      %rem3A_508 = arith.remsi %add3A_478, %select_n3A_507 : i32
      %ne3A_509 = arith.constant 0 : i32
      %ne3A_510 = arith.cmpi ne, %rem3A_508, %ne3A_509 : i32
      %lt3A_511 = arith.constant 0 : i32
      %lt3A_512 = arith.cmpi slt, %rem3A_508, %lt3A_511 : i32
      %lt3A_513 = arith.constant 0 : i32
      %lt3A_514 = arith.cmpi slt, %select_n3A_507, %lt3A_513 : i32
      %ne3A_515 = arith.xori %lt3A_512, %lt3A_514 : i1
      %and3A_516 = arith.andi %ne3A_515, %ne3A_510 : i1
      %add3A_517 = arith.addi %rem3A_508, %select_n3A_507 : i32
      %select_n3A_518 = arith.select %and3A_516, %add3A_517, %rem3A_508 : i32
      %mul3A_519 = arith.constant 64 : i32
      %mul3A_520 = arith.muli %mul3A_519, %select_n3A_518 : i32
      %dma_wait3A_521 = arith.constant 128 : i32
      %dma_wait3A_522 = arith.constant 0 : i32
      %dma_wait3A_523 = tpu.memref_slice %arg11[%dma_wait3A_521, %dma_wait3A_522] : memref<192x128xf32, #tpu.memory_space<vmem>> -> memref<64x128xf32, #tpu.memory_space<vmem>>
      %dma_wait3A_524 = tpu.memref_slice %arg9[%select_n3A_502, %mul3A_520] : memref<79x128xi32, #tpu.memory_space<vmem>> -> memref<1x64xi32, #tpu.memory_space<vmem>>
      %dma_wait3A_525 = tpu.memref_squeeze %dma_wait3A_524 : memref<1x64xi32, #tpu.memory_space<vmem>> -> memref<64xi32, #tpu.memory_space<vmem>>
      %dma_wait3A_526 = arith.constant 0 : i32
      %dma_wait3A_527 = arith.constant 0 : i32
      %dma_wait3A_528 = tpu.memref_slice %arg12[%dma_wait3A_526, %dma_wait3A_527] : memref<10000x128xf32, #tpu.memory_space<vmem_shared>> -> memref<10000x128xf32, #tpu.memory_space<vmem_shared>>
      tpu.wait_indirect_dma semaphore(%arg18 : memref<!tpu.dma_semaphore, #tpu.memory_space<semaphore_mem>>) src(%dma_wait3A_523 : memref<64x128xf32, #tpu.memory_space<vmem>>) dst(%dma_wait3A_528 : memref<10000x128xf32, #tpu.memory_space<vmem_shared>>)
      %add3A_529 = arith.constant 3 : i32
      %add3A_530 = arith.addi %add3A_478, %add3A_529 : i32
      %lt3A_531 = arith.constant 156 : i32
      %lt3A_532 = arith.cmpi slt, %add3A_530, %lt3A_531 : i32
      %convert_element_type3A_533 = arith.extui %lt3A_532 : i1 to i32
      %cond3A_534 = arith.constant 0 : i32
      %cond3A_535 = arith.cmpi ne, %convert_element_type3A_533, %cond3A_534 : i32
      scf.if %cond3A_535 {
        %add3A_536 = arith.constant 3 : i32
        %add3A_537 = arith.addi %add3A_478, %add3A_536 : i32
        %jit3A_538 = arith.constant 2 : i32
        %div3A_539 = arith.divsi %add3A_537, %jit3A_538 : i32
        %sign3A_540 = arith.constant 0 : i32
        %sign3A_541 = arith.cmpi sgt, %add3A_537, %sign3A_540 : i32
        %sign3A_542 = arith.extui %sign3A_541 : i1 to i32
        %sign3A_543 = arith.constant 0 : i32
        %sign3A_544 = arith.cmpi slt, %add3A_537, %sign3A_543 : i32
        %sign3A_545 = arith.extui %sign3A_544 : i1 to i32
        %sign3A_546 = arith.subi %sign3A_542, %sign3A_545 : i32
        %sign3A_547 = arith.constant 0 : i32
        %sign3A_548 = arith.cmpi sgt, %jit3A_538, %sign3A_547 : i32
        %sign3A_549 = arith.extui %sign3A_548 : i1 to i32
        %sign3A_550 = arith.constant 0 : i32
        %sign3A_551 = arith.cmpi slt, %jit3A_538, %sign3A_550 : i32
        %sign3A_552 = arith.extui %sign3A_551 : i1 to i32
        %sign3A_553 = arith.subi %sign3A_549, %sign3A_552 : i32
        %ne3A_554 = arith.cmpi ne, %sign3A_546, %sign3A_553 : i32
        %rem3A_555 = arith.remsi %add3A_537, %jit3A_538 : i32
        %ne3A_556 = arith.constant 0 : i32
        %ne3A_557 = arith.cmpi ne, %rem3A_555, %ne3A_556 : i32
        %and3A_558 = arith.andi %ne3A_554, %ne3A_557 : i1
        %sub3A_559 = arith.constant 1 : i32
        %sub3A_560 = arith.subi %div3A_539, %sub3A_559 : i32
        %select_n3A_561 = arith.select %and3A_558, %sub3A_560, %div3A_539 : i32
        %jit3A_562 = arith.constant 2 : i32
        %eq3A_563 = arith.constant 0 : i32
        %eq3A_564 = arith.cmpi eq, %jit3A_562, %eq3A_563 : i32
        %jit3A_565 = arith.constant 1 : i32
        %select_n3A_566 = arith.select %eq3A_564, %jit3A_565, %jit3A_562 : i32
        %rem3A_567 = arith.remsi %add3A_537, %select_n3A_566 : i32
        %ne3A_568 = arith.constant 0 : i32
        %ne3A_569 = arith.cmpi ne, %rem3A_567, %ne3A_568 : i32
        %lt3A_570 = arith.constant 0 : i32
        %lt3A_571 = arith.cmpi slt, %rem3A_567, %lt3A_570 : i32
        %lt3A_572 = arith.constant 0 : i32
        %lt3A_573 = arith.cmpi slt, %select_n3A_566, %lt3A_572 : i32
        %ne3A_574 = arith.xori %lt3A_571, %lt3A_573 : i1
        %and3A_575 = arith.andi %ne3A_574, %ne3A_569 : i1
        %add3A_576 = arith.addi %rem3A_567, %select_n3A_566 : i32
        %select_n3A_577 = arith.select %and3A_575, %add3A_576, %rem3A_567 : i32
        %mul3A_578 = arith.constant 64 : i32
        %mul3A_579 = arith.muli %mul3A_578, %select_n3A_577 : i32
        %dma_start3A_580 = arith.constant 128 : i32
        %dma_start3A_581 = arith.constant 0 : i32
        %dma_start3A_582 = tpu.memref_slice %arg11[%dma_start3A_580, %dma_start3A_581] : memref<192x128xf32, #tpu.memory_space<vmem>> -> memref<64x128xf32, #tpu.memory_space<vmem>>
        %dma_start3A_583 = tpu.memref_slice %arg8[%select_n3A_561, %mul3A_579] : memref<79x128xi32, #tpu.memory_space<vmem>> -> memref<1x64xi32, #tpu.memory_space<vmem>>
        %dma_start3A_584 = tpu.memref_squeeze %dma_start3A_583 : memref<1x64xi32, #tpu.memory_space<vmem>> -> memref<64xi32, #tpu.memory_space<vmem>>
        %dma_start3A_585 = arith.constant 0 : i32
        %dma_start3A_586 = arith.constant 0 : i32
        %dma_start3A_587 = tpu.memref_slice %arg2[%dma_start3A_585, %dma_start3A_586] : memref<10000x128xf32, #tpu.memory_space<hbm>> -> memref<10000x128xf32, #tpu.memory_space<hbm>>
        tpu.enqueue_indirect_dma source(%dma_start3A_587 : memref<10000x128xf32, #tpu.memory_space<hbm>>) target(%dma_start3A_582 : memref<64x128xf32, #tpu.memory_space<vmem>>) offsets(%dma_start3A_584 : memref<64xi32, #tpu.memory_space<vmem>>) semaphore(%arg15 : memref<!tpu.dma_semaphore, #tpu.memory_space<semaphore_mem>>)
      } else {
      }
    }
    %scan3A_38 = arith.constant 52 : i32
    %run_scoped3A = arith.constant 78 : i32
    "tpu.region"() ({
      %run_scoped3A_50 = tpu.sem_alloc : memref<!tpu.dma_semaphore, #tpu.memory_space<semaphore_mem>>
      %dma_start3A_51 = arith.constant 0 : i32
      %dma_start3A_52 = arith.constant 0 : i32
      %dma_start3A_53 = tpu.memref_slice %arg11[%dma_start3A_51, %dma_start3A_52] : memref<192x128xf32, #tpu.memory_space<vmem>> -> memref<16x128xf32, #tpu.memory_space<vmem>>
      %dma_start3A_54 = arith.constant 0 : i32
      %dma_start3A_55 = tpu.memref_slice %arg8[%run_scoped3A, %dma_start3A_54] : memref<79x128xi32, #tpu.memory_space<vmem>> -> memref<1x16xi32, #tpu.memory_space<vmem>>
      %dma_start3A_56 = tpu.memref_squeeze %dma_start3A_55 : memref<1x16xi32, #tpu.memory_space<vmem>> -> memref<16xi32, #tpu.memory_space<vmem>>
      %dma_start3A_57 = arith.constant 0 : i32
      %dma_start3A_58 = arith.constant 0 : i32
      %dma_start3A_59 = tpu.memref_slice %arg2[%dma_start3A_57, %dma_start3A_58] : memref<10000x128xf32, #tpu.memory_space<hbm>> -> memref<10000x128xf32, #tpu.memory_space<hbm>>
      tpu.enqueue_indirect_dma source(%dma_start3A_59 : memref<10000x128xf32, #tpu.memory_space<hbm>>) target(%dma_start3A_53 : memref<16x128xf32, #tpu.memory_space<vmem>>) offsets(%dma_start3A_56 : memref<16xi32, #tpu.memory_space<vmem>>) semaphore(%run_scoped3A_50 : memref<!tpu.dma_semaphore, #tpu.memory_space<semaphore_mem>>)
      %dma_wait3A = arith.constant 0 : i32
      %dma_wait3A_60 = arith.constant 0 : i32
      %dma_wait3A_61 = tpu.memref_slice %arg11[%dma_wait3A, %dma_wait3A_60] : memref<192x128xf32, #tpu.memory_space<vmem>> -> memref<16x128xf32, #tpu.memory_space<vmem>>
      %dma_wait3A_62 = arith.constant 0 : i32
      %dma_wait3A_63 = tpu.memref_slice %arg8[%run_scoped3A, %dma_wait3A_62] : memref<79x128xi32, #tpu.memory_space<vmem>> -> memref<1x16xi32, #tpu.memory_space<vmem>>
      %dma_wait3A_64 = tpu.memref_squeeze %dma_wait3A_63 : memref<1x16xi32, #tpu.memory_space<vmem>> -> memref<16xi32, #tpu.memory_space<vmem>>
      %dma_wait3A_65 = arith.constant 0 : i32
      %dma_wait3A_66 = arith.constant 0 : i32
      %dma_wait3A_67 = tpu.memref_slice %arg2[%dma_wait3A_65, %dma_wait3A_66] : memref<10000x128xf32, #tpu.memory_space<hbm>> -> memref<10000x128xf32, #tpu.memory_space<hbm>>
      tpu.wait_indirect_dma semaphore(%run_scoped3A_50 : memref<!tpu.dma_semaphore, #tpu.memory_space<semaphore_mem>>) src(%dma_wait3A_67 : memref<10000x128xf32, #tpu.memory_space<hbm>>) dst(%dma_wait3A_61 : memref<16x128xf32, #tpu.memory_space<vmem>>)
      tpu.yield
    }) : () -> ()
    %run_scoped3A_39 = arith.constant 0 : i32
    "tpu.region"() ({
      %run_scoped3A_50 = tpu.sem_alloc : memref<!tpu.dma_semaphore, #tpu.memory_space<semaphore_mem>>
      %dma_start3A_51 = arith.constant 0 : i32
      %dma_start3A_52 = arith.constant 0 : i32
      %dma_start3A_53 = tpu.memref_slice %arg11[%dma_start3A_51, %dma_start3A_52] : memref<192x128xf32, #tpu.memory_space<vmem>> -> memref<16x128xf32, #tpu.memory_space<vmem>>
      %dma_start3A_54 = arith.constant 0 : i32
      %dma_start3A_55 = tpu.memref_slice %arg10[%run_scoped3A_39, %dma_start3A_54] : memref<8x16xi32, #tpu.memory_space<vmem>> -> memref<1x16xi32, #tpu.memory_space<vmem>>
      %dma_start3A_56 = tpu.memref_squeeze %dma_start3A_55 : memref<1x16xi32, #tpu.memory_space<vmem>> -> memref<16xi32, #tpu.memory_space<vmem>>
      %dma_start3A_57 = arith.constant 0 : i32
      %dma_start3A_58 = arith.constant 0 : i32
      %dma_start3A_59 = tpu.memref_slice %arg12[%dma_start3A_57, %dma_start3A_58] : memref<10000x128xf32, #tpu.memory_space<vmem_shared>> -> memref<10000x128xf32, #tpu.memory_space<vmem_shared>>
      tpu.enqueue_indirect_dma source(%dma_start3A_53 : memref<16x128xf32, #tpu.memory_space<vmem>>) target(%dma_start3A_59 : memref<10000x128xf32, #tpu.memory_space<vmem_shared>>) offsets(%dma_start3A_56 : memref<16xi32, #tpu.memory_space<vmem>>) semaphore(%run_scoped3A_50 : memref<!tpu.dma_semaphore, #tpu.memory_space<semaphore_mem>>) {add = true}
      %dma_wait3A = arith.constant 0 : i32
      %dma_wait3A_60 = arith.constant 0 : i32
      %dma_wait3A_61 = tpu.memref_slice %arg11[%dma_wait3A, %dma_wait3A_60] : memref<192x128xf32, #tpu.memory_space<vmem>> -> memref<16x128xf32, #tpu.memory_space<vmem>>
      %dma_wait3A_62 = arith.constant 0 : i32
      %dma_wait3A_63 = tpu.memref_slice %arg10[%run_scoped3A_39, %dma_wait3A_62] : memref<8x16xi32, #tpu.memory_space<vmem>> -> memref<1x16xi32, #tpu.memory_space<vmem>>
      %dma_wait3A_64 = tpu.memref_squeeze %dma_wait3A_63 : memref<1x16xi32, #tpu.memory_space<vmem>> -> memref<16xi32, #tpu.memory_space<vmem>>
      %dma_wait3A_65 = arith.constant 0 : i32
      %dma_wait3A_66 = arith.constant 0 : i32
      %dma_wait3A_67 = tpu.memref_slice %arg12[%dma_wait3A_65, %dma_wait3A_66] : memref<10000x128xf32, #tpu.memory_space<vmem_shared>> -> memref<10000x128xf32, #tpu.memory_space<vmem_shared>>
      tpu.wait_indirect_dma semaphore(%run_scoped3A_50 : memref<!tpu.dma_semaphore, #tpu.memory_space<semaphore_mem>>) src(%dma_wait3A_61 : memref<16x128xf32, #tpu.memory_space<vmem>>) dst(%dma_wait3A_67 : memref<10000x128xf32, #tpu.memory_space<vmem_shared>>)
      tpu.yield
    }) : () -> ()
    %barrier3A_40 = arith.constant 0 : index
    tpu.barrier barrier_id(%barrier3A_40)
    %mul3A_41 = arith.constant 624 : i32
    %mul3A_42 = arith.muli %arg1, %mul3A_41 : i32
    %mul3A_43 = arith.constant 624 : i32
    %mul3A_44 = arith.muli %arg1, %mul3A_43 : i32
    "tpu.region"() ({
      %run_scoped3A_50 = tpu.sem_alloc : memref<!tpu.dma_semaphore, #tpu.memory_space<semaphore_mem>>
      %dma_start3A_51 = arith.constant 0 : i32
      %dma_start3A_52 = tpu.memref_slice %arg7[%arg0, %mul3A_44, %dma_start3A_51] : memref<2x10000x128xf32, #tpu.memory_space<hbm>> -> memref<1x624x128xf32, #tpu.memory_space<hbm>>
      %dma_start3A_53 = tpu.memref_squeeze %dma_start3A_52 : memref<1x624x128xf32, #tpu.memory_space<hbm>> -> memref<624x128xf32, #tpu.memory_space<hbm>>
      %dma_start3A_54 = arith.constant 0 : i32
      %dma_start3A_55 = tpu.memref_slice %arg12[%mul3A_42, %dma_start3A_54] : memref<10000x128xf32, #tpu.memory_space<vmem_shared>> -> memref<624x128xf32, #tpu.memory_space<vmem_shared>>
      tpu.enqueue_dma source(%dma_start3A_55 : memref<624x128xf32, #tpu.memory_space<vmem_shared>>) target(%dma_start3A_53 : memref<624x128xf32, #tpu.memory_space<hbm>>) target_semaphore(%run_scoped3A_50 : memref<!tpu.dma_semaphore, #tpu.memory_space<semaphore_mem>>)
      %dma_wait3A = arith.constant 0 : i32
      %dma_wait3A_56 = tpu.memref_slice %arg7[%arg0, %mul3A_44, %dma_wait3A] : memref<2x10000x128xf32, #tpu.memory_space<hbm>> -> memref<1x624x128xf32, #tpu.memory_space<hbm>>
      %dma_wait3A_57 = tpu.memref_squeeze %dma_wait3A_56 : memref<1x624x128xf32, #tpu.memory_space<hbm>> -> memref<624x128xf32, #tpu.memory_space<hbm>>
      %dma_wait3A_58 = arith.constant 0 : i32
      %dma_wait3A_59 = tpu.memref_slice %arg12[%mul3A_42, %dma_wait3A_58] : memref<10000x128xf32, #tpu.memory_space<vmem_shared>> -> memref<624x128xf32, #tpu.memory_space<vmem_shared>>
      tpu.wait_dma2 semaphore(%run_scoped3A_50 : memref<!tpu.dma_semaphore, #tpu.memory_space<semaphore_mem>>) src(%dma_wait3A_59 : memref<624x128xf32, #tpu.memory_space<vmem_shared>>) dst(%dma_wait3A_57 : memref<624x128xf32, #tpu.memory_space<hbm>>)
      tpu.yield
    }) : () -> ()
    %eq3A_45 = arith.constant 15 : i32
    %eq3A_46 = arith.cmpi eq, %arg1, %eq3A_45 : i32
    %convert_element_type3A_47 = arith.extui %eq3A_46 : i1 to i32
    %cond3A_48 = arith.constant 0 : i32
    %cond3A_49 = arith.cmpi ne, %convert_element_type3A_47, %cond3A_48 : i32
    scf.if %cond3A_49 {
      "tpu.region"() ({
        %run_scoped3A_50 = tpu.sem_alloc : memref<!tpu.dma_semaphore, #tpu.memory_space<semaphore_mem>>
        %dma_start3A_51 = arith.constant 9984 : i32
        %dma_start3A_52 = arith.constant 0 : i32
        %dma_start3A_53 = tpu.memref_slice %arg7[%arg0, %dma_start3A_51, %dma_start3A_52] : memref<2x10000x128xf32, #tpu.memory_space<hbm>> -> memref<1x16x128xf32, #tpu.memory_space<hbm>>
        %dma_start3A_54 = tpu.memref_squeeze %dma_start3A_53 : memref<1x16x128xf32, #tpu.memory_space<hbm>> -> memref<16x128xf32, #tpu.memory_space<hbm>>
        %dma_start3A_55 = arith.constant 9984 : i32
        %dma_start3A_56 = arith.constant 0 : i32
        %dma_start3A_57 = tpu.memref_slice %arg12[%dma_start3A_55, %dma_start3A_56] : memref<10000x128xf32, #tpu.memory_space<vmem_shared>> -> memref<16x128xf32, #tpu.memory_space<vmem_shared>>
        tpu.enqueue_dma source(%dma_start3A_57 : memref<16x128xf32, #tpu.memory_space<vmem_shared>>) target(%dma_start3A_54 : memref<16x128xf32, #tpu.memory_space<hbm>>) target_semaphore(%run_scoped3A_50 : memref<!tpu.dma_semaphore, #tpu.memory_space<semaphore_mem>>)
        %dma_wait3A = arith.constant 9984 : i32
        %dma_wait3A_58 = arith.constant 0 : i32
        %dma_wait3A_59 = tpu.memref_slice %arg7[%arg0, %dma_wait3A, %dma_wait3A_58] : memref<2x10000x128xf32, #tpu.memory_space<hbm>> -> memref<1x16x128xf32, #tpu.memory_space<hbm>>
        %dma_wait3A_60 = tpu.memref_squeeze %dma_wait3A_59 : memref<1x16x128xf32, #tpu.memory_space<hbm>> -> memref<16x128xf32, #tpu.memory_space<hbm>>
        %dma_wait3A_61 = arith.constant 9984 : i32
        %dma_wait3A_62 = arith.constant 0 : i32
        %dma_wait3A_63 = tpu.memref_slice %arg12[%dma_wait3A_61, %dma_wait3A_62] : memref<10000x128xf32, #tpu.memory_space<vmem_shared>> -> memref<16x128xf32, #tpu.memory_space<vmem_shared>>
        tpu.wait_dma2 semaphore(%run_scoped3A_50 : memref<!tpu.dma_semaphore, #tpu.memory_space<semaphore_mem>>) src(%dma_wait3A_63 : memref<16x128xf32, #tpu.memory_space<vmem_shared>>) dst(%dma_wait3A_60 : memref<16x128xf32, #tpu.memory_space<hbm>>)
        tpu.yield
      }) : () -> ()
    } else {
    }
    return
  }
}

#map = affine_map<(d0, d1) -> (0, 0)>
#map1 = affine_map<(d0, d1) -> (0, 0, 0)>
module attributes {stable_mosaic.version = 14 : i64} {
  func.func @_sc_scatter(%arg0: i32, %arg1: i32, %arg2: memref<10000x128xf32, #tpu.memory_space<hbm>>, %arg3: memref<32x79x128xi32, #tpu.memory_space<hbm>>, %arg4: memref<32x79x128xi32, #tpu.memory_space<hbm>>, %arg5: memref<32x8x16xi32, #tpu.memory_space<hbm>>, %arg6: memref<624x128xf32, #tpu.memory_space<hbm>>, %arg7: memref<2x10000x128xf32, #tpu.memory_space<hbm>>, %arg8: memref<79x128xi32, #tpu.memory_space<vmem>>, %arg9: memref<79x128xi32, #tpu.memory_space<vmem>>, %arg10: memref<8x16xi32, #tpu.memory_space<vmem>>, %arg11: memref<192x128xf32, #tpu.memory_space<vmem>>, %arg12: memref<10000x128xf32, #tpu.memory_space<vmem_shared>>, %arg13: memref<!tpu.dma_semaphore, #tpu.memory_space<semaphore_mem>>, %arg14: memref<!tpu.dma_semaphore, #tpu.memory_space<semaphore_mem>>, %arg15: memref<!tpu.dma_semaphore, #tpu.memory_space<semaphore_mem>>, %arg16: memref<!tpu.dma_semaphore, #tpu.memory_space<semaphore_mem>>, %arg17: memref<!tpu.dma_semaphore, #tpu.memory_space<semaphore_mem>>, %arg18: memref<!tpu.dma_semaphore, #tpu.memory_space<semaphore_mem>>) attributes {dimension_semantics = [#tpu.dimension_semantics<core_parallel>, #tpu.dimension_semantics<subcore_parallel>], iteration_bounds = array<i64: 2, 16>, scalar_prefetch = 0 : i64, scratch_operands = 11 : i64, tpu.core_type = #tpu.core_type<sc_vector_subcore>, window_params = [{transform_indices = #map}, {transform_indices = #map1}, {transform_indices = #map1}, {transform_indices = #map1}, {transform_indices = #map}, {transform_indices = #map1}]} {
    %mul3A = arith.constant 2 : i32
    %mul3A_0 = arith.muli %arg1, %mul3A : i32
    %add3A = arith.addi %mul3A_0, %arg0 : i32
    %mul3A_1 = arith.constant 624 : i32
    %mul3A_2 = arith.muli %arg1, %mul3A_1 : i32
    "tpu.region"() ({
      %run_scoped3A_50 = tpu.sem_alloc : memref<!tpu.dma_semaphore, #tpu.memory_space<semaphore_mem>>
      %dma_start3A_51 = arith.constant 0 : i32
      %dma_start3A_52 = tpu.memref_slice %arg12[%mul3A_2, %dma_start3A_51] : memref<10000x128xf32, #tpu.memory_space<vmem_shared>> -> memref<624x128xf32, #tpu.memory_space<vmem_shared>>
      %dma_start3A_53 = arith.constant 0 : i32
      %dma_start3A_54 = arith.constant 0 : i32
      %dma_start3A_55 = tpu.memref_slice %arg6[%dma_start3A_53, %dma_start3A_54] : memref<624x128xf32, #tpu.memory_space<hbm>> -> memref<624x128xf32, #tpu.memory_space<hbm>>
      tpu.enqueue_dma source(%dma_start3A_55 : memref<624x128xf32, #tpu.memory_space<hbm>>) target(%dma_start3A_52 : memref<624x128xf32, #tpu.memory_space<vmem_shared>>) target_semaphore(%run_scoped3A_50 : memref<!tpu.dma_semaphore, #tpu.memory_space<semaphore_mem>>)
      %dma_wait3A = arith.constant 0 : i32
      %dma_wait3A_56 = tpu.memref_slice %arg12[%mul3A_2, %dma_wait3A] : memref<10000x128xf32, #tpu.memory_space<vmem_shared>> -> memref<624x128xf32, #tpu.memory_space<vmem_shared>>
      %dma_wait3A_57 = arith.constant 0 : i32
      %dma_wait3A_58 = arith.constant 0 : i32
      %dma_wait3A_59 = tpu.memref_slice %arg6[%dma_wait3A_57, %dma_wait3A_58] : memref<624x128xf32, #tpu.memory_space<hbm>> -> memref<624x128xf32, #tpu.memory_space<hbm>>
      tpu.wait_dma2 semaphore(%run_scoped3A_50 : memref<!tpu.dma_semaphore, #tpu.memory_space<semaphore_mem>>) src(%dma_wait3A_59 : memref<624x128xf32, #tpu.memory_space<hbm>>) dst(%dma_wait3A_56 : memref<624x128xf32, #tpu.memory_space<vmem_shared>>)
      tpu.yield
    }) : () -> ()
    %eq3A = arith.constant 15 : i32
    %eq3A_3 = arith.cmpi eq, %arg1, %eq3A : i32
    %convert_element_type3A = arith.extui %eq3A_3 : i1 to i32
    %cond3A = arith.constant 0 : i32
    %cond3A_4 = arith.cmpi ne, %convert_element_type3A, %cond3A : i32
    scf.if %cond3A_4 {
      "tpu.region"() ({
        %run_scoped3A_50 = tpu.sem_alloc : memref<!tpu.dma_semaphore, #tpu.memory_space<semaphore_mem>>
        %dma_start3A_51 = arith.constant 9984 : i32
        %dma_start3A_52 = arith.constant 0 : i32
        %dma_start3A_53 = tpu.memref_slice %arg12[%dma_start3A_51, %dma_start3A_52] : memref<10000x128xf32, #tpu.memory_space<vmem_shared>> -> memref<16x128xf32, #tpu.memory_space<vmem_shared>>
        %dma_start3A_54 = arith.constant 0 : i32
        %dma_start3A_55 = arith.constant 0 : i32
        %dma_start3A_56 = tpu.memref_slice %arg6[%dma_start3A_54, %dma_start3A_55] : memref<624x128xf32, #tpu.memory_space<hbm>> -> memref<16x128xf32, #tpu.memory_space<hbm>>
        tpu.enqueue_dma source(%dma_start3A_56 : memref<16x128xf32, #tpu.memory_space<hbm>>) target(%dma_start3A_53 : memref<16x128xf32, #tpu.memory_space<vmem_shared>>) target_semaphore(%run_scoped3A_50 : memref<!tpu.dma_semaphore, #tpu.memory_space<semaphore_mem>>)
        %dma_wait3A = arith.constant 9984 : i32
        %dma_wait3A_57 = arith.constant 0 : i32
        %dma_wait3A_58 = tpu.memref_slice %arg12[%dma_wait3A, %dma_wait3A_57] : memref<10000x128xf32, #tpu.memory_space<vmem_shared>> -> memref<16x128xf32, #tpu.memory_space<vmem_shared>>
        %dma_wait3A_59 = arith.constant 0 : i32
        %dma_wait3A_60 = arith.constant 0 : i32
        %dma_wait3A_61 = tpu.memref_slice %arg6[%dma_wait3A_59, %dma_wait3A_60] : memref<624x128xf32, #tpu.memory_space<hbm>> -> memref<16x128xf32, #tpu.memory_space<hbm>>
        tpu.wait_dma2 semaphore(%run_scoped3A_50 : memref<!tpu.dma_semaphore, #tpu.memory_space<semaphore_mem>>) src(%dma_wait3A_61 : memref<16x128xf32, #tpu.memory_space<hbm>>) dst(%dma_wait3A_58 : memref<16x128xf32, #tpu.memory_space<vmem_shared>>)
        tpu.yield
      }) : () -> ()
    } else {
    }
    "tpu.region"() ({
      %run_scoped3A_50 = tpu.sem_alloc : memref<!tpu.dma_semaphore, #tpu.memory_space<semaphore_mem>>
      %dma_start3A_51 = arith.constant 0 : i32
      %dma_start3A_52 = arith.constant 0 : i32
      %dma_start3A_53 = tpu.memref_slice %arg3[%add3A, %dma_start3A_51, %dma_start3A_52] : memref<32x79x128xi32, #tpu.memory_space<hbm>> -> memref<1x79x128xi32, #tpu.memory_space<hbm>>
      %dma_start3A_54 = tpu.memref_squeeze %dma_start3A_53 : memref<1x79x128xi32, #tpu.memory_space<hbm>> -> memref<79x128xi32, #tpu.memory_space<hbm>>
      %dma_start3A_55 = arith.constant 0 : i32
      %dma_start3A_56 = arith.constant 0 : i32
      %dma_start3A_57 = tpu.memref_slice %arg3[%add3A, %dma_start3A_55, %dma_start3A_56] : memref<32x79x128xi32, #tpu.memory_space<hbm>> -> memref<1x79x128xi32, #tpu.memory_space<hbm>>
      %dma_start3A_58 = tpu.memref_squeeze %dma_start3A_57 : memref<1x79x128xi32, #tpu.memory_space<hbm>> -> memref<79x128xi32, #tpu.memory_space<hbm>>
      tpu.enqueue_dma source(%dma_start3A_58 : memref<79x128xi32, #tpu.memory_space<hbm>>) target(%arg8 : memref<79x128xi32, #tpu.memory_space<vmem>>) target_semaphore(%run_scoped3A_50 : memref<!tpu.dma_semaphore, #tpu.memory_space<semaphore_mem>>)
      %dma_wait3A = arith.constant 0 : i32
      %dma_wait3A_59 = arith.constant 0 : i32
      %dma_wait3A_60 = tpu.memref_slice %arg3[%add3A, %dma_wait3A, %dma_wait3A_59] : memref<32x79x128xi32, #tpu.memory_space<hbm>> -> memref<1x79x128xi32, #tpu.memory_space<hbm>>
      %dma_wait3A_61 = tpu.memref_squeeze %dma_wait3A_60 : memref<1x79x128xi32, #tpu.memory_space<hbm>> -> memref<79x128xi32, #tpu.memory_space<hbm>>
      %dma_wait3A_62 = arith.constant 0 : i32
      %dma_wait3A_63 = arith.constant 0 : i32
      %dma_wait3A_64 = tpu.memref_slice %arg3[%add3A, %dma_wait3A_62, %dma_wait3A_63] : memref<32x79x128xi32, #tpu.memory_space<hbm>> -> memref<1x79x128xi32, #tpu.memory_space<hbm>>
      %dma_wait3A_65 = tpu.memref_squeeze %dma_wait3A_64 : memref<1x79x128xi32, #tpu.memory_space<hbm>> -> memref<79x128xi32, #tpu.memory_space<hbm>>
      tpu.wait_dma2 semaphore(%run_scoped3A_50 : memref<!tpu.dma_semaphore, #tpu.memory_space<semaphore_mem>>) src(%dma_wait3A_65 : memref<79x128xi32, #tpu.memory_space<hbm>>) dst(%arg8 : memref<79x128xi32, #tpu.memory_space<vmem>>)
      tpu.yield
    }) : () -> ()
    "tpu.region"() ({
      %run_scoped3A_50 = tpu.sem_alloc : memref<!tpu.dma_semaphore, #tpu.memory_space<semaphore_mem>>
      %dma_start3A_51 = arith.constant 0 : i32
      %dma_start3A_52 = arith.constant 0 : i32
      %dma_start3A_53 = tpu.memref_slice %arg4[%add3A, %dma_start3A_51, %dma_start3A_52] : memref<32x79x128xi32, #tpu.memory_space<hbm>> -> memref<1x79x128xi32, #tpu.memory_space<hbm>>
      %dma_start3A_54 = tpu.memref_squeeze %dma_start3A_53 : memref<1x79x128xi32, #tpu.memory_space<hbm>> -> memref<79x128xi32, #tpu.memory_space<hbm>>
      %dma_start3A_55 = arith.constant 0 : i32
      %dma_start3A_56 = arith.constant 0 : i32
      %dma_start3A_57 = tpu.memref_slice %arg4[%add3A, %dma_start3A_55, %dma_start3A_56] : memref<32x79x128xi32, #tpu.memory_space<hbm>> -> memref<1x79x128xi32, #tpu.memory_space<hbm>>
      %dma_start3A_58 = tpu.memref_squeeze %dma_start3A_57 : memref<1x79x128xi32, #tpu.memory_space<hbm>> -> memref<79x128xi32, #tpu.memory_space<hbm>>
      tpu.enqueue_dma source(%dma_start3A_58 : memref<79x128xi32, #tpu.memory_space<hbm>>) target(%arg9 : memref<79x128xi32, #tpu.memory_space<vmem>>) target_semaphore(%run_scoped3A_50 : memref<!tpu.dma_semaphore, #tpu.memory_space<semaphore_mem>>)
      %dma_wait3A = arith.constant 0 : i32
      %dma_wait3A_59 = arith.constant 0 : i32
      %dma_wait3A_60 = tpu.memref_slice %arg4[%add3A, %dma_wait3A, %dma_wait3A_59] : memref<32x79x128xi32, #tpu.memory_space<hbm>> -> memref<1x79x128xi32, #tpu.memory_space<hbm>>
      %dma_wait3A_61 = tpu.memref_squeeze %dma_wait3A_60 : memref<1x79x128xi32, #tpu.memory_space<hbm>> -> memref<79x128xi32, #tpu.memory_space<hbm>>
      %dma_wait3A_62 = arith.constant 0 : i32
      %dma_wait3A_63 = arith.constant 0 : i32
      %dma_wait3A_64 = tpu.memref_slice %arg4[%add3A, %dma_wait3A_62, %dma_wait3A_63] : memref<32x79x128xi32, #tpu.memory_space<hbm>> -> memref<1x79x128xi32, #tpu.memory_space<hbm>>
      %dma_wait3A_65 = tpu.memref_squeeze %dma_wait3A_64 : memref<1x79x128xi32, #tpu.memory_space<hbm>> -> memref<79x128xi32, #tpu.memory_space<hbm>>
      tpu.wait_dma2 semaphore(%run_scoped3A_50 : memref<!tpu.dma_semaphore, #tpu.memory_space<semaphore_mem>>) src(%dma_wait3A_65 : memref<79x128xi32, #tpu.memory_space<hbm>>) dst(%arg9 : memref<79x128xi32, #tpu.memory_space<vmem>>)
      tpu.yield
    }) : () -> ()
    "tpu.region"() ({
      %run_scoped3A_50 = tpu.sem_alloc : memref<!tpu.dma_semaphore, #tpu.memory_space<semaphore_mem>>
      %dma_start3A_51 = arith.constant 0 : i32
      %dma_start3A_52 = arith.constant 0 : i32
      %dma_start3A_53 = tpu.memref_slice %arg5[%add3A, %dma_start3A_51, %dma_start3A_52] : memref<32x8x16xi32, #tpu.memory_space<hbm>> -> memref<1x8x16xi32, #tpu.memory_space<hbm>>
      %dma_start3A_54 = tpu.memref_squeeze %dma_start3A_53 : memref<1x8x16xi32, #tpu.memory_space<hbm>> -> memref<8x16xi32, #tpu.memory_space<hbm>>
      %dma_start3A_55 = arith.constant 0 : i32
      %dma_start3A_56 = arith.constant 0 : i32
      %dma_start3A_57 = tpu.memref_slice %arg5[%add3A, %dma_start3A_55, %dma_start3A_56] : memref<32x8x16xi32, #tpu.memory_space<hbm>> -> memref<1x8x16xi32, #tpu.memory_space<hbm>>
      %dma_start3A_58 = tpu.memref_squeeze %dma_start3A_57 : memref<1x8x16xi32, #tpu.memory_space<hbm>> -> memref<8x16xi32, #tpu.memory_space<hbm>>
      tpu.enqueue_dma source(%dma_start3A_58 : memref<8x16xi32, #tpu.memory_space<hbm>>) target(%arg10 : memref<8x16xi32, #tpu.memory_space<vmem>>) target_semaphore(%run_scoped3A_50 : memref<!tpu.dma_semaphore, #tpu.memory_space<semaphore_mem>>)
      %dma_wait3A = arith.constant 0 : i32
      %dma_wait3A_59 = arith.constant 0 : i32
      %dma_wait3A_60 = tpu.memref_slice %arg5[%add3A, %dma_wait3A, %dma_wait3A_59] : memref<32x8x16xi32, #tpu.memory_space<hbm>> -> memref<1x8x16xi32, #tpu.memory_space<hbm>>
      %dma_wait3A_61 = tpu.memref_squeeze %dma_wait3A_60 : memref<1x8x16xi32, #tpu.memory_space<hbm>> -> memref<8x16xi32, #tpu.memory_space<hbm>>
      %dma_wait3A_62 = arith.constant 0 : i32
      %dma_wait3A_63 = arith.constant 0 : i32
      %dma_wait3A_64 = tpu.memref_slice %arg5[%add3A, %dma_wait3A_62, %dma_wait3A_63] : memref<32x8x16xi32, #tpu.memory_space<hbm>> -> memref<1x8x16xi32, #tpu.memory_space<hbm>>
      %dma_wait3A_65 = tpu.memref_squeeze %dma_wait3A_64 : memref<1x8x16xi32, #tpu.memory_space<hbm>> -> memref<8x16xi32, #tpu.memory_space<hbm>>
      tpu.wait_dma2 semaphore(%run_scoped3A_50 : memref<!tpu.dma_semaphore, #tpu.memory_space<semaphore_mem>>) src(%dma_wait3A_65 : memref<8x16xi32, #tpu.memory_space<hbm>>) dst(%arg10 : memref<8x16xi32, #tpu.memory_space<vmem>>)
      tpu.yield
    }) : () -> ()
    %barrier3A = arith.constant 0 : index
    tpu.barrier barrier_id(%barrier3A)
    %dma_start3A = arith.constant 0 : i32
    %dma_start3A_5 = arith.constant 0 : i32
    %dma_start3A_6 = arith.constant 0 : i32
    %dma_start3A_7 = tpu.memref_slice %arg11[%dma_start3A_5, %dma_start3A_6] : memref<192x128xf32, #tpu.memory_space<vmem>> -> memref<64x128xf32, #tpu.memory_space<vmem>>
    %dma_start3A_8 = arith.constant 0 : i32
    %dma_start3A_9 = tpu.memref_slice %arg8[%dma_start3A, %dma_start3A_8] : memref<79x128xi32, #tpu.memory_space<vmem>> -> memref<1x64xi32, #tpu.memory_space<vmem>>
    %dma_start3A_10 = tpu.memref_squeeze %dma_start3A_9 : memref<1x64xi32, #tpu.memory_space<vmem>> -> memref<64xi32, #tpu.memory_space<vmem>>
    %dma_start3A_11 = arith.constant 0 : i32
    %dma_start3A_12 = arith.constant 0 : i32
    %dma_start3A_13 = tpu.memref_slice %arg2[%dma_start3A_11, %dma_start3A_12] : memref<10000x128xf32, #tpu.memory_space<hbm>> -> memref<10000x128xf32, #tpu.memory_space<hbm>>
    tpu.enqueue_indirect_dma source(%dma_start3A_13 : memref<10000x128xf32, #tpu.memory_space<hbm>>) target(%dma_start3A_7 : memref<64x128xf32, #tpu.memory_space<vmem>>) offsets(%dma_start3A_10 : memref<64xi32, #tpu.memory_space<vmem>>) semaphore(%arg13 : memref<!tpu.dma_semaphore, #tpu.memory_space<semaphore_mem>>)
    %dma_start3A_14 = arith.constant 0 : i32
    %dma_start3A_15 = arith.constant 64 : i32
    %dma_start3A_16 = arith.constant 0 : i32
    %dma_start3A_17 = tpu.memref_slice %arg11[%dma_start3A_15, %dma_start3A_16] : memref<192x128xf32, #tpu.memory_space<vmem>> -> memref<64x128xf32, #tpu.memory_space<vmem>>
    %dma_start3A_18 = arith.constant 64 : i32
    %dma_start3A_19 = tpu.memref_slice %arg8[%dma_start3A_14, %dma_start3A_18] : memref<79x128xi32, #tpu.memory_space<vmem>> -> memref<1x64xi32, #tpu.memory_space<vmem>>
    %dma_start3A_20 = tpu.memref_squeeze %dma_start3A_19 : memref<1x64xi32, #tpu.memory_space<vmem>> -> memref<64xi32, #tpu.memory_space<vmem>>
    %dma_start3A_21 = arith.constant 0 : i32
    %dma_start3A_22 = arith.constant 0 : i32
    %dma_start3A_23 = tpu.memref_slice %arg2[%dma_start3A_21, %dma_start3A_22] : memref<10000x128xf32, #tpu.memory_space<hbm>> -> memref<10000x128xf32, #tpu.memory_space<hbm>>
    tpu.enqueue_indirect_dma source(%dma_start3A_23 : memref<10000x128xf32, #tpu.memory_space<hbm>>) target(%dma_start3A_17 : memref<64x128xf32, #tpu.memory_space<vmem>>) offsets(%dma_start3A_20 : memref<64xi32, #tpu.memory_space<vmem>>) semaphore(%arg14 : memref<!tpu.dma_semaphore, #tpu.memory_space<semaphore_mem>>)
    %dma_start3A_24 = arith.constant 1 : i32
    %dma_start3A_25 = arith.constant 128 : i32
    %dma_start3A_26 = arith.constant 0 : i32
    %dma_start3A_27 = tpu.memref_slice %arg11[%dma_start3A_25, %dma_start3A_26] : memref<192x128xf32, #tpu.memory_space<vmem>> -> memref<64x128xf32, #tpu.memory_space<vmem>>
    %dma_start3A_28 = arith.constant 0 : i32
    %dma_start3A_29 = tpu.memref_slice %arg8[%dma_start3A_24, %dma_start3A_28] : memref<79x128xi32, #tpu.memory_space<vmem>> -> memref<1x64xi32, #tpu.memory_space<vmem>>
    %dma_start3A_30 = tpu.memref_squeeze %dma_start3A_29 : memref<1x64xi32, #tpu.memory_space<vmem>> -> memref<64xi32, #tpu.memory_space<vmem>>
    %dma_start3A_31 = arith.constant 0 : i32
    %dma_start3A_32 = arith.constant 0 : i32
    %dma_start3A_33 = tpu.memref_slice %arg2[%dma_start3A_31, %dma_start3A_32] : memref<10000x128xf32, #tpu.memory_space<hbm>> -> memref<10000x128xf32, #tpu.memory_space<hbm>>
    tpu.enqueue_indirect_dma source(%dma_start3A_33 : memref<10000x128xf32, #tpu.memory_space<hbm>>) target(%dma_start3A_27 : memref<64x128xf32, #tpu.memory_space<vmem>>) offsets(%dma_start3A_30 : memref<64xi32, #tpu.memory_space<vmem>>) semaphore(%arg15 : memref<!tpu.dma_semaphore, #tpu.memory_space<semaphore_mem>>)
    %scan3A = arith.constant 0 : i32
    %scan3A_34 = arith.constant 0 : i32
    %scan3A_35 = arith.constant 52 : i32
    %scan3A_36 = arith.addi %scan3A_34, %scan3A_35 : i32
    %scan3A_37 = arith.constant 1 : i32
    scf.for %scan3A_50 = %scan3A_34 to %scan3A_36 step %scan3A_37  : i32 {
      %mul3A_51 = arith.constant 3 : i32
      %mul3A_52 = arith.muli %mul3A_51, %scan3A_50 : i32
      %add3A_53 = arith.constant 0 : i32
      %add3A_54 = arith.addi %mul3A_52, %add3A_53 : i32
      %jit3A = arith.constant 2 : i32
      %div3A = arith.divsi %add3A_54, %jit3A : i32
      %sign3A = arith.constant 0 : i32
      %sign3A_55 = arith.cmpi sgt, %add3A_54, %sign3A : i32
      %sign3A_56 = arith.extui %sign3A_55 : i1 to i32
      %sign3A_57 = arith.constant 0 : i32
      %sign3A_58 = arith.cmpi slt, %add3A_54, %sign3A_57 : i32
      %sign3A_59 = arith.extui %sign3A_58 : i1 to i32
      %sign3A_60 = arith.subi %sign3A_56, %sign3A_59 : i32
      %sign3A_61 = arith.constant 0 : i32
      %sign3A_62 = arith.cmpi sgt, %jit3A, %sign3A_61 : i32
      %sign3A_63 = arith.extui %sign3A_62 : i1 to i32
      %sign3A_64 = arith.constant 0 : i32
      %sign3A_65 = arith.cmpi slt, %jit3A, %sign3A_64 : i32
      %sign3A_66 = arith.extui %sign3A_65 : i1 to i32
      %sign3A_67 = arith.subi %sign3A_63, %sign3A_66 : i32
      %ne3A = arith.cmpi ne, %sign3A_60, %sign3A_67 : i32
      %rem3A = arith.remsi %add3A_54, %jit3A : i32
      %ne3A_68 = arith.constant 0 : i32
      %ne3A_69 = arith.cmpi ne, %rem3A, %ne3A_68 : i32
      %and3A = arith.andi %ne3A, %ne3A_69 : i1
      %sub3A = arith.constant 1 : i32
      %sub3A_70 = arith.subi %div3A, %sub3A : i32
      %select_n3A = arith.select %and3A, %sub3A_70, %div3A : i32
      %jit3A_71 = arith.constant 2 : i32
      %eq3A_72 = arith.constant 0 : i32
      %eq3A_73 = arith.cmpi eq, %jit3A_71, %eq3A_72 : i32
      %jit3A_74 = arith.constant 1 : i32
      %select_n3A_75 = arith.select %eq3A_73, %jit3A_74, %jit3A_71 : i32
      %rem3A_76 = arith.remsi %add3A_54, %select_n3A_75 : i32
      %ne3A_77 = arith.constant 0 : i32
      %ne3A_78 = arith.cmpi ne, %rem3A_76, %ne3A_77 : i32
      %lt3A = arith.constant 0 : i32
      %lt3A_79 = arith.cmpi slt, %rem3A_76, %lt3A : i32
      %lt3A_80 = arith.constant 0 : i32
      %lt3A_81 = arith.cmpi slt, %select_n3A_75, %lt3A_80 : i32
      %ne3A_82 = arith.xori %lt3A_79, %lt3A_81 : i1
      %and3A_83 = arith.andi %ne3A_82, %ne3A_78 : i1
      %add3A_84 = arith.addi %rem3A_76, %select_n3A_75 : i32
      %select_n3A_85 = arith.select %and3A_83, %add3A_84, %rem3A_76 : i32
      %mul3A_86 = arith.constant 64 : i32
      %mul3A_87 = arith.muli %mul3A_86, %select_n3A_85 : i32
      %dma_wait3A = arith.constant 0 : i32
      %dma_wait3A_88 = arith.constant 0 : i32
      %dma_wait3A_89 = tpu.memref_slice %arg11[%dma_wait3A, %dma_wait3A_88] : memref<192x128xf32, #tpu.memory_space<vmem>> -> memref<64x128xf32, #tpu.memory_space<vmem>>
      %dma_wait3A_90 = tpu.memref_slice %arg8[%select_n3A, %mul3A_87] : memref<79x128xi32, #tpu.memory_space<vmem>> -> memref<1x64xi32, #tpu.memory_space<vmem>>
      %dma_wait3A_91 = tpu.memref_squeeze %dma_wait3A_90 : memref<1x64xi32, #tpu.memory_space<vmem>> -> memref<64xi32, #tpu.memory_space<vmem>>
      %dma_wait3A_92 = arith.constant 0 : i32
      %dma_wait3A_93 = arith.constant 0 : i32
      %dma_wait3A_94 = tpu.memref_slice %arg2[%dma_wait3A_92, %dma_wait3A_93] : memref<10000x128xf32, #tpu.memory_space<hbm>> -> memref<10000x128xf32, #tpu.memory_space<hbm>>
      tpu.wait_indirect_dma semaphore(%arg13 : memref<!tpu.dma_semaphore, #tpu.memory_space<semaphore_mem>>) src(%dma_wait3A_94 : memref<10000x128xf32, #tpu.memory_space<hbm>>) dst(%dma_wait3A_89 : memref<64x128xf32, #tpu.memory_space<vmem>>)
      %jit3A_95 = arith.constant 2 : i32
      %div3A_96 = arith.divsi %add3A_54, %jit3A_95 : i32
      %sign3A_97 = arith.constant 0 : i32
      %sign3A_98 = arith.cmpi sgt, %add3A_54, %sign3A_97 : i32
      %sign3A_99 = arith.extui %sign3A_98 : i1 to i32
      %sign3A_100 = arith.constant 0 : i32
      %sign3A_101 = arith.cmpi slt, %add3A_54, %sign3A_100 : i32
      %sign3A_102 = arith.extui %sign3A_101 : i1 to i32
      %sign3A_103 = arith.subi %sign3A_99, %sign3A_102 : i32
      %sign3A_104 = arith.constant 0 : i32
      %sign3A_105 = arith.cmpi sgt, %jit3A_95, %sign3A_104 : i32
      %sign3A_106 = arith.extui %sign3A_105 : i1 to i32
      %sign3A_107 = arith.constant 0 : i32
      %sign3A_108 = arith.cmpi slt, %jit3A_95, %sign3A_107 : i32
      %sign3A_109 = arith.extui %sign3A_108 : i1 to i32
      %sign3A_110 = arith.subi %sign3A_106, %sign3A_109 : i32
      %ne3A_111 = arith.cmpi ne, %sign3A_103, %sign3A_110 : i32
      %rem3A_112 = arith.remsi %add3A_54, %jit3A_95 : i32
      %ne3A_113 = arith.constant 0 : i32
      %ne3A_114 = arith.cmpi ne, %rem3A_112, %ne3A_113 : i32
      %and3A_115 = arith.andi %ne3A_111, %ne3A_114 : i1
      %sub3A_116 = arith.constant 1 : i32
      %sub3A_117 = arith.subi %div3A_96, %sub3A_116 : i32
      %select_n3A_118 = arith.select %and3A_115, %sub3A_117, %div3A_96 : i32
      %jit3A_119 = arith.constant 2 : i32
      %eq3A_120 = arith.constant 0 : i32
      %eq3A_121 = arith.cmpi eq, %jit3A_119, %eq3A_120 : i32
      %jit3A_122 = arith.constant 1 : i32
      %select_n3A_123 = arith.select %eq3A_121, %jit3A_122, %jit3A_119 : i32
      %rem3A_124 = arith.remsi %add3A_54, %select_n3A_123 : i32
      %ne3A_125 = arith.constant 0 : i32
      %ne3A_126 = arith.cmpi ne, %rem3A_124, %ne3A_125 : i32
      %lt3A_127 = arith.constant 0 : i32
      %lt3A_128 = arith.cmpi slt, %rem3A_124, %lt3A_127 : i32
      %lt3A_129 = arith.constant 0 : i32
      %lt3A_130 = arith.cmpi slt, %select_n3A_123, %lt3A_129 : i32
      %ne3A_131 = arith.xori %lt3A_128, %lt3A_130 : i1
      %and3A_132 = arith.andi %ne3A_131, %ne3A_126 : i1
      %add3A_133 = arith.addi %rem3A_124, %select_n3A_123 : i32
      %select_n3A_134 = arith.select %and3A_132, %add3A_133, %rem3A_124 : i32
      %mul3A_135 = arith.constant 64 : i32
      %mul3A_136 = arith.muli %mul3A_135, %select_n3A_134 : i32
      %dma_start3A_137 = arith.constant 0 : i32
      %dma_start3A_138 = arith.constant 0 : i32
      %dma_start3A_139 = tpu.memref_slice %arg11[%dma_start3A_137, %dma_start3A_138] : memref<192x128xf32, #tpu.memory_space<vmem>> -> memref<64x128xf32, #tpu.memory_space<vmem>>
      %dma_start3A_140 = tpu.memref_slice %arg9[%select_n3A_118, %mul3A_136] : memref<79x128xi32, #tpu.memory_space<vmem>> -> memref<1x64xi32, #tpu.memory_space<vmem>>
      %dma_start3A_141 = tpu.memref_squeeze %dma_start3A_140 : memref<1x64xi32, #tpu.memory_space<vmem>> -> memref<64xi32, #tpu.memory_space<vmem>>
      %dma_start3A_142 = arith.constant 0 : i32
      %dma_start3A_143 = arith.constant 0 : i32
      %dma_start3A_144 = tpu.memref_slice %arg12[%dma_start3A_142, %dma_start3A_143] : memref<10000x128xf32, #tpu.memory_space<vmem_shared>> -> memref<10000x128xf32, #tpu.memory_space<vmem_shared>>
      tpu.enqueue_indirect_dma source(%dma_start3A_139 : memref<64x128xf32, #tpu.memory_space<vmem>>) target(%dma_start3A_144 : memref<10000x128xf32, #tpu.memory_space<vmem_shared>>) offsets(%dma_start3A_141 : memref<64xi32, #tpu.memory_space<vmem>>) semaphore(%arg16 : memref<!tpu.dma_semaphore, #tpu.memory_space<semaphore_mem>>) {add = true}
      %mul3A_145 = arith.constant 3 : i32
      %mul3A_146 = arith.muli %mul3A_145, %scan3A_50 : i32
      %add3A_147 = arith.constant 1 : i32
      %add3A_148 = arith.addi %mul3A_146, %add3A_147 : i32
      %jit3A_149 = arith.constant 2 : i32
      %div3A_150 = arith.divsi %add3A_148, %jit3A_149 : i32
      %sign3A_151 = arith.constant 0 : i32
      %sign3A_152 = arith.cmpi sgt, %add3A_148, %sign3A_151 : i32
      %sign3A_153 = arith.extui %sign3A_152 : i1 to i32
      %sign3A_154 = arith.constant 0 : i32
      %sign3A_155 = arith.cmpi slt, %add3A_148, %sign3A_154 : i32
      %sign3A_156 = arith.extui %sign3A_155 : i1 to i32
      %sign3A_157 = arith.subi %sign3A_153, %sign3A_156 : i32
      %sign3A_158 = arith.constant 0 : i32
      %sign3A_159 = arith.cmpi sgt, %jit3A_149, %sign3A_158 : i32
      %sign3A_160 = arith.extui %sign3A_159 : i1 to i32
      %sign3A_161 = arith.constant 0 : i32
      %sign3A_162 = arith.cmpi slt, %jit3A_149, %sign3A_161 : i32
      %sign3A_163 = arith.extui %sign3A_162 : i1 to i32
      %sign3A_164 = arith.subi %sign3A_160, %sign3A_163 : i32
      %ne3A_165 = arith.cmpi ne, %sign3A_157, %sign3A_164 : i32
      %rem3A_166 = arith.remsi %add3A_148, %jit3A_149 : i32
      %ne3A_167 = arith.constant 0 : i32
      %ne3A_168 = arith.cmpi ne, %rem3A_166, %ne3A_167 : i32
      %and3A_169 = arith.andi %ne3A_165, %ne3A_168 : i1
      %sub3A_170 = arith.constant 1 : i32
      %sub3A_171 = arith.subi %div3A_150, %sub3A_170 : i32
      %select_n3A_172 = arith.select %and3A_169, %sub3A_171, %div3A_150 : i32
      %jit3A_173 = arith.constant 2 : i32
      %eq3A_174 = arith.constant 0 : i32
      %eq3A_175 = arith.cmpi eq, %jit3A_173, %eq3A_174 : i32
      %jit3A_176 = arith.constant 1 : i32
      %select_n3A_177 = arith.select %eq3A_175, %jit3A_176, %jit3A_173 : i32
      %rem3A_178 = arith.remsi %add3A_148, %select_n3A_177 : i32
      %ne3A_179 = arith.constant 0 : i32
      %ne3A_180 = arith.cmpi ne, %rem3A_178, %ne3A_179 : i32
      %lt3A_181 = arith.constant 0 : i32
      %lt3A_182 = arith.cmpi slt, %rem3A_178, %lt3A_181 : i32
      %lt3A_183 = arith.constant 0 : i32
      %lt3A_184 = arith.cmpi slt, %select_n3A_177, %lt3A_183 : i32
      %ne3A_185 = arith.xori %lt3A_182, %lt3A_184 : i1
      %and3A_186 = arith.andi %ne3A_185, %ne3A_180 : i1
      %add3A_187 = arith.addi %rem3A_178, %select_n3A_177 : i32
      %select_n3A_188 = arith.select %and3A_186, %add3A_187, %rem3A_178 : i32
      %mul3A_189 = arith.constant 64 : i32
      %mul3A_190 = arith.muli %mul3A_189, %select_n3A_188 : i32
      %dma_wait3A_191 = arith.constant 64 : i32
      %dma_wait3A_192 = arith.constant 0 : i32
      %dma_wait3A_193 = tpu.memref_slice %arg11[%dma_wait3A_191, %dma_wait3A_192] : memref<192x128xf32, #tpu.memory_space<vmem>> -> memref<64x128xf32, #tpu.memory_space<vmem>>
      %dma_wait3A_194 = tpu.memref_slice %arg8[%select_n3A_172, %mul3A_190] : memref<79x128xi32, #tpu.memory_space<vmem>> -> memref<1x64xi32, #tpu.memory_space<vmem>>
      %dma_wait3A_195 = tpu.memref_squeeze %dma_wait3A_194 : memref<1x64xi32, #tpu.memory_space<vmem>> -> memref<64xi32, #tpu.memory_space<vmem>>
      %dma_wait3A_196 = arith.constant 0 : i32
      %dma_wait3A_197 = arith.constant 0 : i32
      %dma_wait3A_198 = tpu.memref_slice %arg2[%dma_wait3A_196, %dma_wait3A_197] : memref<10000x128xf32, #tpu.memory_space<hbm>> -> memref<10000x128xf32, #tpu.memory_space<hbm>>
      tpu.wait_indirect_dma semaphore(%arg14 : memref<!tpu.dma_semaphore, #tpu.memory_space<semaphore_mem>>) src(%dma_wait3A_198 : memref<10000x128xf32, #tpu.memory_space<hbm>>) dst(%dma_wait3A_193 : memref<64x128xf32, #tpu.memory_space<vmem>>)
      %jit3A_199 = arith.constant 2 : i32
      %div3A_200 = arith.divsi %add3A_148, %jit3A_199 : i32
      %sign3A_201 = arith.constant 0 : i32
      %sign3A_202 = arith.cmpi sgt, %add3A_148, %sign3A_201 : i32
      %sign3A_203 = arith.extui %sign3A_202 : i1 to i32
      %sign3A_204 = arith.constant 0 : i32
      %sign3A_205 = arith.cmpi slt, %add3A_148, %sign3A_204 : i32
      %sign3A_206 = arith.extui %sign3A_205 : i1 to i32
      %sign3A_207 = arith.subi %sign3A_203, %sign3A_206 : i32
      %sign3A_208 = arith.constant 0 : i32
      %sign3A_209 = arith.cmpi sgt, %jit3A_199, %sign3A_208 : i32
      %sign3A_210 = arith.extui %sign3A_209 : i1 to i32
      %sign3A_211 = arith.constant 0 : i32
      %sign3A_212 = arith.cmpi slt, %jit3A_199, %sign3A_211 : i32
      %sign3A_213 = arith.extui %sign3A_212 : i1 to i32
      %sign3A_214 = arith.subi %sign3A_210, %sign3A_213 : i32
      %ne3A_215 = arith.cmpi ne, %sign3A_207, %sign3A_214 : i32
      %rem3A_216 = arith.remsi %add3A_148, %jit3A_199 : i32
      %ne3A_217 = arith.constant 0 : i32
      %ne3A_218 = arith.cmpi ne, %rem3A_216, %ne3A_217 : i32
      %and3A_219 = arith.andi %ne3A_215, %ne3A_218 : i1
      %sub3A_220 = arith.constant 1 : i32
      %sub3A_221 = arith.subi %div3A_200, %sub3A_220 : i32
      %select_n3A_222 = arith.select %and3A_219, %sub3A_221, %div3A_200 : i32
      %jit3A_223 = arith.constant 2 : i32
      %eq3A_224 = arith.constant 0 : i32
      %eq3A_225 = arith.cmpi eq, %jit3A_223, %eq3A_224 : i32
      %jit3A_226 = arith.constant 1 : i32
      %select_n3A_227 = arith.select %eq3A_225, %jit3A_226, %jit3A_223 : i32
      %rem3A_228 = arith.remsi %add3A_148, %select_n3A_227 : i32
      %ne3A_229 = arith.constant 0 : i32
      %ne3A_230 = arith.cmpi ne, %rem3A_228, %ne3A_229 : i32
      %lt3A_231 = arith.constant 0 : i32
      %lt3A_232 = arith.cmpi slt, %rem3A_228, %lt3A_231 : i32
      %lt3A_233 = arith.constant 0 : i32
      %lt3A_234 = arith.cmpi slt, %select_n3A_227, %lt3A_233 : i32
      %ne3A_235 = arith.xori %lt3A_232, %lt3A_234 : i1
      %and3A_236 = arith.andi %ne3A_235, %ne3A_230 : i1
      %add3A_237 = arith.addi %rem3A_228, %select_n3A_227 : i32
      %select_n3A_238 = arith.select %and3A_236, %add3A_237, %rem3A_228 : i32
      %mul3A_239 = arith.constant 64 : i32
      %mul3A_240 = arith.muli %mul3A_239, %select_n3A_238 : i32
      %dma_start3A_241 = arith.constant 64 : i32
      %dma_start3A_242 = arith.constant 0 : i32
      %dma_start3A_243 = tpu.memref_slice %arg11[%dma_start3A_241, %dma_start3A_242] : memref<192x128xf32, #tpu.memory_space<vmem>> -> memref<64x128xf32, #tpu.memory_space<vmem>>
      %dma_start3A_244 = tpu.memref_slice %arg9[%select_n3A_222, %mul3A_240] : memref<79x128xi32, #tpu.memory_space<vmem>> -> memref<1x64xi32, #tpu.memory_space<vmem>>
      %dma_start3A_245 = tpu.memref_squeeze %dma_start3A_244 : memref<1x64xi32, #tpu.memory_space<vmem>> -> memref<64xi32, #tpu.memory_space<vmem>>
      %dma_start3A_246 = arith.constant 0 : i32
      %dma_start3A_247 = arith.constant 0 : i32
      %dma_start3A_248 = tpu.memref_slice %arg12[%dma_start3A_246, %dma_start3A_247] : memref<10000x128xf32, #tpu.memory_space<vmem_shared>> -> memref<10000x128xf32, #tpu.memory_space<vmem_shared>>
      tpu.enqueue_indirect_dma source(%dma_start3A_243 : memref<64x128xf32, #tpu.memory_space<vmem>>) target(%dma_start3A_248 : memref<10000x128xf32, #tpu.memory_space<vmem_shared>>) offsets(%dma_start3A_245 : memref<64xi32, #tpu.memory_space<vmem>>) semaphore(%arg17 : memref<!tpu.dma_semaphore, #tpu.memory_space<semaphore_mem>>) {add = true}
      %mul3A_249 = arith.constant 3 : i32
      %mul3A_250 = arith.muli %mul3A_249, %scan3A_50 : i32
      %add3A_251 = arith.constant 2 : i32
      %add3A_252 = arith.addi %mul3A_250, %add3A_251 : i32
      %jit3A_253 = arith.constant 2 : i32
      %div3A_254 = arith.divsi %add3A_252, %jit3A_253 : i32
      %sign3A_255 = arith.constant 0 : i32
      %sign3A_256 = arith.cmpi sgt, %add3A_252, %sign3A_255 : i32
      %sign3A_257 = arith.extui %sign3A_256 : i1 to i32
      %sign3A_258 = arith.constant 0 : i32
      %sign3A_259 = arith.cmpi slt, %add3A_252, %sign3A_258 : i32
      %sign3A_260 = arith.extui %sign3A_259 : i1 to i32
      %sign3A_261 = arith.subi %sign3A_257, %sign3A_260 : i32
      %sign3A_262 = arith.constant 0 : i32
      %sign3A_263 = arith.cmpi sgt, %jit3A_253, %sign3A_262 : i32
      %sign3A_264 = arith.extui %sign3A_263 : i1 to i32
      %sign3A_265 = arith.constant 0 : i32
      %sign3A_266 = arith.cmpi slt, %jit3A_253, %sign3A_265 : i32
      %sign3A_267 = arith.extui %sign3A_266 : i1 to i32
      %sign3A_268 = arith.subi %sign3A_264, %sign3A_267 : i32
      %ne3A_269 = arith.cmpi ne, %sign3A_261, %sign3A_268 : i32
      %rem3A_270 = arith.remsi %add3A_252, %jit3A_253 : i32
      %ne3A_271 = arith.constant 0 : i32
      %ne3A_272 = arith.cmpi ne, %rem3A_270, %ne3A_271 : i32
      %and3A_273 = arith.andi %ne3A_269, %ne3A_272 : i1
      %sub3A_274 = arith.constant 1 : i32
      %sub3A_275 = arith.subi %div3A_254, %sub3A_274 : i32
      %select_n3A_276 = arith.select %and3A_273, %sub3A_275, %div3A_254 : i32
      %jit3A_277 = arith.constant 2 : i32
      %eq3A_278 = arith.constant 0 : i32
      %eq3A_279 = arith.cmpi eq, %jit3A_277, %eq3A_278 : i32
      %jit3A_280 = arith.constant 1 : i32
      %select_n3A_281 = arith.select %eq3A_279, %jit3A_280, %jit3A_277 : i32
      %rem3A_282 = arith.remsi %add3A_252, %select_n3A_281 : i32
      %ne3A_283 = arith.constant 0 : i32
      %ne3A_284 = arith.cmpi ne, %rem3A_282, %ne3A_283 : i32
      %lt3A_285 = arith.constant 0 : i32
      %lt3A_286 = arith.cmpi slt, %rem3A_282, %lt3A_285 : i32
      %lt3A_287 = arith.constant 0 : i32
      %lt3A_288 = arith.cmpi slt, %select_n3A_281, %lt3A_287 : i32
      %ne3A_289 = arith.xori %lt3A_286, %lt3A_288 : i1
      %and3A_290 = arith.andi %ne3A_289, %ne3A_284 : i1
      %add3A_291 = arith.addi %rem3A_282, %select_n3A_281 : i32
      %select_n3A_292 = arith.select %and3A_290, %add3A_291, %rem3A_282 : i32
      %mul3A_293 = arith.constant 64 : i32
      %mul3A_294 = arith.muli %mul3A_293, %select_n3A_292 : i32
      %dma_wait3A_295 = arith.constant 128 : i32
      %dma_wait3A_296 = arith.constant 0 : i32
      %dma_wait3A_297 = tpu.memref_slice %arg11[%dma_wait3A_295, %dma_wait3A_296] : memref<192x128xf32, #tpu.memory_space<vmem>> -> memref<64x128xf32, #tpu.memory_space<vmem>>
      %dma_wait3A_298 = tpu.memref_slice %arg8[%select_n3A_276, %mul3A_294] : memref<79x128xi32, #tpu.memory_space<vmem>> -> memref<1x64xi32, #tpu.memory_space<vmem>>
      %dma_wait3A_299 = tpu.memref_squeeze %dma_wait3A_298 : memref<1x64xi32, #tpu.memory_space<vmem>> -> memref<64xi32, #tpu.memory_space<vmem>>
      %dma_wait3A_300 = arith.constant 0 : i32
      %dma_wait3A_301 = arith.constant 0 : i32
      %dma_wait3A_302 = tpu.memref_slice %arg2[%dma_wait3A_300, %dma_wait3A_301] : memref<10000x128xf32, #tpu.memory_space<hbm>> -> memref<10000x128xf32, #tpu.memory_space<hbm>>
      tpu.wait_indirect_dma semaphore(%arg15 : memref<!tpu.dma_semaphore, #tpu.memory_space<semaphore_mem>>) src(%dma_wait3A_302 : memref<10000x128xf32, #tpu.memory_space<hbm>>) dst(%dma_wait3A_297 : memref<64x128xf32, #tpu.memory_space<vmem>>)
      %jit3A_303 = arith.constant 2 : i32
      %div3A_304 = arith.divsi %add3A_252, %jit3A_303 : i32
      %sign3A_305 = arith.constant 0 : i32
      %sign3A_306 = arith.cmpi sgt, %add3A_252, %sign3A_305 : i32
      %sign3A_307 = arith.extui %sign3A_306 : i1 to i32
      %sign3A_308 = arith.constant 0 : i32
      %sign3A_309 = arith.cmpi slt, %add3A_252, %sign3A_308 : i32
      %sign3A_310 = arith.extui %sign3A_309 : i1 to i32
      %sign3A_311 = arith.subi %sign3A_307, %sign3A_310 : i32
      %sign3A_312 = arith.constant 0 : i32
      %sign3A_313 = arith.cmpi sgt, %jit3A_303, %sign3A_312 : i32
      %sign3A_314 = arith.extui %sign3A_313 : i1 to i32
      %sign3A_315 = arith.constant 0 : i32
      %sign3A_316 = arith.cmpi slt, %jit3A_303, %sign3A_315 : i32
      %sign3A_317 = arith.extui %sign3A_316 : i1 to i32
      %sign3A_318 = arith.subi %sign3A_314, %sign3A_317 : i32
      %ne3A_319 = arith.cmpi ne, %sign3A_311, %sign3A_318 : i32
      %rem3A_320 = arith.remsi %add3A_252, %jit3A_303 : i32
      %ne3A_321 = arith.constant 0 : i32
      %ne3A_322 = arith.cmpi ne, %rem3A_320, %ne3A_321 : i32
      %and3A_323 = arith.andi %ne3A_319, %ne3A_322 : i1
      %sub3A_324 = arith.constant 1 : i32
      %sub3A_325 = arith.subi %div3A_304, %sub3A_324 : i32
      %select_n3A_326 = arith.select %and3A_323, %sub3A_325, %div3A_304 : i32
      %jit3A_327 = arith.constant 2 : i32
      %eq3A_328 = arith.constant 0 : i32
      %eq3A_329 = arith.cmpi eq, %jit3A_327, %eq3A_328 : i32
      %jit3A_330 = arith.constant 1 : i32
      %select_n3A_331 = arith.select %eq3A_329, %jit3A_330, %jit3A_327 : i32
      %rem3A_332 = arith.remsi %add3A_252, %select_n3A_331 : i32
      %ne3A_333 = arith.constant 0 : i32
      %ne3A_334 = arith.cmpi ne, %rem3A_332, %ne3A_333 : i32
      %lt3A_335 = arith.constant 0 : i32
      %lt3A_336 = arith.cmpi slt, %rem3A_332, %lt3A_335 : i32
      %lt3A_337 = arith.constant 0 : i32
      %lt3A_338 = arith.cmpi slt, %select_n3A_331, %lt3A_337 : i32
      %ne3A_339 = arith.xori %lt3A_336, %lt3A_338 : i1
      %and3A_340 = arith.andi %ne3A_339, %ne3A_334 : i1
      %add3A_341 = arith.addi %rem3A_332, %select_n3A_331 : i32
      %select_n3A_342 = arith.select %and3A_340, %add3A_341, %rem3A_332 : i32
      %mul3A_343 = arith.constant 64 : i32
      %mul3A_344 = arith.muli %mul3A_343, %select_n3A_342 : i32
      %dma_start3A_345 = arith.constant 128 : i32
      %dma_start3A_346 = arith.constant 0 : i32
      %dma_start3A_347 = tpu.memref_slice %arg11[%dma_start3A_345, %dma_start3A_346] : memref<192x128xf32, #tpu.memory_space<vmem>> -> memref<64x128xf32, #tpu.memory_space<vmem>>
      %dma_start3A_348 = tpu.memref_slice %arg9[%select_n3A_326, %mul3A_344] : memref<79x128xi32, #tpu.memory_space<vmem>> -> memref<1x64xi32, #tpu.memory_space<vmem>>
      %dma_start3A_349 = tpu.memref_squeeze %dma_start3A_348 : memref<1x64xi32, #tpu.memory_space<vmem>> -> memref<64xi32, #tpu.memory_space<vmem>>
      %dma_start3A_350 = arith.constant 0 : i32
      %dma_start3A_351 = arith.constant 0 : i32
      %dma_start3A_352 = tpu.memref_slice %arg12[%dma_start3A_350, %dma_start3A_351] : memref<10000x128xf32, #tpu.memory_space<vmem_shared>> -> memref<10000x128xf32, #tpu.memory_space<vmem_shared>>
      tpu.enqueue_indirect_dma source(%dma_start3A_347 : memref<64x128xf32, #tpu.memory_space<vmem>>) target(%dma_start3A_352 : memref<10000x128xf32, #tpu.memory_space<vmem_shared>>) offsets(%dma_start3A_349 : memref<64xi32, #tpu.memory_space<vmem>>) semaphore(%arg18 : memref<!tpu.dma_semaphore, #tpu.memory_space<semaphore_mem>>) {add = true}
      %mul3A_353 = arith.constant 3 : i32
      %mul3A_354 = arith.muli %mul3A_353, %scan3A_50 : i32
      %add3A_355 = arith.constant 0 : i32
      %add3A_356 = arith.addi %mul3A_354, %add3A_355 : i32
      %jit3A_357 = arith.constant 2 : i32
      %div3A_358 = arith.divsi %add3A_356, %jit3A_357 : i32
      %sign3A_359 = arith.constant 0 : i32
      %sign3A_360 = arith.cmpi sgt, %add3A_356, %sign3A_359 : i32
      %sign3A_361 = arith.extui %sign3A_360 : i1 to i32
      %sign3A_362 = arith.constant 0 : i32
      %sign3A_363 = arith.cmpi slt, %add3A_356, %sign3A_362 : i32
      %sign3A_364 = arith.extui %sign3A_363 : i1 to i32
      %sign3A_365 = arith.subi %sign3A_361, %sign3A_364 : i32
      %sign3A_366 = arith.constant 0 : i32
      %sign3A_367 = arith.cmpi sgt, %jit3A_357, %sign3A_366 : i32
      %sign3A_368 = arith.extui %sign3A_367 : i1 to i32
      %sign3A_369 = arith.constant 0 : i32
      %sign3A_370 = arith.cmpi slt, %jit3A_357, %sign3A_369 : i32
      %sign3A_371 = arith.extui %sign3A_370 : i1 to i32
      %sign3A_372 = arith.subi %sign3A_368, %sign3A_371 : i32
      %ne3A_373 = arith.cmpi ne, %sign3A_365, %sign3A_372 : i32
      %rem3A_374 = arith.remsi %add3A_356, %jit3A_357 : i32
      %ne3A_375 = arith.constant 0 : i32
      %ne3A_376 = arith.cmpi ne, %rem3A_374, %ne3A_375 : i32
      %and3A_377 = arith.andi %ne3A_373, %ne3A_376 : i1
      %sub3A_378 = arith.constant 1 : i32
      %sub3A_379 = arith.subi %div3A_358, %sub3A_378 : i32
      %select_n3A_380 = arith.select %and3A_377, %sub3A_379, %div3A_358 : i32
      %jit3A_381 = arith.constant 2 : i32
      %eq3A_382 = arith.constant 0 : i32
      %eq3A_383 = arith.cmpi eq, %jit3A_381, %eq3A_382 : i32
      %jit3A_384 = arith.constant 1 : i32
      %select_n3A_385 = arith.select %eq3A_383, %jit3A_384, %jit3A_381 : i32
      %rem3A_386 = arith.remsi %add3A_356, %select_n3A_385 : i32
      %ne3A_387 = arith.constant 0 : i32
      %ne3A_388 = arith.cmpi ne, %rem3A_386, %ne3A_387 : i32
      %lt3A_389 = arith.constant 0 : i32
      %lt3A_390 = arith.cmpi slt, %rem3A_386, %lt3A_389 : i32
      %lt3A_391 = arith.constant 0 : i32
      %lt3A_392 = arith.cmpi slt, %select_n3A_385, %lt3A_391 : i32
      %ne3A_393 = arith.xori %lt3A_390, %lt3A_392 : i1
      %and3A_394 = arith.andi %ne3A_393, %ne3A_388 : i1
      %add3A_395 = arith.addi %rem3A_386, %select_n3A_385 : i32
      %select_n3A_396 = arith.select %and3A_394, %add3A_395, %rem3A_386 : i32
      %mul3A_397 = arith.constant 64 : i32
      %mul3A_398 = arith.muli %mul3A_397, %select_n3A_396 : i32
      %dma_wait3A_399 = arith.constant 0 : i32
      %dma_wait3A_400 = arith.constant 0 : i32
      %dma_wait3A_401 = tpu.memref_slice %arg11[%dma_wait3A_399, %dma_wait3A_400] : memref<192x128xf32, #tpu.memory_space<vmem>> -> memref<64x128xf32, #tpu.memory_space<vmem>>
      %dma_wait3A_402 = tpu.memref_slice %arg9[%select_n3A_380, %mul3A_398] : memref<79x128xi32, #tpu.memory_space<vmem>> -> memref<1x64xi32, #tpu.memory_space<vmem>>
      %dma_wait3A_403 = tpu.memref_squeeze %dma_wait3A_402 : memref<1x64xi32, #tpu.memory_space<vmem>> -> memref<64xi32, #tpu.memory_space<vmem>>
      %dma_wait3A_404 = arith.constant 0 : i32
      %dma_wait3A_405 = arith.constant 0 : i32
      %dma_wait3A_406 = tpu.memref_slice %arg12[%dma_wait3A_404, %dma_wait3A_405] : memref<10000x128xf32, #tpu.memory_space<vmem_shared>> -> memref<10000x128xf32, #tpu.memory_space<vmem_shared>>
      tpu.wait_indirect_dma semaphore(%arg16 : memref<!tpu.dma_semaphore, #tpu.memory_space<semaphore_mem>>) src(%dma_wait3A_401 : memref<64x128xf32, #tpu.memory_space<vmem>>) dst(%dma_wait3A_406 : memref<10000x128xf32, #tpu.memory_space<vmem_shared>>)
      %add3A_407 = arith.constant 3 : i32
      %add3A_408 = arith.addi %add3A_356, %add3A_407 : i32
      %lt3A_409 = arith.constant 156 : i32
      %lt3A_410 = arith.cmpi slt, %add3A_408, %lt3A_409 : i32
      %convert_element_type3A_411 = arith.extui %lt3A_410 : i1 to i32
      %cond3A_412 = arith.constant 0 : i32
      %cond3A_413 = arith.cmpi ne, %convert_element_type3A_411, %cond3A_412 : i32
      scf.if %cond3A_413 {
        %add3A_536 = arith.constant 3 : i32
        %add3A_537 = arith.addi %add3A_356, %add3A_536 : i32
        %jit3A_538 = arith.constant 2 : i32
        %div3A_539 = arith.divsi %add3A_537, %jit3A_538 : i32
        %sign3A_540 = arith.constant 0 : i32
        %sign3A_541 = arith.cmpi sgt, %add3A_537, %sign3A_540 : i32
        %sign3A_542 = arith.extui %sign3A_541 : i1 to i32
        %sign3A_543 = arith.constant 0 : i32
        %sign3A_544 = arith.cmpi slt, %add3A_537, %sign3A_543 : i32
        %sign3A_545 = arith.extui %sign3A_544 : i1 to i32
        %sign3A_546 = arith.subi %sign3A_542, %sign3A_545 : i32
        %sign3A_547 = arith.constant 0 : i32
        %sign3A_548 = arith.cmpi sgt, %jit3A_538, %sign3A_547 : i32
        %sign3A_549 = arith.extui %sign3A_548 : i1 to i32
        %sign3A_550 = arith.constant 0 : i32
        %sign3A_551 = arith.cmpi slt, %jit3A_538, %sign3A_550 : i32
        %sign3A_552 = arith.extui %sign3A_551 : i1 to i32
        %sign3A_553 = arith.subi %sign3A_549, %sign3A_552 : i32
        %ne3A_554 = arith.cmpi ne, %sign3A_546, %sign3A_553 : i32
        %rem3A_555 = arith.remsi %add3A_537, %jit3A_538 : i32
        %ne3A_556 = arith.constant 0 : i32
        %ne3A_557 = arith.cmpi ne, %rem3A_555, %ne3A_556 : i32
        %and3A_558 = arith.andi %ne3A_554, %ne3A_557 : i1
        %sub3A_559 = arith.constant 1 : i32
        %sub3A_560 = arith.subi %div3A_539, %sub3A_559 : i32
        %select_n3A_561 = arith.select %and3A_558, %sub3A_560, %div3A_539 : i32
        %jit3A_562 = arith.constant 2 : i32
        %eq3A_563 = arith.constant 0 : i32
        %eq3A_564 = arith.cmpi eq, %jit3A_562, %eq3A_563 : i32
        %jit3A_565 = arith.constant 1 : i32
        %select_n3A_566 = arith.select %eq3A_564, %jit3A_565, %jit3A_562 : i32
        %rem3A_567 = arith.remsi %add3A_537, %select_n3A_566 : i32
        %ne3A_568 = arith.constant 0 : i32
        %ne3A_569 = arith.cmpi ne, %rem3A_567, %ne3A_568 : i32
        %lt3A_570 = arith.constant 0 : i32
        %lt3A_571 = arith.cmpi slt, %rem3A_567, %lt3A_570 : i32
        %lt3A_572 = arith.constant 0 : i32
        %lt3A_573 = arith.cmpi slt, %select_n3A_566, %lt3A_572 : i32
        %ne3A_574 = arith.xori %lt3A_571, %lt3A_573 : i1
        %and3A_575 = arith.andi %ne3A_574, %ne3A_569 : i1
        %add3A_576 = arith.addi %rem3A_567, %select_n3A_566 : i32
        %select_n3A_577 = arith.select %and3A_575, %add3A_576, %rem3A_567 : i32
        %mul3A_578 = arith.constant 64 : i32
        %mul3A_579 = arith.muli %mul3A_578, %select_n3A_577 : i32
        %dma_start3A_580 = arith.constant 0 : i32
        %dma_start3A_581 = arith.constant 0 : i32
        %dma_start3A_582 = tpu.memref_slice %arg11[%dma_start3A_580, %dma_start3A_581] : memref<192x128xf32, #tpu.memory_space<vmem>> -> memref<64x128xf32, #tpu.memory_space<vmem>>
        %dma_start3A_583 = tpu.memref_slice %arg8[%select_n3A_561, %mul3A_579] : memref<79x128xi32, #tpu.memory_space<vmem>> -> memref<1x64xi32, #tpu.memory_space<vmem>>
        %dma_start3A_584 = tpu.memref_squeeze %dma_start3A_583 : memref<1x64xi32, #tpu.memory_space<vmem>> -> memref<64xi32, #tpu.memory_space<vmem>>
        %dma_start3A_585 = arith.constant 0 : i32
        %dma_start3A_586 = arith.constant 0 : i32
        %dma_start3A_587 = tpu.memref_slice %arg2[%dma_start3A_585, %dma_start3A_586] : memref<10000x128xf32, #tpu.memory_space<hbm>> -> memref<10000x128xf32, #tpu.memory_space<hbm>>
        tpu.enqueue_indirect_dma source(%dma_start3A_587 : memref<10000x128xf32, #tpu.memory_space<hbm>>) target(%dma_start3A_582 : memref<64x128xf32, #tpu.memory_space<vmem>>) offsets(%dma_start3A_584 : memref<64xi32, #tpu.memory_space<vmem>>) semaphore(%arg13 : memref<!tpu.dma_semaphore, #tpu.memory_space<semaphore_mem>>)
      } else {
      }
      %mul3A_414 = arith.constant 3 : i32
      %mul3A_415 = arith.muli %mul3A_414, %scan3A_50 : i32
      %add3A_416 = arith.constant 1 : i32
      %add3A_417 = arith.addi %mul3A_415, %add3A_416 : i32
      %jit3A_418 = arith.constant 2 : i32
      %div3A_419 = arith.divsi %add3A_417, %jit3A_418 : i32
      %sign3A_420 = arith.constant 0 : i32
      %sign3A_421 = arith.cmpi sgt, %add3A_417, %sign3A_420 : i32
      %sign3A_422 = arith.extui %sign3A_421 : i1 to i32
      %sign3A_423 = arith.constant 0 : i32
      %sign3A_424 = arith.cmpi slt, %add3A_417, %sign3A_423 : i32
      %sign3A_425 = arith.extui %sign3A_424 : i1 to i32
      %sign3A_426 = arith.subi %sign3A_422, %sign3A_425 : i32
      %sign3A_427 = arith.constant 0 : i32
      %sign3A_428 = arith.cmpi sgt, %jit3A_418, %sign3A_427 : i32
      %sign3A_429 = arith.extui %sign3A_428 : i1 to i32
      %sign3A_430 = arith.constant 0 : i32
      %sign3A_431 = arith.cmpi slt, %jit3A_418, %sign3A_430 : i32
      %sign3A_432 = arith.extui %sign3A_431 : i1 to i32
      %sign3A_433 = arith.subi %sign3A_429, %sign3A_432 : i32
      %ne3A_434 = arith.cmpi ne, %sign3A_426, %sign3A_433 : i32
      %rem3A_435 = arith.remsi %add3A_417, %jit3A_418 : i32
      %ne3A_436 = arith.constant 0 : i32
      %ne3A_437 = arith.cmpi ne, %rem3A_435, %ne3A_436 : i32
      %and3A_438 = arith.andi %ne3A_434, %ne3A_437 : i1
      %sub3A_439 = arith.constant 1 : i32
      %sub3A_440 = arith.subi %div3A_419, %sub3A_439 : i32
      %select_n3A_441 = arith.select %and3A_438, %sub3A_440, %div3A_419 : i32
      %jit3A_442 = arith.constant 2 : i32
      %eq3A_443 = arith.constant 0 : i32
      %eq3A_444 = arith.cmpi eq, %jit3A_442, %eq3A_443 : i32
      %jit3A_445 = arith.constant 1 : i32
      %select_n3A_446 = arith.select %eq3A_444, %jit3A_445, %jit3A_442 : i32
      %rem3A_447 = arith.remsi %add3A_417, %select_n3A_446 : i32
      %ne3A_448 = arith.constant 0 : i32
      %ne3A_449 = arith.cmpi ne, %rem3A_447, %ne3A_448 : i32
      %lt3A_450 = arith.constant 0 : i32
      %lt3A_451 = arith.cmpi slt, %rem3A_447, %lt3A_450 : i32
      %lt3A_452 = arith.constant 0 : i32
      %lt3A_453 = arith.cmpi slt, %select_n3A_446, %lt3A_452 : i32
      %ne3A_454 = arith.xori %lt3A_451, %lt3A_453 : i1
      %and3A_455 = arith.andi %ne3A_454, %ne3A_449 : i1
      %add3A_456 = arith.addi %rem3A_447, %select_n3A_446 : i32
      %select_n3A_457 = arith.select %and3A_455, %add3A_456, %rem3A_447 : i32
      %mul3A_458 = arith.constant 64 : i32
      %mul3A_459 = arith.muli %mul3A_458, %select_n3A_457 : i32
      %dma_wait3A_460 = arith.constant 64 : i32
      %dma_wait3A_461 = arith.constant 0 : i32
      %dma_wait3A_462 = tpu.memref_slice %arg11[%dma_wait3A_460, %dma_wait3A_461] : memref<192x128xf32, #tpu.memory_space<vmem>> -> memref<64x128xf32, #tpu.memory_space<vmem>>
      %dma_wait3A_463 = tpu.memref_slice %arg9[%select_n3A_441, %mul3A_459] : memref<79x128xi32, #tpu.memory_space<vmem>> -> memref<1x64xi32, #tpu.memory_space<vmem>>
      %dma_wait3A_464 = tpu.memref_squeeze %dma_wait3A_463 : memref<1x64xi32, #tpu.memory_space<vmem>> -> memref<64xi32, #tpu.memory_space<vmem>>
      %dma_wait3A_465 = arith.constant 0 : i32
      %dma_wait3A_466 = arith.constant 0 : i32
      %dma_wait3A_467 = tpu.memref_slice %arg12[%dma_wait3A_465, %dma_wait3A_466] : memref<10000x128xf32, #tpu.memory_space<vmem_shared>> -> memref<10000x128xf32, #tpu.memory_space<vmem_shared>>
      tpu.wait_indirect_dma semaphore(%arg17 : memref<!tpu.dma_semaphore, #tpu.memory_space<semaphore_mem>>) src(%dma_wait3A_462 : memref<64x128xf32, #tpu.memory_space<vmem>>) dst(%dma_wait3A_467 : memref<10000x128xf32, #tpu.memory_space<vmem_shared>>)
      %add3A_468 = arith.constant 3 : i32
      %add3A_469 = arith.addi %add3A_417, %add3A_468 : i32
      %lt3A_470 = arith.constant 156 : i32
      %lt3A_471 = arith.cmpi slt, %add3A_469, %lt3A_470 : i32
      %convert_element_type3A_472 = arith.extui %lt3A_471 : i1 to i32
      %cond3A_473 = arith.constant 0 : i32
      %cond3A_474 = arith.cmpi ne, %convert_element_type3A_472, %cond3A_473 : i32
      scf.if %cond3A_474 {
        %add3A_536 = arith.constant 3 : i32
        %add3A_537 = arith.addi %add3A_417, %add3A_536 : i32
        %jit3A_538 = arith.constant 2 : i32
        %div3A_539 = arith.divsi %add3A_537, %jit3A_538 : i32
        %sign3A_540 = arith.constant 0 : i32
        %sign3A_541 = arith.cmpi sgt, %add3A_537, %sign3A_540 : i32
        %sign3A_542 = arith.extui %sign3A_541 : i1 to i32
        %sign3A_543 = arith.constant 0 : i32
        %sign3A_544 = arith.cmpi slt, %add3A_537, %sign3A_543 : i32
        %sign3A_545 = arith.extui %sign3A_544 : i1 to i32
        %sign3A_546 = arith.subi %sign3A_542, %sign3A_545 : i32
        %sign3A_547 = arith.constant 0 : i32
        %sign3A_548 = arith.cmpi sgt, %jit3A_538, %sign3A_547 : i32
        %sign3A_549 = arith.extui %sign3A_548 : i1 to i32
        %sign3A_550 = arith.constant 0 : i32
        %sign3A_551 = arith.cmpi slt, %jit3A_538, %sign3A_550 : i32
        %sign3A_552 = arith.extui %sign3A_551 : i1 to i32
        %sign3A_553 = arith.subi %sign3A_549, %sign3A_552 : i32
        %ne3A_554 = arith.cmpi ne, %sign3A_546, %sign3A_553 : i32
        %rem3A_555 = arith.remsi %add3A_537, %jit3A_538 : i32
        %ne3A_556 = arith.constant 0 : i32
        %ne3A_557 = arith.cmpi ne, %rem3A_555, %ne3A_556 : i32
        %and3A_558 = arith.andi %ne3A_554, %ne3A_557 : i1
        %sub3A_559 = arith.constant 1 : i32
        %sub3A_560 = arith.subi %div3A_539, %sub3A_559 : i32
        %select_n3A_561 = arith.select %and3A_558, %sub3A_560, %div3A_539 : i32
        %jit3A_562 = arith.constant 2 : i32
        %eq3A_563 = arith.constant 0 : i32
        %eq3A_564 = arith.cmpi eq, %jit3A_562, %eq3A_563 : i32
        %jit3A_565 = arith.constant 1 : i32
        %select_n3A_566 = arith.select %eq3A_564, %jit3A_565, %jit3A_562 : i32
        %rem3A_567 = arith.remsi %add3A_537, %select_n3A_566 : i32
        %ne3A_568 = arith.constant 0 : i32
        %ne3A_569 = arith.cmpi ne, %rem3A_567, %ne3A_568 : i32
        %lt3A_570 = arith.constant 0 : i32
        %lt3A_571 = arith.cmpi slt, %rem3A_567, %lt3A_570 : i32
        %lt3A_572 = arith.constant 0 : i32
        %lt3A_573 = arith.cmpi slt, %select_n3A_566, %lt3A_572 : i32
        %ne3A_574 = arith.xori %lt3A_571, %lt3A_573 : i1
        %and3A_575 = arith.andi %ne3A_574, %ne3A_569 : i1
        %add3A_576 = arith.addi %rem3A_567, %select_n3A_566 : i32
        %select_n3A_577 = arith.select %and3A_575, %add3A_576, %rem3A_567 : i32
        %mul3A_578 = arith.constant 64 : i32
        %mul3A_579 = arith.muli %mul3A_578, %select_n3A_577 : i32
        %dma_start3A_580 = arith.constant 64 : i32
        %dma_start3A_581 = arith.constant 0 : i32
        %dma_start3A_582 = tpu.memref_slice %arg11[%dma_start3A_580, %dma_start3A_581] : memref<192x128xf32, #tpu.memory_space<vmem>> -> memref<64x128xf32, #tpu.memory_space<vmem>>
        %dma_start3A_583 = tpu.memref_slice %arg8[%select_n3A_561, %mul3A_579] : memref<79x128xi32, #tpu.memory_space<vmem>> -> memref<1x64xi32, #tpu.memory_space<vmem>>
        %dma_start3A_584 = tpu.memref_squeeze %dma_start3A_583 : memref<1x64xi32, #tpu.memory_space<vmem>> -> memref<64xi32, #tpu.memory_space<vmem>>
        %dma_start3A_585 = arith.constant 0 : i32
        %dma_start3A_586 = arith.constant 0 : i32
        %dma_start3A_587 = tpu.memref_slice %arg2[%dma_start3A_585, %dma_start3A_586] : memref<10000x128xf32, #tpu.memory_space<hbm>> -> memref<10000x128xf32, #tpu.memory_space<hbm>>
        tpu.enqueue_indirect_dma source(%dma_start3A_587 : memref<10000x128xf32, #tpu.memory_space<hbm>>) target(%dma_start3A_582 : memref<64x128xf32, #tpu.memory_space<vmem>>) offsets(%dma_start3A_584 : memref<64xi32, #tpu.memory_space<vmem>>) semaphore(%arg14 : memref<!tpu.dma_semaphore, #tpu.memory_space<semaphore_mem>>)
      } else {
      }
      %mul3A_475 = arith.constant 3 : i32
      %mul3A_476 = arith.muli %mul3A_475, %scan3A_50 : i32
      %add3A_477 = arith.constant 2 : i32
      %add3A_478 = arith.addi %mul3A_476, %add3A_477 : i32
      %jit3A_479 = arith.constant 2 : i32
      %div3A_480 = arith.divsi %add3A_478, %jit3A_479 : i32
      %sign3A_481 = arith.constant 0 : i32
      %sign3A_482 = arith.cmpi sgt, %add3A_478, %sign3A_481 : i32
      %sign3A_483 = arith.extui %sign3A_482 : i1 to i32
      %sign3A_484 = arith.constant 0 : i32
      %sign3A_485 = arith.cmpi slt, %add3A_478, %sign3A_484 : i32
      %sign3A_486 = arith.extui %sign3A_485 : i1 to i32
      %sign3A_487 = arith.subi %sign3A_483, %sign3A_486 : i32
      %sign3A_488 = arith.constant 0 : i32
      %sign3A_489 = arith.cmpi sgt, %jit3A_479, %sign3A_488 : i32
      %sign3A_490 = arith.extui %sign3A_489 : i1 to i32
      %sign3A_491 = arith.constant 0 : i32
      %sign3A_492 = arith.cmpi slt, %jit3A_479, %sign3A_491 : i32
      %sign3A_493 = arith.extui %sign3A_492 : i1 to i32
      %sign3A_494 = arith.subi %sign3A_490, %sign3A_493 : i32
      %ne3A_495 = arith.cmpi ne, %sign3A_487, %sign3A_494 : i32
      %rem3A_496 = arith.remsi %add3A_478, %jit3A_479 : i32
      %ne3A_497 = arith.constant 0 : i32
      %ne3A_498 = arith.cmpi ne, %rem3A_496, %ne3A_497 : i32
      %and3A_499 = arith.andi %ne3A_495, %ne3A_498 : i1
      %sub3A_500 = arith.constant 1 : i32
      %sub3A_501 = arith.subi %div3A_480, %sub3A_500 : i32
      %select_n3A_502 = arith.select %and3A_499, %sub3A_501, %div3A_480 : i32
      %jit3A_503 = arith.constant 2 : i32
      %eq3A_504 = arith.constant 0 : i32
      %eq3A_505 = arith.cmpi eq, %jit3A_503, %eq3A_504 : i32
      %jit3A_506 = arith.constant 1 : i32
      %select_n3A_507 = arith.select %eq3A_505, %jit3A_506, %jit3A_503 : i32
      %rem3A_508 = arith.remsi %add3A_478, %select_n3A_507 : i32
      %ne3A_509 = arith.constant 0 : i32
      %ne3A_510 = arith.cmpi ne, %rem3A_508, %ne3A_509 : i32
      %lt3A_511 = arith.constant 0 : i32
      %lt3A_512 = arith.cmpi slt, %rem3A_508, %lt3A_511 : i32
      %lt3A_513 = arith.constant 0 : i32
      %lt3A_514 = arith.cmpi slt, %select_n3A_507, %lt3A_513 : i32
      %ne3A_515 = arith.xori %lt3A_512, %lt3A_514 : i1
      %and3A_516 = arith.andi %ne3A_515, %ne3A_510 : i1
      %add3A_517 = arith.addi %rem3A_508, %select_n3A_507 : i32
      %select_n3A_518 = arith.select %and3A_516, %add3A_517, %rem3A_508 : i32
      %mul3A_519 = arith.constant 64 : i32
      %mul3A_520 = arith.muli %mul3A_519, %select_n3A_518 : i32
      %dma_wait3A_521 = arith.constant 128 : i32
      %dma_wait3A_522 = arith.constant 0 : i32
      %dma_wait3A_523 = tpu.memref_slice %arg11[%dma_wait3A_521, %dma_wait3A_522] : memref<192x128xf32, #tpu.memory_space<vmem>> -> memref<64x128xf32, #tpu.memory_space<vmem>>
      %dma_wait3A_524 = tpu.memref_slice %arg9[%select_n3A_502, %mul3A_520] : memref<79x128xi32, #tpu.memory_space<vmem>> -> memref<1x64xi32, #tpu.memory_space<vmem>>
      %dma_wait3A_525 = tpu.memref_squeeze %dma_wait3A_524 : memref<1x64xi32, #tpu.memory_space<vmem>> -> memref<64xi32, #tpu.memory_space<vmem>>
      %dma_wait3A_526 = arith.constant 0 : i32
      %dma_wait3A_527 = arith.constant 0 : i32
      %dma_wait3A_528 = tpu.memref_slice %arg12[%dma_wait3A_526, %dma_wait3A_527] : memref<10000x128xf32, #tpu.memory_space<vmem_shared>> -> memref<10000x128xf32, #tpu.memory_space<vmem_shared>>
      tpu.wait_indirect_dma semaphore(%arg18 : memref<!tpu.dma_semaphore, #tpu.memory_space<semaphore_mem>>) src(%dma_wait3A_523 : memref<64x128xf32, #tpu.memory_space<vmem>>) dst(%dma_wait3A_528 : memref<10000x128xf32, #tpu.memory_space<vmem_shared>>)
      %add3A_529 = arith.constant 3 : i32
      %add3A_530 = arith.addi %add3A_478, %add3A_529 : i32
      %lt3A_531 = arith.constant 156 : i32
      %lt3A_532 = arith.cmpi slt, %add3A_530, %lt3A_531 : i32
      %convert_element_type3A_533 = arith.extui %lt3A_532 : i1 to i32
      %cond3A_534 = arith.constant 0 : i32
      %cond3A_535 = arith.cmpi ne, %convert_element_type3A_533, %cond3A_534 : i32
      scf.if %cond3A_535 {
        %add3A_536 = arith.constant 3 : i32
        %add3A_537 = arith.addi %add3A_478, %add3A_536 : i32
        %jit3A_538 = arith.constant 2 : i32
        %div3A_539 = arith.divsi %add3A_537, %jit3A_538 : i32
        %sign3A_540 = arith.constant 0 : i32
        %sign3A_541 = arith.cmpi sgt, %add3A_537, %sign3A_540 : i32
        %sign3A_542 = arith.extui %sign3A_541 : i1 to i32
        %sign3A_543 = arith.constant 0 : i32
        %sign3A_544 = arith.cmpi slt, %add3A_537, %sign3A_543 : i32
        %sign3A_545 = arith.extui %sign3A_544 : i1 to i32
        %sign3A_546 = arith.subi %sign3A_542, %sign3A_545 : i32
        %sign3A_547 = arith.constant 0 : i32
        %sign3A_548 = arith.cmpi sgt, %jit3A_538, %sign3A_547 : i32
        %sign3A_549 = arith.extui %sign3A_548 : i1 to i32
        %sign3A_550 = arith.constant 0 : i32
        %sign3A_551 = arith.cmpi slt, %jit3A_538, %sign3A_550 : i32
        %sign3A_552 = arith.extui %sign3A_551 : i1 to i32
        %sign3A_553 = arith.subi %sign3A_549, %sign3A_552 : i32
        %ne3A_554 = arith.cmpi ne, %sign3A_546, %sign3A_553 : i32
        %rem3A_555 = arith.remsi %add3A_537, %jit3A_538 : i32
        %ne3A_556 = arith.constant 0 : i32
        %ne3A_557 = arith.cmpi ne, %rem3A_555, %ne3A_556 : i32
        %and3A_558 = arith.andi %ne3A_554, %ne3A_557 : i1
        %sub3A_559 = arith.constant 1 : i32
        %sub3A_560 = arith.subi %div3A_539, %sub3A_559 : i32
        %select_n3A_561 = arith.select %and3A_558, %sub3A_560, %div3A_539 : i32
        %jit3A_562 = arith.constant 2 : i32
        %eq3A_563 = arith.constant 0 : i32
        %eq3A_564 = arith.cmpi eq, %jit3A_562, %eq3A_563 : i32
        %jit3A_565 = arith.constant 1 : i32
        %select_n3A_566 = arith.select %eq3A_564, %jit3A_565, %jit3A_562 : i32
        %rem3A_567 = arith.remsi %add3A_537, %select_n3A_566 : i32
        %ne3A_568 = arith.constant 0 : i32
        %ne3A_569 = arith.cmpi ne, %rem3A_567, %ne3A_568 : i32
        %lt3A_570 = arith.constant 0 : i32
        %lt3A_571 = arith.cmpi slt, %rem3A_567, %lt3A_570 : i32
        %lt3A_572 = arith.constant 0 : i32
        %lt3A_573 = arith.cmpi slt, %select_n3A_566, %lt3A_572 : i32
        %ne3A_574 = arith.xori %lt3A_571, %lt3A_573 : i1
        %and3A_575 = arith.andi %ne3A_574, %ne3A_569 : i1
        %add3A_576 = arith.addi %rem3A_567, %select_n3A_566 : i32
        %select_n3A_577 = arith.select %and3A_575, %add3A_576, %rem3A_567 : i32
        %mul3A_578 = arith.constant 64 : i32
        %mul3A_579 = arith.muli %mul3A_578, %select_n3A_577 : i32
        %dma_start3A_580 = arith.constant 128 : i32
        %dma_start3A_581 = arith.constant 0 : i32
        %dma_start3A_582 = tpu.memref_slice %arg11[%dma_start3A_580, %dma_start3A_581] : memref<192x128xf32, #tpu.memory_space<vmem>> -> memref<64x128xf32, #tpu.memory_space<vmem>>
        %dma_start3A_583 = tpu.memref_slice %arg8[%select_n3A_561, %mul3A_579] : memref<79x128xi32, #tpu.memory_space<vmem>> -> memref<1x64xi32, #tpu.memory_space<vmem>>
        %dma_start3A_584 = tpu.memref_squeeze %dma_start3A_583 : memref<1x64xi32, #tpu.memory_space<vmem>> -> memref<64xi32, #tpu.memory_space<vmem>>
        %dma_start3A_585 = arith.constant 0 : i32
        %dma_start3A_586 = arith.constant 0 : i32
        %dma_start3A_587 = tpu.memref_slice %arg2[%dma_start3A_585, %dma_start3A_586] : memref<10000x128xf32, #tpu.memory_space<hbm>> -> memref<10000x128xf32, #tpu.memory_space<hbm>>
        tpu.enqueue_indirect_dma source(%dma_start3A_587 : memref<10000x128xf32, #tpu.memory_space<hbm>>) target(%dma_start3A_582 : memref<64x128xf32, #tpu.memory_space<vmem>>) offsets(%dma_start3A_584 : memref<64xi32, #tpu.memory_space<vmem>>) semaphore(%arg15 : memref<!tpu.dma_semaphore, #tpu.memory_space<semaphore_mem>>)
      } else {
      }
    }
    %scan3A_38 = arith.constant 52 : i32
    %run_scoped3A = arith.constant 78 : i32
    "tpu.region"() ({
      %run_scoped3A_50 = tpu.sem_alloc : memref<!tpu.dma_semaphore, #tpu.memory_space<semaphore_mem>>
      %dma_start3A_51 = arith.constant 0 : i32
      %dma_start3A_52 = arith.constant 0 : i32
      %dma_start3A_53 = tpu.memref_slice %arg11[%dma_start3A_51, %dma_start3A_52] : memref<192x128xf32, #tpu.memory_space<vmem>> -> memref<16x128xf32, #tpu.memory_space<vmem>>
      %dma_start3A_54 = arith.constant 0 : i32
      %dma_start3A_55 = tpu.memref_slice %arg8[%run_scoped3A, %dma_start3A_54] : memref<79x128xi32, #tpu.memory_space<vmem>> -> memref<1x16xi32, #tpu.memory_space<vmem>>
      %dma_start3A_56 = tpu.memref_squeeze %dma_start3A_55 : memref<1x16xi32, #tpu.memory_space<vmem>> -> memref<16xi32, #tpu.memory_space<vmem>>
      %dma_start3A_57 = arith.constant 0 : i32
      %dma_start3A_58 = arith.constant 0 : i32
      %dma_start3A_59 = tpu.memref_slice %arg2[%dma_start3A_57, %dma_start3A_58] : memref<10000x128xf32, #tpu.memory_space<hbm>> -> memref<10000x128xf32, #tpu.memory_space<hbm>>
      tpu.enqueue_indirect_dma source(%dma_start3A_59 : memref<10000x128xf32, #tpu.memory_space<hbm>>) target(%dma_start3A_53 : memref<16x128xf32, #tpu.memory_space<vmem>>) offsets(%dma_start3A_56 : memref<16xi32, #tpu.memory_space<vmem>>) semaphore(%run_scoped3A_50 : memref<!tpu.dma_semaphore, #tpu.memory_space<semaphore_mem>>)
      %dma_wait3A = arith.constant 0 : i32
      %dma_wait3A_60 = arith.constant 0 : i32
      %dma_wait3A_61 = tpu.memref_slice %arg11[%dma_wait3A, %dma_wait3A_60] : memref<192x128xf32, #tpu.memory_space<vmem>> -> memref<16x128xf32, #tpu.memory_space<vmem>>
      %dma_wait3A_62 = arith.constant 0 : i32
      %dma_wait3A_63 = tpu.memref_slice %arg8[%run_scoped3A, %dma_wait3A_62] : memref<79x128xi32, #tpu.memory_space<vmem>> -> memref<1x16xi32, #tpu.memory_space<vmem>>
      %dma_wait3A_64 = tpu.memref_squeeze %dma_wait3A_63 : memref<1x16xi32, #tpu.memory_space<vmem>> -> memref<16xi32, #tpu.memory_space<vmem>>
      %dma_wait3A_65 = arith.constant 0 : i32
      %dma_wait3A_66 = arith.constant 0 : i32
      %dma_wait3A_67 = tpu.memref_slice %arg2[%dma_wait3A_65, %dma_wait3A_66] : memref<10000x128xf32, #tpu.memory_space<hbm>> -> memref<10000x128xf32, #tpu.memory_space<hbm>>
      tpu.wait_indirect_dma semaphore(%run_scoped3A_50 : memref<!tpu.dma_semaphore, #tpu.memory_space<semaphore_mem>>) src(%dma_wait3A_67 : memref<10000x128xf32, #tpu.memory_space<hbm>>) dst(%dma_wait3A_61 : memref<16x128xf32, #tpu.memory_space<vmem>>)
      tpu.yield
    }) : () -> ()
    %run_scoped3A_39 = arith.constant 0 : i32
    "tpu.region"() ({
      %run_scoped3A_50 = tpu.sem_alloc : memref<!tpu.dma_semaphore, #tpu.memory_space<semaphore_mem>>
      %dma_start3A_51 = arith.constant 0 : i32
      %dma_start3A_52 = arith.constant 0 : i32
      %dma_start3A_53 = tpu.memref_slice %arg11[%dma_start3A_51, %dma_start3A_52] : memref<192x128xf32, #tpu.memory_space<vmem>> -> memref<16x128xf32, #tpu.memory_space<vmem>>
      %dma_start3A_54 = arith.constant 0 : i32
      %dma_start3A_55 = tpu.memref_slice %arg10[%run_scoped3A_39, %dma_start3A_54] : memref<8x16xi32, #tpu.memory_space<vmem>> -> memref<1x16xi32, #tpu.memory_space<vmem>>
      %dma_start3A_56 = tpu.memref_squeeze %dma_start3A_55 : memref<1x16xi32, #tpu.memory_space<vmem>> -> memref<16xi32, #tpu.memory_space<vmem>>
      %dma_start3A_57 = arith.constant 0 : i32
      %dma_start3A_58 = arith.constant 0 : i32
      %dma_start3A_59 = tpu.memref_slice %arg12[%dma_start3A_57, %dma_start3A_58] : memref<10000x128xf32, #tpu.memory_space<vmem_shared>> -> memref<10000x128xf32, #tpu.memory_space<vmem_shared>>
      tpu.enqueue_indirect_dma source(%dma_start3A_53 : memref<16x128xf32, #tpu.memory_space<vmem>>) target(%dma_start3A_59 : memref<10000x128xf32, #tpu.memory_space<vmem_shared>>) offsets(%dma_start3A_56 : memref<16xi32, #tpu.memory_space<vmem>>) semaphore(%run_scoped3A_50 : memref<!tpu.dma_semaphore, #tpu.memory_space<semaphore_mem>>) {add = true}
      %dma_wait3A = arith.constant 0 : i32
      %dma_wait3A_60 = arith.constant 0 : i32
      %dma_wait3A_61 = tpu.memref_slice %arg11[%dma_wait3A, %dma_wait3A_60] : memref<192x128xf32, #tpu.memory_space<vmem>> -> memref<16x128xf32, #tpu.memory_space<vmem>>
      %dma_wait3A_62 = arith.constant 0 : i32
      %dma_wait3A_63 = tpu.memref_slice %arg10[%run_scoped3A_39, %dma_wait3A_62] : memref<8x16xi32, #tpu.memory_space<vmem>> -> memref<1x16xi32, #tpu.memory_space<vmem>>
      %dma_wait3A_64 = tpu.memref_squeeze %dma_wait3A_63 : memref<1x16xi32, #tpu.memory_space<vmem>> -> memref<16xi32, #tpu.memory_space<vmem>>
      %dma_wait3A_65 = arith.constant 0 : i32
      %dma_wait3A_66 = arith.constant 0 : i32
      %dma_wait3A_67 = tpu.memref_slice %arg12[%dma_wait3A_65, %dma_wait3A_66] : memref<10000x128xf32, #tpu.memory_space<vmem_shared>> -> memref<10000x128xf32, #tpu.memory_space<vmem_shared>>
      tpu.wait_indirect_dma semaphore(%run_scoped3A_50 : memref<!tpu.dma_semaphore, #tpu.memory_space<semaphore_mem>>) src(%dma_wait3A_61 : memref<16x128xf32, #tpu.memory_space<vmem>>) dst(%dma_wait3A_67 : memref<10000x128xf32, #tpu.memory_space<vmem_shared>>)
      tpu.yield
    }) : () -> ()
    %barrier3A_40 = arith.constant 0 : index
    tpu.barrier barrier_id(%barrier3A_40)
    %mul3A_41 = arith.constant 624 : i32
    %mul3A_42 = arith.muli %arg1, %mul3A_41 : i32
    %mul3A_43 = arith.constant 624 : i32
    %mul3A_44 = arith.muli %arg1, %mul3A_43 : i32
    "tpu.region"() ({
      %run_scoped3A_50 = tpu.sem_alloc : memref<!tpu.dma_semaphore, #tpu.memory_space<semaphore_mem>>
      %dma_start3A_51 = arith.constant 0 : i32
      %dma_start3A_52 = tpu.memref_slice %arg7[%arg0, %mul3A_44, %dma_start3A_51] : memref<2x10000x128xf32, #tpu.memory_space<hbm>> -> memref<1x624x128xf32, #tpu.memory_space<hbm>>
      %dma_start3A_53 = tpu.memref_squeeze %dma_start3A_52 : memref<1x624x128xf32, #tpu.memory_space<hbm>> -> memref<624x128xf32, #tpu.memory_space<hbm>>
      %dma_start3A_54 = arith.constant 0 : i32
      %dma_start3A_55 = tpu.memref_slice %arg12[%mul3A_42, %dma_start3A_54] : memref<10000x128xf32, #tpu.memory_space<vmem_shared>> -> memref<624x128xf32, #tpu.memory_space<vmem_shared>>
      tpu.enqueue_dma source(%dma_start3A_55 : memref<624x128xf32, #tpu.memory_space<vmem_shared>>) target(%dma_start3A_53 : memref<624x128xf32, #tpu.memory_space<hbm>>) target_semaphore(%run_scoped3A_50 : memref<!tpu.dma_semaphore, #tpu.memory_space<semaphore_mem>>)
      %dma_wait3A = arith.constant 0 : i32
      %dma_wait3A_56 = tpu.memref_slice %arg7[%arg0, %mul3A_44, %dma_wait3A] : memref<2x10000x128xf32, #tpu.memory_space<hbm>> -> memref<1x624x128xf32, #tpu.memory_space<hbm>>
      %dma_wait3A_57 = tpu.memref_squeeze %dma_wait3A_56 : memref<1x624x128xf32, #tpu.memory_space<hbm>> -> memref<624x128xf32, #tpu.memory_space<hbm>>
      %dma_wait3A_58 = arith.constant 0 : i32
      %dma_wait3A_59 = tpu.memref_slice %arg12[%mul3A_42, %dma_wait3A_58] : memref<10000x128xf32, #tpu.memory_space<vmem_shared>> -> memref<624x128xf32, #tpu.memory_space<vmem_shared>>
      tpu.wait_dma2 semaphore(%run_scoped3A_50 : memref<!tpu.dma_semaphore, #tpu.memory_space<semaphore_mem>>) src(%dma_wait3A_59 : memref<624x128xf32, #tpu.memory_space<vmem_shared>>) dst(%dma_wait3A_57 : memref<624x128xf32, #tpu.memory_space<hbm>>)
      tpu.yield
    }) : () -> ()
    %eq3A_45 = arith.constant 15 : i32
    %eq3A_46 = arith.cmpi eq, %arg1, %eq3A_45 : i32
    %convert_element_type3A_47 = arith.extui %eq3A_46 : i1 to i32
    %cond3A_48 = arith.constant 0 : i32
    %cond3A_49 = arith.cmpi ne, %convert_element_type3A_47, %cond3A_48 : i32
    scf.if %cond3A_49 {
      "tpu.region"() ({
        %run_scoped3A_50 = tpu.sem_alloc : memref<!tpu.dma_semaphore, #tpu.memory_space<semaphore_mem>>
        %dma_start3A_51 = arith.constant 9984 : i32
        %dma_start3A_52 = arith.constant 0 : i32
        %dma_start3A_53 = tpu.memref_slice %arg7[%arg0, %dma_start3A_51, %dma_start3A_52] : memref<2x10000x128xf32, #tpu.memory_space<hbm>> -> memref<1x16x128xf32, #tpu.memory_space<hbm>>
        %dma_start3A_54 = tpu.memref_squeeze %dma_start3A_53 : memref<1x16x128xf32, #tpu.memory_space<hbm>> -> memref<16x128xf32, #tpu.memory_space<hbm>>
        %dma_start3A_55 = arith.constant 9984 : i32
        %dma_start3A_56 = arith.constant 0 : i32
        %dma_start3A_57 = tpu.memref_slice %arg12[%dma_start3A_55, %dma_start3A_56] : memref<10000x128xf32, #tpu.memory_space<vmem_shared>> -> memref<16x128xf32, #tpu.memory_space<vmem_shared>>
        tpu.enqueue_dma source(%dma_start3A_57 : memref<16x128xf32, #tpu.memory_space<vmem_shared>>) target(%dma_start3A_54 : memref<16x128xf32, #tpu.memory_space<hbm>>) target_semaphore(%run_scoped3A_50 : memref<!tpu.dma_semaphore, #tpu.memory_space<semaphore_mem>>)
        %dma_wait3A = arith.constant 9984 : i32
        %dma_wait3A_58 = arith.constant 0 : i32
        %dma_wait3A_59 = tpu.memref_slice %arg7[%arg0, %dma_wait3A, %dma_wait3A_58] : memref<2x10000x128xf32, #tpu.memory_space<hbm>> -> memref<1x16x128xf32, #tpu.memory_space<hbm>>
        %dma_wait3A_60 = tpu.memref_squeeze %dma_wait3A_59 : memref<1x16x128xf32, #tpu.memory_space<hbm>> -> memref<16x128xf32, #tpu.memory_space<hbm>>
        %dma_wait3A_61 = arith.constant 9984 : i32
        %dma_wait3A_62 = arith.constant 0 : i32
        %dma_wait3A_63 = tpu.memref_slice %arg12[%dma_wait3A_61, %dma_wait3A_62] : memref<10000x128xf32, #tpu.memory_space<vmem_shared>> -> memref<16x128xf32, #tpu.memory_space<vmem_shared>>
        tpu.wait_dma2 semaphore(%run_scoped3A_50 : memref<!tpu.dma_semaphore, #tpu.memory_space<semaphore_mem>>) src(%dma_wait3A_63 : memref<16x128xf32, #tpu.memory_space<vmem_shared>>) dst(%dma_wait3A_60 : memref<16x128xf32, #tpu.memory_space<hbm>>)
        tpu.yield
      }) : () -> ()
    } else {
    }
    return
  }
}

module attributes {stable_mosaic.version = 14 : i64} {
  func.func @_prep_body(%arg0: i32, %arg1: memref<2x2000x128xf32, #tpu.memory_space<vmem>>, %arg2: memref<2000x128xf32, #tpu.memory_space<vmem>>, %arg3: memref<2000x1xf32, #tpu.memory_space<vmem>>, %arg4: memref<2000x128xf32, #tpu.memory_space<vmem>>) attributes {dimension_semantics = [#tpu.dimension_semantics<arbitrary>], iteration_bounds = array<i64: 5>, scalar_prefetch = 0 : i64, scratch_operands = 0 : i64, tpu.core_type = #tpu.core_type<tc>, window_params = [{transform_indices = @transform_0, window_bounds = array<i64: 2, 2000, 128>}, {transform_indices = @transform_1, window_bounds = array<i64: 2000, 128>}, {transform_indices = @transform_2, window_bounds = array<i64: 2000, 1>}, {transform_indices = @transform_3, window_bounds = array<i64: 2000, 128>}]} {
    %get3A = arith.constant 0 : index
    %get3A_0 = arith.constant 0 : index
    %get3A_1 = arith.constant 0 : index
    %get3A_2 = vector.load %arg1[%get3A, %get3A_0, %get3A_1] : memref<2x2000x128xf32, #tpu.memory_space<vmem>>, vector<2x2000x128xf32>
    %slice3A = vector.extract_strided_slice %get3A_2 {offsets = [0, 0, 0], sizes = [1, 2000, 128], strides = [1, 1, 1]} : vector<2x2000x128xf32> to vector<1x2000x128xf32>
    %squeeze3A = vector.shape_cast %slice3A : vector<1x2000x128xf32> to vector<2000x128xf32>
    %slice3A_3 = vector.extract_strided_slice %get3A_2 {offsets = [1, 0, 0], sizes = [1, 2000, 128], strides = [1, 1, 1]} : vector<2x2000x128xf32> to vector<1x2000x128xf32>
    %squeeze3A_4 = vector.shape_cast %slice3A_3 : vector<1x2000x128xf32> to vector<2000x128xf32>
    %add3A = arith.addf %squeeze3A, %squeeze3A_4 : vector<2000x128xf32>
    %slice3A_5 = vector.extract_strided_slice %add3A {offsets = [0, 0], sizes = [2000, 1], strides = [1, 1]} : vector<2000x128xf32> to vector<2000x1xf32>
    %gt3A = arith.constant 0.000000e+00 : f32
    %gt3A_6 = vector.broadcast %gt3A : f32 to vector<2000x1xf32>
    %gt3A_7 = arith.cmpf ogt, %slice3A_5, %gt3A_6 : vector<2000x1xf32>
    %max3A = arith.constant 9.99999996E-13 : f32
    %max3A_8 = vector.broadcast %max3A : f32 to vector<2000x1xf32>
    %max3A_9 = arith.maximumf %slice3A_5, %max3A_8 : vector<2000x1xf32>
    %rsqrt3A = math.rsqrt %max3A_9 : vector<2000x1xf32>
    %jit3A = arith.constant 0.000000e+00 : f32
    %broadcast_in_dim3A = vector.broadcast %jit3A : f32 to vector<2000x1xf32>
    %select_n3A = arith.select %gt3A_7, %rsqrt3A, %broadcast_in_dim3A : vector<2000x1xi1>, vector<2000x1xf32>
    %swap3A = arith.constant 0 : index
    %swap3A_10 = arith.constant 0 : index
    %swap3A_11 = vector.load %arg3[%swap3A, %swap3A_10] : memref<2000x1xf32, #tpu.memory_space<vmem>>, vector<2000x1xf32>
    tpu.vector_store %arg3[%swap3A, %swap3A_10], %select_n3A {strides = array<i32>} : memref<2000x1xf32, #tpu.memory_space<vmem>>, vector<2000x1xf32>,
    %get3A_12 = arith.constant 0 : index
    %get3A_13 = arith.constant 0 : index
    %get3A_14 = vector.load %arg2[%get3A_12, %get3A_13] : memref<2000x128xf32, #tpu.memory_space<vmem>>, vector<2000x128xf32>
    %mul3A = vector.broadcast %select_n3A : vector<2000x1xf32> to vector<2000x128xf32>
    %mul3A_15 = arith.mulf %get3A_14, %mul3A : vector<2000x128xf32>
    %swap3A_16 = arith.constant 0 : index
    %swap3A_17 = arith.constant 0 : index
    %swap3A_18 = vector.load %arg4[%swap3A_16, %swap3A_17] : memref<2000x128xf32, #tpu.memory_space<vmem>>, vector<2000x128xf32>
    tpu.vector_store %arg4[%swap3A_16, %swap3A_17], %mul3A_15 {strides = array<i32>} : memref<2000x128xf32, #tpu.memory_space<vmem>>, vector<2000x128xf32>,
    return
  }
  func.func @transform_0(%arg0: i32) -> (i32, i32, i32) {
    %c0_i32 = arith.constant 0 : i32
    %c0_i32_0 = arith.constant 0 : i32
    %c0_i32_1 = arith.constant 0 : i32
    return %c0_i32, %arg0, %c0_i32_0 : i32, i32, i32
  }
  func.func @transform_1(%arg0: i32) -> (i32, i32) {
    %c0_i32 = arith.constant 0 : i32
    %c0_i32_0 = arith.constant 0 : i32
    return %arg0, %c0_i32 : i32, i32
  }
  func.func @transform_2(%arg0: i32) -> (i32, i32) {
    %c0_i32 = arith.constant 0 : i32
    %c0_i32_0 = arith.constant 0 : i32
    return %arg0, %c0_i32 : i32, i32
  }
  func.func @transform_3(%arg0: i32) -> (i32, i32) {
    %c0_i32 = arith.constant 0 : i32
    %c0_i32_0 = arith.constant 0 : i32
    return %arg0, %c0_i32 : i32, i32
  }
}

module attributes {stable_mosaic.version = 14 : i64} {
  func.func @_lin_body(%arg0: i32, %arg1: memref<2000x128xf32, #tpu.memory_space<vmem>>, %arg2: memref<128x128xf32, #tpu.memory_space<vmem>>, %arg3: memref<1x128xf32, #tpu.memory_space<vmem>>, %arg4: memref<2000x128xf32, #tpu.memory_space<vmem>>) attributes {dimension_semantics = [#tpu.dimension_semantics<arbitrary>], iteration_bounds = array<i64: 5>, scalar_prefetch = 0 : i64, scratch_operands = 0 : i64, tpu.core_type = #tpu.core_type<tc>, window_params = [{transform_indices = @transform_0, window_bounds = array<i64: 2000, 128>}, {pipeline_mode = #tpu.pipeline_mode<synchronous>, transform_indices = @transform_1, window_bounds = array<i64: 128, 128>}, {pipeline_mode = #tpu.pipeline_mode<synchronous>, transform_indices = @transform_2, window_bounds = array<i64: 1, 128>}, {transform_indices = @transform_3, window_bounds = array<i64: 2000, 128>}]} {
    %get3A = arith.constant 0 : index
    %get3A_0 = arith.constant 0 : index
    %get3A_1 = vector.load %arg1[%get3A, %get3A_0] : memref<2000x128xf32, #tpu.memory_space<vmem>>, vector<2000x128xf32>
    %get3A_2 = arith.constant 0 : index
    %get3A_3 = arith.constant 0 : index
    %get3A_4 = vector.load %arg2[%get3A_2, %get3A_3] : memref<128x128xf32, #tpu.memory_space<vmem>>, vector<128x128xf32>
    %dot_general3A = arith.constant dense<0.000000e+00> : vector<2000x128xf32>
    %dot_general3A_5 = tpu.matmul %get3A_1, %get3A_4, %dot_general3A {dimension_numbers = #tpu.dot_dimension_numbers<[1], [0], [0], [1], [0, 0, 1, 1], [], []>, transpose_lhs_hint = false} : vector<2000x128xf32>, vector<128x128xf32>, vector<2000x128xf32> -> vector<2000x128xf32>
    %get3A_6 = arith.constant 0 : index
    %get3A_7 = arith.constant 0 : index
    %get3A_8 = vector.load %arg3[%get3A_6, %get3A_7] : memref<1x128xf32, #tpu.memory_space<vmem>>, vector<1x128xf32>
    %add3A = vector.broadcast %get3A_8 : vector<1x128xf32> to vector<2000x128xf32>
    %add3A_9 = arith.addf %dot_general3A_5, %add3A : vector<2000x128xf32>
    %swap3A = arith.constant 0 : index
    %swap3A_10 = arith.constant 0 : index
    %swap3A_11 = vector.load %arg4[%swap3A, %swap3A_10] : memref<2000x128xf32, #tpu.memory_space<vmem>>, vector<2000x128xf32>
    tpu.vector_store %arg4[%swap3A, %swap3A_10], %add3A_9 {strides = array<i32>} : memref<2000x128xf32, #tpu.memory_space<vmem>>, vector<2000x128xf32>,
    return
  }
  func.func @transform_0(%arg0: i32) -> (i32, i32) {
    %c0_i32 = arith.constant 0 : i32
    %c0_i32_0 = arith.constant 0 : i32
    return %arg0, %c0_i32 : i32, i32
  }
  func.func @transform_1(%arg0: i32) -> (i32, i32) {
    %c0_i32 = arith.constant 0 : i32
    %c0_i32_0 = arith.constant 0 : i32
    %c0_i32_1 = arith.constant 0 : i32
    return %c0_i32, %c0_i32_0 : i32, i32
  }
  func.func @transform_2(%arg0: i32) -> (i32, i32) {
    %c0_i32 = arith.constant 0 : i32
    %c0_i32_0 = arith.constant 0 : i32
    %c0_i32_1 = arith.constant 0 : i32
    return %c0_i32, %c0_i32_0 : i32, i32
  }
  func.func @transform_3(%arg0: i32) -> (i32, i32) {
    %c0_i32 = arith.constant 0 : i32
    %c0_i32_0 = arith.constant 0 : i32
    return %arg0, %c0_i32 : i32, i32
  }
}

module attributes {stable_mosaic.version = 14 : i64} {
  func.func @_combine_body(%arg0: i32, %arg1: memref<2x2000x128xf32, #tpu.memory_space<vmem>>, %arg2: memref<2000x1xf32, #tpu.memory_space<vmem>>, %arg3: memref<2000x128xf32, #tpu.memory_space<vmem>>, %arg4: memref<128x128xf32, #tpu.memory_space<vmem>>, %arg5: memref<2000x128xf32, #tpu.memory_space<vmem>>, %arg6: memref<2000x128xf32, #tpu.memory_space<vmem>>) attributes {dimension_semantics = [#tpu.dimension_semantics<arbitrary>], iteration_bounds = array<i64: 5>, scalar_prefetch = 0 : i64, scratch_operands = 0 : i64, tpu.core_type = #tpu.core_type<tc>, window_params = [{transform_indices = @transform_0, window_bounds = array<i64: 2, 2000, 128>}, {transform_indices = @transform_1, window_bounds = array<i64: 2000, 1>}, {transform_indices = @transform_2, window_bounds = array<i64: 2000, 128>}, {pipeline_mode = #tpu.pipeline_mode<synchronous>, transform_indices = @transform_3, window_bounds = array<i64: 128, 128>}, {transform_indices = @transform_4, window_bounds = array<i64: 2000, 128>}, {transform_indices = @transform_5, window_bounds = array<i64: 2000, 128>}]} {
    %get3A = arith.constant 0 : index
    %get3A_0 = arith.constant 0 : index
    %get3A_1 = vector.load %arg2[%get3A, %get3A_0] : memref<2000x1xf32, #tpu.memory_space<vmem>>, vector<2000x1xf32>
    %get3A_2 = arith.constant 0 : index
    %get3A_3 = arith.constant 0 : index
    %get3A_4 = arith.constant 0 : index
    %get3A_5 = vector.load %arg1[%get3A_2, %get3A_3, %get3A_4] : memref<2x2000x128xf32, #tpu.memory_space<vmem>>, vector<2x2000x128xf32>
    %slice3A = vector.extract_strided_slice %get3A_5 {offsets = [0, 0, 0], sizes = [1, 2000, 128], strides = [1, 1, 1]} : vector<2x2000x128xf32> to vector<1x2000x128xf32>
    %squeeze3A = vector.shape_cast %slice3A : vector<1x2000x128xf32> to vector<2000x128xf32>
    %slice3A_6 = vector.extract_strided_slice %get3A_5 {offsets = [1, 0, 0], sizes = [1, 2000, 128], strides = [1, 1, 1]} : vector<2x2000x128xf32> to vector<1x2000x128xf32>
    %squeeze3A_7 = vector.shape_cast %slice3A_6 : vector<1x2000x128xf32> to vector<2000x128xf32>
    %add3A = arith.addf %squeeze3A, %squeeze3A_7 : vector<2000x128xf32>
    %mul3A = vector.broadcast %get3A_1 : vector<2000x1xf32> to vector<2000x128xf32>
    %mul3A_8 = arith.mulf %add3A, %mul3A : vector<2000x128xf32>
    %get3A_9 = arith.constant 0 : index
    %get3A_10 = arith.constant 0 : index
    %get3A_11 = vector.load %arg4[%get3A_9, %get3A_10] : memref<128x128xf32, #tpu.memory_space<vmem>>, vector<128x128xf32>
    %dot_general3A = arith.constant dense<0.000000e+00> : vector<2000x128xf32>
    %dot_general3A_12 = tpu.matmul %mul3A_8, %get3A_11, %dot_general3A {dimension_numbers = #tpu.dot_dimension_numbers<[1], [0], [0], [1], [0, 0, 1, 1], [], []>, transpose_lhs_hint = false} : vector<2000x128xf32>, vector<128x128xf32>, vector<2000x128xf32> -> vector<2000x128xf32>
    %get3A_13 = arith.constant 0 : index
    %get3A_14 = arith.constant 0 : index
    %get3A_15 = vector.load %arg3[%get3A_13, %get3A_14] : memref<2000x128xf32, #tpu.memory_space<vmem>>, vector<2000x128xf32>
    %add3A_16 = arith.addf %dot_general3A_12, %get3A_15 : vector<2000x128xf32>
    %gt3A = arith.constant 0.000000e+00 : f32
    %gt3A_17 = vector.broadcast %gt3A : f32 to vector<2000x128xf32>
    %gt3A_18 = arith.cmpf ogt, %add3A_16, %gt3A_17 : vector<2000x128xf32>
    %mul3A_19 = arith.constant 2.000000e-01 : f32
    %mul3A_20 = vector.broadcast %mul3A_19 : f32 to vector<2000x128xf32>
    %mul3A_21 = arith.mulf %mul3A_20, %add3A_16 : vector<2000x128xf32>
    %select_n3A = arith.select %gt3A_18, %add3A_16, %mul3A_21 : vector<2000x128xi1>, vector<2000x128xf32>
    %swap3A = arith.constant 0 : index
    %swap3A_22 = arith.constant 0 : index
    %swap3A_23 = vector.load %arg5[%swap3A, %swap3A_22] : memref<2000x128xf32, #tpu.memory_space<vmem>>, vector<2000x128xf32>
    tpu.vector_store %arg5[%swap3A, %swap3A_22], %select_n3A {strides = array<i32>} : memref<2000x128xf32, #tpu.memory_space<vmem>>, vector<2000x128xf32>,
    %mul3A_24 = vector.broadcast %get3A_1 : vector<2000x1xf32> to vector<2000x128xf32>
    %mul3A_25 = arith.mulf %select_n3A, %mul3A_24 : vector<2000x128xf32>
    %swap3A_26 = arith.constant 0 : index
    %swap3A_27 = arith.constant 0 : index
    %swap3A_28 = vector.load %arg6[%swap3A_26, %swap3A_27] : memref<2000x128xf32, #tpu.memory_space<vmem>>, vector<2000x128xf32>
    tpu.vector_store %arg6[%swap3A_26, %swap3A_27], %mul3A_25 {strides = array<i32>} : memref<2000x128xf32, #tpu.memory_space<vmem>>, vector<2000x128xf32>,
    return
  }
  func.func @transform_0(%arg0: i32) -> (i32, i32, i32) {
    %c0_i32 = arith.constant 0 : i32
    %c0_i32_0 = arith.constant 0 : i32
    %c0_i32_1 = arith.constant 0 : i32
    return %c0_i32, %arg0, %c0_i32_0 : i32, i32, i32
  }
  func.func @transform_1(%arg0: i32) -> (i32, i32) {
    %c0_i32 = arith.constant 0 : i32
    %c0_i32_0 = arith.constant 0 : i32
    return %arg0, %c0_i32 : i32, i32
  }
  func.func @transform_2(%arg0: i32) -> (i32, i32) {
    %c0_i32 = arith.constant 0 : i32
    %c0_i32_0 = arith.constant 0 : i32
    return %arg0, %c0_i32 : i32, i32
  }
  func.func @transform_3(%arg0: i32) -> (i32, i32) {
    %c0_i32 = arith.constant 0 : i32
    %c0_i32_0 = arith.constant 0 : i32
    %c0_i32_1 = arith.constant 0 : i32
    return %c0_i32, %c0_i32_0 : i32, i32
  }
  func.func @transform_4(%arg0: i32) -> (i32, i32) {
    %c0_i32 = arith.constant 0 : i32
    %c0_i32_0 = arith.constant 0 : i32
    return %arg0, %c0_i32 : i32, i32
  }
  func.func @transform_5(%arg0: i32) -> (i32, i32) {
    %c0_i32 = arith.constant 0 : i32
    %c0_i32_0 = arith.constant 0 : i32
    return %arg0, %c0_i32 : i32, i32
  }
}

module attributes {stable_mosaic.version = 14 : i64} {
  func.func @_final_body(%arg0: i32, %arg1: memref<2x2000x128xf32, #tpu.memory_space<vmem>>, %arg2: memref<2000x1xf32, #tpu.memory_space<vmem>>, %arg3: memref<2000x128xf32, #tpu.memory_space<vmem>>, %arg4: memref<128x128xf32, #tpu.memory_space<vmem>>, %arg5: memref<128x10xf32, #tpu.memory_space<vmem>>, %arg6: memref<1x10xf32, #tpu.memory_space<vmem>>, %arg7: memref<2000x10xf32, #tpu.memory_space<vmem>>) attributes {dimension_semantics = [#tpu.dimension_semantics<arbitrary>], iteration_bounds = array<i64: 5>, scalar_prefetch = 0 : i64, scratch_operands = 0 : i64, tpu.core_type = #tpu.core_type<tc>, window_params = [{transform_indices = @transform_0, window_bounds = array<i64: 2, 2000, 128>}, {transform_indices = @transform_1, window_bounds = array<i64: 2000, 1>}, {transform_indices = @transform_2, window_bounds = array<i64: 2000, 128>}, {pipeline_mode = #tpu.pipeline_mode<synchronous>, transform_indices = @transform_3, window_bounds = array<i64: 128, 128>}, {pipeline_mode = #tpu.pipeline_mode<synchronous>, transform_indices = @transform_4, window_bounds = array<i64: 128, 10>}, {pipeline_mode = #tpu.pipeline_mode<synchronous>, transform_indices = @transform_5, window_bounds = array<i64: 1, 10>}, {transform_indices = @transform_6, window_bounds = array<i64: 2000, 10>}]} {
    %get3A = arith.constant 0 : index
    %get3A_0 = arith.constant 0 : index
    %get3A_1 = vector.load %arg2[%get3A, %get3A_0] : memref<2000x1xf32, #tpu.memory_space<vmem>>, vector<2000x1xf32>
    %get3A_2 = arith.constant 0 : index
    %get3A_3 = arith.constant 0 : index
    %get3A_4 = arith.constant 0 : index
    %get3A_5 = vector.load %arg1[%get3A_2, %get3A_3, %get3A_4] : memref<2x2000x128xf32, #tpu.memory_space<vmem>>, vector<2x2000x128xf32>
    %slice3A = vector.extract_strided_slice %get3A_5 {offsets = [0, 0, 0], sizes = [1, 2000, 128], strides = [1, 1, 1]} : vector<2x2000x128xf32> to vector<1x2000x128xf32>
    %squeeze3A = vector.shape_cast %slice3A : vector<1x2000x128xf32> to vector<2000x128xf32>
    %slice3A_6 = vector.extract_strided_slice %get3A_5 {offsets = [1, 0, 0], sizes = [1, 2000, 128], strides = [1, 1, 1]} : vector<2x2000x128xf32> to vector<1x2000x128xf32>
    %squeeze3A_7 = vector.shape_cast %slice3A_6 : vector<1x2000x128xf32> to vector<2000x128xf32>
    %add3A = arith.addf %squeeze3A, %squeeze3A_7 : vector<2000x128xf32>
    %mul3A = vector.broadcast %get3A_1 : vector<2000x1xf32> to vector<2000x128xf32>
    %mul3A_8 = arith.mulf %add3A, %mul3A : vector<2000x128xf32>
    %get3A_9 = arith.constant 0 : index
    %get3A_10 = arith.constant 0 : index
    %get3A_11 = vector.load %arg4[%get3A_9, %get3A_10] : memref<128x128xf32, #tpu.memory_space<vmem>>, vector<128x128xf32>
    %dot_general3A = arith.constant dense<0.000000e+00> : vector<2000x128xf32>
    %dot_general3A_12 = tpu.matmul %mul3A_8, %get3A_11, %dot_general3A {dimension_numbers = #tpu.dot_dimension_numbers<[1], [0], [0], [1], [0, 0, 1, 1], [], []>, transpose_lhs_hint = false} : vector<2000x128xf32>, vector<128x128xf32>, vector<2000x128xf32> -> vector<2000x128xf32>
    %get3A_13 = arith.constant 0 : index
    %get3A_14 = arith.constant 0 : index
    %get3A_15 = vector.load %arg3[%get3A_13, %get3A_14] : memref<2000x128xf32, #tpu.memory_space<vmem>>, vector<2000x128xf32>
    %add3A_16 = arith.addf %dot_general3A_12, %get3A_15 : vector<2000x128xf32>
    %gt3A = arith.constant 0.000000e+00 : f32
    %gt3A_17 = vector.broadcast %gt3A : f32 to vector<2000x128xf32>
    %gt3A_18 = arith.cmpf ogt, %add3A_16, %gt3A_17 : vector<2000x128xf32>
    %mul3A_19 = arith.constant 2.000000e-01 : f32
    %mul3A_20 = vector.broadcast %mul3A_19 : f32 to vector<2000x128xf32>
    %mul3A_21 = arith.mulf %mul3A_20, %add3A_16 : vector<2000x128xf32>
    %select_n3A = arith.select %gt3A_18, %add3A_16, %mul3A_21 : vector<2000x128xi1>, vector<2000x128xf32>
    %get3A_22 = arith.constant 0 : index
    %get3A_23 = arith.constant 0 : index
    %get3A_24 = vector.load %arg5[%get3A_22, %get3A_23] : memref<128x10xf32, #tpu.memory_space<vmem>>, vector<128x10xf32>
    %dot_general3A_25 = arith.constant dense<0.000000e+00> : vector<2000x10xf32>
    %dot_general3A_26 = tpu.matmul %select_n3A, %get3A_24, %dot_general3A_25 {dimension_numbers = #tpu.dot_dimension_numbers<[1], [0], [0], [1], [0, 0, 1, 1], [], []>, transpose_lhs_hint = false} : vector<2000x128xf32>, vector<128x10xf32>, vector<2000x10xf32> -> vector<2000x10xf32>
    %get3A_27 = arith.constant 0 : index
    %get3A_28 = arith.constant 0 : index
    %get3A_29 = vector.load %arg6[%get3A_27, %get3A_28] : memref<1x10xf32, #tpu.memory_space<vmem>>, vector<1x10xf32>
    %add3A_30 = vector.broadcast %get3A_29 : vector<1x10xf32> to vector<2000x10xf32>
    %add3A_31 = arith.addf %dot_general3A_26, %add3A_30 : vector<2000x10xf32>
    %tanh3A = math.tanh %add3A_31 : vector<2000x10xf32>
    %swap3A = arith.constant 0 : index
    %swap3A_32 = arith.constant 0 : index
    %swap3A_33 = vector.load %arg7[%swap3A, %swap3A_32] : memref<2000x10xf32, #tpu.memory_space<vmem>>, vector<2000x10xf32>
    tpu.vector_store %arg7[%swap3A, %swap3A_32], %tanh3A {strides = array<i32>} : memref<2000x10xf32, #tpu.memory_space<vmem>>, vector<2000x10xf32>,
    return
  }
  func.func @transform_0(%arg0: i32) -> (i32, i32, i32) {
    %c0_i32 = arith.constant 0 : i32
    %c0_i32_0 = arith.constant 0 : i32
    %c0_i32_1 = arith.constant 0 : i32
    return %c0_i32, %arg0, %c0_i32_0 : i32, i32, i32
  }
  func.func @transform_1(%arg0: i32) -> (i32, i32) {
    %c0_i32 = arith.constant 0 : i32
    %c0_i32_0 = arith.constant 0 : i32
    return %arg0, %c0_i32 : i32, i32
  }
  func.func @transform_2(%arg0: i32) -> (i32, i32) {
    %c0_i32 = arith.constant 0 : i32
    %c0_i32_0 = arith.constant 0 : i32
    return %arg0, %c0_i32 : i32, i32
  }
  func.func @transform_3(%arg0: i32) -> (i32, i32) {
    %c0_i32 = arith.constant 0 : i32
    %c0_i32_0 = arith.constant 0 : i32
    %c0_i32_1 = arith.constant 0 : i32
    return %c0_i32, %c0_i32_0 : i32, i32
  }
  func.func @transform_4(%arg0: i32) -> (i32, i32) {
    %c0_i32 = arith.constant 0 : i32
    %c0_i32_0 = arith.constant 0 : i32
    %c0_i32_1 = arith.constant 0 : i32
    return %c0_i32, %c0_i32_0 : i32, i32
  }
  func.func @transform_5(%arg0: i32) -> (i32, i32) {
    %c0_i32 = arith.constant 0 : i32
    %c0_i32_0 = arith.constant 0 : i32
    %c0_i32_1 = arith.constant 0 : i32
    return %c0_i32, %c0_i32_0 : i32, i32
  }
  func.func @transform_6(%arg0: i32) -> (i32, i32) {
    %c0_i32 = arith.constant 0 : i32
    %c0_i32_0 = arith.constant 0 : i32
    return %arg0, %c0_i32 : i32, i32
  }
}

</mosaic_0001>

<sc_bundles>
// kernel: kernel.13.cloned.1.call-start
scs
__scs_entry_jumppad:
0x0: {  	(pc) =	sbr.rel $0x88, $3  }
0x1: {  	(tag) =	ssettag $0x0;
	lr =	simm.s32 $0x1  }
0x2: {  	[smem:$0x3F94] =	sst lr;
	_ =	strace $0xD0000000  }
0x3: {  	_ = 	snop  }
0x4: {  	_ = 	snop  }
0x5: {  	_ = 	snop  }
0x6: {  	_ = 	snop  }
0x7: {  	_ = 	snop  }
__scs_overlays_trampoline_lowered:
0x8: {  	[smem:$0x3FA3] =	sst s0  }
0x9: {  	[smem:$0x3FA4] =	sst s1  }
0xa: {  	[smem:$0x3FA5] =	sst s2  }
0xb: {  	[smem:$0x3FA6] =	sst s3  }
0xc: {  	[smem:$0x3FA7] =	sst s4  }
0xd: {  	[smem:$0x3FA8] =	sst s5  }
0xe: {  	[smem:$0x3FA9] =	sst s6  }
0xf: {  	[smem:$0x3FAA] =	sst s7  }
0x10: {  	[smem:$0x3FAB] =	sst s8  }
0x11: {  	[smem:$0x3FAC] =	sst s9;
	s0 =	simm.s32 @!p0 $0x0  }
0x12: {  	s1 =	sld [smem:$0x3F92];
	s0 =	simm.s32 @p0 $0x1  }
0x13: {  	[smem:$0x3FAD] =	sst s0;
	s0 =	simm.s32 @!p1 $0x0  }
0x14: {  	s2 =	sld [smem:$0x3F91];
	s0 =	simm.s32 @p1 $0x1  }
0x15: {  	[smem:$0x3FAE] =	sst s0;
	s0 =	simm.s32 @!p2 $0x0  }
0x16: {  	s3 =	sld [smem:$0x3FDB];
	s0 =	simm.s32 @p2 $0x1  }
0x17: {  	s4 =	simm.s32 $0x1BF5;
	[smem:$0x3FB0] =	sst s0  }
0x18: {  	s0 =	sld [smem:$0x3F93];
	_ =	swait.ge [sflag:s4], $0x0  }
0x19: {  	s7 =	sld [smem:$0x3F94]  }
0x1a: {  	s8 =	sadd.s32 $0xFFFFE003, lr  }
0x1b: {  	s9 =	sadd.s32 $0xFFFFFEF7, lr;
	s5 =	simm.s32 $0xFFFFFFFF;
	p2 =	slt.u32 s8, $0xFFFFF086  }
0x1c: {  	p1 =	slt.u32 s9, $0xF7A;
	s5 =	simm.s32 @!p2 $0x0  }
0x1d: {  	s5 =	simm.s32 @p1 $0x1;
	p0 =	seq.s32 s7, s2  }
0x1e: {  	s7 =	smul.u32 @!p0 $0xF7A, s2;
	p2 =	seq.s32 @!p0 s5, $0x0  }
0x1f: {  	s9 =	smul.u32 $0xF7A, s1;
	s8 =	simm.s32 @!p0 $0x1BF5;
	p2 =	por !p2, p0  }
0x20: {  	[sflag:s8] =	ssyncset.s32 @!p0 $0xFFFFF086;
	s6 =	sadd.s32 @!p0 s3, s7;
	s7 =	simm.s32 @!p0 $0x108  }
0x21: {  	s3 =	sadd.s32 s3, s9;
	s6 =	sadd.s32 @!p0 $0x88, s6;
	s7 =	simm.s32 @p2 $0x1082  }
0x22: {  	[simem:s7], [sflag:s8] =	dma.local @!p0 [hbm:s6], $0xF7A  }
0x23: {  	s9 =	sor.u32 $0xD0000000, s2;
	s6 =	simm.s32 $0x108;
	_ =	swait.ge @!p0 [sflag:s8], $0x0  }
0x24: {  	s3 =	sadd.s32 $0x88, s3;
	s6 =	simm.s32 @!p1 $0x1082;
	[sflag:s4] =	ssyncset.s32 $0xFFFFF086  }
0x25: {  	[simem:s6], [sflag:s4] =	dma.local [hbm:s3], $0xF7A  }
0x26: {  	[smem:$0x3F94] =	sst s1;
	(tag) =	ssettag s2;
	_ =	strace s9  }
0x27: {  	s1 =	sld [smem:$0x3FA4]  }
0x28: {  	s2 =	sld [smem:$0x3FA5]  }
0x29: {  	s4 =	sld [smem:$0x3FA7]  }
0x2a: {  	p0 =	seq.s32 s5, $0x0;
	s5 =	sld [smem:$0x3FA8]  }
0x2b: {  	s6 =	sld [smem:$0x3FA9]  }
0x2c: {  	s7 =	sld [smem:$0x3FAA]  }
0x2d: {  	s3 =	simm.s32 $0x108;
	s8 =	sld [smem:$0x3FAB]  }
0x2e: {  	s3 =	simm.s32 @!p0 $0x1082;
	s9 =	sld [smem:$0x3FAC]  }
0x2f: {  	lr =	sadd.s32 s0, s3;
	s0 =	sld [smem:$0x3FA3]  }
0x30: {  	s3 =	sld [smem:$0x3FA6]  }
0x31: {  	[smem:$0x3FAF] =	sst s10  }
0x32: {  	s10 =	sld [smem:$0x3FAD];
	_ =	sdelay $0x3  }
0x33: {  	p0 =	seq.s32 s10, $0x1;
	s10 =	sld [smem:$0x3FAF];
	_ =	sdelay $0x3  }
0x34: {  	[smem:$0x3FAF] =	sst s10  }
0x35: {  	s10 =	sld [smem:$0x3FAE];
	_ =	sdelay $0x3  }
0x36: {  	p1 =	seq.s32 s10, $0x1;
	s10 =	sld [smem:$0x3FAF];
	_ =	sdelay $0x3  }
0x37: {  	[smem:$0x3FAF] =	sst s10  }
0x38: {  	s10 =	sld [smem:$0x3FB0]  }
0x39: {  	_ = 	snop;
	(pc) =	sbr.ind lr, $3  }
0x3a: {  	_ = 	snop  }
0x3b: {  	_ = 	snop  }
0x3c: {  	p2 =	seq.s32 s10, $0x1;
	s10 =	sld [smem:$0x3FAF]  }
0x3d: {  	_ =	shalt  }
0x3e: {  	_ =	shalt  }
0x3f: {  	_ =	shalt  }
0x40: {  	_ =	shalt  }
0x41: {  	_ =	shalt  }
0x42: {  	_ =	shalt  }
0x43: {  	_ =	shalt  }
0x44: {  	_ =	shalt  }
0x45: {  	_ =	shalt  }
0x46: {  	_ =	shalt  }
0x47: {  	_ =	shalt  }
0x48: {  	_ =	shalt  }
0x49: {  	_ =	shalt  }
0x4a: {  	_ =	shalt  }
0x4b: {  	_ =	shalt  }
0x4c: {  	_ =	shalt  }
0x4d: {  	_ =	shalt  }
0x4e: {  	_ =	shalt  }
0x4f: {  	_ =	shalt  }
0x50: {  	_ =	shalt  }
0x51: {  	_ =	shalt  }
0x52: {  	_ =	shalt  }
0x53: {  	_ =	shalt  }
0x54: {  	_ =	shalt  }
0x55: {  	_ =	shalt  }
0x56: {  	_ =	shalt  }
0x57: {  	_ =	shalt  }
0x58: {  	_ =	shalt  }
0x59: {  	_ =	shalt  }
0x5a: {  	_ =	shalt  }
0x5b: {  	_ =	shalt  }
0x5c: {  	_ =	shalt  }
0x5d: {  	_ =	shalt  }
0x5e: {  	_ =	shalt  }
0x5f: {  	_ =	shalt  }
0x60: {  	_ =	shalt  }
0x61: {  	_ =	shalt  }
0x62: {  	_ =	shalt  }
0x63: {  	_ =	shalt  }
0x64: {  	_ =	shalt  }
0x65: {  	_ =	shalt  }
0x66: {  	_ =	shalt  }
0x67: {  	_ =	shalt  }
0x68: {  	_ =	shalt  }
0x69: {  	_ =	shalt  }
0x6a: {  	_ =	shalt  }
0x6b: {  	_ =	shalt  }
0x6c: {  	_ =	shalt  }
0x6d: {  	_ =	shalt  }
0x6e: {  	_ =	shalt  }
0x6f: {  	_ =	shalt  }
0x70: {  	_ =	shalt  }
0x71: {  	_ =	shalt  }
0x72: {  	_ =	shalt  }
0x73: {  	_ =	shalt  }
0x74: {  	_ =	shalt  }
0x75: {  	_ =	shalt  }
0x76: {  	_ =	shalt  }
0x77: {  	_ =	shalt  }
0x78: {  	_ =	shalt  }
0x79: {  	_ =	shalt  }
0x7a: {  	_ =	shalt  }
0x7b: {  	_ =	shalt  }
0x7c: {  	_ =	shalt  }
0x7d: {  	_ =	shalt  }
0x7e: {  	_ =	shalt  }
0x7f: {  	_ =	shalt  }
0x80: {  	_ =	shalt  }
0x81: {  	_ =	shalt  }
0x82: {  	_ =	shalt  }
0x83: {  	_ =	shalt  }
0x84: {  	_ =	shalt  }
0x85: {  	_ =	shalt  }
0x86: {  	_ =	shalt  }
0x87: {  	_ =	shalt  }
.Lfunc_end0:
.L_simem_size_0:
called_computation_lowered:
.L_overlay_start_0:
0x88: {  	s2 =	sld [smem:$0x3FD9]  }
0x89: {  	s3 =	sld [smem:$0x3FFE];
	_ =	sdelay $0x1  }
0x8a: {  	s1 =	srdreg.scid  }
0x8b: {  	s0 =	sand.u32 $0x1, s1  }
0x8c: {  	s17 =	sshll.u32 s0, $0xA;
	s2 =	sadd.s32 s3, s2  }
0x8d: {  	s2 =	sadd.s32 s2, s17  }
0x8e: {  	[smem:$0x3FBB] =	sst s2  }
0x8f: {  	_ = 	snop  }
0x90: {  	s2 =	sld [smem:$0x3FD0];
	(tm) =	ssettm $0x1  }
0x91: {  	s18 =	sld [smem:$0x3FFB];
	_ =	sdelay $0x3  }
0x92: {  	_ =	strace s18  }
0x93: {  	s3 =	sld [smem:$0x3FFC];
	_ =	sdelay $0x3  }
0x94: {  	_ =	strace s3  }
0x95: {  	s3 =	sld [smem:$0x3FFD];
	_ =	sdelay $0x3  }
0x96: {  	_ =	strace s3  }
0x97: {  	_ =	strace $0x8FFFFFFF  }
0x98: {  	s19 =	sld [smem:$0x3FDB];
	_ =	sdelay $0x1  }
0x99: {  	s4 =	simm.s32 $_scs_section_size  }
0x9a: {  	s5 =	simm.s32 $_size__tile_overlayer_lowered;
	s6 =	simm.s32 $_tile_overlayer_lowered  }
0x9b: {  	s22 =	simm.s32 $0x1BFF;
	s21 =	sshll.u32 s6, $0x1;
	s3 =	sadd.s32 s4, s19  }
0x9c: {  	s7 =	simm.s32 $0x0;
	s20 =	sshll.u32 s5, $0x1;
	s5 =	sadd.s32 s21, s3  }
0x9d: {  	[timem:s7], [sflag:s22] =	dma.local [hbm:s5], s20  }
0x9e: {  	_ =	swait.ge [sflag:s22], s20  }
0x9f: {  	s4 =	ssub.s32 $0x0, s20;
	[sflag:s22] =	ssyncset.done $0x0  }
0xa0: {  	[sflag:s22] =	ssyncadd.s32 s4;
	_ =	sdelay $0x1  }
0xa1: {  	s23 =	simm.s32 $0x1B8B  }
0xa2: {  	_ =	swait.ge [sflag:s23], $0x1  }
0xa3: {  	[sflag:s23] =	ssyncset.done $0x0  }
0xa4: {  	s25 =	simm.s32 $0x1B8E;
	s24 =	sld [smem:$0x3FFE];
	[sflag:s23] =	ssyncadd.s32 $0xFFFFFFFF  }
0xa5: {  	s26 =	simm.s32 $execute0_lowered;
	[smem:$0x3FD2] =	sst s25  }
0xa6: {  	s5 =	sshll.u32 s26, $0x1;
	_ =	strace $0x80000046;
	[dreg:$0x1] =	wrdreg $0xFFFFFFFF  }
0xa7: {  	s28 =	simm.s32 $_size_execute0_lowered;
	s3 =	sadd.s32 s3, s5;
	[dreg:$0x0] =	wrdreg $0x0  }
0xa8: {  	s5 =	sshll.u32 s28, $0x1;
	[dreg:$0x2] =	wrdreg s3  }
0xa9: {  	[dreg:$0x3] =	wrdreg s5  }
0xaa: {  	[dreg:$0x4] =	wrdreg $0xC0  }
0xab: {  	_ =	task [dreg:s7], $0x5FFFF  }
0xac: {  	[dreg:$0x1] =	wrdreg $0xFFFFFFFF  }
0xad: {  	[dreg:$0x0] =	wrdreg $0x60  }
0xae: {  	[dreg:$0x2] =	wrdreg s24  }
0xaf: {  	[dreg:$0x3] =	wrdreg s2  }
0xb0: {  	[dreg:$0x4] =	wrdreg $0x4C000  }
0xb1: {  	[dreg:$0x5] =	wrdreg $0x9  }
0xb2: {  	_ =	task.clear_ibuf [dreg:s7], $0x6FFFF;
	_ =	strace $0x90000046  }
0xb3: {  	s29 =	simm.s32 $0x9;
	_ =	strace $0x80000048  }
0xb4: {  	_ =	swait.ge [sflag:s29], $0x1  }
0xb5: {  	[sflag:s29] =	ssyncadd.s32 $0xFFFFFFFF  }
0xb6: {  	_ =	strace $0x90000048  }
0xb7: {  	_ =	sfence  }
0xb8: {  	s30 =	sld [smem:$0x0];
	_ =	sdelay $0x2  }
0xb9: {  	s31 =	sshll.u32 s1, $0xD;
	s1 =	sshrl.u32 s1, $0x2  }
0xba: {  	s3 =	sand.u32 $0x4000, s31;
	s1 =	sadd.s32 s1, s30  }
0xbb: {  	s0 =	sor.u32 s3, s0;
	s1 =	sshll.u32 s1, $0x11  }
0xbc: {  	s0 =	sor.u32 s1, s0  }
0xbd: {  	s0 =	sadd.s32 $0x8F2B, s0  }
0xbe: {  	[sflag:s0] =	ssyncadd.remote.s32 $0x1  }
0xbf: {  	_ =	sfence.sel $0xFFFF  }
0xc0: {  	[dreg:$0x0] =	wrdreg $0xFFFFFFFF;
	(pc) =	sbr.abs _section_cstart, $3  }
0xc1: {  	[dreg:$0x1] =	wrdreg $0xFFFFFFFF  }
0xc2: {  	_ =	task.clear_ibuf [dreg:s7], $0x2FFFF;
	_ =	strace $0x9FFFFFFF  }
0xc3: {  	(tm) =	ssettm $0x7FFFFFFF  }
tec
execute0_lowered:
.L_overlay_start_1:
0x0: {  	(tag) =	ssettag $0x1  }
0x1: {  	s6 =	rddreg [dreg:$0x0]  }
0x2: {  	s1 =	srdreg.scid;
	s2 =	rddreg [dreg:$0x1]  }
0x3: {  	s0 =	stileid.u32;
	s3 =	rddreg [dreg:$0x2];
	s4 =	simm.s32 $0x0  }
0x4: {  	s17 =	simm.s32 $0x40;
	s18 =	simm.s32 $0x1;
	s19 =	simm.s32 $0x2  }
0x5: {  	s20 =	simm.s32 $0x3;
	s21 =	simm.s32 $0x4;
	s22 =	simm.s32 $0x10  }
0x6: {  	s23 =	simm.s32 $0x0;
	s7 =	sand.u32 $0x1, s1;
	s1 =	rddreg [dreg:$0x3]  }
0x7: {  	s25 =	sshll.u32 s0, $0x1;
	[smem:$0x7FF] =	sst s4;
	s10 =	smul.u32 $0x4E000, s0  }
0x8: {  	s11 =	sadd.s32 $0xE600, s6;
	s13 =	smul.u32 $0x13800, s0;
	s29 =	sshll.u32 s0, $0x6  }
0x9: {  	s16 =	sadd.s32 $0x138000, s3;
	p0 =	sne.s32 s0, $0xF;
	s5 =	sor.u32 s7, s25  }
0xa: {  	_ =	strace $0x80000047;
	s26 =	ssub.s32 $0x2, s7;
	s12 =	smul.u32 $0x138800, s7  }
0xb: {  	s8 =	smul.u32 $0x500, s5;
	s5 =	sshll.u32 s5, $0x7;
	s28 =	sshrl.u32 s26, $0x1  }
0xc: {  	s10 =	sshrl.u32 s10, $0x2;
	s9 =	sadd.s32 s5, s6;
	s5 =	sadd.s32 $0xE200, s6  }
0xd: {  	s14 =	ssub.s32 s26, s28;
	s15 =	sadd.s32 s10, s3;
	s30 =	sadd.s32 s13, s12  }
0xe: {  	s12 =	sshrl.u32 s12, $0x3;
	s13 =	simm.s32 $0x5;
	s8 =	sadd.s32 s8, s6  }
0xf: {  	s6 =	sor.u32 $0x1C05, s29;
	s10 =	sshrl.u32 s30, $0x3;
	s31 =	sadd.s32 s11, s12  }
0x10: {  	s12 =	sshrl.u32 s15, $0x3;
	s15 =	simm.s32 $0x2800;
	s7 =	sadd.s32 $0x3200, s8  }
0x11: {  	s8 =	sadd.s32 $0xD200, s9;
	s9 =	sadd.s32 s11, s10;
	s10 =	sadd.s32 $0x27000, s31  }
0x12: {  	s11 =	smax.u32 s14, $0x1;
	s14 =	sshrl.u32 @!p0 s16, $0x3;
	s16 =	simm.s32 $0x2C00  }
.LBB2_1:
0x13: {  	[spmem:s12], [sflag:s6] =	dma.local [hbm:s2], $0x2700  }
0x14: {  	_ =	swait.ge [sflag:s13], $0x2700  }
0x15: {  	[sflag:s13] =	ssyncset.done $0x0  }
0x16: {  	s24 =	simm.s32 @!p0 $0x5;
	[sflag:s13] =	ssyncadd.s32 $0xFFFFD900  }
0x17: {  	[spmem:s14], [sflag:s6] =	dma.local @!p0 [hbm:s2], $0x100  }
0x18: {  	_ =	swait.ge @!p0 [sflag:s24], $0x100  }
0x19: {  	[sflag:s24] =	ssyncset.done @!p0 $0x0  }
0x1a: {  	[sflag:s24] =	ssyncadd.s32 @!p0 $0xFFFFFF00  }
0x1b: {  	[tilespmem:s4], [sflag:$0x5] =	stream.linear.gather [hbm4b:s7+s4], $0x2780, $0x38;
	[tilespmem:$0x18480] =	vst v63  }
0x1c: {  	_ =	swait.ge [sflag:s13], $0x2780  }
0x1d: {  	[sflag:s13] =	ssyncset.done $0x0  }
0x1e: {  	[sflag:s13] =	ssyncadd.s32 $0xFFFFD880  }
0x1f: {  	[tilespmem:s15], [sflag:$0x5] =	stream.linear.gather [hbm4b:s8+s4], $0x400, $0x38;
	[tilespmem:$0x18480] =	vst v63  }
0x20: {  	_ =	swait.ge [sflag:s13], $0x400  }
0x21: {  	[sflag:s13] =	ssyncset.done $0x0  }
0x22: {  	[sflag:s13] =	ssyncadd.s32 $0xFFFFFC00  }
0x23: {  	[tilespmem:s16], [sflag:$0x5] =	stream.linear.gather [hbm4b:s5+s4], $0x2000, $0x38;
	[tilespmem:$0x18480] =	vst v63  }
0x24: {  	_ =	swait.ge [sflag:s13], $0x2000  }
0x25: {  	[sflag:s13] =	ssyncset.done $0x0  }
0x26: {  	[sflag:s13] =	ssyncadd.s32 $0xFFFFE000  }
0x27: {  	s28 =	simm.s32 $0x0;
	[bflag:$0x0] =	sbarrier.arrive $0xFFFF  }
0x28: {  	[spmem:s3] =	stream.indirect.scatter.add.f32 [tilespmem:s16], [sflag:$0x1], $0x80, s28, s17, $0xb8;
	[tilespmem:$0x18480] =	vst v63  }
0x29: {  	s29 =	simm.s32 $0x40  }
0x2a: {  	[spmem:s3] =	stream.indirect.scatter.add.f32 [tilespmem:s16], [sflag:$0x2], $0x80, s29, s17, $0xb8;
	[tilespmem:$0x18480] =	vst v63  }
0x2b: {  	s30 =	simm.s32 $0x80  }
0x2c: {  	[spmem:s3] =	stream.indirect.scatter.add.f32 [tilespmem:s16], [sflag:$0x3], $0x80, s30, s17, $0xb8;
	[tilespmem:$0x18480] =	vst v63  }
0x2d: {  	s31 =	simm.s32 $0xC0  }
0x2e: {  	[spmem:s3] =	stream.indirect.scatter.add.f32 [tilespmem:s16], [sflag:$0x4], $0x80, s31, s17, $0xb8;
	[tilespmem:$0x18480] =	vst v63  }
0x2f: {  	_ =	swait.ge [sflag:s18], $0x2000  }
0x30: {  	[sflag:s18] =	ssyncset.done $0x0  }
0x31: {  	[sflag:s18] =	ssyncadd.s32 $0xFFFFE000  }
0x32: {  	_ =	swait.ge [sflag:s19], $0x2000  }
0x33: {  	[sflag:s19] =	ssyncset.done $0x0  }
0x34: {  	[sflag:s19] =	ssyncadd.s32 $0xFFFFE000  }
0x35: {  	_ =	swait.ge [sflag:s20], $0x2000  }
0x36: {  	[sflag:s20] =	ssyncset.done $0x0  }
0x37: {  	[sflag:s20] =	ssyncadd.s32 $0xFFFFE000  }
0x38: {  	_ =	swait.ge [sflag:s21], $0x2000  }
0x39: {  	s25 =	simm.s32 $0x800;
	s24 =	simm.s32 $0x400;
	[sflag:s21] =	ssyncset.done $0x0  }
.LBB2_2:
0x3a: {  	s26 =	sshra.s32 s24, $0x2  }
0x3b: {  	[sflag:s21] =	ssyncadd.s32 $0xFFFFE000;
	s24 =	smov.u32 s25;
	s28 =	sadd.s32 $0x400, s25  }
0x3c: {  	[spmem:s3] =	stream.indirect.scatter.add.f32 [tilespmem:s16], [sflag:$0x1], $0x80, s26, s17, $0xb8;
	[tilespmem:$0x18480] =	vst v63  }
0x3d: {  	p1 =	sne.s32 s25, $0x9800;
	s25 =	sadd.s32 $0x40, s26  }
0x3e: {  	[spmem:s3] =	stream.indirect.scatter.add.f32 [tilespmem:s16], [sflag:$0x2], $0x80, s25, s17, $0xb8;
	[tilespmem:$0x18480] =	vst v63  }
0x3f: {  	s25 =	sadd.s32 $0x80, s26  }
0x40: {  	[spmem:s3] =	stream.indirect.scatter.add.f32 [tilespmem:s16], [sflag:$0x3], $0x80, s25, s17, $0xb8;
	[tilespmem:$0x18480] =	vst v63  }
0x41: {  	s25 =	sadd.s32 $0xC0, s26  }
0x42: {  	[spmem:s3] =	stream.indirect.scatter.add.f32 [tilespmem:s16], [sflag:$0x4], $0x80, s25, s17, $0xb8;
	[tilespmem:$0x18480] =	vst v63  }
0x43: {  	_ =	swait.ge [sflag:s18], $0x2000  }
0x44: {  	[sflag:s18] =	ssyncset.done $0x0  }
0x45: {  	[sflag:s18] =	ssyncadd.s32 $0xFFFFE000  }
0x46: {  	_ =	swait.ge [sflag:s19], $0x2000  }
0x47: {  	[sflag:s19] =	ssyncset.done $0x0  }
0x48: {  	[sflag:s19] =	ssyncadd.s32 $0xFFFFE000  }
.Ltmp0:
0x49: {  	_ =	swait.ge [sflag:s20], $0x2000;
	(pc) =	sbr.rel @p1 .LBB2_2-.Ltmp0, $4  }
0x4a: {  	[sflag:s20] =	ssyncset.done $0x0  }
0x4b: {  	[sflag:s20] =	ssyncadd.s32 $0xFFFFE000  }
0x4c: {  	_ =	swait.ge [sflag:s21], $0x2000  }
0x4d: {  	s25 =	smov.u32 s28;
	[sflag:s21] =	ssyncset.done $0x0  }
0x4e: {  	s24 =	sshra.s32 s24, $0x2;
	[sflag:s21] =	ssyncadd.s32 $0xFFFFE000  }
0x4f: {  	[spmem:s3] =	stream.indirect.scatter.add.f32 [tilespmem:s16], [sflag:$0x1], $0x80, s24, s17, $0xb8;
	[tilespmem:$0x18480] =	vst v63  }
0x50: {  	s25 =	sadd.s32 $0x40, s24  }
0x51: {  	[spmem:s3] =	stream.indirect.scatter.add.f32 [tilespmem:s16], [sflag:$0x2], $0x80, s25, s17, $0xb8;
	[tilespmem:$0x18480] =	vst v63  }
0x52: {  	s31 =	sadd.s32 $0x80, s24  }
0x53: {  	[spmem:s3] =	stream.indirect.scatter.add.f32 [tilespmem:s16], [sflag:$0x3], $0x80, s31, s17, $0xb8;
	[tilespmem:$0x18480] =	vst v63  }
0x54: {  	s24 =	sadd.s32 $0xC0, s24  }
0x55: {  	[spmem:s3] =	stream.indirect.scatter.add.f32 [tilespmem:s16], [sflag:$0x4], $0x80, s24, s17, $0xb8;
	[tilespmem:$0x18480] =	vst v63  }
0x56: {  	_ =	swait.ge [sflag:s18], $0x2000  }
0x57: {  	[sflag:s18] =	ssyncset.done $0x0  }
0x58: {  	[sflag:s18] =	ssyncadd.s32 $0xFFFFE000  }
0x59: {  	_ =	swait.ge [sflag:s19], $0x2000  }
0x5a: {  	[sflag:s19] =	ssyncset.done $0x0  }
0x5b: {  	[sflag:s19] =	ssyncadd.s32 $0xFFFFE000  }
0x5c: {  	_ =	swait.ge [sflag:s20], $0x2000  }
0x5d: {  	[sflag:s20] =	ssyncset.done $0x0  }
0x5e: {  	[sflag:s20] =	ssyncadd.s32 $0xFFFFE000  }
0x5f: {  	_ =	swait.ge [sflag:s21], $0x2000  }
0x60: {  	[sflag:s21] =	ssyncset.done $0x0  }
0x61: {  	[sflag:s21] =	ssyncadd.s32 $0xFFFFE000  }
0x62: {  	[spmem:s3] =	stream.indirect.scatter.add.f32 [tilespmem:s16], [sflag:$0x5], $0x80, s15, s22, $0xb8;
	[tilespmem:$0x18480] =	vst v63  }
0x63: {  	_ =	swait.ge [sflag:s13], $0x800  }
0x64: {  	[sflag:s13] =	ssyncset.done $0x0  }
0x65: {  	[sflag:s13] =	ssyncadd.s32 $0xFFFFF800  }
0x66: {  	[bflag:$0x0] =	sbarrier.arrive $0xFFFF  }
0x67: {  	[hbm:s9], [sflag:s6] =	dma.local [spmem:s12], $0x2700  }
0x68: {  	s23 =	sadd.s32 $0x1, s23;
	_ =	swait.ge [sflag:s13], $0x2700  }
0x69: {  	p1 =	sne.s32 s23, s11;
	[sflag:s13] =	ssyncset.done $0x0  }
.Ltmp1:
0x6a: {  	s24 =	simm.s32 @!p0 $0x5;
	[sflag:s13] =	ssyncadd.s32 $0xFFFFD900;
	(pc) =	sbr.rel @p1 .LBB2_1-.Ltmp1, $4  }
0x6b: {  	[hbm:s10], [sflag:s6] =	dma.local @!p0 [spmem:s14], $0x100  }
0x6c: {  	_ =	swait.ge @!p0 [sflag:s24], $0x100  }
0x6d: {  	[sflag:s24] =	ssyncset.done @!p0 $0x0  }
0x6e: {  	[sflag:s24] =	ssyncadd.s32 @!p0 $0xFFFFFF00  }
0x6f: {  	_ =	sfence.sel $0x180000  }
0x70: {  	[bflag:$0x0] =	sbarrier.arrive $0xFFFF  }
0x71: {  	p0 =	sne.s32 s0, $0x0;
	_ =	strace $0x90000047  }
0x72: {  	s0 =	sadd.s32 @!p0 $0x100000, s1;
	[bflag:$0x2] =	sbarrier.arrive $0xFFFF  }
0x73: {  	[sflag:s0] =	ssyncadd.tile.s32 @!p0 $0x1;
	_ =	shalt  }
.Lfunc_end2:
_tile_overlayer_lowered:
.L_overlay_start_2:
0x74: {  	(tag) =	ssettag $0x2  }
0x75: {  	s0 =	rddreg [dreg:$0x0];
	s2 =	stileid.u32  }
0x76: {  	s1 =	rddreg [dreg:$0x1];
	p0 =	sne.s32 s2, $0x0  }
0x77: {  	s3 =	rddreg [dreg:$0x2];
	[bflag:$0x3] =	sbarrier.arrive $0xFFFF;
	s2 =	simm.s32 @!p0 $0x1C05  }
0x78: {  	[timem:s3], [sflag:s2] =	dma.local @!p0 [hbm:s0], s1  }
0x79: {  	s0 =	simm.s32 @!p0 $0x5  }
0x7a: {  	_ =	swait.ge @!p0 [sflag:s0], s1  }
0x7b: {  	s1 =	ssub.s32 @!p0 $0x0, s1;
	[sflag:s0] =	ssyncset.done @!p0 $0x0  }
0x7c: {  	[sflag:s0] =	ssyncadd.s32 @!p0 s1  }
0x7d: {  	[bflag:$0x3] =	sbarrier.arrive $0xFFFF  }
0x7e: {  	_ =	shalt  }

// kernel: kernel.16.cloned.1.call-start
scs
__scs_entry_jumppad:
0x0: {  	(pc) =	sbr.rel $0x88, $3  }
0x1: {  	(tag) =	ssettag $0x0;
	lr =	simm.s32 $0x1  }
0x2: {  	[smem:$0x3F94] =	sst lr;
	_ =	strace $0xD0000000  }
0x3: {  	_ = 	snop  }
0x4: {  	_ = 	snop  }
0x5: {  	_ = 	snop  }
0x6: {  	_ = 	snop  }
0x7: {  	_ = 	snop  }
__scs_overlays_trampoline_lowered:
0x8: {  	[smem:$0x3FA3] =	sst s0  }
0x9: {  	[smem:$0x3FA4] =	sst s1  }
0xa: {  	[smem:$0x3FA5] =	sst s2  }
0xb: {  	[smem:$0x3FA6] =	sst s3  }
0xc: {  	[smem:$0x3FA7] =	sst s4  }
0xd: {  	[smem:$0x3FA8] =	sst s5  }
0xe: {  	[smem:$0x3FA9] =	sst s6  }
0xf: {  	[smem:$0x3FAA] =	sst s7  }
0x10: {  	[smem:$0x3FAB] =	sst s8  }
0x11: {  	[smem:$0x3FAC] =	sst s9;
	s0 =	simm.s32 @!p0 $0x0  }
0x12: {  	s1 =	sld [smem:$0x3F92];
	s0 =	simm.s32 @p0 $0x1  }
0x13: {  	[smem:$0x3FAD] =	sst s0;
	s0 =	simm.s32 @!p1 $0x0  }
0x14: {  	s2 =	sld [smem:$0x3F91];
	s0 =	simm.s32 @p1 $0x1  }
0x15: {  	[smem:$0x3FAE] =	sst s0;
	s0 =	simm.s32 @!p2 $0x0  }
0x16: {  	s3 =	sld [smem:$0x3FDB];
	s0 =	simm.s32 @p2 $0x1  }
0x17: {  	s4 =	simm.s32 $0x1BF5;
	[smem:$0x3FB0] =	sst s0  }
0x18: {  	s0 =	sld [smem:$0x3F93];
	_ =	swait.ge [sflag:s4], $0x0  }
0x19: {  	s7 =	sld [smem:$0x3F94]  }
0x1a: {  	s8 =	sadd.s32 $0xFFFFE003, lr  }
0x1b: {  	s9 =	sadd.s32 $0xFFFFFEF7, lr;
	s5 =	simm.s32 $0xFFFFFFFF;
	p2 =	slt.u32 s8, $0xFFFFF086  }
0x1c: {  	p1 =	slt.u32 s9, $0xF7A;
	s5 =	simm.s32 @!p2 $0x0  }
0x1d: {  	s5 =	simm.s32 @p1 $0x1;
	p0 =	seq.s32 s7, s2  }
0x1e: {  	s7 =	smul.u32 @!p0 $0xF7A, s2;
	p2 =	seq.s32 @!p0 s5, $0x0  }
0x1f: {  	s9 =	smul.u32 $0xF7A, s1;
	s8 =	simm.s32 @!p0 $0x1BF5;
	p2 =	por !p2, p0  }
0x20: {  	[sflag:s8] =	ssyncset.s32 @!p0 $0xFFFFF086;
	s6 =	sadd.s32 @!p0 s3, s7;
	s7 =	simm.s32 @!p0 $0x108  }
0x21: {  	s3 =	sadd.s32 s3, s9;
	s6 =	sadd.s32 @!p0 $0x88, s6;
	s7 =	simm.s32 @p2 $0x1082  }
0x22: {  	[simem:s7], [sflag:s8] =	dma.local @!p0 [hbm:s6], $0xF7A  }
0x23: {  	s9 =	sor.u32 $0xD0000000, s2;
	s6 =	simm.s32 $0x108;
	_ =	swait.ge @!p0 [sflag:s8], $0x0  }
0x24: {  	s3 =	sadd.s32 $0x88, s3;
	s6 =	simm.s32 @!p1 $0x1082;
	[sflag:s4] =	ssyncset.s32 $0xFFFFF086  }
0x25: {  	[simem:s6], [sflag:s4] =	dma.local [hbm:s3], $0xF7A  }
0x26: {  	[smem:$0x3F94] =	sst s1;
	(tag) =	ssettag s2;
	_ =	strace s9  }
0x27: {  	s1 =	sld [smem:$0x3FA4]  }
0x28: {  	s2 =	sld [smem:$0x3FA5]  }
0x29: {  	s4 =	sld [smem:$0x3FA7]  }
0x2a: {  	p0 =	seq.s32 s5, $0x0;
	s5 =	sld [smem:$0x3FA8]  }
0x2b: {  	s6 =	sld [smem:$0x3FA9]  }
0x2c: {  	s7 =	sld [smem:$0x3FAA]  }
0x2d: {  	s3 =	simm.s32 $0x108;
	s8 =	sld [smem:$0x3FAB]  }
0x2e: {  	s3 =	simm.s32 @!p0 $0x1082;
	s9 =	sld [smem:$0x3FAC]  }
0x2f: {  	lr =	sadd.s32 s0, s3;
	s0 =	sld [smem:$0x3FA3]  }
0x30: {  	s3 =	sld [smem:$0x3FA6]  }
0x31: {  	[smem:$0x3FAF] =	sst s10  }
0x32: {  	s10 =	sld [smem:$0x3FAD];
	_ =	sdelay $0x3  }
0x33: {  	p0 =	seq.s32 s10, $0x1;
	s10 =	sld [smem:$0x3FAF];
	_ =	sdelay $0x3  }
0x34: {  	[smem:$0x3FAF] =	sst s10  }
0x35: {  	s10 =	sld [smem:$0x3FAE];
	_ =	sdelay $0x3  }
0x36: {  	p1 =	seq.s32 s10, $0x1;
	s10 =	sld [smem:$0x3FAF];
	_ =	sdelay $0x3  }
0x37: {  	[smem:$0x3FAF] =	sst s10  }
0x38: {  	s10 =	sld [smem:$0x3FB0]  }
0x39: {  	_ = 	snop;
	(pc) =	sbr.ind lr, $3  }
0x3a: {  	_ = 	snop  }
0x3b: {  	_ = 	snop  }
0x3c: {  	p2 =	seq.s32 s10, $0x1;
	s10 =	sld [smem:$0x3FAF]  }
0x3d: {  	_ =	shalt  }
0x3e: {  	_ =	shalt  }
0x3f: {  	_ =	shalt  }
0x40: {  	_ =	shalt  }
0x41: {  	_ =	shalt  }
0x42: {  	_ =	shalt  }
0x43: {  	_ =	shalt  }
0x44: {  	_ =	shalt  }
0x45: {  	_ =	shalt  }
0x46: {  	_ =	shalt  }
0x47: {  	_ =	shalt  }
0x48: {  	_ =	shalt  }
0x49: {  	_ =	shalt  }
0x4a: {  	_ =	shalt  }
0x4b: {  	_ =	shalt  }
0x4c: {  	_ =	shalt  }
0x4d: {  	_ =	shalt  }
0x4e: {  	_ =	shalt  }
0x4f: {  	_ =	shalt  }
0x50: {  	_ =	shalt  }
0x51: {  	_ =	shalt  }
0x52: {  	_ =	shalt  }
0x53: {  	_ =	shalt  }
0x54: {  	_ =	shalt  }
0x55: {  	_ =	shalt  }
0x56: {  	_ =	shalt  }
0x57: {  	_ =	shalt  }
0x58: {  	_ =	shalt  }
0x59: {  	_ =	shalt  }
0x5a: {  	_ =	shalt  }
0x5b: {  	_ =	shalt  }
0x5c: {  	_ =	shalt  }
0x5d: {  	_ =	shalt  }
0x5e: {  	_ =	shalt  }
0x5f: {  	_ =	shalt  }
0x60: {  	_ =	shalt  }
0x61: {  	_ =	shalt  }
0x62: {  	_ =	shalt  }
0x63: {  	_ =	shalt  }
0x64: {  	_ =	shalt  }
0x65: {  	_ =	shalt  }
0x66: {  	_ =	shalt  }
0x67: {  	_ =	shalt  }
0x68: {  	_ =	shalt  }
0x69: {  	_ =	shalt  }
0x6a: {  	_ =	shalt  }
0x6b: {  	_ =	shalt  }
0x6c: {  	_ =	shalt  }
0x6d: {  	_ =	shalt  }
0x6e: {  	_ =	shalt  }
0x6f: {  	_ =	shalt  }
0x70: {  	_ =	shalt  }
0x71: {  	_ =	shalt  }
0x72: {  	_ =	shalt  }
0x73: {  	_ =	shalt  }
0x74: {  	_ =	shalt  }
0x75: {  	_ =	shalt  }
0x76: {  	_ =	shalt  }
0x77: {  	_ =	shalt  }
0x78: {  	_ =	shalt  }
0x79: {  	_ =	shalt  }
0x7a: {  	_ =	shalt  }
0x7b: {  	_ =	shalt  }
0x7c: {  	_ =	shalt  }
0x7d: {  	_ =	shalt  }
0x7e: {  	_ =	shalt  }
0x7f: {  	_ =	shalt  }
0x80: {  	_ =	shalt  }
0x81: {  	_ =	shalt  }
0x82: {  	_ =	shalt  }
0x83: {  	_ =	shalt  }
0x84: {  	_ =	shalt  }
0x85: {  	_ =	shalt  }
0x86: {  	_ =	shalt  }
0x87: {  	_ =	shalt  }
.Lfunc_end0:
.L_simem_size_0:
called_computation.1_lowered:
.L_overlay_start_0:
0x88: {  	s2 =	sld [smem:$0x3FD9]  }
0x89: {  	s3 =	sld [smem:$0x3FFE];
	_ =	sdelay $0x1  }
0x8a: {  	s1 =	srdreg.scid  }
0x8b: {  	s0 =	sand.u32 $0x1, s1  }
0x8c: {  	s17 =	sshll.u32 s0, $0xA;
	s2 =	sadd.s32 s3, s2  }
0x8d: {  	s2 =	sadd.s32 s2, s17  }
0x8e: {  	[smem:$0x3FBB] =	sst s2  }
0x8f: {  	_ = 	snop  }
0x90: {  	s2 =	sld [smem:$0x3FD0];
	(tm) =	ssettm $0x1  }
0x91: {  	s18 =	sld [smem:$0x3FFB];
	_ =	sdelay $0x3  }
0x92: {  	_ =	strace s18  }
0x93: {  	s3 =	sld [smem:$0x3FFC];
	_ =	sdelay $0x3  }
0x94: {  	_ =	strace s3  }
0x95: {  	s3 =	sld [smem:$0x3FFD];
	_ =	sdelay $0x3  }
0x96: {  	_ =	strace s3  }
0x97: {  	_ =	strace $0x8FFFFFFF  }
0x98: {  	s19 =	sld [smem:$0x3FDB];
	_ =	sdelay $0x1  }
0x99: {  	s4 =	simm.s32 $_scs_section_size  }
0x9a: {  	s5 =	simm.s32 $_size__tile_overlayer_lowered;
	s6 =	simm.s32 $_tile_overlayer_lowered  }
0x9b: {  	s22 =	simm.s32 $0x1BFF;
	s21 =	sshll.u32 s6, $0x1;
	s3 =	sadd.s32 s4, s19  }
0x9c: {  	s7 =	simm.s32 $0x0;
	s20 =	sshll.u32 s5, $0x1;
	s5 =	sadd.s32 s21, s3  }
0x9d: {  	[timem:s7], [sflag:s22] =	dma.local [hbm:s5], s20  }
0x9e: {  	_ =	swait.ge [sflag:s22], s20  }
0x9f: {  	s4 =	ssub.s32 $0x0, s20;
	[sflag:s22] =	ssyncset.done $0x0  }
0xa0: {  	[sflag:s22] =	ssyncadd.s32 s4;
	_ =	sdelay $0x1  }
0xa1: {  	s23 =	simm.s32 $0x1B8B  }
0xa2: {  	_ =	swait.ge [sflag:s23], $0x1  }
0xa3: {  	[sflag:s23] =	ssyncset.done $0x0  }
0xa4: {  	s25 =	simm.s32 $0x1B8E;
	s24 =	sld [smem:$0x3FFE];
	[sflag:s23] =	ssyncadd.s32 $0xFFFFFFFF  }
0xa5: {  	s26 =	simm.s32 $execute0_lowered;
	[smem:$0x3FD2] =	sst s25  }
0xa6: {  	s5 =	sshll.u32 s26, $0x1;
	_ =	strace $0x80000049;
	[dreg:$0x1] =	wrdreg $0xFFFFFFFF  }
0xa7: {  	s28 =	simm.s32 $_size_execute0_lowered;
	s3 =	sadd.s32 s3, s5;
	[dreg:$0x0] =	wrdreg $0x0  }
0xa8: {  	s5 =	sshll.u32 s28, $0x1;
	[dreg:$0x2] =	wrdreg s3  }
0xa9: {  	[dreg:$0x3] =	wrdreg s5  }
0xaa: {  	[dreg:$0x4] =	wrdreg $0xC0  }
0xab: {  	_ =	task [dreg:s7], $0x5FFFF  }
0xac: {  	[dreg:$0x1] =	wrdreg $0xFFFFFFFF  }
0xad: {  	[dreg:$0x0] =	wrdreg $0x60  }
0xae: {  	[dreg:$0x2] =	wrdreg s24  }
0xaf: {  	[dreg:$0x3] =	wrdreg s2  }
0xb0: {  	[dreg:$0x4] =	wrdreg $0xB4000  }
0xb1: {  	[dreg:$0x5] =	wrdreg $0x9  }
0xb2: {  	_ =	task.clear_ibuf [dreg:s7], $0x6FFFF;
	_ =	strace $0x90000049  }
0xb3: {  	s29 =	simm.s32 $0x9;
	_ =	strace $0x8000004B  }
0xb4: {  	_ =	swait.ge [sflag:s29], $0x1  }
0xb5: {  	[sflag:s29] =	ssyncadd.s32 $0xFFFFFFFF  }
0xb6: {  	_ =	strace $0x9000004B  }
0xb7: {  	_ =	sfence  }
0xb8: {  	s30 =	sld [smem:$0x0];
	_ =	sdelay $0x2  }
0xb9: {  	s31 =	sshll.u32 s1, $0xD;
	s1 =	sshrl.u32 s1, $0x2  }
0xba: {  	s3 =	sand.u32 $0x4000, s31;
	s1 =	sadd.s32 s1, s30  }
0xbb: {  	s0 =	sor.u32 s3, s0;
	s1 =	sshll.u32 s1, $0x11  }
0xbc: {  	s0 =	sor.u32 s1, s0  }
0xbd: {  	s0 =	sadd.s32 $0x8F2B, s0  }
0xbe: {  	[sflag:s0] =	ssyncadd.remote.s32 $0x1  }
0xbf: {  	_ =	sfence.sel $0xFFFF  }
0xc0: {  	[dreg:$0x0] =	wrdreg $0xFFFFFFFF;
	(pc) =	sbr.abs _section_cstart, $3  }
0xc1: {  	[dreg:$0x1] =	wrdreg $0xFFFFFFFF  }
0xc2: {  	_ =	task.clear_ibuf [dreg:s7], $0x2FFFF;
	_ =	strace $0x9FFFFFFF  }
0xc3: {  	(tm) =	ssettm $0x7FFFFFFF  }
tec
execute0_lowered:
.L_overlay_start_1:
0x0: {  	(tag) =	ssettag $0x1  }
0x1: {  	s0 =	rddreg [dreg:$0x0];
	s1 =	srdreg.scid  }
0x2: {  	s14 =	stileid.u32;
	s3 =	rddreg [dreg:$0x2]  }
0x3: {  	s4 =	simm.s32 $0x0;
	s17 =	simm.s32 $0x5000;
	s18 =	simm.s32 $0x40  }
0x4: {  	s19 =	simm.s32 $0x5400;
	s20 =	simm.s32 $0x7400;
	s22 =	simm.s32 $0x9400  }
0x5: {  	s28 =	simm.s32 $0x5;
	s29 =	simm.s32 $0x6;
	s21 =	simm.s32 $0x0  }
0x6: {  	s1 =	sand.u32 $0x1, s1;
	s2 =	sshll.u32 s14, $0x1;
	[smem:$0x7FF] =	sst s4  }
0x7: {  	s5 =	sadd.s32 $0xE200, s0;
	s9 =	smul.u32 $0x4E000, s14;
	s25 =	sshll.u32 s14, $0x6  }
0x8: {  	s26 =	smul.u32 $0x13800, s14;
	s15 =	sadd.s32 $0x138000, s3;
	p0 =	sne.s32 s14, $0xF  }
0x9: {  	s14 =	simm.s32 $0x7;
	s2 =	sor.u32 s1, s2;
	_ =	strace $0x8000004A  }
0xa: {  	s23 =	ssub.s32 $0x2, s1;
	s1 =	smul.u32 $0x138800, s1;
	s15 =	sshrl.u32 @!p0 s15, $0x3  }
0xb: {  	s6 =	smul.u32 $0x500, s2;
	s2 =	sshll.u32 s2, $0x7;
	s7 =	sshrl.u32 s23, $0x1  }
0xc: {  	s24 =	sshrl.u32 s9, $0x2;
	s2 =	sadd.s32 s2, s0;
	s12 =	ssub.s32 s23, s7  }
0xd: {  	s13 =	sadd.s32 s24, s3;
	s9 =	sadd.s32 s26, s1;
	s1 =	sshrl.u32 s1, $0x3  }
0xe: {  	s23 =	simm.s32 $0x1;
	s24 =	simm.s32 $0x2;
	s26 =	simm.s32 $0x4  }
0xf: {  	s8 =	sadd.s32 s6, s0;
	s0 =	sadd.s32 $0x66800, s0;
	s6 =	sor.u32 $0x1C07, s25  }
0x10: {  	s10 =	sshrl.u32 s9, $0x3;
	s2 =	sadd.s32 $0xD200, s2;
	s12 =	smax.u32 s12, $0x1  }
0x11: {  	s13 =	sshrl.u32 s13, $0x3;
	s30 =	sadd.s32 $0x5C800, s8;
	[dreg:$0x6] =	wrdreg s2  }
0x12: {  	s25 =	simm.s32 $0x3;
	s31 =	sadd.s32 $0x3200, s8;
	[dreg:$0x4] =	wrdreg s30  }
0x13: {  	s1 =	sadd.s32 s0, s1;
	s0 =	sadd.s32 s0, s10;
	[dreg:$0x5] =	wrdreg s31  }
0x14: {  	[dreg:$0x7] =	wrdreg s0;
	s11 =	sadd.s32 $0x27000, s1;
	s0 =	simm.s32 $0x10  }
.LBB2_1:
0x15: {  	s1 =	rddreg [dreg:$0x1]  }
0x16: {  	[spmem:s13], [sflag:s6] =	dma.local [hbm:s1], $0x2700  }
0x17: {  	_ =	swait.ge [sflag:s14], $0x2700  }
0x18: {  	[sflag:s14] =	ssyncset.done $0x0  }
0x19: {  	[sflag:s14] =	ssyncadd.s32 $0xFFFFD900  }
0x1a: {  	[spmem:s15], [sflag:s6] =	dma.local @!p0 [hbm:s1], $0x100  }
0x1b: {  	s1 =	simm.s32 @!p0 $0x7  }
0x1c: {  	_ =	swait.ge @!p0 [sflag:s1], $0x100  }
0x1d: {  	[sflag:s1] =	ssyncset.done @!p0 $0x0  }
0x1e: {  	s10 =	rddreg [dreg:$0x4];
	[sflag:s1] =	ssyncadd.s32 @!p0 $0xFFFFFF00  }
0x1f: {  	[tilespmem:s4], [sflag:$0x7] =	stream.linear.gather [hbm4b:s10+s4], $0x2780, $0x38;
	[tilespmem:$0x1EC80] =	vst v63  }
0x20: {  	_ =	swait.ge [sflag:s14], $0x2780  }
0x21: {  	[sflag:s14] =	ssyncset.done $0x0  }
0x22: {  	s2 =	simm.s32 $0x2800;
	s16 =	rddreg [dreg:$0x5];
	[sflag:s14] =	ssyncadd.s32 $0xFFFFD880  }
0x23: {  	[tilespmem:s2], [sflag:$0x7] =	stream.linear.gather [hbm4b:s16+s4], $0x2780, $0x38;
	[tilespmem:$0x1EC80] =	vst v63  }
0x24: {  	_ =	swait.ge [sflag:s14], $0x2780  }
0x25: {  	[sflag:s14] =	ssyncset.done $0x0  }
0x26: {  	s2 =	rddreg [dreg:$0x6];
	[sflag:s14] =	ssyncadd.s32 $0xFFFFD880  }
0x27: {  	[tilespmem:s17], [sflag:$0x7] =	stream.linear.gather [hbm4b:s2+s4], $0x400, $0x38;
	[tilespmem:$0x1EC80] =	vst v63  }
0x28: {  	_ =	swait.ge [sflag:s14], $0x400  }
0x29: {  	[sflag:s14] =	ssyncset.done $0x0  }
0x2a: {  	[sflag:s14] =	ssyncadd.s32 $0xFFFFFC00  }
0x2b: {  	[bflag:$0x0] =	sbarrier.arrive $0xFFFF  }
0x2c: {  	[tilespmem:s19], [sflag:$0x1] =	stream.indirect.gather [hbm4b:s5+s18], $0x80, s4, s18, $0xb8;
	[tilespmem:$0x1EC80] =	vst v63  }
0x2d: {  	s8 =	simm.s32 $0x0  }
0x2e: {  	[tilespmem:s20], [sflag:$0x2] =	stream.indirect.gather [hbm4b:s5+s18], $0x80, s18, s18, $0xb8;
	[tilespmem:$0x1EC80] =	vst v63  }
0x2f: {  	s7 =	simm.s32 $0x80;
	s9 =	simm.s32 $0x40;
	s1 =	sand.u32 $0xFE00, s8  }
0x30: {  	[tilespmem:s22], [sflag:$0x3] =	stream.indirect.gather [hbm4b:s5+s18], $0x80, s7, s18, $0xb8;
	[tilespmem:$0x1EC80] =	vst v63  }
0x31: {  	s1 =	sshrl.u32 s1, $0x2;
	s2 =	sand.u32 $0x40, s4;
	_ =	swait.ge [sflag:s23], $0x2000  }
0x32: {  	s16 =	simm.s32 $0x100;
	s1 =	sor.u32 s2, s1;
	[sflag:s23] =	ssyncset.done $0x0  }
0x33: {  	s16 =	sand.u32 $0x1FE00, s16;
	s1 =	sadd.s32 $0x2800, s1;
	[sflag:s23] =	ssyncadd.s32 $0xFFFFE000  }
0x34: {  	[spmem:s3] =	stream.indirect.scatter.add.f32 [tilespmem:s19], [sflag:$0x4], $0x80, s1, s18, $0xb8;
	[tilespmem:$0x1EC80] =	vst v63  }
0x35: {  	s16 =	sshrl.u32 s16, $0x2;
	s1 =	sand.u32 $0x40, s9;
	_ =	swait.ge [sflag:s24], $0x2000  }
0x36: {  	s10 =	simm.s32 $0x200;
	s1 =	sor.u32 s1, s16;
	[sflag:s24] =	ssyncset.done $0x0  }
0x37: {  	s16 =	sand.u32 $0x1FE00, s10;
	s1 =	sadd.s32 $0x2800, s1;
	[sflag:s24] =	ssyncadd.s32 $0xFFFFE000  }
0x38: {  	[spmem:s3] =	stream.indirect.scatter.add.f32 [tilespmem:s20], [sflag:$0x5], $0x80, s1, s18, $0xb8;
	[tilespmem:$0x1EC80] =	vst v63  }
0x39: {  	s7 =	sshrl.u32 s16, $0x2;
	_ =	swait.ge [sflag:s25], $0x2000  }
0x3a: {  	s30 =	simm.s32 $0x300;
	s1 =	sor.u32 s2, s7;
	[sflag:s25] =	ssyncset.done $0x0  }
0x3b: {  	s31 =	simm.s32 $0x40;
	s1 =	sadd.s32 $0x2800, s1;
	[sflag:s25] =	ssyncadd.s32 $0xFFFFE000  }
0x3c: {  	[spmem:s3] =	stream.indirect.scatter.add.f32 [tilespmem:s22], [sflag:$0x6], $0x80, s1, s18, $0xb8;
	[tilespmem:$0x1EC80] =	vst v63  }
0x3d: {  	s30 =	sand.u32 $0x1FE00, s30;
	s9 =	simm.s32 $0xC0;
	_ =	swait.ge [sflag:s26], $0x2000  }
0x3e: {  	s30 =	sshrl.u32 s30, $0x2;
	s1 =	sand.u32 $0x40, s9;
	[sflag:s26] =	ssyncset.done $0x0  }
0x3f: {  	s1 =	sor.u32 s1, s30;
	s30 =	simm.s32 $0x400;
	[sflag:s26] =	ssyncadd.s32 $0xFFFFE000  }
0x40: {  	[tilespmem:s19], [sflag:$0x1] =	stream.indirect.gather [hbm4b:s5+s18], $0x80, s1, s18, $0xb8;
	[tilespmem:$0x1EC80] =	vst v63  }
0x41: {  	s8 =	simm.s32 $0x500;
	s10 =	sand.u32 $0x1FE00, s30;
	_ =	swait.ge [sflag:s28], $0x2000  }
0x42: {  	s16 =	sand.u32 $0x1FE00, s8;
	s1 =	sshrl.u32 s10, $0x2;
	[sflag:s28] =	ssyncset.done $0x0  }
0x43: {  	s16 =	sshrl.u32 s16, $0x2;
	s1 =	sor.u32 s2, s1;
	[sflag:s28] =	ssyncadd.s32 $0xFFFFE000  }
0x44: {  	[tilespmem:s20], [sflag:$0x2] =	stream.indirect.gather [hbm4b:s5+s18], $0x80, s1, s18, $0xb8;
	[tilespmem:$0x1EC80] =	vst v63  }
0x45: {  	s7 =	simm.s32 $0x140;
	s30 =	simm.s32 $0x800;
	_ =	swait.ge [sflag:s29], $0x2000  }
0x46: {  	s2 =	sand.u32 $0x40, s7;
	s1 =	simm.s32 $0x200;
	[sflag:s29] =	ssyncset.done $0x0  }
.LBB2_2:
0x47: {  	s7 =	sadd.s32 $0xFFFFFB00, s30;
	[sflag:s29] =	ssyncadd.s32 $0xFFFFE000  }
0x48: {  	s8 =	sor.u32 s2, s16;
	s2 =	smov.u32 s30;
	s16 =	smov.u32 s1  }
0x49: {  	[tilespmem:s22], [sflag:$0x3] =	stream.indirect.gather [hbm4b:s5+s18], $0x80, s8, s18, $0xb8;
	[tilespmem:$0x1EC80] =	vst v63  }
0x4a: {  	p1 =	sne.s32 s30, $0x9B00;
	s30 =	sadd.s32 $0x300, s30;
	s7 =	sand.u32 $0xFE00, s7  }
0x4b: {  	s8 =	sand.u32 $0x40, s31;
	s7 =	sshrl.u32 s7, $0x2;
	_ =	swait.ge [sflag:s23], $0x2000  }
0x4c: {  	s9 =	sadd.s32 $0xFFFFFF00, s1;
	s7 =	sor.u32 s8, s7;
	[sflag:s23] =	ssyncset.done $0x0  }
0x4d: {  	s10 =	sadd.s32 $0xFFFFFC00, s2;
	s7 =	sadd.s32 $0x2800, s7;
	[sflag:s23] =	ssyncadd.s32 $0xFFFFE000  }
0x4e: {  	[spmem:s3] =	stream.indirect.scatter.add.f32 [tilespmem:s19], [sflag:$0x4], $0x80, s7, s18, $0xb8;
	[tilespmem:$0x1EC80] =	vst v63  }
0x4f: {  	s7 =	sand.u32 $0x40, s9;
	s9 =	sand.u32 $0x1FE00, s10;
	_ =	swait.ge [sflag:s24], $0x2000  }
0x50: {  	s9 =	sshrl.u32 s9, $0x2;
	[sflag:s24] =	ssyncset.done $0x0  }
0x51: {  	s7 =	sor.u32 s7, s9;
	s9 =	sadd.s32 $0xFFFFFD00, s2;
	[sflag:s24] =	ssyncadd.s32 $0xFFFFE000  }
0x52: {  	s7 =	sadd.s32 $0x2800, s7;
	s9 =	sand.u32 $0x1FE00, s9  }
0x53: {  	[spmem:s3] =	stream.indirect.scatter.add.f32 [tilespmem:s20], [sflag:$0x5], $0x80, s7, s18, $0xb8;
	[tilespmem:$0x1EC80] =	vst v63  }
0x54: {  	s7 =	sshrl.u32 s9, $0x2;
	_ =	swait.ge [sflag:s25], $0x2000  }
0x55: {  	s9 =	sadd.s32 $0xFFFFFF80, s1;
	s7 =	sor.u32 s8, s7;
	[sflag:s25] =	ssyncset.done $0x0  }
0x56: {  	s10 =	sadd.s32 $0xFFFFFE00, s2;
	s7 =	sadd.s32 $0x2800, s7;
	[sflag:s25] =	ssyncadd.s32 $0xFFFFE000  }
0x57: {  	[spmem:s3] =	stream.indirect.scatter.add.f32 [tilespmem:s22], [sflag:$0x6], $0x80, s7, s18, $0xb8;
	[tilespmem:$0x1EC80] =	vst v63  }
0x58: {  	s7 =	sand.u32 $0x40, s9;
	s9 =	sand.u32 $0x1FE00, s10;
	_ =	swait.ge [sflag:s26], $0x2000  }
0x59: {  	s9 =	sshrl.u32 s9, $0x2;
	[sflag:s26] =	ssyncset.done $0x0  }
0x5a: {  	s7 =	sor.u32 s7, s9;
	s9 =	sadd.s32 $0xFFFFFF00, s2;
	[sflag:s26] =	ssyncadd.s32 $0xFFFFE000  }
0x5b: {  	[tilespmem:s19], [sflag:$0x1] =	stream.indirect.gather [hbm4b:s5+s18], $0x80, s7, s18, $0xb8;
	[tilespmem:$0x1EC80] =	vst v63  }
0x5c: {  	s7 =	sand.u32 $0x1FE00, s9;
	_ =	swait.ge [sflag:s28], $0x2000  }
.Ltmp0:
0x5d: {  	s7 =	sshrl.u32 s7, $0x2;
	[sflag:s28] =	ssyncset.done $0x0;
	(pc) =	sbr.rel @p1 .LBB2_2-.Ltmp0, $4  }
0x5e: {  	s31 =	sadd.s32 $0x40, s31;
	s7 =	sor.u32 s8, s7;
	[sflag:s28] =	ssyncadd.s32 $0xFFFFE000  }
0x5f: {  	[tilespmem:s20], [sflag:$0x2] =	stream.indirect.gather [hbm4b:s5+s18], $0x80, s7, s18, $0xb8;
	[tilespmem:$0x1EC80] =	vst v63  }
0x60: {  	s1 =	sadd.s32 $0xC0, s1;
	s7 =	sand.u32 $0x1FE00, s2;
	_ =	swait.ge [sflag:s29], $0x2000  }
0x61: {  	s2 =	sand.u32 $0x40, s16;
	s16 =	sshrl.u32 s7, $0x2;
	[sflag:s29] =	ssyncset.done $0x0  }
0x62: {  	s1 =	sor.u32 s2, s16;
	[sflag:s29] =	ssyncadd.s32 $0xFFFFE000  }
0x63: {  	[tilespmem:s22], [sflag:$0x3] =	stream.indirect.gather [hbm4b:s5+s18], $0x80, s1, s18, $0xb8;
	[tilespmem:$0x1EC80] =	vst v63  }
0x64: {  	_ =	swait.ge [sflag:s23], $0x2000  }
0x65: {  	[sflag:s23] =	ssyncset.done $0x0  }
0x66: {  	s9 =	simm.s32 $0x4E40;
	[sflag:s23] =	ssyncadd.s32 $0xFFFFE000  }
0x67: {  	[spmem:s3] =	stream.indirect.scatter.add.f32 [tilespmem:s19], [sflag:$0x4], $0x80, s9, s18, $0xb8;
	[tilespmem:$0x1EC80] =	vst v63  }
0x68: {  	_ =	swait.ge [sflag:s24], $0x2000  }
0x69: {  	[sflag:s24] =	ssyncset.done $0x0  }
0x6a: {  	s10 =	simm.s32 $0x4E80;
	[sflag:s24] =	ssyncadd.s32 $0xFFFFE000  }
0x6b: {  	[spmem:s3] =	stream.indirect.scatter.add.f32 [tilespmem:s20], [sflag:$0x5], $0x80, s10, s18, $0xb8;
	[tilespmem:$0x1EC80] =	vst v63  }
0x6c: {  	_ =	swait.ge [sflag:s25], $0x2000  }
0x6d: {  	[sflag:s25] =	ssyncset.done $0x0  }
0x6e: {  	s16 =	simm.s32 $0x4EC0;
	[sflag:s25] =	ssyncadd.s32 $0xFFFFE000  }
0x6f: {  	[spmem:s3] =	stream.indirect.scatter.add.f32 [tilespmem:s22], [sflag:$0x6], $0x80, s16, s18, $0xb8;
	[tilespmem:$0x1EC80] =	vst v63  }
0x70: {  	_ =	swait.ge [sflag:s26], $0x2000  }
0x71: {  	[sflag:s26] =	ssyncset.done $0x0  }
0x72: {  	[sflag:s26] =	ssyncadd.s32 $0xFFFFE000  }
0x73: {  	_ =	swait.ge [sflag:s28], $0x2000  }
0x74: {  	[sflag:s28] =	ssyncset.done $0x0  }
0x75: {  	[sflag:s28] =	ssyncadd.s32 $0xFFFFE000  }
0x76: {  	_ =	swait.ge [sflag:s29], $0x2000  }
0x77: {  	[sflag:s29] =	ssyncset.done $0x0  }
0x78: {  	s30 =	simm.s32 $0x2700;
	[sflag:s29] =	ssyncadd.s32 $0xFFFFE000  }
0x79: {  	[tilespmem:s19], [sflag:$0x7] =	stream.indirect.gather [hbm4b:s5+s0], $0x80, s30, s0, $0xb8;
	[tilespmem:$0x1EC80] =	vst v63  }
0x7a: {  	_ =	swait.ge [sflag:s14], $0x800  }
0x7b: {  	[sflag:s14] =	ssyncset.done $0x0  }
0x7c: {  	[sflag:s14] =	ssyncadd.s32 $0xFFFFF800  }
0x7d: {  	[spmem:s3] =	stream.indirect.scatter.add.f32 [tilespmem:s19], [sflag:$0x7], $0x80, s17, s0, $0xb8;
	[tilespmem:$0x1EC80] =	vst v63  }
0x7e: {  	_ =	swait.ge [sflag:s14], $0x800  }
0x7f: {  	[sflag:s14] =	ssyncset.done $0x0  }
0x80: {  	[sflag:s14] =	ssyncadd.s32 $0xFFFFF800  }
0x81: {  	[bflag:$0x0] =	sbarrier.arrive $0xFFFF  }
0x82: {  	s31 =	rddreg [dreg:$0x7]  }
0x83: {  	[hbm:s31], [sflag:s6] =	dma.local [spmem:s13], $0x2700  }
0x84: {  	s21 =	sadd.s32 $0x1, s21;
	_ =	swait.ge [sflag:s14], $0x2700  }
0x85: {  	p1 =	sne.s32 s21, s12;
	[sflag:s14] =	ssyncset.done $0x0  }
.Ltmp1:
0x86: {  	s1 =	simm.s32 @!p0 $0x7;
	[sflag:s14] =	ssyncadd.s32 $0xFFFFD900;
	(pc) =	sbr.rel @p1 .LBB2_1-.Ltmp1, $4  }
0x87: {  	[hbm:s11], [sflag:s6] =	dma.local @!p0 [spmem:s15], $0x100  }
0x88: {  	_ =	swait.ge @!p0 [sflag:s1], $0x100  }
0x89: {  	[sflag:s1] =	ssyncset.done @!p0 $0x0  }
0x8a: {  	[sflag:s1] =	ssyncadd.s32 @!p0 $0xFFFFFF00  }
0x8b: {  	_ =	sfence.sel $0x180000  }
0x8c: {  	[bflag:$0x0] =	sbarrier.arrive $0xFFFF  }
0x8d: {  	_ =	strace $0x9000004A  }
0x8e: {  	s0 =	stileid.u32;
	[bflag:$0x2] =	sbarrier.arrive $0xFFFF  }
0x8f: {  	p0 =	sne.s32 s0, $0x0;
	s0 =	rddreg [dreg:$0x3]  }
0x90: {  	s0 =	sadd.s32 @!p0 $0x100000, s0  }
0x91: {  	[sflag:s0] =	ssyncadd.tile.s32 @!p0 $0x1;
	_ =	shalt  }
.Lfunc_end2:
_tile_overlayer_lowered:
.L_overlay_start_2:
0x92: {  	(tag) =	ssettag $0x2  }
0x93: {  	s0 =	rddreg [dreg:$0x0];
	s2 =	stileid.u32  }
0x94: {  	s1 =	rddreg [dreg:$0x1];
	p0 =	sne.s32 s2, $0x0  }
0x95: {  	s3 =	rddreg [dreg:$0x2];
	[bflag:$0x3] =	sbarrier.arrive $0xFFFF;
	s2 =	simm.s32 @!p0 $0x1C07  }
0x96: {  	[timem:s3], [sflag:s2] =	dma.local @!p0 [hbm:s0], s1  }
0x97: {  	s0 =	simm.s32 @!p0 $0x7  }
0x98: {  	_ =	swait.ge @!p0 [sflag:s0], s1  }
0x99: {  	s1 =	ssub.s32 @!p0 $0x0, s1;
	[sflag:s0] =	ssyncset.done @!p0 $0x0  }
0x9a: {  	[sflag:s0] =	ssyncadd.s32 @!p0 s1  }
0x9b: {  	[bflag:$0x3] =	sbarrier.arrive $0xFFFF  }
0x9c: {  	_ =	shalt  }

// kernel: kernel.19.cloned.1.call-start
scs
__scs_entry_jumppad:
0x0: {  	(pc) =	sbr.rel $0x88, $3  }
0x1: {  	(tag) =	ssettag $0x0;
	lr =	simm.s32 $0x1  }
0x2: {  	[smem:$0x3F94] =	sst lr;
	_ =	strace $0xD0000000  }
0x3: {  	_ = 	snop  }
0x4: {  	_ = 	snop  }
0x5: {  	_ = 	snop  }
0x6: {  	_ = 	snop  }
0x7: {  	_ = 	snop  }
__scs_overlays_trampoline_lowered:
0x8: {  	[smem:$0x3FA3] =	sst s0  }
0x9: {  	[smem:$0x3FA4] =	sst s1  }
0xa: {  	[smem:$0x3FA5] =	sst s2  }
0xb: {  	[smem:$0x3FA6] =	sst s3  }
0xc: {  	[smem:$0x3FA7] =	sst s4  }
0xd: {  	[smem:$0x3FA8] =	sst s5  }
0xe: {  	[smem:$0x3FA9] =	sst s6  }
0xf: {  	[smem:$0x3FAA] =	sst s7  }
0x10: {  	[smem:$0x3FAB] =	sst s8  }
0x11: {  	[smem:$0x3FAC] =	sst s9;
	s0 =	simm.s32 @!p0 $0x0  }
0x12: {  	s1 =	sld [smem:$0x3F92];
	s0 =	simm.s32 @p0 $0x1  }
0x13: {  	[smem:$0x3FAD] =	sst s0;
	s0 =	simm.s32 @!p1 $0x0  }
0x14: {  	s2 =	sld [smem:$0x3F91];
	s0 =	simm.s32 @p1 $0x1  }
0x15: {  	[smem:$0x3FAE] =	sst s0;
	s0 =	simm.s32 @!p2 $0x0  }
0x16: {  	s3 =	sld [smem:$0x3FDB];
	s0 =	simm.s32 @p2 $0x1  }
0x17: {  	s4 =	simm.s32 $0x1BF5;
	[smem:$0x3FB0] =	sst s0  }
0x18: {  	s0 =	sld [smem:$0x3F93];
	_ =	swait.ge [sflag:s4], $0x0  }
0x19: {  	s7 =	sld [smem:$0x3F94]  }
0x1a: {  	s8 =	sadd.s32 $0xFFFFE003, lr  }
0x1b: {  	s9 =	sadd.s32 $0xFFFFFEF7, lr;
	s5 =	simm.s32 $0xFFFFFFFF;
	p2 =	slt.u32 s8, $0xFFFFF086  }
0x1c: {  	p1 =	slt.u32 s9, $0xF7A;
	s5 =	simm.s32 @!p2 $0x0  }
0x1d: {  	s5 =	simm.s32 @p1 $0x1;
	p0 =	seq.s32 s7, s2  }
0x1e: {  	s7 =	smul.u32 @!p0 $0xF7A, s2;
	p2 =	seq.s32 @!p0 s5, $0x0  }
0x1f: {  	s9 =	smul.u32 $0xF7A, s1;
	s8 =	simm.s32 @!p0 $0x1BF5;
	p2 =	por !p2, p0  }
0x20: {  	[sflag:s8] =	ssyncset.s32 @!p0 $0xFFFFF086;
	s6 =	sadd.s32 @!p0 s3, s7;
	s7 =	simm.s32 @!p0 $0x108  }
0x21: {  	s3 =	sadd.s32 s3, s9;
	s6 =	sadd.s32 @!p0 $0x88, s6;
	s7 =	simm.s32 @p2 $0x1082  }
0x22: {  	[simem:s7], [sflag:s8] =	dma.local @!p0 [hbm:s6], $0xF7A  }
0x23: {  	s9 =	sor.u32 $0xD0000000, s2;
	s6 =	simm.s32 $0x108;
	_ =	swait.ge @!p0 [sflag:s8], $0x0  }
0x24: {  	s3 =	sadd.s32 $0x88, s3;
	s6 =	simm.s32 @!p1 $0x1082;
	[sflag:s4] =	ssyncset.s32 $0xFFFFF086  }
0x25: {  	[simem:s6], [sflag:s4] =	dma.local [hbm:s3], $0xF7A  }
0x26: {  	[smem:$0x3F94] =	sst s1;
	(tag) =	ssettag s2;
	_ =	strace s9  }
0x27: {  	s1 =	sld [smem:$0x3FA4]  }
0x28: {  	s2 =	sld [smem:$0x3FA5]  }
0x29: {  	s4 =	sld [smem:$0x3FA7]  }
0x2a: {  	p0 =	seq.s32 s5, $0x0;
	s5 =	sld [smem:$0x3FA8]  }
0x2b: {  	s6 =	sld [smem:$0x3FA9]  }
0x2c: {  	s7 =	sld [smem:$0x3FAA]  }
0x2d: {  	s3 =	simm.s32 $0x108;
	s8 =	sld [smem:$0x3FAB]  }
0x2e: {  	s3 =	simm.s32 @!p0 $0x1082;
	s9 =	sld [smem:$0x3FAC]  }
0x2f: {  	lr =	sadd.s32 s0, s3;
	s0 =	sld [smem:$0x3FA3]  }
0x30: {  	s3 =	sld [smem:$0x3FA6]  }
0x31: {  	[smem:$0x3FAF] =	sst s10  }
0x32: {  	s10 =	sld [smem:$0x3FAD];
	_ =	sdelay $0x3  }
0x33: {  	p0 =	seq.s32 s10, $0x1;
	s10 =	sld [smem:$0x3FAF];
	_ =	sdelay $0x3  }
0x34: {  	[smem:$0x3FAF] =	sst s10  }
0x35: {  	s10 =	sld [smem:$0x3FAE];
	_ =	sdelay $0x3  }
0x36: {  	p1 =	seq.s32 s10, $0x1;
	s10 =	sld [smem:$0x3FAF];
	_ =	sdelay $0x3  }
0x37: {  	[smem:$0x3FAF] =	sst s10  }
0x38: {  	s10 =	sld [smem:$0x3FB0]  }
0x39: {  	_ = 	snop;
	(pc) =	sbr.ind lr, $3  }
0x3a: {  	_ = 	snop  }
0x3b: {  	_ = 	snop  }
0x3c: {  	p2 =	seq.s32 s10, $0x1;
	s10 =	sld [smem:$0x3FAF]  }
0x3d: {  	_ =	shalt  }
0x3e: {  	_ =	shalt  }
0x3f: {  	_ =	shalt  }
0x40: {  	_ =	shalt  }
0x41: {  	_ =	shalt  }
0x42: {  	_ =	shalt  }
0x43: {  	_ =	shalt  }
0x44: {  	_ =	shalt  }
0x45: {  	_ =	shalt  }
0x46: {  	_ =	shalt  }
0x47: {  	_ =	shalt  }
0x48: {  	_ =	shalt  }
0x49: {  	_ =	shalt  }
0x4a: {  	_ =	shalt  }
0x4b: {  	_ =	shalt  }
0x4c: {  	_ =	shalt  }
0x4d: {  	_ =	shalt  }
0x4e: {  	_ =	shalt  }
0x4f: {  	_ =	shalt  }
0x50: {  	_ =	shalt  }
0x51: {  	_ =	shalt  }
0x52: {  	_ =	shalt  }
0x53: {  	_ =	shalt  }
0x54: {  	_ =	shalt  }
0x55: {  	_ =	shalt  }
0x56: {  	_ =	shalt  }
0x57: {  	_ =	shalt  }
0x58: {  	_ =	shalt  }
0x59: {  	_ =	shalt  }
0x5a: {  	_ =	shalt  }
0x5b: {  	_ =	shalt  }
0x5c: {  	_ =	shalt  }
0x5d: {  	_ =	shalt  }
0x5e: {  	_ =	shalt  }
0x5f: {  	_ =	shalt  }
0x60: {  	_ =	shalt  }
0x61: {  	_ =	shalt  }
0x62: {  	_ =	shalt  }
0x63: {  	_ =	shalt  }
0x64: {  	_ =	shalt  }
0x65: {  	_ =	shalt  }
0x66: {  	_ =	shalt  }
0x67: {  	_ =	shalt  }
0x68: {  	_ =	shalt  }
0x69: {  	_ =	shalt  }
0x6a: {  	_ =	shalt  }
0x6b: {  	_ =	shalt  }
0x6c: {  	_ =	shalt  }
0x6d: {  	_ =	shalt  }
0x6e: {  	_ =	shalt  }
0x6f: {  	_ =	shalt  }
0x70: {  	_ =	shalt  }
0x71: {  	_ =	shalt  }
0x72: {  	_ =	shalt  }
0x73: {  	_ =	shalt  }
0x74: {  	_ =	shalt  }
0x75: {  	_ =	shalt  }
0x76: {  	_ =	shalt  }
0x77: {  	_ =	shalt  }
0x78: {  	_ =	shalt  }
0x79: {  	_ =	shalt  }
0x7a: {  	_ =	shalt  }
0x7b: {  	_ =	shalt  }
0x7c: {  	_ =	shalt  }
0x7d: {  	_ =	shalt  }
0x7e: {  	_ =	shalt  }
0x7f: {  	_ =	shalt  }
0x80: {  	_ =	shalt  }
0x81: {  	_ =	shalt  }
0x82: {  	_ =	shalt  }
0x83: {  	_ =	shalt  }
0x84: {  	_ =	shalt  }
0x85: {  	_ =	shalt  }
0x86: {  	_ =	shalt  }
0x87: {  	_ =	shalt  }
.Lfunc_end0:
.L_simem_size_0:
called_computation.2_lowered:
.L_overlay_start_0:
0x88: {  	s2 =	sld [smem:$0x3FD9]  }
0x89: {  	s3 =	sld [smem:$0x3FFE];
	_ =	sdelay $0x1  }
0x8a: {  	s1 =	srdreg.scid  }
0x8b: {  	s0 =	sand.u32 $0x1, s1  }
0x8c: {  	s17 =	sshll.u32 s0, $0xA;
	s2 =	sadd.s32 s3, s2  }
0x8d: {  	s2 =	sadd.s32 s2, s17  }
0x8e: {  	[smem:$0x3FBB] =	sst s2  }
0x8f: {  	_ = 	snop  }
0x90: {  	s2 =	sld [smem:$0x3FD0];
	(tm) =	ssettm $0x1  }
0x91: {  	s18 =	sld [smem:$0x3FFB];
	_ =	sdelay $0x3  }
0x92: {  	_ =	strace s18  }
0x93: {  	s3 =	sld [smem:$0x3FFC];
	_ =	sdelay $0x3  }
0x94: {  	_ =	strace s3  }
0x95: {  	s3 =	sld [smem:$0x3FFD];
	_ =	sdelay $0x3  }
0x96: {  	_ =	strace s3  }
0x97: {  	_ =	strace $0x8FFFFFFF  }
0x98: {  	s19 =	sld [smem:$0x3FDB];
	_ =	sdelay $0x1  }
0x99: {  	s4 =	simm.s32 $_scs_section_size  }
0x9a: {  	s5 =	simm.s32 $_size__tile_overlayer_lowered;
	s6 =	simm.s32 $_tile_overlayer_lowered  }
0x9b: {  	s22 =	simm.s32 $0x1BFF;
	s21 =	sshll.u32 s6, $0x1;
	s3 =	sadd.s32 s4, s19  }
0x9c: {  	s7 =	simm.s32 $0x0;
	s20 =	sshll.u32 s5, $0x1;
	s5 =	sadd.s32 s21, s3  }
0x9d: {  	[timem:s7], [sflag:s22] =	dma.local [hbm:s5], s20  }
0x9e: {  	_ =	swait.ge [sflag:s22], s20  }
0x9f: {  	s4 =	ssub.s32 $0x0, s20;
	[sflag:s22] =	ssyncset.done $0x0  }
0xa0: {  	[sflag:s22] =	ssyncadd.s32 s4;
	_ =	sdelay $0x1  }
0xa1: {  	s23 =	simm.s32 $0x1B8B  }
0xa2: {  	_ =	swait.ge [sflag:s23], $0x1  }
0xa3: {  	[sflag:s23] =	ssyncset.done $0x0  }
0xa4: {  	s25 =	simm.s32 $0x1B8E;
	s24 =	sld [smem:$0x3FFE];
	[sflag:s23] =	ssyncadd.s32 $0xFFFFFFFF  }
0xa5: {  	s26 =	simm.s32 $execute0_lowered;
	[smem:$0x3FD2] =	sst s25  }
0xa6: {  	s5 =	sshll.u32 s26, $0x1;
	_ =	strace $0x8000004C;
	[dreg:$0x1] =	wrdreg $0xFFFFFFFF  }
0xa7: {  	s28 =	simm.s32 $_size_execute0_lowered;
	s3 =	sadd.s32 s3, s5;
	[dreg:$0x0] =	wrdreg $0x0  }
0xa8: {  	s5 =	sshll.u32 s28, $0x1;
	[dreg:$0x2] =	wrdreg s3  }
0xa9: {  	[dreg:$0x3] =	wrdreg s5  }
0xaa: {  	[dreg:$0x4] =	wrdreg $0xC0  }
0xab: {  	_ =	task [dreg:s7], $0x5FFFF  }
0xac: {  	[dreg:$0x1] =	wrdreg $0xFFFFFFFF  }
0xad: {  	[dreg:$0x0] =	wrdreg $0x60  }
0xae: {  	[dreg:$0x2] =	wrdreg s24  }
0xaf: {  	[dreg:$0x3] =	wrdreg s2  }
0xb0: {  	[dreg:$0x4] =	wrdreg $0xB4000  }
0xb1: {  	[dreg:$0x5] =	wrdreg $0x9  }
0xb2: {  	_ =	task.clear_ibuf [dreg:s7], $0x6FFFF;
	_ =	strace $0x9000004C  }
0xb3: {  	s29 =	simm.s32 $0x9;
	_ =	strace $0x8000004E  }
0xb4: {  	_ =	swait.ge [sflag:s29], $0x1  }
0xb5: {  	[sflag:s29] =	ssyncadd.s32 $0xFFFFFFFF  }
0xb6: {  	_ =	strace $0x9000004E  }
0xb7: {  	_ =	sfence  }
0xb8: {  	s30 =	sld [smem:$0x0];
	_ =	sdelay $0x2  }
0xb9: {  	s31 =	sshll.u32 s1, $0xD;
	s1 =	sshrl.u32 s1, $0x2  }
0xba: {  	s3 =	sand.u32 $0x4000, s31;
	s1 =	sadd.s32 s1, s30  }
0xbb: {  	s0 =	sor.u32 s3, s0;
	s1 =	sshll.u32 s1, $0x11  }
0xbc: {  	s0 =	sor.u32 s1, s0  }
0xbd: {  	s0 =	sadd.s32 $0x8F2B, s0  }
0xbe: {  	[sflag:s0] =	ssyncadd.remote.s32 $0x1  }
0xbf: {  	_ =	sfence.sel $0xFFFF  }
0xc0: {  	[dreg:$0x0] =	wrdreg $0xFFFFFFFF;
	(pc) =	sbr.abs _section_cstart, $3  }
0xc1: {  	[dreg:$0x1] =	wrdreg $0xFFFFFFFF  }
0xc2: {  	_ =	task.clear_ibuf [dreg:s7], $0x2FFFF;
	_ =	strace $0x9FFFFFFF  }
0xc3: {  	(tm) =	ssettm $0x7FFFFFFF  }
tec
execute0_lowered:
.L_overlay_start_1:
0x0: {  	(tag) =	ssettag $0x1  }
0x1: {  	s0 =	rddreg [dreg:$0x0];
	s1 =	srdreg.scid  }
0x2: {  	s14 =	stileid.u32;
	s3 =	rddreg [dreg:$0x2]  }
0x3: {  	s4 =	simm.s32 $0x0;
	s17 =	simm.s32 $0x5000;
	s18 =	simm.s32 $0x40  }
0x4: {  	s19 =	simm.s32 $0x5400;
	s20 =	simm.s32 $0x7400;
	s22 =	simm.s32 $0x9400  }
0x5: {  	s28 =	simm.s32 $0x5;
	s29 =	simm.s32 $0x6;
	s21 =	simm.s32 $0x0  }
0x6: {  	s1 =	sand.u32 $0x1, s1;
	s2 =	sshll.u32 s14, $0x1;
	[smem:$0x7FF] =	sst s4  }
0x7: {  	s5 =	sadd.s32 $0xE200, s0;
	s9 =	smul.u32 $0x4E000, s14;
	s25 =	sshll.u32 s14, $0x6  }
0x8: {  	s26 =	smul.u32 $0x13800, s14;
	s15 =	sadd.s32 $0x138000, s3;
	p0 =	sne.s32 s14, $0xF  }
0x9: {  	s14 =	simm.s32 $0x7;
	s2 =	sor.u32 s1, s2;
	_ =	strace $0x8000004D  }
0xa: {  	s23 =	ssub.s32 $0x2, s1;
	s1 =	smul.u32 $0x138800, s1;
	s15 =	sshrl.u32 @!p0 s15, $0x3  }
0xb: {  	s6 =	smul.u32 $0x500, s2;
	s2 =	sshll.u32 s2, $0x7;
	s7 =	sshrl.u32 s23, $0x1  }
0xc: {  	s24 =	sshrl.u32 s9, $0x2;
	s2 =	sadd.s32 s2, s0;
	s12 =	ssub.s32 s23, s7  }
0xd: {  	s13 =	sadd.s32 s24, s3;
	s9 =	sadd.s32 s26, s1;
	s1 =	sshrl.u32 s1, $0x3  }
0xe: {  	s23 =	simm.s32 $0x1;
	s24 =	simm.s32 $0x2;
	s26 =	simm.s32 $0x4  }
0xf: {  	s8 =	sadd.s32 s6, s0;
	s0 =	sadd.s32 $0x66800, s0;
	s6 =	sor.u32 $0x1C07, s25  }
0x10: {  	s10 =	sshrl.u32 s9, $0x3;
	s2 =	sadd.s32 $0xD200, s2;
	s12 =	smax.u32 s12, $0x1  }
0x11: {  	s13 =	sshrl.u32 s13, $0x3;
	s30 =	sadd.s32 $0x5C800, s8;
	[dreg:$0x6] =	wrdreg s2  }
0x12: {  	s25 =	simm.s32 $0x3;
	s31 =	sadd.s32 $0x3200, s8;
	[dreg:$0x4] =	wrdreg s30  }
0x13: {  	s1 =	sadd.s32 s0, s1;
	s0 =	sadd.s32 s0, s10;
	[dreg:$0x5] =	wrdreg s31  }
0x14: {  	[dreg:$0x7] =	wrdreg s0;
	s11 =	sadd.s32 $0x27000, s1;
	s0 =	simm.s32 $0x10  }
.LBB2_1:
0x15: {  	s1 =	rddreg [dreg:$0x1]  }
0x16: {  	[spmem:s13], [sflag:s6] =	dma.local [hbm:s1], $0x2700  }
0x17: {  	_ =	swait.ge [sflag:s14], $0x2700  }
0x18: {  	[sflag:s14] =	ssyncset.done $0x0  }
0x19: {  	[sflag:s14] =	ssyncadd.s32 $0xFFFFD900  }
0x1a: {  	[spmem:s15], [sflag:s6] =	dma.local @!p0 [hbm:s1], $0x100  }
0x1b: {  	s1 =	simm.s32 @!p0 $0x7  }
0x1c: {  	_ =	swait.ge @!p0 [sflag:s1], $0x100  }
0x1d: {  	[sflag:s1] =	ssyncset.done @!p0 $0x0  }
0x1e: {  	s10 =	rddreg [dreg:$0x4];
	[sflag:s1] =	ssyncadd.s32 @!p0 $0xFFFFFF00  }
0x1f: {  	[tilespmem:s4], [sflag:$0x7] =	stream.linear.gather [hbm4b:s10+s4], $0x2780, $0x38;
	[tilespmem:$0x1EC80] =	vst v63  }
0x20: {  	_ =	swait.ge [sflag:s14], $0x2780  }
0x21: {  	[sflag:s14] =	ssyncset.done $0x0  }
0x22: {  	s2 =	simm.s32 $0x2800;
	s16 =	rddreg [dreg:$0x5];
	[sflag:s14] =	ssyncadd.s32 $0xFFFFD880  }
0x23: {  	[tilespmem:s2], [sflag:$0x7] =	stream.linear.gather [hbm4b:s16+s4], $0x2780, $0x38;
	[tilespmem:$0x1EC80] =	vst v63  }
0x24: {  	_ =	swait.ge [sflag:s14], $0x2780  }
0x25: {  	[sflag:s14] =	ssyncset.done $0x0  }
0x26: {  	s2 =	rddreg [dreg:$0x6];
	[sflag:s14] =	ssyncadd.s32 $0xFFFFD880  }
0x27: {  	[tilespmem:s17], [sflag:$0x7] =	stream.linear.gather [hbm4b:s2+s4], $0x400, $0x38;
	[tilespmem:$0x1EC80] =	vst v63  }
0x28: {  	_ =	swait.ge [sflag:s14], $0x400  }
0x29: {  	[sflag:s14] =	ssyncset.done $0x0  }
0x2a: {  	[sflag:s14] =	ssyncadd.s32 $0xFFFFFC00  }
0x2b: {  	[bflag:$0x0] =	sbarrier.arrive $0xFFFF  }
0x2c: {  	[tilespmem:s19], [sflag:$0x1] =	stream.indirect.gather [hbm4b:s5+s18], $0x80, s4, s18, $0xb8;
	[tilespmem:$0x1EC80] =	vst v63  }
0x2d: {  	s8 =	simm.s32 $0x0  }
0x2e: {  	[tilespmem:s20], [sflag:$0x2] =	stream.indirect.gather [hbm4b:s5+s18], $0x80, s18, s18, $0xb8;
	[tilespmem:$0x1EC80] =	vst v63  }
0x2f: {  	s7 =	simm.s32 $0x80;
	s9 =	simm.s32 $0x40;
	s1 =	sand.u32 $0xFE00, s8  }
0x30: {  	[tilespmem:s22], [sflag:$0x3] =	stream.indirect.gather [hbm4b:s5+s18], $0x80, s7, s18, $0xb8;
	[tilespmem:$0x1EC80] =	vst v63  }
0x31: {  	s1 =	sshrl.u32 s1, $0x2;
	s2 =	sand.u32 $0x40, s4;
	_ =	swait.ge [sflag:s23], $0x2000  }
0x32: {  	s16 =	simm.s32 $0x100;
	s1 =	sor.u32 s2, s1;
	[sflag:s23] =	ssyncset.done $0x0  }
0x33: {  	s16 =	sand.u32 $0x1FE00, s16;
	s1 =	sadd.s32 $0x2800, s1;
	[sflag:s23] =	ssyncadd.s32 $0xFFFFE000  }
0x34: {  	[spmem:s3] =	stream.indirect.scatter.add.f32 [tilespmem:s19], [sflag:$0x4], $0x80, s1, s18, $0xb8;
	[tilespmem:$0x1EC80] =	vst v63  }
0x35: {  	s16 =	sshrl.u32 s16, $0x2;
	s1 =	sand.u32 $0x40, s9;
	_ =	swait.ge [sflag:s24], $0x2000  }
0x36: {  	s10 =	simm.s32 $0x200;
	s1 =	sor.u32 s1, s16;
	[sflag:s24] =	ssyncset.done $0x0  }
0x37: {  	s16 =	sand.u32 $0x1FE00, s10;
	s1 =	sadd.s32 $0x2800, s1;
	[sflag:s24] =	ssyncadd.s32 $0xFFFFE000  }
0x38: {  	[spmem:s3] =	stream.indirect.scatter.add.f32 [tilespmem:s20], [sflag:$0x5], $0x80, s1, s18, $0xb8;
	[tilespmem:$0x1EC80] =	vst v63  }
0x39: {  	s7 =	sshrl.u32 s16, $0x2;
	_ =	swait.ge [sflag:s25], $0x2000  }
0x3a: {  	s30 =	simm.s32 $0x300;
	s1 =	sor.u32 s2, s7;
	[sflag:s25] =	ssyncset.done $0x0  }
0x3b: {  	s31 =	simm.s32 $0x40;
	s1 =	sadd.s32 $0x2800, s1;
	[sflag:s25] =	ssyncadd.s32 $0xFFFFE000  }
0x3c: {  	[spmem:s3] =	stream.indirect.scatter.add.f32 [tilespmem:s22], [sflag:$0x6], $0x80, s1, s18, $0xb8;
	[tilespmem:$0x1EC80] =	vst v63  }
0x3d: {  	s30 =	sand.u32 $0x1FE00, s30;
	s9 =	simm.s32 $0xC0;
	_ =	swait.ge [sflag:s26], $0x2000  }
0x3e: {  	s30 =	sshrl.u32 s30, $0x2;
	s1 =	sand.u32 $0x40, s9;
	[sflag:s26] =	ssyncset.done $0x0  }
0x3f: {  	s1 =	sor.u32 s1, s30;
	s30 =	simm.s32 $0x400;
	[sflag:s26] =	ssyncadd.s32 $0xFFFFE000  }
0x40: {  	[tilespmem:s19], [sflag:$0x1] =	stream.indirect.gather [hbm4b:s5+s18], $0x80, s1, s18, $0xb8;
	[tilespmem:$0x1EC80] =	vst v63  }
0x41: {  	s8 =	simm.s32 $0x500;
	s10 =	sand.u32 $0x1FE00, s30;
	_ =	swait.ge [sflag:s28], $0x2000  }
0x42: {  	s16 =	sand.u32 $0x1FE00, s8;
	s1 =	sshrl.u32 s10, $0x2;
	[sflag:s28] =	ssyncset.done $0x0  }
0x43: {  	s16 =	sshrl.u32 s16, $0x2;
	s1 =	sor.u32 s2, s1;
	[sflag:s28] =	ssyncadd.s32 $0xFFFFE000  }
0x44: {  	[tilespmem:s20], [sflag:$0x2] =	stream.indirect.gather [hbm4b:s5+s18], $0x80, s1, s18, $0xb8;
	[tilespmem:$0x1EC80] =	vst v63  }
0x45: {  	s7 =	simm.s32 $0x140;
	s30 =	simm.s32 $0x800;
	_ =	swait.ge [sflag:s29], $0x2000  }
0x46: {  	s2 =	sand.u32 $0x40, s7;
	s1 =	simm.s32 $0x200;
	[sflag:s29] =	ssyncset.done $0x0  }
.LBB2_2:
0x47: {  	s7 =	sadd.s32 $0xFFFFFB00, s30;
	[sflag:s29] =	ssyncadd.s32 $0xFFFFE000  }
0x48: {  	s8 =	sor.u32 s2, s16;
	s2 =	smov.u32 s30;
	s16 =	smov.u32 s1  }
0x49: {  	[tilespmem:s22], [sflag:$0x3] =	stream.indirect.gather [hbm4b:s5+s18], $0x80, s8, s18, $0xb8;
	[tilespmem:$0x1EC80] =	vst v63  }
0x4a: {  	p1 =	sne.s32 s30, $0x9B00;
	s30 =	sadd.s32 $0x300, s30;
	s7 =	sand.u32 $0xFE00, s7  }
0x4b: {  	s8 =	sand.u32 $0x40, s31;
	s7 =	sshrl.u32 s7, $0x2;
	_ =	swait.ge [sflag:s23], $0x2000  }
0x4c: {  	s9 =	sadd.s32 $0xFFFFFF00, s1;
	s7 =	sor.u32 s8, s7;
	[sflag:s23] =	ssyncset.done $0x0  }
0x4d: {  	s10 =	sadd.s32 $0xFFFFFC00, s2;
	s7 =	sadd.s32 $0x2800, s7;
	[sflag:s23] =	ssyncadd.s32 $0xFFFFE000  }
0x4e: {  	[spmem:s3] =	stream.indirect.scatter.add.f32 [tilespmem:s19], [sflag:$0x4], $0x80, s7, s18, $0xb8;
	[tilespmem:$0x1EC80] =	vst v63  }
0x4f: {  	s7 =	sand.u32 $0x40, s9;
	s9 =	sand.u32 $0x1FE00, s10;
	_ =	swait.ge [sflag:s24], $0x2000  }
0x50: {  	s9 =	sshrl.u32 s9, $0x2;
	[sflag:s24] =	ssyncset.done $0x0  }
0x51: {  	s7 =	sor.u32 s7, s9;
	s9 =	sadd.s32 $0xFFFFFD00, s2;
	[sflag:s24] =	ssyncadd.s32 $0xFFFFE000  }
0x52: {  	s7 =	sadd.s32 $0x2800, s7;
	s9 =	sand.u32 $0x1FE00, s9  }
0x53: {  	[spmem:s3] =	stream.indirect.scatter.add.f32 [tilespmem:s20], [sflag:$0x5], $0x80, s7, s18, $0xb8;
	[tilespmem:$0x1EC80] =	vst v63  }
0x54: {  	s7 =	sshrl.u32 s9, $0x2;
	_ =	swait.ge [sflag:s25], $0x2000  }
0x55: {  	s9 =	sadd.s32 $0xFFFFFF80, s1;
	s7 =	sor.u32 s8, s7;
	[sflag:s25] =	ssyncset.done $0x0  }
0x56: {  	s10 =	sadd.s32 $0xFFFFFE00, s2;
	s7 =	sadd.s32 $0x2800, s7;
	[sflag:s25] =	ssyncadd.s32 $0xFFFFE000  }
0x57: {  	[spmem:s3] =	stream.indirect.scatter.add.f32 [tilespmem:s22], [sflag:$0x6], $0x80, s7, s18, $0xb8;
	[tilespmem:$0x1EC80] =	vst v63  }
0x58: {  	s7 =	sand.u32 $0x40, s9;
	s9 =	sand.u32 $0x1FE00, s10;
	_ =	swait.ge [sflag:s26], $0x2000  }
0x59: {  	s9 =	sshrl.u32 s9, $0x2;
	[sflag:s26] =	ssyncset.done $0x0  }
0x5a: {  	s7 =	sor.u32 s7, s9;
	s9 =	sadd.s32 $0xFFFFFF00, s2;
	[sflag:s26] =	ssyncadd.s32 $0xFFFFE000  }
0x5b: {  	[tilespmem:s19], [sflag:$0x1] =	stream.indirect.gather [hbm4b:s5+s18], $0x80, s7, s18, $0xb8;
	[tilespmem:$0x1EC80] =	vst v63  }
0x5c: {  	s7 =	sand.u32 $0x1FE00, s9;
	_ =	swait.ge [sflag:s28], $0x2000  }
.Ltmp0:
0x5d: {  	s7 =	sshrl.u32 s7, $0x2;
	[sflag:s28] =	ssyncset.done $0x0;
	(pc) =	sbr.rel @p1 .LBB2_2-.Ltmp0, $4  }
0x5e: {  	s31 =	sadd.s32 $0x40, s31;
	s7 =	sor.u32 s8, s7;
	[sflag:s28] =	ssyncadd.s32 $0xFFFFE000  }
0x5f: {  	[tilespmem:s20], [sflag:$0x2] =	stream.indirect.gather [hbm4b:s5+s18], $0x80, s7, s18, $0xb8;
	[tilespmem:$0x1EC80] =	vst v63  }
0x60: {  	s1 =	sadd.s32 $0xC0, s1;
	s7 =	sand.u32 $0x1FE00, s2;
	_ =	swait.ge [sflag:s29], $0x2000  }
0x61: {  	s2 =	sand.u32 $0x40, s16;
	s16 =	sshrl.u32 s7, $0x2;
	[sflag:s29] =	ssyncset.done $0x0  }
0x62: {  	s1 =	sor.u32 s2, s16;
	[sflag:s29] =	ssyncadd.s32 $0xFFFFE000  }
0x63: {  	[tilespmem:s22], [sflag:$0x3] =	stream.indirect.gather [hbm4b:s5+s18], $0x80, s1, s18, $0xb8;
	[tilespmem:$0x1EC80] =	vst v63  }
0x64: {  	_ =	swait.ge [sflag:s23], $0x2000  }
0x65: {  	[sflag:s23] =	ssyncset.done $0x0  }
0x66: {  	s9 =	simm.s32 $0x4E40;
	[sflag:s23] =	ssyncadd.s32 $0xFFFFE000  }
0x67: {  	[spmem:s3] =	stream.indirect.scatter.add.f32 [tilespmem:s19], [sflag:$0x4], $0x80, s9, s18, $0xb8;
	[tilespmem:$0x1EC80] =	vst v63  }
0x68: {  	_ =	swait.ge [sflag:s24], $0x2000  }
0x69: {  	[sflag:s24] =	ssyncset.done $0x0  }
0x6a: {  	s10 =	simm.s32 $0x4E80;
	[sflag:s24] =	ssyncadd.s32 $0xFFFFE000  }
0x6b: {  	[spmem:s3] =	stream.indirect.scatter.add.f32 [tilespmem:s20], [sflag:$0x5], $0x80, s10, s18, $0xb8;
	[tilespmem:$0x1EC80] =	vst v63  }
0x6c: {  	_ =	swait.ge [sflag:s25], $0x2000  }
0x6d: {  	[sflag:s25] =	ssyncset.done $0x0  }
0x6e: {  	s16 =	simm.s32 $0x4EC0;
	[sflag:s25] =	ssyncadd.s32 $0xFFFFE000  }
0x6f: {  	[spmem:s3] =	stream.indirect.scatter.add.f32 [tilespmem:s22], [sflag:$0x6], $0x80, s16, s18, $0xb8;
	[tilespmem:$0x1EC80] =	vst v63  }
0x70: {  	_ =	swait.ge [sflag:s26], $0x2000  }
0x71: {  	[sflag:s26] =	ssyncset.done $0x0  }
0x72: {  	[sflag:s26] =	ssyncadd.s32 $0xFFFFE000  }
0x73: {  	_ =	swait.ge [sflag:s28], $0x2000  }
0x74: {  	[sflag:s28] =	ssyncset.done $0x0  }
0x75: {  	[sflag:s28] =	ssyncadd.s32 $0xFFFFE000  }
0x76: {  	_ =	swait.ge [sflag:s29], $0x2000  }
0x77: {  	[sflag:s29] =	ssyncset.done $0x0  }
0x78: {  	s30 =	simm.s32 $0x2700;
	[sflag:s29] =	ssyncadd.s32 $0xFFFFE000  }
0x79: {  	[tilespmem:s19], [sflag:$0x7] =	stream.indirect.gather [hbm4b:s5+s0], $0x80, s30, s0, $0xb8;
	[tilespmem:$0x1EC80] =	vst v63  }
0x7a: {  	_ =	swait.ge [sflag:s14], $0x800  }
0x7b: {  	[sflag:s14] =	ssyncset.done $0x0  }
0x7c: {  	[sflag:s14] =	ssyncadd.s32 $0xFFFFF800  }
0x7d: {  	[spmem:s3] =	stream.indirect.scatter.add.f32 [tilespmem:s19], [sflag:$0x7], $0x80, s17, s0, $0xb8;
	[tilespmem:$0x1EC80] =	vst v63  }
0x7e: {  	_ =	swait.ge [sflag:s14], $0x800  }
0x7f: {  	[sflag:s14] =	ssyncset.done $0x0  }
0x80: {  	[sflag:s14] =	ssyncadd.s32 $0xFFFFF800  }
0x81: {  	[bflag:$0x0] =	sbarrier.arrive $0xFFFF  }
0x82: {  	s31 =	rddreg [dreg:$0x7]  }
0x83: {  	[hbm:s31], [sflag:s6] =	dma.local [spmem:s13], $0x2700  }
0x84: {  	s21 =	sadd.s32 $0x1, s21;
	_ =	swait.ge [sflag:s14], $0x2700  }
0x85: {  	p1 =	sne.s32 s21, s12;
	[sflag:s14] =	ssyncset.done $0x0  }
.Ltmp1:
0x86: {  	s1 =	simm.s32 @!p0 $0x7;
	[sflag:s14] =	ssyncadd.s32 $0xFFFFD900;
	(pc) =	sbr.rel @p1 .LBB2_1-.Ltmp1, $4  }
0x87: {  	[hbm:s11], [sflag:s6] =	dma.local @!p0 [spmem:s15], $0x100  }
0x88: {  	_ =	swait.ge @!p0 [sflag:s1], $0x100  }
0x89: {  	[sflag:s1] =	ssyncset.done @!p0 $0x0  }
0x8a: {  	[sflag:s1] =	ssyncadd.s32 @!p0 $0xFFFFFF00  }
0x8b: {  	_ =	sfence.sel $0x180000  }
0x8c: {  	[bflag:$0x0] =	sbarrier.arrive $0xFFFF  }
0x8d: {  	_ =	strace $0x9000004D  }
0x8e: {  	s0 =	stileid.u32;
	[bflag:$0x2] =	sbarrier.arrive $0xFFFF  }
0x8f: {  	p0 =	sne.s32 s0, $0x0;
	s0 =	rddreg [dreg:$0x3]  }
0x90: {  	s0 =	sadd.s32 @!p0 $0x100000, s0  }
0x91: {  	[sflag:s0] =	ssyncadd.tile.s32 @!p0 $0x1;
	_ =	shalt  }
.Lfunc_end2:
_tile_overlayer_lowered:
.L_overlay_start_2:
0x92: {  	(tag) =	ssettag $0x2  }
0x93: {  	s0 =	rddreg [dreg:$0x0];
	s2 =	stileid.u32  }
0x94: {  	s1 =	rddreg [dreg:$0x1];
	p0 =	sne.s32 s2, $0x0  }
0x95: {  	s3 =	rddreg [dreg:$0x2];
	[bflag:$0x3] =	sbarrier.arrive $0xFFFF;
	s2 =	simm.s32 @!p0 $0x1C07  }
0x96: {  	[timem:s3], [sflag:s2] =	dma.local @!p0 [hbm:s0], s1  }
0x97: {  	s0 =	simm.s32 @!p0 $0x7  }
0x98: {  	_ =	swait.ge @!p0 [sflag:s0], s1  }
0x99: {  	s1 =	ssub.s32 @!p0 $0x0, s1;
	[sflag:s0] =	ssyncset.done @!p0 $0x0  }
0x9a: {  	[sflag:s0] =	ssyncadd.s32 @!p0 s1  }
0x9b: {  	[bflag:$0x3] =	sbarrier.arrive $0xFFFF  }
0x9c: {  	_ =	shalt  }

// kernel: kernel.22.cloned.1.call-start
scs
__scs_entry_jumppad:
0x0: {  	(pc) =	sbr.rel $0x88, $3  }
0x1: {  	(tag) =	ssettag $0x0;
	lr =	simm.s32 $0x1  }
0x2: {  	[smem:$0x3F94] =	sst lr;
	_ =	strace $0xD0000000  }
0x3: {  	_ = 	snop  }
0x4: {  	_ = 	snop  }
0x5: {  	_ = 	snop  }
0x6: {  	_ = 	snop  }
0x7: {  	_ = 	snop  }
__scs_overlays_trampoline_lowered:
0x8: {  	[smem:$0x3FA3] =	sst s0  }
0x9: {  	[smem:$0x3FA4] =	sst s1  }
0xa: {  	[smem:$0x3FA5] =	sst s2  }
0xb: {  	[smem:$0x3FA6] =	sst s3  }
0xc: {  	[smem:$0x3FA7] =	sst s4  }
0xd: {  	[smem:$0x3FA8] =	sst s5  }
0xe: {  	[smem:$0x3FA9] =	sst s6  }
0xf: {  	[smem:$0x3FAA] =	sst s7  }
0x10: {  	[smem:$0x3FAB] =	sst s8  }
0x11: {  	[smem:$0x3FAC] =	sst s9;
	s0 =	simm.s32 @!p0 $0x0  }
0x12: {  	s1 =	sld [smem:$0x3F92];
	s0 =	simm.s32 @p0 $0x1  }
0x13: {  	[smem:$0x3FAD] =	sst s0;
	s0 =	simm.s32 @!p1 $0x0  }
0x14: {  	s2 =	sld [smem:$0x3F91];
	s0 =	simm.s32 @p1 $0x1  }
0x15: {  	[smem:$0x3FAE] =	sst s0;
	s0 =	simm.s32 @!p2 $0x0  }
0x16: {  	s3 =	sld [smem:$0x3FDB];
	s0 =	simm.s32 @p2 $0x1  }
0x17: {  	s4 =	simm.s32 $0x1BF5;
	[smem:$0x3FB0] =	sst s0  }
0x18: {  	s0 =	sld [smem:$0x3F93];
	_ =	swait.ge [sflag:s4], $0x0  }
0x19: {  	s7 =	sld [smem:$0x3F94]  }
0x1a: {  	s8 =	sadd.s32 $0xFFFFE003, lr  }
0x1b: {  	s9 =	sadd.s32 $0xFFFFFEF7, lr;
	s5 =	simm.s32 $0xFFFFFFFF;
	p2 =	slt.u32 s8, $0xFFFFF086  }
0x1c: {  	p1 =	slt.u32 s9, $0xF7A;
	s5 =	simm.s32 @!p2 $0x0  }
0x1d: {  	s5 =	simm.s32 @p1 $0x1;
	p0 =	seq.s32 s7, s2  }
0x1e: {  	s7 =	smul.u32 @!p0 $0xF7A, s2;
	p2 =	seq.s32 @!p0 s5, $0x0  }
0x1f: {  	s9 =	smul.u32 $0xF7A, s1;
	s8 =	simm.s32 @!p0 $0x1BF5;
	p2 =	por !p2, p0  }
0x20: {  	[sflag:s8] =	ssyncset.s32 @!p0 $0xFFFFF086;
	s6 =	sadd.s32 @!p0 s3, s7;
	s7 =	simm.s32 @!p0 $0x108  }
0x21: {  	s3 =	sadd.s32 s3, s9;
	s6 =	sadd.s32 @!p0 $0x88, s6;
	s7 =	simm.s32 @p2 $0x1082  }
0x22: {  	[simem:s7], [sflag:s8] =	dma.local @!p0 [hbm:s6], $0xF7A  }
0x23: {  	s9 =	sor.u32 $0xD0000000, s2;
	s6 =	simm.s32 $0x108;
	_ =	swait.ge @!p0 [sflag:s8], $0x0  }
0x24: {  	s3 =	sadd.s32 $0x88, s3;
	s6 =	simm.s32 @!p1 $0x1082;
	[sflag:s4] =	ssyncset.s32 $0xFFFFF086  }
0x25: {  	[simem:s6], [sflag:s4] =	dma.local [hbm:s3], $0xF7A  }
0x26: {  	[smem:$0x3F94] =	sst s1;
	(tag) =	ssettag s2;
	_ =	strace s9  }
0x27: {  	s1 =	sld [smem:$0x3FA4]  }
0x28: {  	s2 =	sld [smem:$0x3FA5]  }
0x29: {  	s4 =	sld [smem:$0x3FA7]  }
0x2a: {  	p0 =	seq.s32 s5, $0x0;
	s5 =	sld [smem:$0x3FA8]  }
0x2b: {  	s6 =	sld [smem:$0x3FA9]  }
0x2c: {  	s7 =	sld [smem:$0x3FAA]  }
0x2d: {  	s3 =	simm.s32 $0x108;
	s8 =	sld [smem:$0x3FAB]  }
0x2e: {  	s3 =	simm.s32 @!p0 $0x1082;
	s9 =	sld [smem:$0x3FAC]  }
0x2f: {  	lr =	sadd.s32 s0, s3;
	s0 =	sld [smem:$0x3FA3]  }
0x30: {  	s3 =	sld [smem:$0x3FA6]  }
0x31: {  	[smem:$0x3FAF] =	sst s10  }
0x32: {  	s10 =	sld [smem:$0x3FAD];
	_ =	sdelay $0x3  }
0x33: {  	p0 =	seq.s32 s10, $0x1;
	s10 =	sld [smem:$0x3FAF];
	_ =	sdelay $0x3  }
0x34: {  	[smem:$0x3FAF] =	sst s10  }
0x35: {  	s10 =	sld [smem:$0x3FAE];
	_ =	sdelay $0x3  }
0x36: {  	p1 =	seq.s32 s10, $0x1;
	s10 =	sld [smem:$0x3FAF];
	_ =	sdelay $0x3  }
0x37: {  	[smem:$0x3FAF] =	sst s10  }
0x38: {  	s10 =	sld [smem:$0x3FB0]  }
0x39: {  	_ = 	snop;
	(pc) =	sbr.ind lr, $3  }
0x3a: {  	_ = 	snop  }
0x3b: {  	_ = 	snop  }
0x3c: {  	p2 =	seq.s32 s10, $0x1;
	s10 =	sld [smem:$0x3FAF]  }
0x3d: {  	_ =	shalt  }
0x3e: {  	_ =	shalt  }
0x3f: {  	_ =	shalt  }
0x40: {  	_ =	shalt  }
0x41: {  	_ =	shalt  }
0x42: {  	_ =	shalt  }
0x43: {  	_ =	shalt  }
0x44: {  	_ =	shalt  }
0x45: {  	_ =	shalt  }
0x46: {  	_ =	shalt  }
0x47: {  	_ =	shalt  }
0x48: {  	_ =	shalt  }
0x49: {  	_ =	shalt  }
0x4a: {  	_ =	shalt  }
0x4b: {  	_ =	shalt  }
0x4c: {  	_ =	shalt  }
0x4d: {  	_ =	shalt  }
0x4e: {  	_ =	shalt  }
0x4f: {  	_ =	shalt  }
0x50: {  	_ =	shalt  }
0x51: {  	_ =	shalt  }
0x52: {  	_ =	shalt  }
0x53: {  	_ =	shalt  }
0x54: {  	_ =	shalt  }
0x55: {  	_ =	shalt  }
0x56: {  	_ =	shalt  }
0x57: {  	_ =	shalt  }
0x58: {  	_ =	shalt  }
0x59: {  	_ =	shalt  }
0x5a: {  	_ =	shalt  }
0x5b: {  	_ =	shalt  }
0x5c: {  	_ =	shalt  }
0x5d: {  	_ =	shalt  }
0x5e: {  	_ =	shalt  }
0x5f: {  	_ =	shalt  }
0x60: {  	_ =	shalt  }
0x61: {  	_ =	shalt  }
0x62: {  	_ =	shalt  }
0x63: {  	_ =	shalt  }
0x64: {  	_ =	shalt  }
0x65: {  	_ =	shalt  }
0x66: {  	_ =	shalt  }
0x67: {  	_ =	shalt  }
0x68: {  	_ =	shalt  }
0x69: {  	_ =	shalt  }
0x6a: {  	_ =	shalt  }
0x6b: {  	_ =	shalt  }
0x6c: {  	_ =	shalt  }
0x6d: {  	_ =	shalt  }
0x6e: {  	_ =	shalt  }
0x6f: {  	_ =	shalt  }
0x70: {  	_ =	shalt  }
0x71: {  	_ =	shalt  }
0x72: {  	_ =	shalt  }
0x73: {  	_ =	shalt  }
0x74: {  	_ =	shalt  }
0x75: {  	_ =	shalt  }
0x76: {  	_ =	shalt  }
0x77: {  	_ =	shalt  }
0x78: {  	_ =	shalt  }
0x79: {  	_ =	shalt  }
0x7a: {  	_ =	shalt  }
0x7b: {  	_ =	shalt  }
0x7c: {  	_ =	shalt  }
0x7d: {  	_ =	shalt  }
0x7e: {  	_ =	shalt  }
0x7f: {  	_ =	shalt  }
0x80: {  	_ =	shalt  }
0x81: {  	_ =	shalt  }
0x82: {  	_ =	shalt  }
0x83: {  	_ =	shalt  }
0x84: {  	_ =	shalt  }
0x85: {  	_ =	shalt  }
0x86: {  	_ =	shalt  }
0x87: {  	_ =	shalt  }
.Lfunc_end0:
.L_simem_size_0:
called_computation.3_lowered:
.L_overlay_start_0:
0x88: {  	s2 =	sld [smem:$0x3FD9]  }
0x89: {  	s3 =	sld [smem:$0x3FFE];
	_ =	sdelay $0x1  }
0x8a: {  	s1 =	srdreg.scid  }
0x8b: {  	s0 =	sand.u32 $0x1, s1  }
0x8c: {  	s17 =	sshll.u32 s0, $0xA;
	s2 =	sadd.s32 s3, s2  }
0x8d: {  	s2 =	sadd.s32 s2, s17  }
0x8e: {  	[smem:$0x3FBB] =	sst s2  }
0x8f: {  	_ = 	snop  }
0x90: {  	s2 =	sld [smem:$0x3FD0];
	(tm) =	ssettm $0x1  }
0x91: {  	s18 =	sld [smem:$0x3FFB];
	_ =	sdelay $0x3  }
0x92: {  	_ =	strace s18  }
0x93: {  	s3 =	sld [smem:$0x3FFC];
	_ =	sdelay $0x3  }
0x94: {  	_ =	strace s3  }
0x95: {  	s3 =	sld [smem:$0x3FFD];
	_ =	sdelay $0x3  }
0x96: {  	_ =	strace s3  }
0x97: {  	_ =	strace $0x8FFFFFFF  }
0x98: {  	s19 =	sld [smem:$0x3FDB];
	_ =	sdelay $0x1  }
0x99: {  	s4 =	simm.s32 $_scs_section_size  }
0x9a: {  	s5 =	simm.s32 $_size__tile_overlayer_lowered;
	s6 =	simm.s32 $_tile_overlayer_lowered  }
0x9b: {  	s22 =	simm.s32 $0x1BFF;
	s21 =	sshll.u32 s6, $0x1;
	s3 =	sadd.s32 s4, s19  }
0x9c: {  	s7 =	simm.s32 $0x0;
	s20 =	sshll.u32 s5, $0x1;
	s5 =	sadd.s32 s21, s3  }
0x9d: {  	[timem:s7], [sflag:s22] =	dma.local [hbm:s5], s20  }
0x9e: {  	_ =	swait.ge [sflag:s22], s20  }
0x9f: {  	s4 =	ssub.s32 $0x0, s20;
	[sflag:s22] =	ssyncset.done $0x0  }
0xa0: {  	[sflag:s22] =	ssyncadd.s32 s4;
	_ =	sdelay $0x1  }
0xa1: {  	s23 =	simm.s32 $0x1B8B  }
0xa2: {  	_ =	swait.ge [sflag:s23], $0x1  }
0xa3: {  	[sflag:s23] =	ssyncset.done $0x0  }
0xa4: {  	s25 =	simm.s32 $0x1B8E;
	s24 =	sld [smem:$0x3FFE];
	[sflag:s23] =	ssyncadd.s32 $0xFFFFFFFF  }
0xa5: {  	s26 =	simm.s32 $execute0_lowered;
	[smem:$0x3FD2] =	sst s25  }
0xa6: {  	s5 =	sshll.u32 s26, $0x1;
	_ =	strace $0x8000004F;
	[dreg:$0x1] =	wrdreg $0xFFFFFFFF  }
0xa7: {  	s28 =	simm.s32 $_size_execute0_lowered;
	s3 =	sadd.s32 s3, s5;
	[dreg:$0x0] =	wrdreg $0x0  }
0xa8: {  	s5 =	sshll.u32 s28, $0x1;
	[dreg:$0x2] =	wrdreg s3  }
0xa9: {  	[dreg:$0x3] =	wrdreg s5  }
0xaa: {  	[dreg:$0x4] =	wrdreg $0xC0  }
0xab: {  	_ =	task [dreg:s7], $0x5FFFF  }
0xac: {  	[dreg:$0x1] =	wrdreg $0xFFFFFFFF  }
0xad: {  	[dreg:$0x0] =	wrdreg $0x60  }
0xae: {  	[dreg:$0x2] =	wrdreg s24  }
0xaf: {  	[dreg:$0x3] =	wrdreg s2  }
0xb0: {  	[dreg:$0x4] =	wrdreg $0xB4000  }
0xb1: {  	[dreg:$0x5] =	wrdreg $0x9  }
0xb2: {  	_ =	task.clear_ibuf [dreg:s7], $0x6FFFF;
	_ =	strace $0x9000004F  }
0xb3: {  	s29 =	simm.s32 $0x9;
	_ =	strace $0x80000051  }
0xb4: {  	_ =	swait.ge [sflag:s29], $0x1  }
0xb5: {  	[sflag:s29] =	ssyncadd.s32 $0xFFFFFFFF  }
0xb6: {  	_ =	strace $0x90000051  }
0xb7: {  	_ =	sfence  }
0xb8: {  	s30 =	sld [smem:$0x0];
	_ =	sdelay $0x2  }
0xb9: {  	s31 =	sshll.u32 s1, $0xD;
	s1 =	sshrl.u32 s1, $0x2  }
0xba: {  	s3 =	sand.u32 $0x4000, s31;
	s1 =	sadd.s32 s1, s30  }
0xbb: {  	s0 =	sor.u32 s3, s0;
	s1 =	sshll.u32 s1, $0x11  }
0xbc: {  	s0 =	sor.u32 s1, s0  }
0xbd: {  	s0 =	sadd.s32 $0x8F2B, s0  }
0xbe: {  	[sflag:s0] =	ssyncadd.remote.s32 $0x1  }
0xbf: {  	_ =	sfence.sel $0xFFFF  }
0xc0: {  	[dreg:$0x0] =	wrdreg $0xFFFFFFFF;
	(pc) =	sbr.abs _section_cstart, $3  }
0xc1: {  	[dreg:$0x1] =	wrdreg $0xFFFFFFFF  }
0xc2: {  	_ =	task.clear_ibuf [dreg:s7], $0x2FFFF;
	_ =	strace $0x9FFFFFFF  }
0xc3: {  	(tm) =	ssettm $0x7FFFFFFF  }
tec
execute0_lowered:
.L_overlay_start_1:
0x0: {  	(tag) =	ssettag $0x1  }
0x1: {  	s0 =	rddreg [dreg:$0x0];
	s1 =	srdreg.scid  }
0x2: {  	s14 =	stileid.u32;
	s3 =	rddreg [dreg:$0x2]  }
0x3: {  	s4 =	simm.s32 $0x0;
	s17 =	simm.s32 $0x5000;
	s18 =	simm.s32 $0x40  }
0x4: {  	s19 =	simm.s32 $0x5400;
	s20 =	simm.s32 $0x7400;
	s22 =	simm.s32 $0x9400  }
0x5: {  	s28 =	simm.s32 $0x5;
	s29 =	simm.s32 $0x6;
	s21 =	simm.s32 $0x0  }
0x6: {  	s1 =	sand.u32 $0x1, s1;
	s2 =	sshll.u32 s14, $0x1;
	[smem:$0x7FF] =	sst s4  }
0x7: {  	s5 =	sadd.s32 $0xE200, s0;
	s9 =	smul.u32 $0x4E000, s14;
	s25 =	sshll.u32 s14, $0x6  }
0x8: {  	s26 =	smul.u32 $0x13800, s14;
	s15 =	sadd.s32 $0x138000, s3;
	p0 =	sne.s32 s14, $0xF  }
0x9: {  	s14 =	simm.s32 $0x7;
	s2 =	sor.u32 s1, s2;
	_ =	strace $0x80000050  }
0xa: {  	s23 =	ssub.s32 $0x2, s1;
	s1 =	smul.u32 $0x138800, s1;
	s15 =	sshrl.u32 @!p0 s15, $0x3  }
0xb: {  	s6 =	smul.u32 $0x500, s2;
	s2 =	sshll.u32 s2, $0x7;
	s7 =	sshrl.u32 s23, $0x1  }
0xc: {  	s24 =	sshrl.u32 s9, $0x2;
	s2 =	sadd.s32 s2, s0;
	s12 =	ssub.s32 s23, s7  }
0xd: {  	s13 =	sadd.s32 s24, s3;
	s9 =	sadd.s32 s26, s1;
	s1 =	sshrl.u32 s1, $0x3  }
0xe: {  	s23 =	simm.s32 $0x1;
	s24 =	simm.s32 $0x2;
	s26 =	simm.s32 $0x4  }
0xf: {  	s8 =	sadd.s32 s6, s0;
	s0 =	sadd.s32 $0x66800, s0;
	s6 =	sor.u32 $0x1C07, s25  }
0x10: {  	s10 =	sshrl.u32 s9, $0x3;
	s2 =	sadd.s32 $0xD200, s2;
	s12 =	smax.u32 s12, $0x1  }
0x11: {  	s13 =	sshrl.u32 s13, $0x3;
	s30 =	sadd.s32 $0x5C800, s8;
	[dreg:$0x6] =	wrdreg s2  }
0x12: {  	s25 =	simm.s32 $0x3;
	s31 =	sadd.s32 $0x3200, s8;
	[dreg:$0x4] =	wrdreg s30  }
0x13: {  	s1 =	sadd.s32 s0, s1;
	s0 =	sadd.s32 s0, s10;
	[dreg:$0x5] =	wrdreg s31  }
0x14: {  	[dreg:$0x7] =	wrdreg s0;
	s11 =	sadd.s32 $0x27000, s1;
	s0 =	simm.s32 $0x10  }
.LBB2_1:
0x15: {  	s1 =	rddreg [dreg:$0x1]  }
0x16: {  	[spmem:s13], [sflag:s6] =	dma.local [hbm:s1], $0x2700  }
0x17: {  	_ =	swait.ge [sflag:s14], $0x2700  }
0x18: {  	[sflag:s14] =	ssyncset.done $0x0  }
0x19: {  	[sflag:s14] =	ssyncadd.s32 $0xFFFFD900  }
0x1a: {  	[spmem:s15], [sflag:s6] =	dma.local @!p0 [hbm:s1], $0x100  }
0x1b: {  	s1 =	simm.s32 @!p0 $0x7  }
0x1c: {  	_ =	swait.ge @!p0 [sflag:s1], $0x100  }
0x1d: {  	[sflag:s1] =	ssyncset.done @!p0 $0x0  }
0x1e: {  	s10 =	rddreg [dreg:$0x4];
	[sflag:s1] =	ssyncadd.s32 @!p0 $0xFFFFFF00  }
0x1f: {  	[tilespmem:s4], [sflag:$0x7] =	stream.linear.gather [hbm4b:s10+s4], $0x2780, $0x38;
	[tilespmem:$0x1EC80] =	vst v63  }
0x20: {  	_ =	swait.ge [sflag:s14], $0x2780  }
0x21: {  	[sflag:s14] =	ssyncset.done $0x0  }
0x22: {  	s2 =	simm.s32 $0x2800;
	s16 =	rddreg [dreg:$0x5];
	[sflag:s14] =	ssyncadd.s32 $0xFFFFD880  }
0x23: {  	[tilespmem:s2], [sflag:$0x7] =	stream.linear.gather [hbm4b:s16+s4], $0x2780, $0x38;
	[tilespmem:$0x1EC80] =	vst v63  }
0x24: {  	_ =	swait.ge [sflag:s14], $0x2780  }
0x25: {  	[sflag:s14] =	ssyncset.done $0x0  }
0x26: {  	s2 =	rddreg [dreg:$0x6];
	[sflag:s14] =	ssyncadd.s32 $0xFFFFD880  }
0x27: {  	[tilespmem:s17], [sflag:$0x7] =	stream.linear.gather [hbm4b:s2+s4], $0x400, $0x38;
	[tilespmem:$0x1EC80] =	vst v63  }
0x28: {  	_ =	swait.ge [sflag:s14], $0x400  }
0x29: {  	[sflag:s14] =	ssyncset.done $0x0  }
0x2a: {  	[sflag:s14] =	ssyncadd.s32 $0xFFFFFC00  }
0x2b: {  	[bflag:$0x0] =	sbarrier.arrive $0xFFFF  }
0x2c: {  	[tilespmem:s19], [sflag:$0x1] =	stream.indirect.gather [hbm4b:s5+s18], $0x80, s4, s18, $0xb8;
	[tilespmem:$0x1EC80] =	vst v63  }
0x2d: {  	s8 =	simm.s32 $0x0  }
0x2e: {  	[tilespmem:s20], [sflag:$0x2] =	stream.indirect.gather [hbm4b:s5+s18], $0x80, s18, s18, $0xb8;
	[tilespmem:$0x1EC80] =	vst v63  }
0x2f: {  	s7 =	simm.s32 $0x80;
	s9 =	simm.s32 $0x40;
	s1 =	sand.u32 $0xFE00, s8  }
0x30: {  	[tilespmem:s22], [sflag:$0x3] =	stream.indirect.gather [hbm4b:s5+s18], $0x80, s7, s18, $0xb8;
	[tilespmem:$0x1EC80] =	vst v63  }
0x31: {  	s1 =	sshrl.u32 s1, $0x2;
	s2 =	sand.u32 $0x40, s4;
	_ =	swait.ge [sflag:s23], $0x2000  }
0x32: {  	s16 =	simm.s32 $0x100;
	s1 =	sor.u32 s2, s1;
	[sflag:s23] =	ssyncset.done $0x0  }
0x33: {  	s16 =	sand.u32 $0x1FE00, s16;
	s1 =	sadd.s32 $0x2800, s1;
	[sflag:s23] =	ssyncadd.s32 $0xFFFFE000  }
0x34: {  	[spmem:s3] =	stream.indirect.scatter.add.f32 [tilespmem:s19], [sflag:$0x4], $0x80, s1, s18, $0xb8;
	[tilespmem:$0x1EC80] =	vst v63  }
0x35: {  	s16 =	sshrl.u32 s16, $0x2;
	s1 =	sand.u32 $0x40, s9;
	_ =	swait.ge [sflag:s24], $0x2000  }
0x36: {  	s10 =	simm.s32 $0x200;
	s1 =	sor.u32 s1, s16;
	[sflag:s24] =	ssyncset.done $0x0  }
0x37: {  	s16 =	sand.u32 $0x1FE00, s10;
	s1 =	sadd.s32 $0x2800, s1;
	[sflag:s24] =	ssyncadd.s32 $0xFFFFE000  }
0x38: {  	[spmem:s3] =	stream.indirect.scatter.add.f32 [tilespmem:s20], [sflag:$0x5], $0x80, s1, s18, $0xb8;
	[tilespmem:$0x1EC80] =	vst v63  }
0x39: {  	s7 =	sshrl.u32 s16, $0x2;
	_ =	swait.ge [sflag:s25], $0x2000  }
0x3a: {  	s30 =	simm.s32 $0x300;
	s1 =	sor.u32 s2, s7;
	[sflag:s25] =	ssyncset.done $0x0  }
0x3b: {  	s31 =	simm.s32 $0x40;
	s1 =	sadd.s32 $0x2800, s1;
	[sflag:s25] =	ssyncadd.s32 $0xFFFFE000  }
0x3c: {  	[spmem:s3] =	stream.indirect.scatter.add.f32 [tilespmem:s22], [sflag:$0x6], $0x80, s1, s18, $0xb8;
	[tilespmem:$0x1EC80] =	vst v63  }
0x3d: {  	s30 =	sand.u32 $0x1FE00, s30;
	s9 =	simm.s32 $0xC0;
	_ =	swait.ge [sflag:s26], $0x2000  }
0x3e: {  	s30 =	sshrl.u32 s30, $0x2;
	s1 =	sand.u32 $0x40, s9;
	[sflag:s26] =	ssyncset.done $0x0  }
0x3f: {  	s1 =	sor.u32 s1, s30;
	s30 =	simm.s32 $0x400;
	[sflag:s26] =	ssyncadd.s32 $0xFFFFE000  }
0x40: {  	[tilespmem:s19], [sflag:$0x1] =	stream.indirect.gather [hbm4b:s5+s18], $0x80, s1, s18, $0xb8;
	[tilespmem:$0x1EC80] =	vst v63  }
0x41: {  	s8 =	simm.s32 $0x500;
	s10 =	sand.u32 $0x1FE00, s30;
	_ =	swait.ge [sflag:s28], $0x2000  }
0x42: {  	s16 =	sand.u32 $0x1FE00, s8;
	s1 =	sshrl.u32 s10, $0x2;
	[sflag:s28] =	ssyncset.done $0x0  }
0x43: {  	s16 =	sshrl.u32 s16, $0x2;
	s1 =	sor.u32 s2, s1;
	[sflag:s28] =	ssyncadd.s32 $0xFFFFE000  }
0x44: {  	[tilespmem:s20], [sflag:$0x2] =	stream.indirect.gather [hbm4b:s5+s18], $0x80, s1, s18, $0xb8;
	[tilespmem:$0x1EC80] =	vst v63  }
0x45: {  	s7 =	simm.s32 $0x140;
	s30 =	simm.s32 $0x800;
	_ =	swait.ge [sflag:s29], $0x2000  }
0x46: {  	s2 =	sand.u32 $0x40, s7;
	s1 =	simm.s32 $0x200;
	[sflag:s29] =	ssyncset.done $0x0  }
.LBB2_2:
0x47: {  	s7 =	sadd.s32 $0xFFFFFB00, s30;
	[sflag:s29] =	ssyncadd.s32 $0xFFFFE000  }
0x48: {  	s8 =	sor.u32 s2, s16;
	s2 =	smov.u32 s30;
	s16 =	smov.u32 s1  }
0x49: {  	[tilespmem:s22], [sflag:$0x3] =	stream.indirect.gather [hbm4b:s5+s18], $0x80, s8, s18, $0xb8;
	[tilespmem:$0x1EC80] =	vst v63  }
0x4a: {  	p1 =	sne.s32 s30, $0x9B00;
	s30 =	sadd.s32 $0x300, s30;
	s7 =	sand.u32 $0xFE00, s7  }
0x4b: {  	s8 =	sand.u32 $0x40, s31;
	s7 =	sshrl.u32 s7, $0x2;
	_ =	swait.ge [sflag:s23], $0x2000  }
0x4c: {  	s9 =	sadd.s32 $0xFFFFFF00, s1;
	s7 =	sor.u32 s8, s7;
	[sflag:s23] =	ssyncset.done $0x0  }
0x4d: {  	s10 =	sadd.s32 $0xFFFFFC00, s2;
	s7 =	sadd.s32 $0x2800, s7;
	[sflag:s23] =	ssyncadd.s32 $0xFFFFE000  }
0x4e: {  	[spmem:s3] =	stream.indirect.scatter.add.f32 [tilespmem:s19], [sflag:$0x4], $0x80, s7, s18, $0xb8;
	[tilespmem:$0x1EC80] =	vst v63  }
0x4f: {  	s7 =	sand.u32 $0x40, s9;
	s9 =	sand.u32 $0x1FE00, s10;
	_ =	swait.ge [sflag:s24], $0x2000  }
0x50: {  	s9 =	sshrl.u32 s9, $0x2;
	[sflag:s24] =	ssyncset.done $0x0  }
0x51: {  	s7 =	sor.u32 s7, s9;
	s9 =	sadd.s32 $0xFFFFFD00, s2;
	[sflag:s24] =	ssyncadd.s32 $0xFFFFE000  }
0x52: {  	s7 =	sadd.s32 $0x2800, s7;
	s9 =	sand.u32 $0x1FE00, s9  }
0x53: {  	[spmem:s3] =	stream.indirect.scatter.add.f32 [tilespmem:s20], [sflag:$0x5], $0x80, s7, s18, $0xb8;
	[tilespmem:$0x1EC80] =	vst v63  }
0x54: {  	s7 =	sshrl.u32 s9, $0x2;
	_ =	swait.ge [sflag:s25], $0x2000  }
0x55: {  	s9 =	sadd.s32 $0xFFFFFF80, s1;
	s7 =	sor.u32 s8, s7;
	[sflag:s25] =	ssyncset.done $0x0  }
0x56: {  	s10 =	sadd.s32 $0xFFFFFE00, s2;
	s7 =	sadd.s32 $0x2800, s7;
	[sflag:s25] =	ssyncadd.s32 $0xFFFFE000  }
0x57: {  	[spmem:s3] =	stream.indirect.scatter.add.f32 [tilespmem:s22], [sflag:$0x6], $0x80, s7, s18, $0xb8;
	[tilespmem:$0x1EC80] =	vst v63  }
0x58: {  	s7 =	sand.u32 $0x40, s9;
	s9 =	sand.u32 $0x1FE00, s10;
	_ =	swait.ge [sflag:s26], $0x2000  }
0x59: {  	s9 =	sshrl.u32 s9, $0x2;
	[sflag:s26] =	ssyncset.done $0x0  }
0x5a: {  	s7 =	sor.u32 s7, s9;
	s9 =	sadd.s32 $0xFFFFFF00, s2;
	[sflag:s26] =	ssyncadd.s32 $0xFFFFE000  }
0x5b: {  	[tilespmem:s19], [sflag:$0x1] =	stream.indirect.gather [hbm4b:s5+s18], $0x80, s7, s18, $0xb8;
	[tilespmem:$0x1EC80] =	vst v63  }
0x5c: {  	s7 =	sand.u32 $0x1FE00, s9;
	_ =	swait.ge [sflag:s28], $0x2000  }
.Ltmp0:
0x5d: {  	s7 =	sshrl.u32 s7, $0x2;
	[sflag:s28] =	ssyncset.done $0x0;
	(pc) =	sbr.rel @p1 .LBB2_2-.Ltmp0, $4  }
0x5e: {  	s31 =	sadd.s32 $0x40, s31;
	s7 =	sor.u32 s8, s7;
	[sflag:s28] =	ssyncadd.s32 $0xFFFFE000  }
0x5f: {  	[tilespmem:s20], [sflag:$0x2] =	stream.indirect.gather [hbm4b:s5+s18], $0x80, s7, s18, $0xb8;
	[tilespmem:$0x1EC80] =	vst v63  }
0x60: {  	s1 =	sadd.s32 $0xC0, s1;
	s7 =	sand.u32 $0x1FE00, s2;
	_ =	swait.ge [sflag:s29], $0x2000  }
0x61: {  	s2 =	sand.u32 $0x40, s16;
	s16 =	sshrl.u32 s7, $0x2;
	[sflag:s29] =	ssyncset.done $0x0  }
0x62: {  	s1 =	sor.u32 s2, s16;
	[sflag:s29] =	ssyncadd.s32 $0xFFFFE000  }
0x63: {  	[tilespmem:s22], [sflag:$0x3] =	stream.indirect.gather [hbm4b:s5+s18], $0x80, s1, s18, $0xb8;
	[tilespmem:$0x1EC80] =	vst v63  }
0x64: {  	_ =	swait.ge [sflag:s23], $0x2000  }
0x65: {  	[sflag:s23] =	ssyncset.done $0x0  }
0x66: {  	s9 =	simm.s32 $0x4E40;
	[sflag:s23] =	ssyncadd.s32 $0xFFFFE000  }
0x67: {  	[spmem:s3] =	stream.indirect.scatter.add.f32 [tilespmem:s19], [sflag:$0x4], $0x80, s9, s18, $0xb8;
	[tilespmem:$0x1EC80] =	vst v63  }
0x68: {  	_ =	swait.ge [sflag:s24], $0x2000  }
0x69: {  	[sflag:s24] =	ssyncset.done $0x0  }
0x6a: {  	s10 =	simm.s32 $0x4E80;
	[sflag:s24] =	ssyncadd.s32 $0xFFFFE000  }
0x6b: {  	[spmem:s3] =	stream.indirect.scatter.add.f32 [tilespmem:s20], [sflag:$0x5], $0x80, s10, s18, $0xb8;
	[tilespmem:$0x1EC80] =	vst v63  }
0x6c: {  	_ =	swait.ge [sflag:s25], $0x2000  }
0x6d: {  	[sflag:s25] =	ssyncset.done $0x0  }
0x6e: {  	s16 =	simm.s32 $0x4EC0;
	[sflag:s25] =	ssyncadd.s32 $0xFFFFE000  }
0x6f: {  	[spmem:s3] =	stream.indirect.scatter.add.f32 [tilespmem:s22], [sflag:$0x6], $0x80, s16, s18, $0xb8;
	[tilespmem:$0x1EC80] =	vst v63  }
0x70: {  	_ =	swait.ge [sflag:s26], $0x2000  }
0x71: {  	[sflag:s26] =	ssyncset.done $0x0  }
0x72: {  	[sflag:s26] =	ssyncadd.s32 $0xFFFFE000  }
0x73: {  	_ =	swait.ge [sflag:s28], $0x2000  }
0x74: {  	[sflag:s28] =	ssyncset.done $0x0  }
0x75: {  	[sflag:s28] =	ssyncadd.s32 $0xFFFFE000  }
0x76: {  	_ =	swait.ge [sflag:s29], $0x2000  }
0x77: {  	[sflag:s29] =	ssyncset.done $0x0  }
0x78: {  	s30 =	simm.s32 $0x2700;
	[sflag:s29] =	ssyncadd.s32 $0xFFFFE000  }
0x79: {  	[tilespmem:s19], [sflag:$0x7] =	stream.indirect.gather [hbm4b:s5+s0], $0x80, s30, s0, $0xb8;
	[tilespmem:$0x1EC80] =	vst v63  }
0x7a: {  	_ =	swait.ge [sflag:s14], $0x800  }
0x7b: {  	[sflag:s14] =	ssyncset.done $0x0  }
0x7c: {  	[sflag:s14] =	ssyncadd.s32 $0xFFFFF800  }
0x7d: {  	[spmem:s3] =	stream.indirect.scatter.add.f32 [tilespmem:s19], [sflag:$0x7], $0x80, s17, s0, $0xb8;
	[tilespmem:$0x1EC80] =	vst v63  }
0x7e: {  	_ =	swait.ge [sflag:s14], $0x800  }
0x7f: {  	[sflag:s14] =	ssyncset.done $0x0  }
0x80: {  	[sflag:s14] =	ssyncadd.s32 $0xFFFFF800  }
0x81: {  	[bflag:$0x0] =	sbarrier.arrive $0xFFFF  }
0x82: {  	s31 =	rddreg [dreg:$0x7]  }
0x83: {  	[hbm:s31], [sflag:s6] =	dma.local [spmem:s13], $0x2700  }
0x84: {  	s21 =	sadd.s32 $0x1, s21;
	_ =	swait.ge [sflag:s14], $0x2700  }
0x85: {  	p1 =	sne.s32 s21, s12;
	[sflag:s14] =	ssyncset.done $0x0  }
.Ltmp1:
0x86: {  	s1 =	simm.s32 @!p0 $0x7;
	[sflag:s14] =	ssyncadd.s32 $0xFFFFD900;
	(pc) =	sbr.rel @p1 .LBB2_1-.Ltmp1, $4  }
0x87: {  	[hbm:s11], [sflag:s6] =	dma.local @!p0 [spmem:s15], $0x100  }
0x88: {  	_ =	swait.ge @!p0 [sflag:s1], $0x100  }
0x89: {  	[sflag:s1] =	ssyncset.done @!p0 $0x0  }
0x8a: {  	[sflag:s1] =	ssyncadd.s32 @!p0 $0xFFFFFF00  }
0x8b: {  	_ =	sfence.sel $0x180000  }
0x8c: {  	[bflag:$0x0] =	sbarrier.arrive $0xFFFF  }
0x8d: {  	_ =	strace $0x90000050  }
0x8e: {  	s0 =	stileid.u32;
	[bflag:$0x2] =	sbarrier.arrive $0xFFFF  }
0x8f: {  	p0 =	sne.s32 s0, $0x0;
	s0 =	rddreg [dreg:$0x3]  }
0x90: {  	s0 =	sadd.s32 @!p0 $0x100000, s0  }
0x91: {  	[sflag:s0] =	ssyncadd.tile.s32 @!p0 $0x1;
	_ =	shalt  }
.Lfunc_end2:
_tile_overlayer_lowered:
.L_overlay_start_2:
0x92: {  	(tag) =	ssettag $0x2  }
0x93: {  	s0 =	rddreg [dreg:$0x0];
	s2 =	stileid.u32  }
0x94: {  	s1 =	rddreg [dreg:$0x1];
	p0 =	sne.s32 s2, $0x0  }
0x95: {  	s3 =	rddreg [dreg:$0x2];
	[bflag:$0x3] =	sbarrier.arrive $0xFFFF;
	s2 =	simm.s32 @!p0 $0x1C07  }
0x96: {  	[timem:s3], [sflag:s2] =	dma.local @!p0 [hbm:s0], s1  }
0x97: {  	s0 =	simm.s32 @!p0 $0x7  }
0x98: {  	_ =	swait.ge @!p0 [sflag:s0], s1  }
0x99: {  	s1 =	ssub.s32 @!p0 $0x0, s1;
	[sflag:s0] =	ssyncset.done @!p0 $0x0  }
0x9a: {  	[sflag:s0] =	ssyncadd.s32 @!p0 s1  }
0x9b: {  	[bflag:$0x3] =	sbarrier.arrive $0xFFFF  }
0x9c: {  	_ =	shalt  }

</sc_bundles>
